<compile_context>
chip_gen: v7x
topology: tpu7x:2x2x1
jax: 0.10.2.dev20260603
libtpu: 0.0.44.dev20260713+nightly
codegen_flags: <defaults>
</compile_context>

<pallas_src>
import functools

import jax
import jax.numpy as jnp
from jax import lax
from jax.experimental import pallas as pl
from jax.experimental.pallas import tpu as pltpu
from jax.experimental.pallas import tpu_sc as plsc

N = 10000
E = 320000
F_IN = 128
HID = 16
C = 10
G = 64

NC = 2
NS = 16
NW = NC * NS
EW = E // NW
K = 2000
CH = EW // K
SB = 624
REM = N - NS * SB
ROFF = NS * SB

PK = 128 // HID
NP = N // PK
_sc_mesh = plsc.VectorSubcoreMesh(core_axis_name="c", subcore_axis_name="s")
_sc_params = pltpu.CompilerParams(use_tc_tiling_on_sc=False,
                                  needs_layout_passes=False)



def _zero_acc_slice(zbuf, acc, s):
    def body(i, carry):
        zbuf[i, :] = jnp.zeros((HID,), jnp.float32)
        return carry
    lax.fori_loop(0, SB, body, 0)
    pltpu.sync_copy(zbuf.at[pl.ds(0, SB)], acc.at[pl.ds(s * SB, SB)])

    @pl.when(s == NS - 1)
    def _rem():
        pltpu.sync_copy(zbuf.at[pl.ds(0, REM)], acc.at[pl.ds(ROFF, REM)])


RPS = SB // PK
RREM = REM // PK
def _repack_out(abuf, stage, out_hbm, c, s, nmine):
    def body(i, carry):
        row = abuf[i, :]
        stage[pl.ds((i // PK) * 128 + (i % PK) * HID, HID)] = row
        return carry
    lax.fori_loop(0, nmine, body, 0)

    pltpu.sync_copy(stage.at[pl.ds(0, RPS * 128)],
                    out_hbm.at[pl.ds(c * (NP * 128) + s * (RPS * 128),
                                     RPS * 128)])

    @pl.when(s == NS - 1)
    def _rem():
        pltpu.sync_copy(stage.at[pl.ds(RPS * 128, RREM * 128)],
                        out_hbm.at[pl.ds(c * (NP * 128) + NS * (RPS * 128),
                                         RREM * 128)])


@functools.partial(
    pl.kernel,
    out_type=jax.ShapeDtypeStruct((NC * NP * 128,), jnp.float32),
    mesh=_sc_mesh,
    compiler_params=_sc_params,
    scratch_types=[
        pltpu.VMEM((K,), jnp.int32),
        pltpu.VMEM((K,), jnp.int32),
        pltpu.VMEM((K,), jnp.int32),
        pltpu.VMEM((K,), jnp.int32),
        pltpu.VMEM((K, HID), jnp.float32),
        pltpu.VMEM((K, HID), jnp.float32),
        pltpu.VMEM((SB + REM, HID), jnp.float32),
        pltpu.VMEM(((RPS + RREM) * 128,), jnp.float32),
        pltpu.VMEM_SHARED((N, HID), jnp.float32),
        pltpu.SemaphoreType.DMA,
        pltpu.SemaphoreType.DMA,
        pltpu.SemaphoreType.DMA,
        pltpu.SemaphoreType.DMA,
        pltpu.SemaphoreType.DMA,
        pltpu.SemaphoreType.DMA,
    ],
)
def _sc_agg(ei_hbm, g_hbm, out_hbm, si0, si1, di0, di1, r0, r1, zbuf, stage,
            acc, ss0, ss1, sd0, sd1, sg0, sg1):
    c = lax.axis_index("c")
    s = lax.axis_index("s")
    wid = s * NC + c
    base = wid * EW
    SI, DI, R = [si0, si1], [di0, di1], [r0, r1]
    SS, SD, SG = [ss0, ss1], [sd0, sd1], [sg0, sg1]

    def start_idx(k):
        b = k & 1
        return (pltpu.async_copy(ei_hbm.at[0, pl.ds(base + k * K, K)],
                                 SI[b], SS[b]),
                pltpu.async_copy(ei_hbm.at[1, pl.ds(base + k * K, K)],
                                 DI[b], SD[b]))

    idx_d = {0: start_idx(0), 1: start_idx(1)}
    idx_d[0][0].wait()
    g_d = {0: pltpu.async_copy(g_hbm.at[SI[0]], R[0], SG[0])}
    _zero_acc_slice(zbuf, acc, s)
    plsc.subcore_barrier()

    for k in range(CH):
        b = k & 1
        if k + 1 < CH:
            idx_d[k + 1][0].wait()
            g_d[k + 1] = pltpu.async_copy(g_hbm.at[SI[1 - b]], R[1 - b],
                                          SG[1 - b])
        g_d[k].wait()
        idx_d[k][1].wait()
        pltpu.sync_copy(R[b], acc.at[DI[b]], add=True)
        if k + 2 < CH:
            idx_d[k + 2] = start_idx(k + 2)

    plsc.subcore_barrier()

    nmine = jnp.where(s == NS - 1, SB + REM, SB)
    pltpu.sync_copy(acc.at[pl.ds(s * SB, SB)], zbuf.at[pl.ds(0, SB)])

    @pl.when(s == NS - 1)
    def _remc():
        pltpu.sync_copy(acc.at[pl.ds(ROFF, REM)], zbuf.at[pl.ds(SB, REM)])

    _repack_out(zbuf, stage, out_hbm, c, s, nmine)


@functools.partial(
    pl.kernel,
    out_type=jax.ShapeDtypeStruct((NC * NP * 128,), jnp.float32),
    mesh=_sc_mesh,
    compiler_params=_sc_params,
    scratch_types=[
        pltpu.VMEM((K,), jnp.int32),
        pltpu.VMEM((K,), jnp.int32),
        pltpu.VMEM((K,), jnp.float32),
        pltpu.VMEM((SB + REM,), jnp.float32),
        pltpu.VMEM(((RPS + RREM) * 128,), jnp.float32),
        pltpu.VMEM_SHARED((N,), jnp.float32),
        pltpu.SemaphoreType.DMA,
        pltpu.SemaphoreType.DMA,
    ],
)
def _sc_deg(ei_hbm, out_hbm, di0, di1, ones, dbuf, stage, acc, sd0, sd1):
    c = lax.axis_index("c")
    s = lax.axis_index("s")
    wid = s * NC + c
    base = wid * EW
    DI, SD = [di0, di1], [sd0, sd1]

    def start_idx(k):
        b = k & 1
        return pltpu.async_copy(ei_hbm.at[1, pl.ds(base + k * K, K)],
                                DI[b], SD[b])

    idx_d = {0: start_idx(0), 1: start_idx(1)}

    def fill(i, carry):
        ones[pl.ds(i * 16, 16)] = jnp.full((16,), 1.0, jnp.float32)
        return carry
    lax.fori_loop(0, K // 16, fill, 0)

    def zero(i, carry):
        dbuf[pl.ds(i * 16, 16)] = jnp.zeros((16,), jnp.float32)
        return carry
    lax.fori_loop(0, (SB + REM) // 16, zero, 0)
    pltpu.sync_copy(dbuf.at[pl.ds(0, SB)], acc.at[pl.ds(s * SB, SB)])

    @pl.when(s == NS - 1)
    def _remz():
        pltpu.sync_copy(dbuf.at[pl.ds(0, REM)], acc.at[pl.ds(ROFF, REM)])

    plsc.subcore_barrier()

    for k in range(CH):
        b = k & 1
        idx_d[k].wait()
        pltpu.sync_copy(ones, acc.at[DI[b]], add=True)
        if k + 2 < CH:
            idx_d[k + 2] = start_idx(k + 2)

    plsc.subcore_barrier()

    nmine = jnp.where(s == NS - 1, SB + REM, SB)
    pltpu.sync_copy(acc.at[pl.ds(s * SB, SB)], dbuf.at[pl.ds(0, SB)])

    @pl.when(s == NS - 1)
    def _remc():
        pltpu.sync_copy(acc.at[pl.ds(ROFF, REM)], dbuf.at[pl.ds(SB, REM)])

    def repl(i, carry):
        row = plsc.load_gather(dbuf, [jnp.full((16,), i, jnp.int32)])
        stage[pl.ds((i // PK) * 128 + (i % PK) * HID, HID)] = row
        return carry
    lax.fori_loop(0, nmine, repl, 0)

    pltpu.sync_copy(stage.at[pl.ds(0, RPS * 128)],
                    out_hbm.at[pl.ds(c * (NP * 128) + s * (RPS * 128),
                                     RPS * 128)])

    @pl.when(s == NS - 1)
    def _remo():
        pltpu.sync_copy(stage.at[pl.ds(RPS * 128, RREM * 128)],
                        out_hbm.at[pl.ds(c * (NP * 128) + NS * (RPS * 128),
                                         RREM * 128)])



def _bdiag_small(w):
    w128 = jnp.concatenate([w] * PK, axis=1)
    colb = lax.broadcasted_iota(jnp.int32, (HID, 128), 1) // HID
    rows = [jnp.where(colb == p, w128, 0.0) for p in range(PK)]
    return jnp.concatenate(rows, axis=0)


def _bdiag_first(w):
    w128 = jnp.concatenate([w] * PK, axis=1)
    colb = lax.broadcasted_iota(jnp.int32, (F_IN, 128), 1) // HID
    rows = [jnp.where(colb == p, w128, 0.0) for p in range(PK)]
    return jnp.concatenate(rows, axis=0)


def _tc_mm(x3, W1):
    def body(x_ref, w_ref, u_ref):
        wbig = _bdiag_first(w_ref[...])
        u_ref[...] = jnp.dot(x_ref[...], wbig,
                             preferred_element_type=jnp.float32)
    return pl.pallas_call(
        body,
        out_shape=jax.ShapeDtypeStruct((NP, 128), jnp.float32),
    )(x3, W1)


def _tc_dinv(u, degp):
    def body(u_ref, dp_ref, dinv_ref, g_ref):
        deg = dp_ref[0] + dp_ref[1] + 1.0
        dinv = lax.rsqrt(deg)
        dinv_ref[...] = dinv
        g_ref[...] = dinv * u_ref[...]
    return pl.pallas_call(
        body,
        out_shape=[
            jax.ShapeDtypeStruct((NP, 128), jnp.float32),
            jax.ShapeDtypeStruct((NP, 128), jnp.float32),
        ],
    )(u, degp)


def _tc_layer(aggp, g, dinv, b, W):
    def body(ap_ref, g_ref, dinv_ref, b_ref, w_ref, out_ref):
        dinv = dinv_ref[...]
        b128 = jnp.concatenate([b_ref[...]] * PK, axis=1)
        h = dinv * (ap_ref[0] + ap_ref[1] + g_ref[...]) + b128
        h = jnp.maximum(h, 0.0)
        wbd = _bdiag_small(w_ref[...])
        out_ref[...] = dinv * jnp.dot(h, wbd,
                                      preferred_element_type=jnp.float32)
    return pl.pallas_call(
        body,
        out_shape=jax.ShapeDtypeStruct((NP, 128), jnp.float32),
    )(aggp, g, dinv, b, W)


def _tc_final(aggp, g, dinv, b, batch2, Wl, bl):
    def body(ap_ref, g_ref, dinv_ref, b_ref, bt_ref, wl_ref, bl_ref, out_ref):
        b128 = jnp.concatenate([b_ref[...]] * PK, axis=1)
        h3 = dinv_ref[...] * (ap_ref[0] + ap_ref[1] + g_ref[...]) + b128
        pooled = jnp.zeros((G, HID), jnp.float32)
        for p in range(PK):
            hp = h3[:, p * HID:(p + 1) * HID]
            bp = bt_ref[:, p:p + 1]
            seg = (bp == lax.broadcasted_iota(jnp.int32, (NP, G), 1)
                   ).astype(jnp.float32)
            pooled += lax.dot_general(seg, hp, (((0,), (0,)), ((), ())),
                                      preferred_element_type=jnp.float32)
        out_ref[...] = jnp.dot(pooled, wl_ref[...],
                               preferred_element_type=jnp.float32) + bl_ref[...]

    return pl.pallas_call(
        body,
        out_shape=jax.ShapeDtypeStruct((G, C), jnp.float32),
    )(aggp, g, dinv, b, batch2, Wl, bl)



def kernel(x, edge_index, batch, W1, b1, W2, b2, W3, b3, Wl, bl):
    degp_p = _sc_deg(edge_index).reshape(NC, NP, 128)
    x3 = x.reshape(NP, PK * F_IN)
    u1_p = _tc_mm(x3, W1)
    dinv_p, g1_p = _tc_dinv(u1_p, degp_p)

    a1 = _sc_agg(edge_index, g1_p.reshape(N, HID)).reshape(NC, NP, 128)
    g2_p = _tc_layer(a1, g1_p, dinv_p, b1.reshape(1, HID), W2)

    a2 = _sc_agg(edge_index, g2_p.reshape(N, HID)).reshape(NC, NP, 128)
    g3_p = _tc_layer(a2, g2_p, dinv_p, b2.reshape(1, HID), W3)

    a3 = _sc_agg(edge_index, g3_p.reshape(N, HID)).reshape(NC, NP, 128)
    out = _tc_final(a3, g3_p, dinv_p,
                    b3.reshape(1, HID), batch.reshape(NP, PK),
                    Wl, bl.reshape(1, C))
    return out

# --- scband reference (transcript-rebuilt; emitter-appended) ---
"""Pipeline reference for scband-gcn-15204184228223 (READ-ONLY COPY).

The authoritative reference and input builder live on the scoring server;
editing this copy changes nothing except your own understanding.
"""

import jax, jax.numpy as jnp
import numpy as np

N = 10000
E = 320000
F_IN = 128
HID = 16
C = 10
G = 64


def gcn_conv(x, edge_index, W, b, num_nodes):
    # PyG GCNConv: h = x @ W, add self-loops, symmetric normalization, scatter-add, add bias
    h = x @ W
    src = edge_index[0]
    dst = edge_index[1]
    loop = jnp.arange(num_nodes, dtype=edge_index.dtype)
    src = jnp.concatenate([src, loop])
    dst = jnp.concatenate([dst, loop])
    deg = jnp.zeros((num_nodes,), dtype=h.dtype).at[dst].add(1.0)
    dinv = jnp.where(deg > 0, 1.0 / jnp.sqrt(deg), 0.0)
    norm = dinv[src] * dinv[dst]
    msg = h[src] * norm[:, None]
    out = jnp.zeros((num_nodes, h.shape[1]), dtype=h.dtype).at[dst].add(msg)
    return out + b


def setup_inputs(seed: int = 0):
    key = jax.random.key(seed)
    ks = jax.random.split(key, 12)
    x = jax.random.normal(ks[0], (N, F_IN), dtype=jnp.float32)
    edge_index = jax.random.randint(ks[1], (2, E), 0, N, dtype=jnp.int32)
    batch = jnp.sort(jax.random.randint(ks[2], (N,), 0, G, dtype=jnp.int32))
    W1 = jax.random.normal(ks[3], (F_IN, HID), dtype=jnp.float32) / np.sqrt(F_IN)
    b1 = jnp.zeros((HID,), dtype=jnp.float32)
    W2 = jax.random.normal(ks[4], (HID, HID), dtype=jnp.float32) / np.sqrt(HID)
    b2 = jnp.zeros((HID,), dtype=jnp.float32)
    W3 = jax.random.normal(ks[5], (HID, HID), dtype=jnp.float32) / np.sqrt(HID)
    b3 = jnp.zeros((HID,), dtype=jnp.float32)
    Wl = jax.random.normal(ks[6], (HID, C), dtype=jnp.float32) / np.sqrt(HID)
    bl = jnp.zeros((C,), dtype=jnp.float32)
    return {"x": x, "edge_index": edge_index, "batch": batch, "W1": W1, "b1": b1, "W2": W2, "b2": b2, "W3": W3, "b3": b3, "Wl": Wl, "bl": bl}


def reference(x, edge_index, batch, W1, b1, W2, b2, W3, b3, Wl, bl):
    h = jax.nn.relu(gcn_conv(x, edge_index, W1, b1, N))
    h = jax.nn.relu(gcn_conv(h, edge_index, W2, b2, N))
    h = gcn_conv(h, edge_index, W3, b3, N)
    pooled = jax.ops.segment_sum(h, batch, num_segments=G)
    # F.dropout(p=0.5) is identity in eval mode
    return pooled @ Wl + bl

if __name__ == "__main__":
    import jax
    _d = setup_inputs()
    print(jax.jit(kernel)(*tuple(_d.values())))

</pallas_src>

<mosaic_0001>
#map = affine_map<(d0, d1) -> (0, 0)>
#map1 = affine_map<(d0, d1) -> (0)>
module attributes {stable_mosaic.version = 14 : i64} {
  func.func @_sc_deg(%arg0: i32, %arg1: i32, %arg2: memref<2x320000xi32, #tpu.memory_space<hbm>>, %arg3: memref<320000xf32, #tpu.memory_space<hbm>>, %arg4: memref<2000xi32, #tpu.memory_space<vmem>>, %arg5: memref<2000xi32, #tpu.memory_space<vmem>>, %arg6: memref<2000xf32, #tpu.memory_space<vmem>>, %arg7: memref<640xf32, #tpu.memory_space<vmem>>, %arg8: memref<10240xf32, #tpu.memory_space<vmem>>, %arg9: memref<10000xf32, #tpu.memory_space<vmem_shared>>, %arg10: memref<!tpu.dma_semaphore, #tpu.memory_space<semaphore_mem>>, %arg11: memref<!tpu.dma_semaphore, #tpu.memory_space<semaphore_mem>>) attributes {dimension_semantics = [#tpu.dimension_semantics<core_parallel>, #tpu.dimension_semantics<subcore_parallel>], iteration_bounds = array<i64: 2, 16>, scalar_prefetch = 0 : i64, scratch_operands = 8 : i64, tpu.core_type = #tpu.core_type<sc_vector_subcore>, window_params = [{transform_indices = #map}, {transform_indices = #map1}]} {
    %mul3A = arith.constant 2 : i32
    %mul3A_0 = arith.muli %arg1, %mul3A : i32
    %add3A = arith.addi %mul3A_0, %arg0 : i32
    %mul3A_1 = arith.constant 10000 : i32
    %mul3A_2 = arith.muli %add3A, %mul3A_1 : i32
    %add3A_3 = arith.constant 0 : i32
    %add3A_4 = arith.addi %mul3A_2, %add3A_3 : i32
    %dma_start3A = arith.constant 1 : i32
    %dma_start3A_5 = tpu.memref_slice %arg2[%dma_start3A, %add3A_4] : memref<2x320000xi32, #tpu.memory_space<hbm>> -> memref<1x2000xi32, #tpu.memory_space<hbm>>
    %dma_start3A_6 = tpu.memref_squeeze %dma_start3A_5 : memref<1x2000xi32, #tpu.memory_space<hbm>> -> memref<2000xi32, #tpu.memory_space<hbm>>
    %dma_start3A_7 = tpu.memref_slice %arg2[%dma_start3A, %add3A_4] : memref<2x320000xi32, #tpu.memory_space<hbm>> -> memref<1x2000xi32, #tpu.memory_space<hbm>>
    %dma_start3A_8 = tpu.memref_squeeze %dma_start3A_7 : memref<1x2000xi32, #tpu.memory_space<hbm>> -> memref<2000xi32, #tpu.memory_space<hbm>>
    tpu.enqueue_dma source(%dma_start3A_8 : memref<2000xi32, #tpu.memory_space<hbm>>) target(%arg4 : memref<2000xi32, #tpu.memory_space<vmem>>) target_semaphore(%arg10 : memref<!tpu.dma_semaphore, #tpu.memory_space<semaphore_mem>>)
    %add3A_9 = arith.constant 2000 : i32
    %add3A_10 = arith.addi %mul3A_2, %add3A_9 : i32
    %dma_start3A_11 = arith.constant 1 : i32
    %dma_start3A_12 = tpu.memref_slice %arg2[%dma_start3A_11, %add3A_10] : memref<2x320000xi32, #tpu.memory_space<hbm>> -> memref<1x2000xi32, #tpu.memory_space<hbm>>
    %dma_start3A_13 = tpu.memref_squeeze %dma_start3A_12 : memref<1x2000xi32, #tpu.memory_space<hbm>> -> memref<2000xi32, #tpu.memory_space<hbm>>
    %dma_start3A_14 = tpu.memref_slice %arg2[%dma_start3A_11, %add3A_10] : memref<2x320000xi32, #tpu.memory_space<hbm>> -> memref<1x2000xi32, #tpu.memory_space<hbm>>
    %dma_start3A_15 = tpu.memref_squeeze %dma_start3A_14 : memref<1x2000xi32, #tpu.memory_space<hbm>> -> memref<2000xi32, #tpu.memory_space<hbm>>
    tpu.enqueue_dma source(%dma_start3A_15 : memref<2000xi32, #tpu.memory_space<hbm>>) target(%arg5 : memref<2000xi32, #tpu.memory_space<vmem>>) target_semaphore(%arg11 : memref<!tpu.dma_semaphore, #tpu.memory_space<semaphore_mem>>)
    %scan3A = arith.constant 0 : i32
    %scan3A_16 = arith.constant 0 : i32
    %scan3A_17 = arith.constant 125 : i32
    %scan3A_18 = arith.addi %scan3A_16, %scan3A_17 : i32
    %scan3A_19 = arith.constant 1 : i32
    scf.for %scan3A_106 = %scan3A_16 to %scan3A_18 step %scan3A_19  : i32 {
      %broadcast_in_dim3A = arith.constant 1.000000e+00 : f32
      %broadcast_in_dim3A_107 = vector.broadcast %broadcast_in_dim3A : f32 to vector<16xf32>
      %mul3A_108 = arith.constant 16 : i32
      %mul3A_109 = arith.muli %scan3A_106, %mul3A_108 : i32
      %swap3A = arith.index_cast %mul3A_109 : i32 to index
      %swap3A_110 = tpu.vector_load %arg6[%swap3A] {strides = array<i32>} : memref<2000xf32, #tpu.memory_space<vmem>>, vector<16xf32>,
      tpu.vector_store %arg6[%swap3A], %broadcast_in_dim3A_107 {strides = array<i32>} : memref<2000xf32, #tpu.memory_space<vmem>>, vector<16xf32>,
    }
    %scan3A_20 = arith.constant 125 : i32
    %scan3A_21 = arith.constant 0 : i32
    %scan3A_22 = arith.constant 0 : i32
    %scan3A_23 = arith.constant 40 : i32
    %scan3A_24 = arith.addi %scan3A_22, %scan3A_23 : i32
    %scan3A_25 = arith.constant 1 : i32
    scf.for %scan3A_106 = %scan3A_22 to %scan3A_24 step %scan3A_25  : i32 {
      %broadcast_in_dim3A = arith.constant 0.000000e+00 : f32
      %broadcast_in_dim3A_107 = vector.broadcast %broadcast_in_dim3A : f32 to vector<16xf32>
      %mul3A_108 = arith.constant 16 : i32
      %mul3A_109 = arith.muli %scan3A_106, %mul3A_108 : i32
      %swap3A = arith.index_cast %mul3A_109 : i32 to index
      %swap3A_110 = tpu.vector_load %arg7[%swap3A] {strides = array<i32>} : memref<640xf32, #tpu.memory_space<vmem>>, vector<16xf32>,
      tpu.vector_store %arg7[%swap3A], %broadcast_in_dim3A_107 {strides = array<i32>} : memref<640xf32, #tpu.memory_space<vmem>>, vector<16xf32>,
    }
    %scan3A_26 = arith.constant 40 : i32
    %mul3A_27 = arith.constant 624 : i32
    %mul3A_28 = arith.muli %arg1, %mul3A_27 : i32
    "tpu.region"() ({
      %run_scoped3A = tpu.sem_alloc : memref<!tpu.dma_semaphore, #tpu.memory_space<semaphore_mem>>
      %dma_start3A_106 = arith.constant 0 : i32
      %dma_start3A_107 = tpu.memref_slice %arg7[%dma_start3A_106] : memref<640xf32, #tpu.memory_space<vmem>> -> memref<624xf32, #tpu.memory_space<vmem>>
      %dma_start3A_108 = tpu.memref_slice %arg9[%mul3A_28] : memref<10000xf32, #tpu.memory_space<vmem_shared>> -> memref<624xf32, #tpu.memory_space<vmem_shared>>
      %dma_start3A_109 = tpu.memref_slice %arg9[%mul3A_28] : memref<10000xf32, #tpu.memory_space<vmem_shared>> -> memref<624xf32, #tpu.memory_space<vmem_shared>>
      %dma_start3A_110 = arith.constant 0 : i32
      %dma_start3A_111 = tpu.memref_slice %arg7[%dma_start3A_110] : memref<640xf32, #tpu.memory_space<vmem>> -> memref<624xf32, #tpu.memory_space<vmem>>
      tpu.enqueue_dma source(%dma_start3A_111 : memref<624xf32, #tpu.memory_space<vmem>>) target(%dma_start3A_109 : memref<624xf32, #tpu.memory_space<vmem_shared>>) target_semaphore(%run_scoped3A : memref<!tpu.dma_semaphore, #tpu.memory_space<semaphore_mem>>)
      %dma_wait3A_112 = arith.constant 0 : i32
      %dma_wait3A_113 = tpu.memref_slice %arg7[%dma_wait3A_112] : memref<640xf32, #tpu.memory_space<vmem>> -> memref<624xf32, #tpu.memory_space<vmem>>
      %dma_wait3A_114 = tpu.memref_slice %arg9[%mul3A_28] : memref<10000xf32, #tpu.memory_space<vmem_shared>> -> memref<624xf32, #tpu.memory_space<vmem_shared>>
      %dma_wait3A_115 = tpu.memref_slice %arg9[%mul3A_28] : memref<10000xf32, #tpu.memory_space<vmem_shared>> -> memref<624xf32, #tpu.memory_space<vmem_shared>>
      %dma_wait3A_116 = arith.constant 0 : i32
      %dma_wait3A_117 = tpu.memref_slice %arg7[%dma_wait3A_116] : memref<640xf32, #tpu.memory_space<vmem>> -> memref<624xf32, #tpu.memory_space<vmem>>
      tpu.wait_dma2 semaphore(%run_scoped3A : memref<!tpu.dma_semaphore, #tpu.memory_space<semaphore_mem>>) src(%dma_wait3A_117 : memref<624xf32, #tpu.memory_space<vmem>>) dst(%dma_wait3A_115 : memref<624xf32, #tpu.memory_space<vmem_shared>>)
      tpu.yield
    }) : () -> ()
    %eq3A = arith.constant 15 : i32
    %eq3A_29 = arith.cmpi eq, %arg1, %eq3A : i32
    %convert_element_type3A = arith.extui %eq3A_29 : i1 to i32
    %cond3A = arith.constant 0 : i32
    %cond3A_30 = arith.cmpi ne, %convert_element_type3A, %cond3A : i32
    scf.if %cond3A_30 {
      "tpu.region"() ({
        %run_scoped3A = tpu.sem_alloc : memref<!tpu.dma_semaphore, #tpu.memory_space<semaphore_mem>>
        %dma_start3A_106 = arith.constant 0 : i32
        %dma_start3A_107 = tpu.memref_slice %arg7[%dma_start3A_106] : memref<640xf32, #tpu.memory_space<vmem>> -> memref<16xf32, #tpu.memory_space<vmem>>
        %dma_start3A_108 = arith.constant 9984 : i32
        %dma_start3A_109 = tpu.memref_slice %arg9[%dma_start3A_108] : memref<10000xf32, #tpu.memory_space<vmem_shared>> -> memref<16xf32, #tpu.memory_space<vmem_shared>>
        %dma_start3A_110 = arith.constant 9984 : i32
        %dma_start3A_111 = tpu.memref_slice %arg9[%dma_start3A_110] : memref<10000xf32, #tpu.memory_space<vmem_shared>> -> memref<16xf32, #tpu.memory_space<vmem_shared>>
        %dma_start3A_112 = arith.constant 0 : i32
        %dma_start3A_113 = tpu.memref_slice %arg7[%dma_start3A_112] : memref<640xf32, #tpu.memory_space<vmem>> -> memref<16xf32, #tpu.memory_space<vmem>>
        tpu.enqueue_dma source(%dma_start3A_113 : memref<16xf32, #tpu.memory_space<vmem>>) target(%dma_start3A_111 : memref<16xf32, #tpu.memory_space<vmem_shared>>) target_semaphore(%run_scoped3A : memref<!tpu.dma_semaphore, #tpu.memory_space<semaphore_mem>>)
        %dma_wait3A_114 = arith.constant 0 : i32
        %dma_wait3A_115 = tpu.memref_slice %arg7[%dma_wait3A_114] : memref<640xf32, #tpu.memory_space<vmem>> -> memref<16xf32, #tpu.memory_space<vmem>>
        %dma_wait3A_116 = arith.constant 9984 : i32
        %dma_wait3A_117 = tpu.memref_slice %arg9[%dma_wait3A_116] : memref<10000xf32, #tpu.memory_space<vmem_shared>> -> memref<16xf32, #tpu.memory_space<vmem_shared>>
        %dma_wait3A_118 = arith.constant 9984 : i32
        %dma_wait3A_119 = tpu.memref_slice %arg9[%dma_wait3A_118] : memref<10000xf32, #tpu.memory_space<vmem_shared>> -> memref<16xf32, #tpu.memory_space<vmem_shared>>
        %dma_wait3A_120 = arith.constant 0 : i32
        %dma_wait3A_121 = tpu.memref_slice %arg7[%dma_wait3A_120] : memref<640xf32, #tpu.memory_space<vmem>> -> memref<16xf32, #tpu.memory_space<vmem>>
        tpu.wait_dma2 semaphore(%run_scoped3A : memref<!tpu.dma_semaphore, #tpu.memory_space<semaphore_mem>>) src(%dma_wait3A_121 : memref<16xf32, #tpu.memory_space<vmem>>) dst(%dma_wait3A_119 : memref<16xf32, #tpu.memory_space<vmem_shared>>)
        tpu.yield
      }) : () -> ()
    } else {
    }
    %barrier3A = arith.constant 0 : index
    tpu.barrier barrier_id(%barrier3A)
    %dma_wait3A = arith.constant 1 : i32
    %dma_wait3A_31 = tpu.memref_slice %arg2[%dma_wait3A, %add3A_4] : memref<2x320000xi32, #tpu.memory_space<hbm>> -> memref<1x2000xi32, #tpu.memory_space<hbm>>
    %dma_wait3A_32 = tpu.memref_squeeze %dma_wait3A_31 : memref<1x2000xi32, #tpu.memory_space<hbm>> -> memref<2000xi32, #tpu.memory_space<hbm>>
    %dma_wait3A_33 = tpu.memref_slice %arg2[%dma_wait3A, %add3A_4] : memref<2x320000xi32, #tpu.memory_space<hbm>> -> memref<1x2000xi32, #tpu.memory_space<hbm>>
    %dma_wait3A_34 = tpu.memref_squeeze %dma_wait3A_33 : memref<1x2000xi32, #tpu.memory_space<hbm>> -> memref<2000xi32, #tpu.memory_space<hbm>>
    tpu.wait_dma2 semaphore(%arg10 : memref<!tpu.dma_semaphore, #tpu.memory_space<semaphore_mem>>) src(%dma_wait3A_34 : memref<2000xi32, #tpu.memory_space<hbm>>) dst(%arg4 : memref<2000xi32, #tpu.memory_space<vmem>>)
    "tpu.region"() ({
      %run_scoped3A = tpu.sem_alloc : memref<!tpu.dma_semaphore, #tpu.memory_space<semaphore_mem>>
      %dma_start3A_106 = arith.constant 0 : i32
      %dma_start3A_107 = tpu.memref_slice %arg9[%dma_start3A_106] : memref<10000xf32, #tpu.memory_space<vmem_shared>> -> memref<10000xf32, #tpu.memory_space<vmem_shared>>
      tpu.enqueue_indirect_dma source(%arg6 : memref<2000xf32, #tpu.memory_space<vmem>>) target(%dma_start3A_107 : memref<10000xf32, #tpu.memory_space<vmem_shared>>) offsets(%arg4 : memref<2000xi32, #tpu.memory_space<vmem>>) semaphore(%run_scoped3A : memref<!tpu.dma_semaphore, #tpu.memory_space<semaphore_mem>>) {add = true}
      %dma_wait3A_108 = arith.constant 0 : i32
      %dma_wait3A_109 = tpu.memref_slice %arg9[%dma_wait3A_108] : memref<10000xf32, #tpu.memory_space<vmem_shared>> -> memref<10000xf32, #tpu.memory_space<vmem_shared>>
      tpu.wait_indirect_dma semaphore(%run_scoped3A : memref<!tpu.dma_semaphore, #tpu.memory_space<semaphore_mem>>) src(%arg6 : memref<2000xf32, #tpu.memory_space<vmem>>) dst(%dma_wait3A_109 : memref<10000xf32, #tpu.memory_space<vmem_shared>>)
      tpu.yield
    }) : () -> ()
    %add3A_35 = arith.constant 4000 : i32
    %add3A_36 = arith.addi %mul3A_2, %add3A_35 : i32
    %dma_start3A_37 = arith.constant 1 : i32
    %dma_start3A_38 = tpu.memref_slice %arg2[%dma_start3A_37, %add3A_36] : memref<2x320000xi32, #tpu.memory_space<hbm>> -> memref<1x2000xi32, #tpu.memory_space<hbm>>
    %dma_start3A_39 = tpu.memref_squeeze %dma_start3A_38 : memref<1x2000xi32, #tpu.memory_space<hbm>> -> memref<2000xi32, #tpu.memory_space<hbm>>
    %dma_start3A_40 = tpu.memref_slice %arg2[%dma_start3A_37, %add3A_36] : memref<2x320000xi32, #tpu.memory_space<hbm>> -> memref<1x2000xi32, #tpu.memory_space<hbm>>
    %dma_start3A_41 = tpu.memref_squeeze %dma_start3A_40 : memref<1x2000xi32, #tpu.memory_space<hbm>> -> memref<2000xi32, #tpu.memory_space<hbm>>
    tpu.enqueue_dma source(%dma_start3A_41 : memref<2000xi32, #tpu.memory_space<hbm>>) target(%arg4 : memref<2000xi32, #tpu.memory_space<vmem>>) target_semaphore(%arg10 : memref<!tpu.dma_semaphore, #tpu.memory_space<semaphore_mem>>)
    %dma_wait3A_42 = arith.constant 1 : i32
    %dma_wait3A_43 = tpu.memref_slice %arg2[%dma_wait3A_42, %add3A_10] : memref<2x320000xi32, #tpu.memory_space<hbm>> -> memref<1x2000xi32, #tpu.memory_space<hbm>>
    %dma_wait3A_44 = tpu.memref_squeeze %dma_wait3A_43 : memref<1x2000xi32, #tpu.memory_space<hbm>> -> memref<2000xi32, #tpu.memory_space<hbm>>
    %dma_wait3A_45 = tpu.memref_slice %arg2[%dma_wait3A_42, %add3A_10] : memref<2x320000xi32, #tpu.memory_space<hbm>> -> memref<1x2000xi32, #tpu.memory_space<hbm>>
    %dma_wait3A_46 = tpu.memref_squeeze %dma_wait3A_45 : memref<1x2000xi32, #tpu.memory_space<hbm>> -> memref<2000xi32, #tpu.memory_space<hbm>>
    tpu.wait_dma2 semaphore(%arg11 : memref<!tpu.dma_semaphore, #tpu.memory_space<semaphore_mem>>) src(%dma_wait3A_46 : memref<2000xi32, #tpu.memory_space<hbm>>) dst(%arg5 : memref<2000xi32, #tpu.memory_space<vmem>>)
    "tpu.region"() ({
      %run_scoped3A = tpu.sem_alloc : memref<!tpu.dma_semaphore, #tpu.memory_space<semaphore_mem>>
      %dma_start3A_106 = arith.constant 0 : i32
      %dma_start3A_107 = tpu.memref_slice %arg9[%dma_start3A_106] : memref<10000xf32, #tpu.memory_space<vmem_shared>> -> memref<10000xf32, #tpu.memory_space<vmem_shared>>
      tpu.enqueue_indirect_dma source(%arg6 : memref<2000xf32, #tpu.memory_space<vmem>>) target(%dma_start3A_107 : memref<10000xf32, #tpu.memory_space<vmem_shared>>) offsets(%arg5 : memref<2000xi32, #tpu.memory_space<vmem>>) semaphore(%run_scoped3A : memref<!tpu.dma_semaphore, #tpu.memory_space<semaphore_mem>>) {add = true}
      %dma_wait3A_108 = arith.constant 0 : i32
      %dma_wait3A_109 = tpu.memref_slice %arg9[%dma_wait3A_108] : memref<10000xf32, #tpu.memory_space<vmem_shared>> -> memref<10000xf32, #tpu.memory_space<vmem_shared>>
      tpu.wait_indirect_dma semaphore(%run_scoped3A : memref<!tpu.dma_semaphore, #tpu.memory_space<semaphore_mem>>) src(%arg6 : memref<2000xf32, #tpu.memory_space<vmem>>) dst(%dma_wait3A_109 : memref<10000xf32, #tpu.memory_space<vmem_shared>>)
      tpu.yield
    }) : () -> ()
    %add3A_47 = arith.constant 6000 : i32
    %add3A_48 = arith.addi %mul3A_2, %add3A_47 : i32
    %dma_start3A_49 = arith.constant 1 : i32
    %dma_start3A_50 = tpu.memref_slice %arg2[%dma_start3A_49, %add3A_48] : memref<2x320000xi32, #tpu.memory_space<hbm>> -> memref<1x2000xi32, #tpu.memory_space<hbm>>
    %dma_start3A_51 = tpu.memref_squeeze %dma_start3A_50 : memref<1x2000xi32, #tpu.memory_space<hbm>> -> memref<2000xi32, #tpu.memory_space<hbm>>
    %dma_start3A_52 = tpu.memref_slice %arg2[%dma_start3A_49, %add3A_48] : memref<2x320000xi32, #tpu.memory_space<hbm>> -> memref<1x2000xi32, #tpu.memory_space<hbm>>
    %dma_start3A_53 = tpu.memref_squeeze %dma_start3A_52 : memref<1x2000xi32, #tpu.memory_space<hbm>> -> memref<2000xi32, #tpu.memory_space<hbm>>
    tpu.enqueue_dma source(%dma_start3A_53 : memref<2000xi32, #tpu.memory_space<hbm>>) target(%arg5 : memref<2000xi32, #tpu.memory_space<vmem>>) target_semaphore(%arg11 : memref<!tpu.dma_semaphore, #tpu.memory_space<semaphore_mem>>)
    %dma_wait3A_54 = arith.constant 1 : i32
    %dma_wait3A_55 = tpu.memref_slice %arg2[%dma_wait3A_54, %add3A_36] : memref<2x320000xi32, #tpu.memory_space<hbm>> -> memref<1x2000xi32, #tpu.memory_space<hbm>>
    %dma_wait3A_56 = tpu.memref_squeeze %dma_wait3A_55 : memref<1x2000xi32, #tpu.memory_space<hbm>> -> memref<2000xi32, #tpu.memory_space<hbm>>
    %dma_wait3A_57 = tpu.memref_slice %arg2[%dma_wait3A_54, %add3A_36] : memref<2x320000xi32, #tpu.memory_space<hbm>> -> memref<1x2000xi32, #tpu.memory_space<hbm>>
    %dma_wait3A_58 = tpu.memref_squeeze %dma_wait3A_57 : memref<1x2000xi32, #tpu.memory_space<hbm>> -> memref<2000xi32, #tpu.memory_space<hbm>>
    tpu.wait_dma2 semaphore(%arg10 : memref<!tpu.dma_semaphore, #tpu.memory_space<semaphore_mem>>) src(%dma_wait3A_58 : memref<2000xi32, #tpu.memory_space<hbm>>) dst(%arg4 : memref<2000xi32, #tpu.memory_space<vmem>>)
    "tpu.region"() ({
      %run_scoped3A = tpu.sem_alloc : memref<!tpu.dma_semaphore, #tpu.memory_space<semaphore_mem>>
      %dma_start3A_106 = arith.constant 0 : i32
      %dma_start3A_107 = tpu.memref_slice %arg9[%dma_start3A_106] : memref<10000xf32, #tpu.memory_space<vmem_shared>> -> memref<10000xf32, #tpu.memory_space<vmem_shared>>
      tpu.enqueue_indirect_dma source(%arg6 : memref<2000xf32, #tpu.memory_space<vmem>>) target(%dma_start3A_107 : memref<10000xf32, #tpu.memory_space<vmem_shared>>) offsets(%arg4 : memref<2000xi32, #tpu.memory_space<vmem>>) semaphore(%run_scoped3A : memref<!tpu.dma_semaphore, #tpu.memory_space<semaphore_mem>>) {add = true}
      %dma_wait3A_108 = arith.constant 0 : i32
      %dma_wait3A_109 = tpu.memref_slice %arg9[%dma_wait3A_108] : memref<10000xf32, #tpu.memory_space<vmem_shared>> -> memref<10000xf32, #tpu.memory_space<vmem_shared>>
      tpu.wait_indirect_dma semaphore(%run_scoped3A : memref<!tpu.dma_semaphore, #tpu.memory_space<semaphore_mem>>) src(%arg6 : memref<2000xf32, #tpu.memory_space<vmem>>) dst(%dma_wait3A_109 : memref<10000xf32, #tpu.memory_space<vmem_shared>>)
      tpu.yield
    }) : () -> ()
    %add3A_59 = arith.constant 8000 : i32
    %add3A_60 = arith.addi %mul3A_2, %add3A_59 : i32
    %dma_start3A_61 = arith.constant 1 : i32
    %dma_start3A_62 = tpu.memref_slice %arg2[%dma_start3A_61, %add3A_60] : memref<2x320000xi32, #tpu.memory_space<hbm>> -> memref<1x2000xi32, #tpu.memory_space<hbm>>
    %dma_start3A_63 = tpu.memref_squeeze %dma_start3A_62 : memref<1x2000xi32, #tpu.memory_space<hbm>> -> memref<2000xi32, #tpu.memory_space<hbm>>
    %dma_start3A_64 = tpu.memref_slice %arg2[%dma_start3A_61, %add3A_60] : memref<2x320000xi32, #tpu.memory_space<hbm>> -> memref<1x2000xi32, #tpu.memory_space<hbm>>
    %dma_start3A_65 = tpu.memref_squeeze %dma_start3A_64 : memref<1x2000xi32, #tpu.memory_space<hbm>> -> memref<2000xi32, #tpu.memory_space<hbm>>
    tpu.enqueue_dma source(%dma_start3A_65 : memref<2000xi32, #tpu.memory_space<hbm>>) target(%arg4 : memref<2000xi32, #tpu.memory_space<vmem>>) target_semaphore(%arg10 : memref<!tpu.dma_semaphore, #tpu.memory_space<semaphore_mem>>)
    %dma_wait3A_66 = arith.constant 1 : i32
    %dma_wait3A_67 = tpu.memref_slice %arg2[%dma_wait3A_66, %add3A_48] : memref<2x320000xi32, #tpu.memory_space<hbm>> -> memref<1x2000xi32, #tpu.memory_space<hbm>>
    %dma_wait3A_68 = tpu.memref_squeeze %dma_wait3A_67 : memref<1x2000xi32, #tpu.memory_space<hbm>> -> memref<2000xi32, #tpu.memory_space<hbm>>
    %dma_wait3A_69 = tpu.memref_slice %arg2[%dma_wait3A_66, %add3A_48] : memref<2x320000xi32, #tpu.memory_space<hbm>> -> memref<1x2000xi32, #tpu.memory_space<hbm>>
    %dma_wait3A_70 = tpu.memref_squeeze %dma_wait3A_69 : memref<1x2000xi32, #tpu.memory_space<hbm>> -> memref<2000xi32, #tpu.memory_space<hbm>>
    tpu.wait_dma2 semaphore(%arg11 : memref<!tpu.dma_semaphore, #tpu.memory_space<semaphore_mem>>) src(%dma_wait3A_70 : memref<2000xi32, #tpu.memory_space<hbm>>) dst(%arg5 : memref<2000xi32, #tpu.memory_space<vmem>>)
    "tpu.region"() ({
      %run_scoped3A = tpu.sem_alloc : memref<!tpu.dma_semaphore, #tpu.memory_space<semaphore_mem>>
      %dma_start3A_106 = arith.constant 0 : i32
      %dma_start3A_107 = tpu.memref_slice %arg9[%dma_start3A_106] : memref<10000xf32, #tpu.memory_space<vmem_shared>> -> memref<10000xf32, #tpu.memory_space<vmem_shared>>
      tpu.enqueue_indirect_dma source(%arg6 : memref<2000xf32, #tpu.memory_space<vmem>>) target(%dma_start3A_107 : memref<10000xf32, #tpu.memory_space<vmem_shared>>) offsets(%arg5 : memref<2000xi32, #tpu.memory_space<vmem>>) semaphore(%run_scoped3A : memref<!tpu.dma_semaphore, #tpu.memory_space<semaphore_mem>>) {add = true}
      %dma_wait3A_108 = arith.constant 0 : i32
      %dma_wait3A_109 = tpu.memref_slice %arg9[%dma_wait3A_108] : memref<10000xf32, #tpu.memory_space<vmem_shared>> -> memref<10000xf32, #tpu.memory_space<vmem_shared>>
      tpu.wait_indirect_dma semaphore(%run_scoped3A : memref<!tpu.dma_semaphore, #tpu.memory_space<semaphore_mem>>) src(%arg6 : memref<2000xf32, #tpu.memory_space<vmem>>) dst(%dma_wait3A_109 : memref<10000xf32, #tpu.memory_space<vmem_shared>>)
      tpu.yield
    }) : () -> ()
    %dma_wait3A_71 = arith.constant 1 : i32
    %dma_wait3A_72 = tpu.memref_slice %arg2[%dma_wait3A_71, %add3A_60] : memref<2x320000xi32, #tpu.memory_space<hbm>> -> memref<1x2000xi32, #tpu.memory_space<hbm>>
    %dma_wait3A_73 = tpu.memref_squeeze %dma_wait3A_72 : memref<1x2000xi32, #tpu.memory_space<hbm>> -> memref<2000xi32, #tpu.memory_space<hbm>>
    %dma_wait3A_74 = tpu.memref_slice %arg2[%dma_wait3A_71, %add3A_60] : memref<2x320000xi32, #tpu.memory_space<hbm>> -> memref<1x2000xi32, #tpu.memory_space<hbm>>
    %dma_wait3A_75 = tpu.memref_squeeze %dma_wait3A_74 : memref<1x2000xi32, #tpu.memory_space<hbm>> -> memref<2000xi32, #tpu.memory_space<hbm>>
    tpu.wait_dma2 semaphore(%arg10 : memref<!tpu.dma_semaphore, #tpu.memory_space<semaphore_mem>>) src(%dma_wait3A_75 : memref<2000xi32, #tpu.memory_space<hbm>>) dst(%arg4 : memref<2000xi32, #tpu.memory_space<vmem>>)
    "tpu.region"() ({
      %run_scoped3A = tpu.sem_alloc : memref<!tpu.dma_semaphore, #tpu.memory_space<semaphore_mem>>
      %dma_start3A_106 = arith.constant 0 : i32
      %dma_start3A_107 = tpu.memref_slice %arg9[%dma_start3A_106] : memref<10000xf32, #tpu.memory_space<vmem_shared>> -> memref<10000xf32, #tpu.memory_space<vmem_shared>>
      tpu.enqueue_indirect_dma source(%arg6 : memref<2000xf32, #tpu.memory_space<vmem>>) target(%dma_start3A_107 : memref<10000xf32, #tpu.memory_space<vmem_shared>>) offsets(%arg4 : memref<2000xi32, #tpu.memory_space<vmem>>) semaphore(%run_scoped3A : memref<!tpu.dma_semaphore, #tpu.memory_space<semaphore_mem>>) {add = true}
      %dma_wait3A_108 = arith.constant 0 : i32
      %dma_wait3A_109 = tpu.memref_slice %arg9[%dma_wait3A_108] : memref<10000xf32, #tpu.memory_space<vmem_shared>> -> memref<10000xf32, #tpu.memory_space<vmem_shared>>
      tpu.wait_indirect_dma semaphore(%run_scoped3A : memref<!tpu.dma_semaphore, #tpu.memory_space<semaphore_mem>>) src(%arg6 : memref<2000xf32, #tpu.memory_space<vmem>>) dst(%dma_wait3A_109 : memref<10000xf32, #tpu.memory_space<vmem_shared>>)
      tpu.yield
    }) : () -> ()
    %barrier3A_76 = arith.constant 0 : index
    tpu.barrier barrier_id(%barrier3A_76)
    %eq3A_77 = arith.constant 15 : i32
    %eq3A_78 = arith.cmpi eq, %arg1, %eq3A_77 : i32
    %jit3A = arith.constant 640 : i32
    %jit3A_79 = arith.constant 624 : i32
    %select_n3A = arith.select %eq3A_78, %jit3A, %jit3A_79 : i32
    %mul3A_80 = arith.constant 624 : i32
    %mul3A_81 = arith.muli %arg1, %mul3A_80 : i32
    "tpu.region"() ({
      %run_scoped3A = tpu.sem_alloc : memref<!tpu.dma_semaphore, #tpu.memory_space<semaphore_mem>>
      %dma_start3A_106 = arith.constant 0 : i32
      %dma_start3A_107 = tpu.memref_slice %arg7[%dma_start3A_106] : memref<640xf32, #tpu.memory_space<vmem>> -> memref<624xf32, #tpu.memory_space<vmem>>
      %dma_start3A_108 = tpu.memref_slice %arg9[%mul3A_81] : memref<10000xf32, #tpu.memory_space<vmem_shared>> -> memref<624xf32, #tpu.memory_space<vmem_shared>>
      %dma_start3A_109 = arith.constant 0 : i32
      %dma_start3A_110 = tpu.memref_slice %arg7[%dma_start3A_109] : memref<640xf32, #tpu.memory_space<vmem>> -> memref<624xf32, #tpu.memory_space<vmem>>
      %dma_start3A_111 = tpu.memref_slice %arg9[%mul3A_81] : memref<10000xf32, #tpu.memory_space<vmem_shared>> -> memref<624xf32, #tpu.memory_space<vmem_shared>>
      tpu.enqueue_dma source(%dma_start3A_111 : memref<624xf32, #tpu.memory_space<vmem_shared>>) target(%dma_start3A_110 : memref<624xf32, #tpu.memory_space<vmem>>) target_semaphore(%run_scoped3A : memref<!tpu.dma_semaphore, #tpu.memory_space<semaphore_mem>>)
      %dma_wait3A_112 = arith.constant 0 : i32
      %dma_wait3A_113 = tpu.memref_slice %arg7[%dma_wait3A_112] : memref<640xf32, #tpu.memory_space<vmem>> -> memref<624xf32, #tpu.memory_space<vmem>>
      %dma_wait3A_114 = tpu.memref_slice %arg9[%mul3A_81] : memref<10000xf32, #tpu.memory_space<vmem_shared>> -> memref<624xf32, #tpu.memory_space<vmem_shared>>
      %dma_wait3A_115 = arith.constant 0 : i32
      %dma_wait3A_116 = tpu.memref_slice %arg7[%dma_wait3A_115] : memref<640xf32, #tpu.memory_space<vmem>> -> memref<624xf32, #tpu.memory_space<vmem>>
      %dma_wait3A_117 = tpu.memref_slice %arg9[%mul3A_81] : memref<10000xf32, #tpu.memory_space<vmem_shared>> -> memref<624xf32, #tpu.memory_space<vmem_shared>>
      tpu.wait_dma2 semaphore(%run_scoped3A : memref<!tpu.dma_semaphore, #tpu.memory_space<semaphore_mem>>) src(%dma_wait3A_117 : memref<624xf32, #tpu.memory_space<vmem_shared>>) dst(%dma_wait3A_116 : memref<624xf32, #tpu.memory_space<vmem>>)
      tpu.yield
    }) : () -> ()
    %eq3A_82 = arith.constant 15 : i32
    %eq3A_83 = arith.cmpi eq, %arg1, %eq3A_82 : i32
    %convert_element_type3A_84 = arith.extui %eq3A_83 : i1 to i32
    %cond3A_85 = arith.constant 0 : i32
    %cond3A_86 = arith.cmpi ne, %convert_element_type3A_84, %cond3A_85 : i32
    scf.if %cond3A_86 {
      "tpu.region"() ({
        %run_scoped3A = tpu.sem_alloc : memref<!tpu.dma_semaphore, #tpu.memory_space<semaphore_mem>>
        %dma_start3A_106 = arith.constant 624 : i32
        %dma_start3A_107 = tpu.memref_slice %arg7[%dma_start3A_106] : memref<640xf32, #tpu.memory_space<vmem>> -> memref<16xf32, #tpu.memory_space<vmem>>
        %dma_start3A_108 = arith.constant 9984 : i32
        %dma_start3A_109 = tpu.memref_slice %arg9[%dma_start3A_108] : memref<10000xf32, #tpu.memory_space<vmem_shared>> -> memref<16xf32, #tpu.memory_space<vmem_shared>>
        %dma_start3A_110 = arith.constant 624 : i32
        %dma_start3A_111 = tpu.memref_slice %arg7[%dma_start3A_110] : memref<640xf32, #tpu.memory_space<vmem>> -> memref<16xf32, #tpu.memory_space<vmem>>
        %dma_start3A_112 = arith.constant 9984 : i32
        %dma_start3A_113 = tpu.memref_slice %arg9[%dma_start3A_112] : memref<10000xf32, #tpu.memory_space<vmem_shared>> -> memref<16xf32, #tpu.memory_space<vmem_shared>>
        tpu.enqueue_dma source(%dma_start3A_113 : memref<16xf32, #tpu.memory_space<vmem_shared>>) target(%dma_start3A_111 : memref<16xf32, #tpu.memory_space<vmem>>) target_semaphore(%run_scoped3A : memref<!tpu.dma_semaphore, #tpu.memory_space<semaphore_mem>>)
        %dma_wait3A_114 = arith.constant 624 : i32
        %dma_wait3A_115 = tpu.memref_slice %arg7[%dma_wait3A_114] : memref<640xf32, #tpu.memory_space<vmem>> -> memref<16xf32, #tpu.memory_space<vmem>>
        %dma_wait3A_116 = arith.constant 9984 : i32
        %dma_wait3A_117 = tpu.memref_slice %arg9[%dma_wait3A_116] : memref<10000xf32, #tpu.memory_space<vmem_shared>> -> memref<16xf32, #tpu.memory_space<vmem_shared>>
        %dma_wait3A_118 = arith.constant 624 : i32
        %dma_wait3A_119 = tpu.memref_slice %arg7[%dma_wait3A_118] : memref<640xf32, #tpu.memory_space<vmem>> -> memref<16xf32, #tpu.memory_space<vmem>>
        %dma_wait3A_120 = arith.constant 9984 : i32
        %dma_wait3A_121 = tpu.memref_slice %arg9[%dma_wait3A_120] : memref<10000xf32, #tpu.memory_space<vmem_shared>> -> memref<16xf32, #tpu.memory_space<vmem_shared>>
        tpu.wait_dma2 semaphore(%run_scoped3A : memref<!tpu.dma_semaphore, #tpu.memory_space<semaphore_mem>>) src(%dma_wait3A_121 : memref<16xf32, #tpu.memory_space<vmem_shared>>) dst(%dma_wait3A_119 : memref<16xf32, #tpu.memory_space<vmem>>)
        tpu.yield
      }) : () -> ()
    } else {
    }
    %while3A = arith.constant 0 : i32
    %while3A_87 = arith.constant 0 : i32
    %while3A_88 = arith.subi %select_n3A, %while3A_87 : i32
    %while3A_89 = arith.addi %while3A_87, %while3A_88 : i32
    %while3A_90 = arith.constant 1 : i32
    %while3A_91 = arith.divsi %while3A_88, %while3A_90 : i32
    %while3A_92 = arith.muli %while3A_91, %while3A_90 : i32
    %while3A_93 = arith.addi %while3A_87, %while3A_92 : i32
    %while3A_94 = arith.constant 1 : i32
    scf.for %while3A_106 = %while3A_87 to %while3A_93 step %while3A_94  : i32 {
      %broadcast_in_dim3A = vector.broadcast %while3A_106 : i32 to vector<16xi32>
      %gather3A = tpu.vector_load_idx %arg7[%broadcast_in_dim3A] : memref<640xf32, #tpu.memory_space<vmem>>[vector<16xi32>], vector<16xf32>,
      %jit3A_107 = arith.constant 8 : i32
      %div3A = arith.divsi %while3A_106, %jit3A_107 : i32
      %sign3A = arith.constant 0 : i32
      %sign3A_108 = arith.cmpi sgt, %while3A_106, %sign3A : i32
      %sign3A_109 = arith.extui %sign3A_108 : i1 to i32
      %sign3A_110 = arith.constant 0 : i32
      %sign3A_111 = arith.cmpi slt, %while3A_106, %sign3A_110 : i32
      %sign3A_112 = arith.extui %sign3A_111 : i1 to i32
      %sign3A_113 = arith.subi %sign3A_109, %sign3A_112 : i32
      %sign3A_114 = arith.constant 0 : i32
      %sign3A_115 = arith.cmpi sgt, %jit3A_107, %sign3A_114 : i32
      %sign3A_116 = arith.extui %sign3A_115 : i1 to i32
      %sign3A_117 = arith.constant 0 : i32
      %sign3A_118 = arith.cmpi slt, %jit3A_107, %sign3A_117 : i32
      %sign3A_119 = arith.extui %sign3A_118 : i1 to i32
      %sign3A_120 = arith.subi %sign3A_116, %sign3A_119 : i32
      %ne3A = arith.cmpi ne, %sign3A_113, %sign3A_120 : i32
      %rem3A = arith.remsi %while3A_106, %jit3A_107 : i32
      %ne3A_121 = arith.constant 0 : i32
      %ne3A_122 = arith.cmpi ne, %rem3A, %ne3A_121 : i32
      %and3A = arith.andi %ne3A, %ne3A_122 : i1
      %sub3A = arith.constant 1 : i32
      %sub3A_123 = arith.subi %div3A, %sub3A : i32
      %select_n3A_124 = arith.select %and3A, %sub3A_123, %div3A : i32
      %mul3A_125 = arith.constant 128 : i32
      %mul3A_126 = arith.muli %select_n3A_124, %mul3A_125 : i32
      %jit3A_127 = arith.constant 8 : i32
      %eq3A_128 = arith.constant 0 : i32
      %eq3A_129 = arith.cmpi eq, %jit3A_127, %eq3A_128 : i32
      %jit3A_130 = arith.constant 1 : i32
      %select_n3A_131 = arith.select %eq3A_129, %jit3A_130, %jit3A_127 : i32
      %rem3A_132 = arith.remsi %while3A_106, %select_n3A_131 : i32
      %ne3A_133 = arith.constant 0 : i32
      %ne3A_134 = arith.cmpi ne, %rem3A_132, %ne3A_133 : i32
      %lt3A = arith.constant 0 : i32
      %lt3A_135 = arith.cmpi slt, %rem3A_132, %lt3A : i32
      %lt3A_136 = arith.constant 0 : i32
      %lt3A_137 = arith.cmpi slt, %select_n3A_131, %lt3A_136 : i32
      %ne3A_138 = arith.xori %lt3A_135, %lt3A_137 : i1
      %and3A_139 = arith.andi %ne3A_138, %ne3A_134 : i1
      %add3A_140 = arith.addi %rem3A_132, %select_n3A_131 : i32
      %select_n3A_141 = arith.select %and3A_139, %add3A_140, %rem3A_132 : i32
      %mul3A_142 = arith.constant 16 : i32
      %mul3A_143 = arith.muli %select_n3A_141, %mul3A_142 : i32
      %add3A_144 = arith.addi %mul3A_126, %mul3A_143 : i32
      %swap3A = arith.index_cast %add3A_144 : i32 to index
      %swap3A_145 = tpu.vector_load %arg8[%swap3A] {strides = array<i32>} : memref<10240xf32, #tpu.memory_space<vmem>>, vector<16xf32>,
      tpu.vector_store %arg8[%swap3A], %gather3A {strides = array<i32>} : memref<10240xf32, #tpu.memory_space<vmem>>, vector<16xf32>,
    }
    %while3A_95 = arith.constant 1 : i32
    scf.for %while3A_106 = %while3A_93 to %while3A_89 step %while3A_95  : i32 {
      %broadcast_in_dim3A = vector.broadcast %while3A_106 : i32 to vector<16xi32>
      %gather3A = tpu.vector_load_idx %arg7[%broadcast_in_dim3A] : memref<640xf32, #tpu.memory_space<vmem>>[vector<16xi32>], vector<16xf32>,
      %jit3A_107 = arith.constant 8 : i32
      %div3A = arith.divsi %while3A_106, %jit3A_107 : i32
      %sign3A = arith.constant 0 : i32
      %sign3A_108 = arith.cmpi sgt, %while3A_106, %sign3A : i32
      %sign3A_109 = arith.extui %sign3A_108 : i1 to i32
      %sign3A_110 = arith.constant 0 : i32
      %sign3A_111 = arith.cmpi slt, %while3A_106, %sign3A_110 : i32
      %sign3A_112 = arith.extui %sign3A_111 : i1 to i32
      %sign3A_113 = arith.subi %sign3A_109, %sign3A_112 : i32
      %sign3A_114 = arith.constant 0 : i32
      %sign3A_115 = arith.cmpi sgt, %jit3A_107, %sign3A_114 : i32
      %sign3A_116 = arith.extui %sign3A_115 : i1 to i32
      %sign3A_117 = arith.constant 0 : i32
      %sign3A_118 = arith.cmpi slt, %jit3A_107, %sign3A_117 : i32
      %sign3A_119 = arith.extui %sign3A_118 : i1 to i32
      %sign3A_120 = arith.subi %sign3A_116, %sign3A_119 : i32
      %ne3A = arith.cmpi ne, %sign3A_113, %sign3A_120 : i32
      %rem3A = arith.remsi %while3A_106, %jit3A_107 : i32
      %ne3A_121 = arith.constant 0 : i32
      %ne3A_122 = arith.cmpi ne, %rem3A, %ne3A_121 : i32
      %and3A = arith.andi %ne3A, %ne3A_122 : i1
      %sub3A = arith.constant 1 : i32
      %sub3A_123 = arith.subi %div3A, %sub3A : i32
      %select_n3A_124 = arith.select %and3A, %sub3A_123, %div3A : i32
      %mul3A_125 = arith.constant 128 : i32
      %mul3A_126 = arith.muli %select_n3A_124, %mul3A_125 : i32
      %jit3A_127 = arith.constant 8 : i32
      %eq3A_128 = arith.constant 0 : i32
      %eq3A_129 = arith.cmpi eq, %jit3A_127, %eq3A_128 : i32
      %jit3A_130 = arith.constant 1 : i32
      %select_n3A_131 = arith.select %eq3A_129, %jit3A_130, %jit3A_127 : i32
      %rem3A_132 = arith.remsi %while3A_106, %select_n3A_131 : i32
      %ne3A_133 = arith.constant 0 : i32
      %ne3A_134 = arith.cmpi ne, %rem3A_132, %ne3A_133 : i32
      %lt3A = arith.constant 0 : i32
      %lt3A_135 = arith.cmpi slt, %rem3A_132, %lt3A : i32
      %lt3A_136 = arith.constant 0 : i32
      %lt3A_137 = arith.cmpi slt, %select_n3A_131, %lt3A_136 : i32
      %ne3A_138 = arith.xori %lt3A_135, %lt3A_137 : i1
      %and3A_139 = arith.andi %ne3A_138, %ne3A_134 : i1
      %add3A_140 = arith.addi %rem3A_132, %select_n3A_131 : i32
      %select_n3A_141 = arith.select %and3A_139, %add3A_140, %rem3A_132 : i32
      %mul3A_142 = arith.constant 16 : i32
      %mul3A_143 = arith.muli %select_n3A_141, %mul3A_142 : i32
      %add3A_144 = arith.addi %mul3A_126, %mul3A_143 : i32
      %swap3A = arith.index_cast %add3A_144 : i32 to index
      %swap3A_145 = tpu.vector_load %arg8[%swap3A] {strides = array<i32>} : memref<10240xf32, #tpu.memory_space<vmem>>, vector<16xf32>,
      tpu.vector_store %arg8[%swap3A], %gather3A {strides = array<i32>} : memref<10240xf32, #tpu.memory_space<vmem>>, vector<16xf32>,
    }
    %mul3A_96 = arith.constant 160000 : i32
    %mul3A_97 = arith.muli %arg0, %mul3A_96 : i32
    %mul3A_98 = arith.constant 9984 : i32
    %mul3A_99 = arith.muli %arg1, %mul3A_98 : i32
    %add3A_100 = arith.addi %mul3A_97, %mul3A_99 : i32
    "tpu.region"() ({
      %run_scoped3A = tpu.sem_alloc : memref<!tpu.dma_semaphore, #tpu.memory_space<semaphore_mem>>
      %dma_start3A_106 = arith.constant 0 : i32
      %dma_start3A_107 = tpu.memref_slice %arg8[%dma_start3A_106] : memref<10240xf32, #tpu.memory_space<vmem>> -> memref<9984xf32, #tpu.memory_space<vmem>>
      %dma_start3A_108 = tpu.memref_slice %arg3[%add3A_100] : memref<320000xf32, #tpu.memory_space<hbm>> -> memref<9984xf32, #tpu.memory_space<hbm>>
      %dma_start3A_109 = tpu.memref_slice %arg3[%add3A_100] : memref<320000xf32, #tpu.memory_space<hbm>> -> memref<9984xf32, #tpu.memory_space<hbm>>
      %dma_start3A_110 = arith.constant 0 : i32
      %dma_start3A_111 = tpu.memref_slice %arg8[%dma_start3A_110] : memref<10240xf32, #tpu.memory_space<vmem>> -> memref<9984xf32, #tpu.memory_space<vmem>>
      tpu.enqueue_dma source(%dma_start3A_111 : memref<9984xf32, #tpu.memory_space<vmem>>) target(%dma_start3A_109 : memref<9984xf32, #tpu.memory_space<hbm>>) target_semaphore(%run_scoped3A : memref<!tpu.dma_semaphore, #tpu.memory_space<semaphore_mem>>)
      %dma_wait3A_112 = arith.constant 0 : i32
      %dma_wait3A_113 = tpu.memref_slice %arg8[%dma_wait3A_112] : memref<10240xf32, #tpu.memory_space<vmem>> -> memref<9984xf32, #tpu.memory_space<vmem>>
      %dma_wait3A_114 = tpu.memref_slice %arg3[%add3A_100] : memref<320000xf32, #tpu.memory_space<hbm>> -> memref<9984xf32, #tpu.memory_space<hbm>>
      %dma_wait3A_115 = tpu.memref_slice %arg3[%add3A_100] : memref<320000xf32, #tpu.memory_space<hbm>> -> memref<9984xf32, #tpu.memory_space<hbm>>
      %dma_wait3A_116 = arith.constant 0 : i32
      %dma_wait3A_117 = tpu.memref_slice %arg8[%dma_wait3A_116] : memref<10240xf32, #tpu.memory_space<vmem>> -> memref<9984xf32, #tpu.memory_space<vmem>>
      tpu.wait_dma2 semaphore(%run_scoped3A : memref<!tpu.dma_semaphore, #tpu.memory_space<semaphore_mem>>) src(%dma_wait3A_117 : memref<9984xf32, #tpu.memory_space<vmem>>) dst(%dma_wait3A_115 : memref<9984xf32, #tpu.memory_space<hbm>>)
      tpu.yield
    }) : () -> ()
    %eq3A_101 = arith.constant 15 : i32
    %eq3A_102 = arith.cmpi eq, %arg1, %eq3A_101 : i32
    %convert_element_type3A_103 = arith.extui %eq3A_102 : i1 to i32
    %cond3A_104 = arith.constant 0 : i32
    %cond3A_105 = arith.cmpi ne, %convert_element_type3A_103, %cond3A_104 : i32
    scf.if %cond3A_105 {
      %mul3A_106 = arith.constant 160000 : i32
      %mul3A_107 = arith.muli %arg0, %mul3A_106 : i32
      %add3A_108 = arith.constant 159744 : i32
      %add3A_109 = arith.addi %mul3A_107, %add3A_108 : i32
      "tpu.region"() ({
        %run_scoped3A = tpu.sem_alloc : memref<!tpu.dma_semaphore, #tpu.memory_space<semaphore_mem>>
        %dma_start3A_110 = arith.constant 9984 : i32
        %dma_start3A_111 = tpu.memref_slice %arg8[%dma_start3A_110] : memref<10240xf32, #tpu.memory_space<vmem>> -> memref<256xf32, #tpu.memory_space<vmem>>
        %dma_start3A_112 = tpu.memref_slice %arg3[%add3A_109] : memref<320000xf32, #tpu.memory_space<hbm>> -> memref<256xf32, #tpu.memory_space<hbm>>
        %dma_start3A_113 = tpu.memref_slice %arg3[%add3A_109] : memref<320000xf32, #tpu.memory_space<hbm>> -> memref<256xf32, #tpu.memory_space<hbm>>
        %dma_start3A_114 = arith.constant 9984 : i32
        %dma_start3A_115 = tpu.memref_slice %arg8[%dma_start3A_114] : memref<10240xf32, #tpu.memory_space<vmem>> -> memref<256xf32, #tpu.memory_space<vmem>>
        tpu.enqueue_dma source(%dma_start3A_115 : memref<256xf32, #tpu.memory_space<vmem>>) target(%dma_start3A_113 : memref<256xf32, #tpu.memory_space<hbm>>) target_semaphore(%run_scoped3A : memref<!tpu.dma_semaphore, #tpu.memory_space<semaphore_mem>>)
        %dma_wait3A_116 = arith.constant 9984 : i32
        %dma_wait3A_117 = tpu.memref_slice %arg8[%dma_wait3A_116] : memref<10240xf32, #tpu.memory_space<vmem>> -> memref<256xf32, #tpu.memory_space<vmem>>
        %dma_wait3A_118 = tpu.memref_slice %arg3[%add3A_109] : memref<320000xf32, #tpu.memory_space<hbm>> -> memref<256xf32, #tpu.memory_space<hbm>>
        %dma_wait3A_119 = tpu.memref_slice %arg3[%add3A_109] : memref<320000xf32, #tpu.memory_space<hbm>> -> memref<256xf32, #tpu.memory_space<hbm>>
        %dma_wait3A_120 = arith.constant 9984 : i32
        %dma_wait3A_121 = tpu.memref_slice %arg8[%dma_wait3A_120] : memref<10240xf32, #tpu.memory_space<vmem>> -> memref<256xf32, #tpu.memory_space<vmem>>
        tpu.wait_dma2 semaphore(%run_scoped3A : memref<!tpu.dma_semaphore, #tpu.memory_space<semaphore_mem>>) src(%dma_wait3A_121 : memref<256xf32, #tpu.memory_space<vmem>>) dst(%dma_wait3A_119 : memref<256xf32, #tpu.memory_space<hbm>>)
        tpu.yield
      }) : () -> ()
    } else {
    }
    return
  }
}

#map = affine_map<(d0, d1) -> (0, 0)>
#map1 = affine_map<(d0, d1) -> (0)>
module attributes {stable_mosaic.version = 14 : i64} {
  func.func @_sc_agg(%arg0: i32, %arg1: i32, %arg2: memref<2x320000xi32, #tpu.memory_space<hbm>>, %arg3: memref<10000x16xf32, #tpu.memory_space<hbm>>, %arg4: memref<320000xf32, #tpu.memory_space<hbm>>, %arg5: memref<2000xi32, #tpu.memory_space<vmem>>, %arg6: memref<2000xi32, #tpu.memory_space<vmem>>, %arg7: memref<2000xi32, #tpu.memory_space<vmem>>, %arg8: memref<2000xi32, #tpu.memory_space<vmem>>, %arg9: memref<2000x16xf32, #tpu.memory_space<vmem>>, %arg10: memref<2000x16xf32, #tpu.memory_space<vmem>>, %arg11: memref<640x16xf32, #tpu.memory_space<vmem>>, %arg12: memref<10240xf32, #tpu.memory_space<vmem>>, %arg13: memref<10000x16xf32, #tpu.memory_space<vmem_shared>>, %arg14: memref<!tpu.dma_semaphore, #tpu.memory_space<semaphore_mem>>, %arg15: memref<!tpu.dma_semaphore, #tpu.memory_space<semaphore_mem>>, %arg16: memref<!tpu.dma_semaphore, #tpu.memory_space<semaphore_mem>>, %arg17: memref<!tpu.dma_semaphore, #tpu.memory_space<semaphore_mem>>, %arg18: memref<!tpu.dma_semaphore, #tpu.memory_space<semaphore_mem>>, %arg19: memref<!tpu.dma_semaphore, #tpu.memory_space<semaphore_mem>>) attributes {dimension_semantics = [#tpu.dimension_semantics<core_parallel>, #tpu.dimension_semantics<subcore_parallel>], iteration_bounds = array<i64: 2, 16>, scalar_prefetch = 0 : i64, scratch_operands = 15 : i64, tpu.core_type = #tpu.core_type<sc_vector_subcore>, window_params = [{transform_indices = #map}, {transform_indices = #map}, {transform_indices = #map1}]} {
    %mul3A = arith.constant 2 : i32
    %mul3A_0 = arith.muli %arg1, %mul3A : i32
    %add3A = arith.addi %mul3A_0, %arg0 : i32
    %mul3A_1 = arith.constant 10000 : i32
    %mul3A_2 = arith.muli %add3A, %mul3A_1 : i32
    %add3A_3 = arith.constant 0 : i32
    %add3A_4 = arith.addi %mul3A_2, %add3A_3 : i32
    %dma_start3A = arith.constant 0 : i32
    %dma_start3A_5 = tpu.memref_slice %arg2[%dma_start3A, %add3A_4] : memref<2x320000xi32, #tpu.memory_space<hbm>> -> memref<1x2000xi32, #tpu.memory_space<hbm>>
    %dma_start3A_6 = tpu.memref_squeeze %dma_start3A_5 : memref<1x2000xi32, #tpu.memory_space<hbm>> -> memref<2000xi32, #tpu.memory_space<hbm>>
    %dma_start3A_7 = tpu.memref_slice %arg2[%dma_start3A, %add3A_4] : memref<2x320000xi32, #tpu.memory_space<hbm>> -> memref<1x2000xi32, #tpu.memory_space<hbm>>
    %dma_start3A_8 = tpu.memref_squeeze %dma_start3A_7 : memref<1x2000xi32, #tpu.memory_space<hbm>> -> memref<2000xi32, #tpu.memory_space<hbm>>
    tpu.enqueue_dma source(%dma_start3A_8 : memref<2000xi32, #tpu.memory_space<hbm>>) target(%arg5 : memref<2000xi32, #tpu.memory_space<vmem>>) target_semaphore(%arg14 : memref<!tpu.dma_semaphore, #tpu.memory_space<semaphore_mem>>)
    %add3A_9 = arith.constant 0 : i32
    %add3A_10 = arith.addi %mul3A_2, %add3A_9 : i32
    %dma_start3A_11 = arith.constant 1 : i32
    %dma_start3A_12 = tpu.memref_slice %arg2[%dma_start3A_11, %add3A_10] : memref<2x320000xi32, #tpu.memory_space<hbm>> -> memref<1x2000xi32, #tpu.memory_space<hbm>>
    %dma_start3A_13 = tpu.memref_squeeze %dma_start3A_12 : memref<1x2000xi32, #tpu.memory_space<hbm>> -> memref<2000xi32, #tpu.memory_space<hbm>>
    %dma_start3A_14 = tpu.memref_slice %arg2[%dma_start3A_11, %add3A_10] : memref<2x320000xi32, #tpu.memory_space<hbm>> -> memref<1x2000xi32, #tpu.memory_space<hbm>>
    %dma_start3A_15 = tpu.memref_squeeze %dma_start3A_14 : memref<1x2000xi32, #tpu.memory_space<hbm>> -> memref<2000xi32, #tpu.memory_space<hbm>>
    tpu.enqueue_dma source(%dma_start3A_15 : memref<2000xi32, #tpu.memory_space<hbm>>) target(%arg7 : memref<2000xi32, #tpu.memory_space<vmem>>) target_semaphore(%arg16 : memref<!tpu.dma_semaphore, #tpu.memory_space<semaphore_mem>>)
    %add3A_16 = arith.constant 2000 : i32
    %add3A_17 = arith.addi %mul3A_2, %add3A_16 : i32
    %dma_start3A_18 = arith.constant 0 : i32
    %dma_start3A_19 = tpu.memref_slice %arg2[%dma_start3A_18, %add3A_17] : memref<2x320000xi32, #tpu.memory_space<hbm>> -> memref<1x2000xi32, #tpu.memory_space<hbm>>
    %dma_start3A_20 = tpu.memref_squeeze %dma_start3A_19 : memref<1x2000xi32, #tpu.memory_space<hbm>> -> memref<2000xi32, #tpu.memory_space<hbm>>
    %dma_start3A_21 = tpu.memref_slice %arg2[%dma_start3A_18, %add3A_17] : memref<2x320000xi32, #tpu.memory_space<hbm>> -> memref<1x2000xi32, #tpu.memory_space<hbm>>
    %dma_start3A_22 = tpu.memref_squeeze %dma_start3A_21 : memref<1x2000xi32, #tpu.memory_space<hbm>> -> memref<2000xi32, #tpu.memory_space<hbm>>
    tpu.enqueue_dma source(%dma_start3A_22 : memref<2000xi32, #tpu.memory_space<hbm>>) target(%arg6 : memref<2000xi32, #tpu.memory_space<vmem>>) target_semaphore(%arg15 : memref<!tpu.dma_semaphore, #tpu.memory_space<semaphore_mem>>)
    %add3A_23 = arith.constant 2000 : i32
    %add3A_24 = arith.addi %mul3A_2, %add3A_23 : i32
    %dma_start3A_25 = arith.constant 1 : i32
    %dma_start3A_26 = tpu.memref_slice %arg2[%dma_start3A_25, %add3A_24] : memref<2x320000xi32, #tpu.memory_space<hbm>> -> memref<1x2000xi32, #tpu.memory_space<hbm>>
    %dma_start3A_27 = tpu.memref_squeeze %dma_start3A_26 : memref<1x2000xi32, #tpu.memory_space<hbm>> -> memref<2000xi32, #tpu.memory_space<hbm>>
    %dma_start3A_28 = tpu.memref_slice %arg2[%dma_start3A_25, %add3A_24] : memref<2x320000xi32, #tpu.memory_space<hbm>> -> memref<1x2000xi32, #tpu.memory_space<hbm>>
    %dma_start3A_29 = tpu.memref_squeeze %dma_start3A_28 : memref<1x2000xi32, #tpu.memory_space<hbm>> -> memref<2000xi32, #tpu.memory_space<hbm>>
    tpu.enqueue_dma source(%dma_start3A_29 : memref<2000xi32, #tpu.memory_space<hbm>>) target(%arg8 : memref<2000xi32, #tpu.memory_space<vmem>>) target_semaphore(%arg17 : memref<!tpu.dma_semaphore, #tpu.memory_space<semaphore_mem>>)
    %dma_wait3A = arith.constant 0 : i32
    %dma_wait3A_30 = tpu.memref_slice %arg2[%dma_wait3A, %add3A_4] : memref<2x320000xi32, #tpu.memory_space<hbm>> -> memref<1x2000xi32, #tpu.memory_space<hbm>>
    %dma_wait3A_31 = tpu.memref_squeeze %dma_wait3A_30 : memref<1x2000xi32, #tpu.memory_space<hbm>> -> memref<2000xi32, #tpu.memory_space<hbm>>
    %dma_wait3A_32 = tpu.memref_slice %arg2[%dma_wait3A, %add3A_4] : memref<2x320000xi32, #tpu.memory_space<hbm>> -> memref<1x2000xi32, #tpu.memory_space<hbm>>
    %dma_wait3A_33 = tpu.memref_squeeze %dma_wait3A_32 : memref<1x2000xi32, #tpu.memory_space<hbm>> -> memref<2000xi32, #tpu.memory_space<hbm>>
    tpu.wait_dma2 semaphore(%arg14 : memref<!tpu.dma_semaphore, #tpu.memory_space<semaphore_mem>>) src(%dma_wait3A_33 : memref<2000xi32, #tpu.memory_space<hbm>>) dst(%arg5 : memref<2000xi32, #tpu.memory_space<vmem>>)
    %dma_start3A_34 = arith.constant 0 : i32
    %dma_start3A_35 = arith.constant 0 : i32
    %dma_start3A_36 = tpu.memref_slice %arg3[%dma_start3A_34, %dma_start3A_35] : memref<10000x16xf32, #tpu.memory_space<hbm>> -> memref<10000x16xf32, #tpu.memory_space<hbm>>
    tpu.enqueue_indirect_dma source(%dma_start3A_36 : memref<10000x16xf32, #tpu.memory_space<hbm>>) target(%arg9 : memref<2000x16xf32, #tpu.memory_space<vmem>>) offsets(%arg5 : memref<2000xi32, #tpu.memory_space<vmem>>) semaphore(%arg18 : memref<!tpu.dma_semaphore, #tpu.memory_space<semaphore_mem>>)
    %scan3A = arith.constant 0 : i32
    %scan3A_37 = arith.constant 0 : i32
    %scan3A_38 = arith.constant 624 : i32
    %scan3A_39 = arith.addi %scan3A_37, %scan3A_38 : i32
    %scan3A_40 = arith.constant 1 : i32
    scf.for %scan3A_190 = %scan3A_37 to %scan3A_39 step %scan3A_40  : i32 {
      %broadcast_in_dim3A = arith.constant 0.000000e+00 : f32
      %broadcast_in_dim3A_191 = vector.broadcast %broadcast_in_dim3A : f32 to vector<16xf32>
      %swap3A = arith.index_cast %scan3A_190 : i32 to index
      %swap3A_192 = arith.constant 0 : index
      %swap3A_193 = tpu.vector_load %arg11[%swap3A, %swap3A_192] {strides = array<i32>} : memref<640x16xf32, #tpu.memory_space<vmem>>, vector<16xf32>,
      tpu.vector_store %arg11[%swap3A, %swap3A_192], %broadcast_in_dim3A_191 {strides = array<i32>} : memref<640x16xf32, #tpu.memory_space<vmem>>, vector<16xf32>,
    }
    %scan3A_41 = arith.constant 624 : i32
    %mul3A_42 = arith.constant 624 : i32
    %mul3A_43 = arith.muli %arg1, %mul3A_42 : i32
    "tpu.region"() ({
      %run_scoped3A = tpu.sem_alloc : memref<!tpu.dma_semaphore, #tpu.memory_space<semaphore_mem>>
      %dma_start3A_190 = arith.constant 0 : i32
      %dma_start3A_191 = arith.constant 0 : i32
      %dma_start3A_192 = tpu.memref_slice %arg11[%dma_start3A_190, %dma_start3A_191] : memref<640x16xf32, #tpu.memory_space<vmem>> -> memref<624x16xf32, #tpu.memory_space<vmem>>
      %dma_start3A_193 = arith.constant 0 : i32
      %dma_start3A_194 = tpu.memref_slice %arg13[%mul3A_43, %dma_start3A_193] : memref<10000x16xf32, #tpu.memory_space<vmem_shared>> -> memref<624x16xf32, #tpu.memory_space<vmem_shared>>
      %dma_start3A_195 = arith.constant 0 : i32
      %dma_start3A_196 = tpu.memref_slice %arg13[%mul3A_43, %dma_start3A_195] : memref<10000x16xf32, #tpu.memory_space<vmem_shared>> -> memref<624x16xf32, #tpu.memory_space<vmem_shared>>
      %dma_start3A_197 = arith.constant 0 : i32
      %dma_start3A_198 = arith.constant 0 : i32
      %dma_start3A_199 = tpu.memref_slice %arg11[%dma_start3A_197, %dma_start3A_198] : memref<640x16xf32, #tpu.memory_space<vmem>> -> memref<624x16xf32, #tpu.memory_space<vmem>>
      tpu.enqueue_dma source(%dma_start3A_199 : memref<624x16xf32, #tpu.memory_space<vmem>>) target(%dma_start3A_196 : memref<624x16xf32, #tpu.memory_space<vmem_shared>>) target_semaphore(%run_scoped3A : memref<!tpu.dma_semaphore, #tpu.memory_space<semaphore_mem>>)
      %dma_wait3A_200 = arith.constant 0 : i32
      %dma_wait3A_201 = arith.constant 0 : i32
      %dma_wait3A_202 = tpu.memref_slice %arg11[%dma_wait3A_200, %dma_wait3A_201] : memref<640x16xf32, #tpu.memory_space<vmem>> -> memref<624x16xf32, #tpu.memory_space<vmem>>
      %dma_wait3A_203 = arith.constant 0 : i32
      %dma_wait3A_204 = tpu.memref_slice %arg13[%mul3A_43, %dma_wait3A_203] : memref<10000x16xf32, #tpu.memory_space<vmem_shared>> -> memref<624x16xf32, #tpu.memory_space<vmem_shared>>
      %dma_wait3A_205 = arith.constant 0 : i32
      %dma_wait3A_206 = tpu.memref_slice %arg13[%mul3A_43, %dma_wait3A_205] : memref<10000x16xf32, #tpu.memory_space<vmem_shared>> -> memref<624x16xf32, #tpu.memory_space<vmem_shared>>
      %dma_wait3A_207 = arith.constant 0 : i32
      %dma_wait3A_208 = arith.constant 0 : i32
      %dma_wait3A_209 = tpu.memref_slice %arg11[%dma_wait3A_207, %dma_wait3A_208] : memref<640x16xf32, #tpu.memory_space<vmem>> -> memref<624x16xf32, #tpu.memory_space<vmem>>
      tpu.wait_dma2 semaphore(%run_scoped3A : memref<!tpu.dma_semaphore, #tpu.memory_space<semaphore_mem>>) src(%dma_wait3A_209 : memref<624x16xf32, #tpu.memory_space<vmem>>) dst(%dma_wait3A_206 : memref<624x16xf32, #tpu.memory_space<vmem_shared>>)
      tpu.yield
    }) : () -> ()
    %eq3A = arith.constant 15 : i32
    %eq3A_44 = arith.cmpi eq, %arg1, %eq3A : i32
    %convert_element_type3A = arith.extui %eq3A_44 : i1 to i32
    %cond3A = arith.constant 0 : i32
    %cond3A_45 = arith.cmpi ne, %convert_element_type3A, %cond3A : i32
    scf.if %cond3A_45 {
      "tpu.region"() ({
        %run_scoped3A = tpu.sem_alloc : memref<!tpu.dma_semaphore, #tpu.memory_space<semaphore_mem>>
        %dma_start3A_190 = arith.constant 0 : i32
        %dma_start3A_191 = arith.constant 0 : i32
        %dma_start3A_192 = tpu.memref_slice %arg11[%dma_start3A_190, %dma_start3A_191] : memref<640x16xf32, #tpu.memory_space<vmem>> -> memref<16x16xf32, #tpu.memory_space<vmem>>
        %dma_start3A_193 = arith.constant 9984 : i32
        %dma_start3A_194 = arith.constant 0 : i32
        %dma_start3A_195 = tpu.memref_slice %arg13[%dma_start3A_193, %dma_start3A_194] : memref<10000x16xf32, #tpu.memory_space<vmem_shared>> -> memref<16x16xf32, #tpu.memory_space<vmem_shared>>
        %dma_start3A_196 = arith.constant 9984 : i32
        %dma_start3A_197 = arith.constant 0 : i32
        %dma_start3A_198 = tpu.memref_slice %arg13[%dma_start3A_196, %dma_start3A_197] : memref<10000x16xf32, #tpu.memory_space<vmem_shared>> -> memref<16x16xf32, #tpu.memory_space<vmem_shared>>
        %dma_start3A_199 = arith.constant 0 : i32
        %dma_start3A_200 = arith.constant 0 : i32
        %dma_start3A_201 = tpu.memref_slice %arg11[%dma_start3A_199, %dma_start3A_200] : memref<640x16xf32, #tpu.memory_space<vmem>> -> memref<16x16xf32, #tpu.memory_space<vmem>>
        tpu.enqueue_dma source(%dma_start3A_201 : memref<16x16xf32, #tpu.memory_space<vmem>>) target(%dma_start3A_198 : memref<16x16xf32, #tpu.memory_space<vmem_shared>>) target_semaphore(%run_scoped3A : memref<!tpu.dma_semaphore, #tpu.memory_space<semaphore_mem>>)
        %dma_wait3A_202 = arith.constant 0 : i32
        %dma_wait3A_203 = arith.constant 0 : i32
        %dma_wait3A_204 = tpu.memref_slice %arg11[%dma_wait3A_202, %dma_wait3A_203] : memref<640x16xf32, #tpu.memory_space<vmem>> -> memref<16x16xf32, #tpu.memory_space<vmem>>
        %dma_wait3A_205 = arith.constant 9984 : i32
        %dma_wait3A_206 = arith.constant 0 : i32
        %dma_wait3A_207 = tpu.memref_slice %arg13[%dma_wait3A_205, %dma_wait3A_206] : memref<10000x16xf32, #tpu.memory_space<vmem_shared>> -> memref<16x16xf32, #tpu.memory_space<vmem_shared>>
        %dma_wait3A_208 = arith.constant 9984 : i32
        %dma_wait3A_209 = arith.constant 0 : i32
        %dma_wait3A_210 = tpu.memref_slice %arg13[%dma_wait3A_208, %dma_wait3A_209] : memref<10000x16xf32, #tpu.memory_space<vmem_shared>> -> memref<16x16xf32, #tpu.memory_space<vmem_shared>>
        %dma_wait3A_211 = arith.constant 0 : i32
        %dma_wait3A_212 = arith.constant 0 : i32
        %dma_wait3A_213 = tpu.memref_slice %arg11[%dma_wait3A_211, %dma_wait3A_212] : memref<640x16xf32, #tpu.memory_space<vmem>> -> memref<16x16xf32, #tpu.memory_space<vmem>>
        tpu.wait_dma2 semaphore(%run_scoped3A : memref<!tpu.dma_semaphore, #tpu.memory_space<semaphore_mem>>) src(%dma_wait3A_213 : memref<16x16xf32, #tpu.memory_space<vmem>>) dst(%dma_wait3A_210 : memref<16x16xf32, #tpu.memory_space<vmem_shared>>)
        tpu.yield
      }) : () -> ()
    } else {
    }
    %barrier3A = arith.constant 0 : index
    tpu.barrier barrier_id(%barrier3A)
    %dma_wait3A_46 = arith.constant 0 : i32
    %dma_wait3A_47 = tpu.memref_slice %arg2[%dma_wait3A_46, %add3A_17] : memref<2x320000xi32, #tpu.memory_space<hbm>> -> memref<1x2000xi32, #tpu.memory_space<hbm>>
    %dma_wait3A_48 = tpu.memref_squeeze %dma_wait3A_47 : memref<1x2000xi32, #tpu.memory_space<hbm>> -> memref<2000xi32, #tpu.memory_space<hbm>>
    %dma_wait3A_49 = tpu.memref_slice %arg2[%dma_wait3A_46, %add3A_17] : memref<2x320000xi32, #tpu.memory_space<hbm>> -> memref<1x2000xi32, #tpu.memory_space<hbm>>
    %dma_wait3A_50 = tpu.memref_squeeze %dma_wait3A_49 : memref<1x2000xi32, #tpu.memory_space<hbm>> -> memref<2000xi32, #tpu.memory_space<hbm>>
    tpu.wait_dma2 semaphore(%arg15 : memref<!tpu.dma_semaphore, #tpu.memory_space<semaphore_mem>>) src(%dma_wait3A_50 : memref<2000xi32, #tpu.memory_space<hbm>>) dst(%arg6 : memref<2000xi32, #tpu.memory_space<vmem>>)
    %dma_start3A_51 = arith.constant 0 : i32
    %dma_start3A_52 = arith.constant 0 : i32
    %dma_start3A_53 = tpu.memref_slice %arg3[%dma_start3A_51, %dma_start3A_52] : memref<10000x16xf32, #tpu.memory_space<hbm>> -> memref<10000x16xf32, #tpu.memory_space<hbm>>
    tpu.enqueue_indirect_dma source(%dma_start3A_53 : memref<10000x16xf32, #tpu.memory_space<hbm>>) target(%arg10 : memref<2000x16xf32, #tpu.memory_space<vmem>>) offsets(%arg6 : memref<2000xi32, #tpu.memory_space<vmem>>) semaphore(%arg19 : memref<!tpu.dma_semaphore, #tpu.memory_space<semaphore_mem>>)
    %dma_wait3A_54 = arith.constant 0 : i32
    %dma_wait3A_55 = arith.constant 0 : i32
    %dma_wait3A_56 = tpu.memref_slice %arg3[%dma_wait3A_54, %dma_wait3A_55] : memref<10000x16xf32, #tpu.memory_space<hbm>> -> memref<10000x16xf32, #tpu.memory_space<hbm>>
    tpu.wait_indirect_dma semaphore(%arg18 : memref<!tpu.dma_semaphore, #tpu.memory_space<semaphore_mem>>) src(%dma_wait3A_56 : memref<10000x16xf32, #tpu.memory_space<hbm>>) dst(%arg9 : memref<2000x16xf32, #tpu.memory_space<vmem>>)
    %dma_wait3A_57 = arith.constant 1 : i32
    %dma_wait3A_58 = tpu.memref_slice %arg2[%dma_wait3A_57, %add3A_10] : memref<2x320000xi32, #tpu.memory_space<hbm>> -> memref<1x2000xi32, #tpu.memory_space<hbm>>
    %dma_wait3A_59 = tpu.memref_squeeze %dma_wait3A_58 : memref<1x2000xi32, #tpu.memory_space<hbm>> -> memref<2000xi32, #tpu.memory_space<hbm>>
    %dma_wait3A_60 = tpu.memref_slice %arg2[%dma_wait3A_57, %add3A_10] : memref<2x320000xi32, #tpu.memory_space<hbm>> -> memref<1x2000xi32, #tpu.memory_space<hbm>>
    %dma_wait3A_61 = tpu.memref_squeeze %dma_wait3A_60 : memref<1x2000xi32, #tpu.memory_space<hbm>> -> memref<2000xi32, #tpu.memory_space<hbm>>
    tpu.wait_dma2 semaphore(%arg16 : memref<!tpu.dma_semaphore, #tpu.memory_space<semaphore_mem>>) src(%dma_wait3A_61 : memref<2000xi32, #tpu.memory_space<hbm>>) dst(%arg7 : memref<2000xi32, #tpu.memory_space<vmem>>)
    "tpu.region"() ({
      %run_scoped3A = tpu.sem_alloc : memref<!tpu.dma_semaphore, #tpu.memory_space<semaphore_mem>>
      %dma_start3A_190 = arith.constant 0 : i32
      %dma_start3A_191 = arith.constant 0 : i32
      %dma_start3A_192 = tpu.memref_slice %arg13[%dma_start3A_190, %dma_start3A_191] : memref<10000x16xf32, #tpu.memory_space<vmem_shared>> -> memref<10000x16xf32, #tpu.memory_space<vmem_shared>>
      tpu.enqueue_indirect_dma source(%arg9 : memref<2000x16xf32, #tpu.memory_space<vmem>>) target(%dma_start3A_192 : memref<10000x16xf32, #tpu.memory_space<vmem_shared>>) offsets(%arg7 : memref<2000xi32, #tpu.memory_space<vmem>>) semaphore(%run_scoped3A : memref<!tpu.dma_semaphore, #tpu.memory_space<semaphore_mem>>) {add = true}
      %dma_wait3A_193 = arith.constant 0 : i32
      %dma_wait3A_194 = arith.constant 0 : i32
      %dma_wait3A_195 = tpu.memref_slice %arg13[%dma_wait3A_193, %dma_wait3A_194] : memref<10000x16xf32, #tpu.memory_space<vmem_shared>> -> memref<10000x16xf32, #tpu.memory_space<vmem_shared>>
      tpu.wait_indirect_dma semaphore(%run_scoped3A : memref<!tpu.dma_semaphore, #tpu.memory_space<semaphore_mem>>) src(%arg9 : memref<2000x16xf32, #tpu.memory_space<vmem>>) dst(%dma_wait3A_195 : memref<10000x16xf32, #tpu.memory_space<vmem_shared>>)
      tpu.yield
    }) : () -> ()
    %add3A_62 = arith.constant 4000 : i32
    %add3A_63 = arith.addi %mul3A_2, %add3A_62 : i32
    %dma_start3A_64 = arith.constant 0 : i32
    %dma_start3A_65 = tpu.memref_slice %arg2[%dma_start3A_64, %add3A_63] : memref<2x320000xi32, #tpu.memory_space<hbm>> -> memref<1x2000xi32, #tpu.memory_space<hbm>>
    %dma_start3A_66 = tpu.memref_squeeze %dma_start3A_65 : memref<1x2000xi32, #tpu.memory_space<hbm>> -> memref<2000xi32, #tpu.memory_space<hbm>>
    %dma_start3A_67 = tpu.memref_slice %arg2[%dma_start3A_64, %add3A_63] : memref<2x320000xi32, #tpu.memory_space<hbm>> -> memref<1x2000xi32, #tpu.memory_space<hbm>>
    %dma_start3A_68 = tpu.memref_squeeze %dma_start3A_67 : memref<1x2000xi32, #tpu.memory_space<hbm>> -> memref<2000xi32, #tpu.memory_space<hbm>>
    tpu.enqueue_dma source(%dma_start3A_68 : memref<2000xi32, #tpu.memory_space<hbm>>) target(%arg5 : memref<2000xi32, #tpu.memory_space<vmem>>) target_semaphore(%arg14 : memref<!tpu.dma_semaphore, #tpu.memory_space<semaphore_mem>>)
    %add3A_69 = arith.constant 4000 : i32
    %add3A_70 = arith.addi %mul3A_2, %add3A_69 : i32
    %dma_start3A_71 = arith.constant 1 : i32
    %dma_start3A_72 = tpu.memref_slice %arg2[%dma_start3A_71, %add3A_70] : memref<2x320000xi32, #tpu.memory_space<hbm>> -> memref<1x2000xi32, #tpu.memory_space<hbm>>
    %dma_start3A_73 = tpu.memref_squeeze %dma_start3A_72 : memref<1x2000xi32, #tpu.memory_space<hbm>> -> memref<2000xi32, #tpu.memory_space<hbm>>
    %dma_start3A_74 = tpu.memref_slice %arg2[%dma_start3A_71, %add3A_70] : memref<2x320000xi32, #tpu.memory_space<hbm>> -> memref<1x2000xi32, #tpu.memory_space<hbm>>
    %dma_start3A_75 = tpu.memref_squeeze %dma_start3A_74 : memref<1x2000xi32, #tpu.memory_space<hbm>> -> memref<2000xi32, #tpu.memory_space<hbm>>
    tpu.enqueue_dma source(%dma_start3A_75 : memref<2000xi32, #tpu.memory_space<hbm>>) target(%arg7 : memref<2000xi32, #tpu.memory_space<vmem>>) target_semaphore(%arg16 : memref<!tpu.dma_semaphore, #tpu.memory_space<semaphore_mem>>)
    %dma_wait3A_76 = arith.constant 0 : i32
    %dma_wait3A_77 = tpu.memref_slice %arg2[%dma_wait3A_76, %add3A_63] : memref<2x320000xi32, #tpu.memory_space<hbm>> -> memref<1x2000xi32, #tpu.memory_space<hbm>>
    %dma_wait3A_78 = tpu.memref_squeeze %dma_wait3A_77 : memref<1x2000xi32, #tpu.memory_space<hbm>> -> memref<2000xi32, #tpu.memory_space<hbm>>
    %dma_wait3A_79 = tpu.memref_slice %arg2[%dma_wait3A_76, %add3A_63] : memref<2x320000xi32, #tpu.memory_space<hbm>> -> memref<1x2000xi32, #tpu.memory_space<hbm>>
    %dma_wait3A_80 = tpu.memref_squeeze %dma_wait3A_79 : memref<1x2000xi32, #tpu.memory_space<hbm>> -> memref<2000xi32, #tpu.memory_space<hbm>>
    tpu.wait_dma2 semaphore(%arg14 : memref<!tpu.dma_semaphore, #tpu.memory_space<semaphore_mem>>) src(%dma_wait3A_80 : memref<2000xi32, #tpu.memory_space<hbm>>) dst(%arg5 : memref<2000xi32, #tpu.memory_space<vmem>>)
    %dma_start3A_81 = arith.constant 0 : i32
    %dma_start3A_82 = arith.constant 0 : i32
    %dma_start3A_83 = tpu.memref_slice %arg3[%dma_start3A_81, %dma_start3A_82] : memref<10000x16xf32, #tpu.memory_space<hbm>> -> memref<10000x16xf32, #tpu.memory_space<hbm>>
    tpu.enqueue_indirect_dma source(%dma_start3A_83 : memref<10000x16xf32, #tpu.memory_space<hbm>>) target(%arg9 : memref<2000x16xf32, #tpu.memory_space<vmem>>) offsets(%arg5 : memref<2000xi32, #tpu.memory_space<vmem>>) semaphore(%arg18 : memref<!tpu.dma_semaphore, #tpu.memory_space<semaphore_mem>>)
    %dma_wait3A_84 = arith.constant 0 : i32
    %dma_wait3A_85 = arith.constant 0 : i32
    %dma_wait3A_86 = tpu.memref_slice %arg3[%dma_wait3A_84, %dma_wait3A_85] : memref<10000x16xf32, #tpu.memory_space<hbm>> -> memref<10000x16xf32, #tpu.memory_space<hbm>>
    tpu.wait_indirect_dma semaphore(%arg19 : memref<!tpu.dma_semaphore, #tpu.memory_space<semaphore_mem>>) src(%dma_wait3A_86 : memref<10000x16xf32, #tpu.memory_space<hbm>>) dst(%arg10 : memref<2000x16xf32, #tpu.memory_space<vmem>>)
    %dma_wait3A_87 = arith.constant 1 : i32
    %dma_wait3A_88 = tpu.memref_slice %arg2[%dma_wait3A_87, %add3A_24] : memref<2x320000xi32, #tpu.memory_space<hbm>> -> memref<1x2000xi32, #tpu.memory_space<hbm>>
    %dma_wait3A_89 = tpu.memref_squeeze %dma_wait3A_88 : memref<1x2000xi32, #tpu.memory_space<hbm>> -> memref<2000xi32, #tpu.memory_space<hbm>>
    %dma_wait3A_90 = tpu.memref_slice %arg2[%dma_wait3A_87, %add3A_24] : memref<2x320000xi32, #tpu.memory_space<hbm>> -> memref<1x2000xi32, #tpu.memory_space<hbm>>
    %dma_wait3A_91 = tpu.memref_squeeze %dma_wait3A_90 : memref<1x2000xi32, #tpu.memory_space<hbm>> -> memref<2000xi32, #tpu.memory_space<hbm>>
    tpu.wait_dma2 semaphore(%arg17 : memref<!tpu.dma_semaphore, #tpu.memory_space<semaphore_mem>>) src(%dma_wait3A_91 : memref<2000xi32, #tpu.memory_space<hbm>>) dst(%arg8 : memref<2000xi32, #tpu.memory_space<vmem>>)
    "tpu.region"() ({
      %run_scoped3A = tpu.sem_alloc : memref<!tpu.dma_semaphore, #tpu.memory_space<semaphore_mem>>
      %dma_start3A_190 = arith.constant 0 : i32
      %dma_start3A_191 = arith.constant 0 : i32
      %dma_start3A_192 = tpu.memref_slice %arg13[%dma_start3A_190, %dma_start3A_191] : memref<10000x16xf32, #tpu.memory_space<vmem_shared>> -> memref<10000x16xf32, #tpu.memory_space<vmem_shared>>
      tpu.enqueue_indirect_dma source(%arg10 : memref<2000x16xf32, #tpu.memory_space<vmem>>) target(%dma_start3A_192 : memref<10000x16xf32, #tpu.memory_space<vmem_shared>>) offsets(%arg8 : memref<2000xi32, #tpu.memory_space<vmem>>) semaphore(%run_scoped3A : memref<!tpu.dma_semaphore, #tpu.memory_space<semaphore_mem>>) {add = true}
      %dma_wait3A_193 = arith.constant 0 : i32
      %dma_wait3A_194 = arith.constant 0 : i32
      %dma_wait3A_195 = tpu.memref_slice %arg13[%dma_wait3A_193, %dma_wait3A_194] : memref<10000x16xf32, #tpu.memory_space<vmem_shared>> -> memref<10000x16xf32, #tpu.memory_space<vmem_shared>>
      tpu.wait_indirect_dma semaphore(%run_scoped3A : memref<!tpu.dma_semaphore, #tpu.memory_space<semaphore_mem>>) src(%arg10 : memref<2000x16xf32, #tpu.memory_space<vmem>>) dst(%dma_wait3A_195 : memref<10000x16xf32, #tpu.memory_space<vmem_shared>>)
      tpu.yield
    }) : () -> ()
    %add3A_92 = arith.constant 6000 : i32
    %add3A_93 = arith.addi %mul3A_2, %add3A_92 : i32
    %dma_start3A_94 = arith.constant 0 : i32
    %dma_start3A_95 = tpu.memref_slice %arg2[%dma_start3A_94, %add3A_93] : memref<2x320000xi32, #tpu.memory_space<hbm>> -> memref<1x2000xi32, #tpu.memory_space<hbm>>
    %dma_start3A_96 = tpu.memref_squeeze %dma_start3A_95 : memref<1x2000xi32, #tpu.memory_space<hbm>> -> memref<2000xi32, #tpu.memory_space<hbm>>
    %dma_start3A_97 = tpu.memref_slice %arg2[%dma_start3A_94, %add3A_93] : memref<2x320000xi32, #tpu.memory_space<hbm>> -> memref<1x2000xi32, #tpu.memory_space<hbm>>
    %dma_start3A_98 = tpu.memref_squeeze %dma_start3A_97 : memref<1x2000xi32, #tpu.memory_space<hbm>> -> memref<2000xi32, #tpu.memory_space<hbm>>
    tpu.enqueue_dma source(%dma_start3A_98 : memref<2000xi32, #tpu.memory_space<hbm>>) target(%arg6 : memref<2000xi32, #tpu.memory_space<vmem>>) target_semaphore(%arg15 : memref<!tpu.dma_semaphore, #tpu.memory_space<semaphore_mem>>)
    %add3A_99 = arith.constant 6000 : i32
    %add3A_100 = arith.addi %mul3A_2, %add3A_99 : i32
    %dma_start3A_101 = arith.constant 1 : i32
    %dma_start3A_102 = tpu.memref_slice %arg2[%dma_start3A_101, %add3A_100] : memref<2x320000xi32, #tpu.memory_space<hbm>> -> memref<1x2000xi32, #tpu.memory_space<hbm>>
    %dma_start3A_103 = tpu.memref_squeeze %dma_start3A_102 : memref<1x2000xi32, #tpu.memory_space<hbm>> -> memref<2000xi32, #tpu.memory_space<hbm>>
    %dma_start3A_104 = tpu.memref_slice %arg2[%dma_start3A_101, %add3A_100] : memref<2x320000xi32, #tpu.memory_space<hbm>> -> memref<1x2000xi32, #tpu.memory_space<hbm>>
    %dma_start3A_105 = tpu.memref_squeeze %dma_start3A_104 : memref<1x2000xi32, #tpu.memory_space<hbm>> -> memref<2000xi32, #tpu.memory_space<hbm>>
    tpu.enqueue_dma source(%dma_start3A_105 : memref<2000xi32, #tpu.memory_space<hbm>>) target(%arg8 : memref<2000xi32, #tpu.memory_space<vmem>>) target_semaphore(%arg17 : memref<!tpu.dma_semaphore, #tpu.memory_space<semaphore_mem>>)
    %dma_wait3A_106 = arith.constant 0 : i32
    %dma_wait3A_107 = tpu.memref_slice %arg2[%dma_wait3A_106, %add3A_93] : memref<2x320000xi32, #tpu.memory_space<hbm>> -> memref<1x2000xi32, #tpu.memory_space<hbm>>
    %dma_wait3A_108 = tpu.memref_squeeze %dma_wait3A_107 : memref<1x2000xi32, #tpu.memory_space<hbm>> -> memref<2000xi32, #tpu.memory_space<hbm>>
    %dma_wait3A_109 = tpu.memref_slice %arg2[%dma_wait3A_106, %add3A_93] : memref<2x320000xi32, #tpu.memory_space<hbm>> -> memref<1x2000xi32, #tpu.memory_space<hbm>>
    %dma_wait3A_110 = tpu.memref_squeeze %dma_wait3A_109 : memref<1x2000xi32, #tpu.memory_space<hbm>> -> memref<2000xi32, #tpu.memory_space<hbm>>
    tpu.wait_dma2 semaphore(%arg15 : memref<!tpu.dma_semaphore, #tpu.memory_space<semaphore_mem>>) src(%dma_wait3A_110 : memref<2000xi32, #tpu.memory_space<hbm>>) dst(%arg6 : memref<2000xi32, #tpu.memory_space<vmem>>)
    %dma_start3A_111 = arith.constant 0 : i32
    %dma_start3A_112 = arith.constant 0 : i32
    %dma_start3A_113 = tpu.memref_slice %arg3[%dma_start3A_111, %dma_start3A_112] : memref<10000x16xf32, #tpu.memory_space<hbm>> -> memref<10000x16xf32, #tpu.memory_space<hbm>>
    tpu.enqueue_indirect_dma source(%dma_start3A_113 : memref<10000x16xf32, #tpu.memory_space<hbm>>) target(%arg10 : memref<2000x16xf32, #tpu.memory_space<vmem>>) offsets(%arg6 : memref<2000xi32, #tpu.memory_space<vmem>>) semaphore(%arg19 : memref<!tpu.dma_semaphore, #tpu.memory_space<semaphore_mem>>)
    %dma_wait3A_114 = arith.constant 0 : i32
    %dma_wait3A_115 = arith.constant 0 : i32
    %dma_wait3A_116 = tpu.memref_slice %arg3[%dma_wait3A_114, %dma_wait3A_115] : memref<10000x16xf32, #tpu.memory_space<hbm>> -> memref<10000x16xf32, #tpu.memory_space<hbm>>
    tpu.wait_indirect_dma semaphore(%arg18 : memref<!tpu.dma_semaphore, #tpu.memory_space<semaphore_mem>>) src(%dma_wait3A_116 : memref<10000x16xf32, #tpu.memory_space<hbm>>) dst(%arg9 : memref<2000x16xf32, #tpu.memory_space<vmem>>)
    %dma_wait3A_117 = arith.constant 1 : i32
    %dma_wait3A_118 = tpu.memref_slice %arg2[%dma_wait3A_117, %add3A_70] : memref<2x320000xi32, #tpu.memory_space<hbm>> -> memref<1x2000xi32, #tpu.memory_space<hbm>>
    %dma_wait3A_119 = tpu.memref_squeeze %dma_wait3A_118 : memref<1x2000xi32, #tpu.memory_space<hbm>> -> memref<2000xi32, #tpu.memory_space<hbm>>
    %dma_wait3A_120 = tpu.memref_slice %arg2[%dma_wait3A_117, %add3A_70] : memref<2x320000xi32, #tpu.memory_space<hbm>> -> memref<1x2000xi32, #tpu.memory_space<hbm>>
    %dma_wait3A_121 = tpu.memref_squeeze %dma_wait3A_120 : memref<1x2000xi32, #tpu.memory_space<hbm>> -> memref<2000xi32, #tpu.memory_space<hbm>>
    tpu.wait_dma2 semaphore(%arg16 : memref<!tpu.dma_semaphore, #tpu.memory_space<semaphore_mem>>) src(%dma_wait3A_121 : memref<2000xi32, #tpu.memory_space<hbm>>) dst(%arg7 : memref<2000xi32, #tpu.memory_space<vmem>>)
    "tpu.region"() ({
      %run_scoped3A = tpu.sem_alloc : memref<!tpu.dma_semaphore, #tpu.memory_space<semaphore_mem>>
      %dma_start3A_190 = arith.constant 0 : i32
      %dma_start3A_191 = arith.constant 0 : i32
      %dma_start3A_192 = tpu.memref_slice %arg13[%dma_start3A_190, %dma_start3A_191] : memref<10000x16xf32, #tpu.memory_space<vmem_shared>> -> memref<10000x16xf32, #tpu.memory_space<vmem_shared>>
      tpu.enqueue_indirect_dma source(%arg9 : memref<2000x16xf32, #tpu.memory_space<vmem>>) target(%dma_start3A_192 : memref<10000x16xf32, #tpu.memory_space<vmem_shared>>) offsets(%arg7 : memref<2000xi32, #tpu.memory_space<vmem>>) semaphore(%run_scoped3A : memref<!tpu.dma_semaphore, #tpu.memory_space<semaphore_mem>>) {add = true}
      %dma_wait3A_193 = arith.constant 0 : i32
      %dma_wait3A_194 = arith.constant 0 : i32
      %dma_wait3A_195 = tpu.memref_slice %arg13[%dma_wait3A_193, %dma_wait3A_194] : memref<10000x16xf32, #tpu.memory_space<vmem_shared>> -> memref<10000x16xf32, #tpu.memory_space<vmem_shared>>
      tpu.wait_indirect_dma semaphore(%run_scoped3A : memref<!tpu.dma_semaphore, #tpu.memory_space<semaphore_mem>>) src(%arg9 : memref<2000x16xf32, #tpu.memory_space<vmem>>) dst(%dma_wait3A_195 : memref<10000x16xf32, #tpu.memory_space<vmem_shared>>)
      tpu.yield
    }) : () -> ()
    %add3A_122 = arith.constant 8000 : i32
    %add3A_123 = arith.addi %mul3A_2, %add3A_122 : i32
    %dma_start3A_124 = arith.constant 0 : i32
    %dma_start3A_125 = tpu.memref_slice %arg2[%dma_start3A_124, %add3A_123] : memref<2x320000xi32, #tpu.memory_space<hbm>> -> memref<1x2000xi32, #tpu.memory_space<hbm>>
    %dma_start3A_126 = tpu.memref_squeeze %dma_start3A_125 : memref<1x2000xi32, #tpu.memory_space<hbm>> -> memref<2000xi32, #tpu.memory_space<hbm>>
    %dma_start3A_127 = tpu.memref_slice %arg2[%dma_start3A_124, %add3A_123] : memref<2x320000xi32, #tpu.memory_space<hbm>> -> memref<1x2000xi32, #tpu.memory_space<hbm>>
    %dma_start3A_128 = tpu.memref_squeeze %dma_start3A_127 : memref<1x2000xi32, #tpu.memory_space<hbm>> -> memref<2000xi32, #tpu.memory_space<hbm>>
    tpu.enqueue_dma source(%dma_start3A_128 : memref<2000xi32, #tpu.memory_space<hbm>>) target(%arg5 : memref<2000xi32, #tpu.memory_space<vmem>>) target_semaphore(%arg14 : memref<!tpu.dma_semaphore, #tpu.memory_space<semaphore_mem>>)
    %add3A_129 = arith.constant 8000 : i32
    %add3A_130 = arith.addi %mul3A_2, %add3A_129 : i32
    %dma_start3A_131 = arith.constant 1 : i32
    %dma_start3A_132 = tpu.memref_slice %arg2[%dma_start3A_131, %add3A_130] : memref<2x320000xi32, #tpu.memory_space<hbm>> -> memref<1x2000xi32, #tpu.memory_space<hbm>>
    %dma_start3A_133 = tpu.memref_squeeze %dma_start3A_132 : memref<1x2000xi32, #tpu.memory_space<hbm>> -> memref<2000xi32, #tpu.memory_space<hbm>>
    %dma_start3A_134 = tpu.memref_slice %arg2[%dma_start3A_131, %add3A_130] : memref<2x320000xi32, #tpu.memory_space<hbm>> -> memref<1x2000xi32, #tpu.memory_space<hbm>>
    %dma_start3A_135 = tpu.memref_squeeze %dma_start3A_134 : memref<1x2000xi32, #tpu.memory_space<hbm>> -> memref<2000xi32, #tpu.memory_space<hbm>>
    tpu.enqueue_dma source(%dma_start3A_135 : memref<2000xi32, #tpu.memory_space<hbm>>) target(%arg7 : memref<2000xi32, #tpu.memory_space<vmem>>) target_semaphore(%arg16 : memref<!tpu.dma_semaphore, #tpu.memory_space<semaphore_mem>>)
    %dma_wait3A_136 = arith.constant 0 : i32
    %dma_wait3A_137 = tpu.memref_slice %arg2[%dma_wait3A_136, %add3A_123] : memref<2x320000xi32, #tpu.memory_space<hbm>> -> memref<1x2000xi32, #tpu.memory_space<hbm>>
    %dma_wait3A_138 = tpu.memref_squeeze %dma_wait3A_137 : memref<1x2000xi32, #tpu.memory_space<hbm>> -> memref<2000xi32, #tpu.memory_space<hbm>>
    %dma_wait3A_139 = tpu.memref_slice %arg2[%dma_wait3A_136, %add3A_123] : memref<2x320000xi32, #tpu.memory_space<hbm>> -> memref<1x2000xi32, #tpu.memory_space<hbm>>
    %dma_wait3A_140 = tpu.memref_squeeze %dma_wait3A_139 : memref<1x2000xi32, #tpu.memory_space<hbm>> -> memref<2000xi32, #tpu.memory_space<hbm>>
    tpu.wait_dma2 semaphore(%arg14 : memref<!tpu.dma_semaphore, #tpu.memory_space<semaphore_mem>>) src(%dma_wait3A_140 : memref<2000xi32, #tpu.memory_space<hbm>>) dst(%arg5 : memref<2000xi32, #tpu.memory_space<vmem>>)
    %dma_start3A_141 = arith.constant 0 : i32
    %dma_start3A_142 = arith.constant 0 : i32
    %dma_start3A_143 = tpu.memref_slice %arg3[%dma_start3A_141, %dma_start3A_142] : memref<10000x16xf32, #tpu.memory_space<hbm>> -> memref<10000x16xf32, #tpu.memory_space<hbm>>
    tpu.enqueue_indirect_dma source(%dma_start3A_143 : memref<10000x16xf32, #tpu.memory_space<hbm>>) target(%arg9 : memref<2000x16xf32, #tpu.memory_space<vmem>>) offsets(%arg5 : memref<2000xi32, #tpu.memory_space<vmem>>) semaphore(%arg18 : memref<!tpu.dma_semaphore, #tpu.memory_space<semaphore_mem>>)
    %dma_wait3A_144 = arith.constant 0 : i32
    %dma_wait3A_145 = arith.constant 0 : i32
    %dma_wait3A_146 = tpu.memref_slice %arg3[%dma_wait3A_144, %dma_wait3A_145] : memref<10000x16xf32, #tpu.memory_space<hbm>> -> memref<10000x16xf32, #tpu.memory_space<hbm>>
    tpu.wait_indirect_dma semaphore(%arg19 : memref<!tpu.dma_semaphore, #tpu.memory_space<semaphore_mem>>) src(%dma_wait3A_146 : memref<10000x16xf32, #tpu.memory_space<hbm>>) dst(%arg10 : memref<2000x16xf32, #tpu.memory_space<vmem>>)
    %dma_wait3A_147 = arith.constant 1 : i32
    %dma_wait3A_148 = tpu.memref_slice %arg2[%dma_wait3A_147, %add3A_100] : memref<2x320000xi32, #tpu.memory_space<hbm>> -> memref<1x2000xi32, #tpu.memory_space<hbm>>
    %dma_wait3A_149 = tpu.memref_squeeze %dma_wait3A_148 : memref<1x2000xi32, #tpu.memory_space<hbm>> -> memref<2000xi32, #tpu.memory_space<hbm>>
    %dma_wait3A_150 = tpu.memref_slice %arg2[%dma_wait3A_147, %add3A_100] : memref<2x320000xi32, #tpu.memory_space<hbm>> -> memref<1x2000xi32, #tpu.memory_space<hbm>>
    %dma_wait3A_151 = tpu.memref_squeeze %dma_wait3A_150 : memref<1x2000xi32, #tpu.memory_space<hbm>> -> memref<2000xi32, #tpu.memory_space<hbm>>
    tpu.wait_dma2 semaphore(%arg17 : memref<!tpu.dma_semaphore, #tpu.memory_space<semaphore_mem>>) src(%dma_wait3A_151 : memref<2000xi32, #tpu.memory_space<hbm>>) dst(%arg8 : memref<2000xi32, #tpu.memory_space<vmem>>)
    "tpu.region"() ({
      %run_scoped3A = tpu.sem_alloc : memref<!tpu.dma_semaphore, #tpu.memory_space<semaphore_mem>>
      %dma_start3A_190 = arith.constant 0 : i32
      %dma_start3A_191 = arith.constant 0 : i32
      %dma_start3A_192 = tpu.memref_slice %arg13[%dma_start3A_190, %dma_start3A_191] : memref<10000x16xf32, #tpu.memory_space<vmem_shared>> -> memref<10000x16xf32, #tpu.memory_space<vmem_shared>>
      tpu.enqueue_indirect_dma source(%arg10 : memref<2000x16xf32, #tpu.memory_space<vmem>>) target(%dma_start3A_192 : memref<10000x16xf32, #tpu.memory_space<vmem_shared>>) offsets(%arg8 : memref<2000xi32, #tpu.memory_space<vmem>>) semaphore(%run_scoped3A : memref<!tpu.dma_semaphore, #tpu.memory_space<semaphore_mem>>) {add = true}
      %dma_wait3A_193 = arith.constant 0 : i32
      %dma_wait3A_194 = arith.constant 0 : i32
      %dma_wait3A_195 = tpu.memref_slice %arg13[%dma_wait3A_193, %dma_wait3A_194] : memref<10000x16xf32, #tpu.memory_space<vmem_shared>> -> memref<10000x16xf32, #tpu.memory_space<vmem_shared>>
      tpu.wait_indirect_dma semaphore(%run_scoped3A : memref<!tpu.dma_semaphore, #tpu.memory_space<semaphore_mem>>) src(%arg10 : memref<2000x16xf32, #tpu.memory_space<vmem>>) dst(%dma_wait3A_195 : memref<10000x16xf32, #tpu.memory_space<vmem_shared>>)
      tpu.yield
    }) : () -> ()
    %dma_wait3A_152 = arith.constant 0 : i32
    %dma_wait3A_153 = arith.constant 0 : i32
    %dma_wait3A_154 = tpu.memref_slice %arg3[%dma_wait3A_152, %dma_wait3A_153] : memref<10000x16xf32, #tpu.memory_space<hbm>> -> memref<10000x16xf32, #tpu.memory_space<hbm>>
    tpu.wait_indirect_dma semaphore(%arg18 : memref<!tpu.dma_semaphore, #tpu.memory_space<semaphore_mem>>) src(%dma_wait3A_154 : memref<10000x16xf32, #tpu.memory_space<hbm>>) dst(%arg9 : memref<2000x16xf32, #tpu.memory_space<vmem>>)
    %dma_wait3A_155 = arith.constant 1 : i32
    %dma_wait3A_156 = tpu.memref_slice %arg2[%dma_wait3A_155, %add3A_130] : memref<2x320000xi32, #tpu.memory_space<hbm>> -> memref<1x2000xi32, #tpu.memory_space<hbm>>
    %dma_wait3A_157 = tpu.memref_squeeze %dma_wait3A_156 : memref<1x2000xi32, #tpu.memory_space<hbm>> -> memref<2000xi32, #tpu.memory_space<hbm>>
    %dma_wait3A_158 = tpu.memref_slice %arg2[%dma_wait3A_155, %add3A_130] : memref<2x320000xi32, #tpu.memory_space<hbm>> -> memref<1x2000xi32, #tpu.memory_space<hbm>>
    %dma_wait3A_159 = tpu.memref_squeeze %dma_wait3A_158 : memref<1x2000xi32, #tpu.memory_space<hbm>> -> memref<2000xi32, #tpu.memory_space<hbm>>
    tpu.wait_dma2 semaphore(%arg16 : memref<!tpu.dma_semaphore, #tpu.memory_space<semaphore_mem>>) src(%dma_wait3A_159 : memref<2000xi32, #tpu.memory_space<hbm>>) dst(%arg7 : memref<2000xi32, #tpu.memory_space<vmem>>)
    "tpu.region"() ({
      %run_scoped3A = tpu.sem_alloc : memref<!tpu.dma_semaphore, #tpu.memory_space<semaphore_mem>>
      %dma_start3A_190 = arith.constant 0 : i32
      %dma_start3A_191 = arith.constant 0 : i32
      %dma_start3A_192 = tpu.memref_slice %arg13[%dma_start3A_190, %dma_start3A_191] : memref<10000x16xf32, #tpu.memory_space<vmem_shared>> -> memref<10000x16xf32, #tpu.memory_space<vmem_shared>>
      tpu.enqueue_indirect_dma source(%arg9 : memref<2000x16xf32, #tpu.memory_space<vmem>>) target(%dma_start3A_192 : memref<10000x16xf32, #tpu.memory_space<vmem_shared>>) offsets(%arg7 : memref<2000xi32, #tpu.memory_space<vmem>>) semaphore(%run_scoped3A : memref<!tpu.dma_semaphore, #tpu.memory_space<semaphore_mem>>) {add = true}
      %dma_wait3A_193 = arith.constant 0 : i32
      %dma_wait3A_194 = arith.constant 0 : i32
      %dma_wait3A_195 = tpu.memref_slice %arg13[%dma_wait3A_193, %dma_wait3A_194] : memref<10000x16xf32, #tpu.memory_space<vmem_shared>> -> memref<10000x16xf32, #tpu.memory_space<vmem_shared>>
      tpu.wait_indirect_dma semaphore(%run_scoped3A : memref<!tpu.dma_semaphore, #tpu.memory_space<semaphore_mem>>) src(%arg9 : memref<2000x16xf32, #tpu.memory_space<vmem>>) dst(%dma_wait3A_195 : memref<10000x16xf32, #tpu.memory_space<vmem_shared>>)
      tpu.yield
    }) : () -> ()
    %barrier3A_160 = arith.constant 0 : index
    tpu.barrier barrier_id(%barrier3A_160)
    %eq3A_161 = arith.constant 15 : i32
    %eq3A_162 = arith.cmpi eq, %arg1, %eq3A_161 : i32
    %jit3A = arith.constant 640 : i32
    %jit3A_163 = arith.constant 624 : i32
    %select_n3A = arith.select %eq3A_162, %jit3A, %jit3A_163 : i32
    %mul3A_164 = arith.constant 624 : i32
    %mul3A_165 = arith.muli %arg1, %mul3A_164 : i32
    "tpu.region"() ({
      %run_scoped3A = tpu.sem_alloc : memref<!tpu.dma_semaphore, #tpu.memory_space<semaphore_mem>>
      %dma_start3A_190 = arith.constant 0 : i32
      %dma_start3A_191 = arith.constant 0 : i32
      %dma_start3A_192 = tpu.memref_slice %arg11[%dma_start3A_190, %dma_start3A_191] : memref<640x16xf32, #tpu.memory_space<vmem>> -> memref<624x16xf32, #tpu.memory_space<vmem>>
      %dma_start3A_193 = arith.constant 0 : i32
      %dma_start3A_194 = tpu.memref_slice %arg13[%mul3A_165, %dma_start3A_193] : memref<10000x16xf32, #tpu.memory_space<vmem_shared>> -> memref<624x16xf32, #tpu.memory_space<vmem_shared>>
      %dma_start3A_195 = arith.constant 0 : i32
      %dma_start3A_196 = arith.constant 0 : i32
      %dma_start3A_197 = tpu.memref_slice %arg11[%dma_start3A_195, %dma_start3A_196] : memref<640x16xf32, #tpu.memory_space<vmem>> -> memref<624x16xf32, #tpu.memory_space<vmem>>
      %dma_start3A_198 = arith.constant 0 : i32
      %dma_start3A_199 = tpu.memref_slice %arg13[%mul3A_165, %dma_start3A_198] : memref<10000x16xf32, #tpu.memory_space<vmem_shared>> -> memref<624x16xf32, #tpu.memory_space<vmem_shared>>
      tpu.enqueue_dma source(%dma_start3A_199 : memref<624x16xf32, #tpu.memory_space<vmem_shared>>) target(%dma_start3A_197 : memref<624x16xf32, #tpu.memory_space<vmem>>) target_semaphore(%run_scoped3A : memref<!tpu.dma_semaphore, #tpu.memory_space<semaphore_mem>>)
      %dma_wait3A_200 = arith.constant 0 : i32
      %dma_wait3A_201 = arith.constant 0 : i32
      %dma_wait3A_202 = tpu.memref_slice %arg11[%dma_wait3A_200, %dma_wait3A_201] : memref<640x16xf32, #tpu.memory_space<vmem>> -> memref<624x16xf32, #tpu.memory_space<vmem>>
      %dma_wait3A_203 = arith.constant 0 : i32
      %dma_wait3A_204 = tpu.memref_slice %arg13[%mul3A_165, %dma_wait3A_203] : memref<10000x16xf32, #tpu.memory_space<vmem_shared>> -> memref<624x16xf32, #tpu.memory_space<vmem_shared>>
      %dma_wait3A_205 = arith.constant 0 : i32
      %dma_wait3A_206 = arith.constant 0 : i32
      %dma_wait3A_207 = tpu.memref_slice %arg11[%dma_wait3A_205, %dma_wait3A_206] : memref<640x16xf32, #tpu.memory_space<vmem>> -> memref<624x16xf32, #tpu.memory_space<vmem>>
      %dma_wait3A_208 = arith.constant 0 : i32
      %dma_wait3A_209 = tpu.memref_slice %arg13[%mul3A_165, %dma_wait3A_208] : memref<10000x16xf32, #tpu.memory_space<vmem_shared>> -> memref<624x16xf32, #tpu.memory_space<vmem_shared>>
      tpu.wait_dma2 semaphore(%run_scoped3A : memref<!tpu.dma_semaphore, #tpu.memory_space<semaphore_mem>>) src(%dma_wait3A_209 : memref<624x16xf32, #tpu.memory_space<vmem_shared>>) dst(%dma_wait3A_207 : memref<624x16xf32, #tpu.memory_space<vmem>>)
      tpu.yield
    }) : () -> ()
    %eq3A_166 = arith.constant 15 : i32
    %eq3A_167 = arith.cmpi eq, %arg1, %eq3A_166 : i32
    %convert_element_type3A_168 = arith.extui %eq3A_167 : i1 to i32
    %cond3A_169 = arith.constant 0 : i32
    %cond3A_170 = arith.cmpi ne, %convert_element_type3A_168, %cond3A_169 : i32
    scf.if %cond3A_170 {
      "tpu.region"() ({
        %run_scoped3A = tpu.sem_alloc : memref<!tpu.dma_semaphore, #tpu.memory_space<semaphore_mem>>
        %dma_start3A_190 = arith.constant 624 : i32
        %dma_start3A_191 = arith.constant 0 : i32
        %dma_start3A_192 = tpu.memref_slice %arg11[%dma_start3A_190, %dma_start3A_191] : memref<640x16xf32, #tpu.memory_space<vmem>> -> memref<16x16xf32, #tpu.memory_space<vmem>>
        %dma_start3A_193 = arith.constant 9984 : i32
        %dma_start3A_194 = arith.constant 0 : i32
        %dma_start3A_195 = tpu.memref_slice %arg13[%dma_start3A_193, %dma_start3A_194] : memref<10000x16xf32, #tpu.memory_space<vmem_shared>> -> memref<16x16xf32, #tpu.memory_space<vmem_shared>>
        %dma_start3A_196 = arith.constant 624 : i32
        %dma_start3A_197 = arith.constant 0 : i32
        %dma_start3A_198 = tpu.memref_slice %arg11[%dma_start3A_196, %dma_start3A_197] : memref<640x16xf32, #tpu.memory_space<vmem>> -> memref<16x16xf32, #tpu.memory_space<vmem>>
        %dma_start3A_199 = arith.constant 9984 : i32
        %dma_start3A_200 = arith.constant 0 : i32
        %dma_start3A_201 = tpu.memref_slice %arg13[%dma_start3A_199, %dma_start3A_200] : memref<10000x16xf32, #tpu.memory_space<vmem_shared>> -> memref<16x16xf32, #tpu.memory_space<vmem_shared>>
        tpu.enqueue_dma source(%dma_start3A_201 : memref<16x16xf32, #tpu.memory_space<vmem_shared>>) target(%dma_start3A_198 : memref<16x16xf32, #tpu.memory_space<vmem>>) target_semaphore(%run_scoped3A : memref<!tpu.dma_semaphore, #tpu.memory_space<semaphore_mem>>)
        %dma_wait3A_202 = arith.constant 624 : i32
        %dma_wait3A_203 = arith.constant 0 : i32
        %dma_wait3A_204 = tpu.memref_slice %arg11[%dma_wait3A_202, %dma_wait3A_203] : memref<640x16xf32, #tpu.memory_space<vmem>> -> memref<16x16xf32, #tpu.memory_space<vmem>>
        %dma_wait3A_205 = arith.constant 9984 : i32
        %dma_wait3A_206 = arith.constant 0 : i32
        %dma_wait3A_207 = tpu.memref_slice %arg13[%dma_wait3A_205, %dma_wait3A_206] : memref<10000x16xf32, #tpu.memory_space<vmem_shared>> -> memref<16x16xf32, #tpu.memory_space<vmem_shared>>
        %dma_wait3A_208 = arith.constant 624 : i32
        %dma_wait3A_209 = arith.constant 0 : i32
        %dma_wait3A_210 = tpu.memref_slice %arg11[%dma_wait3A_208, %dma_wait3A_209] : memref<640x16xf32, #tpu.memory_space<vmem>> -> memref<16x16xf32, #tpu.memory_space<vmem>>
        %dma_wait3A_211 = arith.constant 9984 : i32
        %dma_wait3A_212 = arith.constant 0 : i32
        %dma_wait3A_213 = tpu.memref_slice %arg13[%dma_wait3A_211, %dma_wait3A_212] : memref<10000x16xf32, #tpu.memory_space<vmem_shared>> -> memref<16x16xf32, #tpu.memory_space<vmem_shared>>
        tpu.wait_dma2 semaphore(%run_scoped3A : memref<!tpu.dma_semaphore, #tpu.memory_space<semaphore_mem>>) src(%dma_wait3A_213 : memref<16x16xf32, #tpu.memory_space<vmem_shared>>) dst(%dma_wait3A_210 : memref<16x16xf32, #tpu.memory_space<vmem>>)
        tpu.yield
      }) : () -> ()
    } else {
    }
    %while3A = arith.constant 0 : i32
    %while3A_171 = arith.constant 0 : i32
    %while3A_172 = arith.subi %select_n3A, %while3A_171 : i32
    %while3A_173 = arith.addi %while3A_171, %while3A_172 : i32
    %while3A_174 = arith.constant 1 : i32
    %while3A_175 = arith.divsi %while3A_172, %while3A_174 : i32
    %while3A_176 = arith.muli %while3A_175, %while3A_174 : i32
    %while3A_177 = arith.addi %while3A_171, %while3A_176 : i32
    %while3A_178 = arith.constant 1 : i32
    scf.for %while3A_190 = %while3A_171 to %while3A_177 step %while3A_178  : i32 {
      %get3A = arith.index_cast %while3A_190 : i32 to index
      %get3A_191 = arith.constant 0 : index
      %get3A_192 = tpu.vector_load %arg11[%get3A, %get3A_191] {strides = array<i32>} : memref<640x16xf32, #tpu.memory_space<vmem>>, vector<16xf32>,
      %jit3A_193 = arith.constant 8 : i32
      %div3A = arith.divsi %while3A_190, %jit3A_193 : i32
      %sign3A = arith.constant 0 : i32
      %sign3A_194 = arith.cmpi sgt, %while3A_190, %sign3A : i32
      %sign3A_195 = arith.extui %sign3A_194 : i1 to i32
      %sign3A_196 = arith.constant 0 : i32
      %sign3A_197 = arith.cmpi slt, %while3A_190, %sign3A_196 : i32
      %sign3A_198 = arith.extui %sign3A_197 : i1 to i32
      %sign3A_199 = arith.subi %sign3A_195, %sign3A_198 : i32
      %sign3A_200 = arith.constant 0 : i32
      %sign3A_201 = arith.cmpi sgt, %jit3A_193, %sign3A_200 : i32
      %sign3A_202 = arith.extui %sign3A_201 : i1 to i32
      %sign3A_203 = arith.constant 0 : i32
      %sign3A_204 = arith.cmpi slt, %jit3A_193, %sign3A_203 : i32
      %sign3A_205 = arith.extui %sign3A_204 : i1 to i32
      %sign3A_206 = arith.subi %sign3A_202, %sign3A_205 : i32
      %ne3A = arith.cmpi ne, %sign3A_199, %sign3A_206 : i32
      %rem3A = arith.remsi %while3A_190, %jit3A_193 : i32
      %ne3A_207 = arith.constant 0 : i32
      %ne3A_208 = arith.cmpi ne, %rem3A, %ne3A_207 : i32
      %and3A = arith.andi %ne3A, %ne3A_208 : i1
      %sub3A = arith.constant 1 : i32
      %sub3A_209 = arith.subi %div3A, %sub3A : i32
      %select_n3A_210 = arith.select %and3A, %sub3A_209, %div3A : i32
      %mul3A_211 = arith.constant 128 : i32
      %mul3A_212 = arith.muli %select_n3A_210, %mul3A_211 : i32
      %jit3A_213 = arith.constant 8 : i32
      %eq3A_214 = arith.constant 0 : i32
      %eq3A_215 = arith.cmpi eq, %jit3A_213, %eq3A_214 : i32
      %jit3A_216 = arith.constant 1 : i32
      %select_n3A_217 = arith.select %eq3A_215, %jit3A_216, %jit3A_213 : i32
      %rem3A_218 = arith.remsi %while3A_190, %select_n3A_217 : i32
      %ne3A_219 = arith.constant 0 : i32
      %ne3A_220 = arith.cmpi ne, %rem3A_218, %ne3A_219 : i32
      %lt3A = arith.constant 0 : i32
      %lt3A_221 = arith.cmpi slt, %rem3A_218, %lt3A : i32
      %lt3A_222 = arith.constant 0 : i32
      %lt3A_223 = arith.cmpi slt, %select_n3A_217, %lt3A_222 : i32
      %ne3A_224 = arith.xori %lt3A_221, %lt3A_223 : i1
      %and3A_225 = arith.andi %ne3A_224, %ne3A_220 : i1
      %add3A_226 = arith.addi %rem3A_218, %select_n3A_217 : i32
      %select_n3A_227 = arith.select %and3A_225, %add3A_226, %rem3A_218 : i32
      %mul3A_228 = arith.constant 16 : i32
      %mul3A_229 = arith.muli %select_n3A_227, %mul3A_228 : i32
      %add3A_230 = arith.addi %mul3A_212, %mul3A_229 : i32
      %swap3A = arith.index_cast %add3A_230 : i32 to index
      %swap3A_231 = tpu.vector_load %arg12[%swap3A] {strides = array<i32>} : memref<10240xf32, #tpu.memory_space<vmem>>, vector<16xf32>,
      tpu.vector_store %arg12[%swap3A], %get3A_192 {strides = array<i32>} : memref<10240xf32, #tpu.memory_space<vmem>>, vector<16xf32>,
    }
    %while3A_179 = arith.constant 1 : i32
    scf.for %while3A_190 = %while3A_177 to %while3A_173 step %while3A_179  : i32 {
      %get3A = arith.index_cast %while3A_190 : i32 to index
      %get3A_191 = arith.constant 0 : index
      %get3A_192 = tpu.vector_load %arg11[%get3A, %get3A_191] {strides = array<i32>} : memref<640x16xf32, #tpu.memory_space<vmem>>, vector<16xf32>,
      %jit3A_193 = arith.constant 8 : i32
      %div3A = arith.divsi %while3A_190, %jit3A_193 : i32
      %sign3A = arith.constant 0 : i32
      %sign3A_194 = arith.cmpi sgt, %while3A_190, %sign3A : i32
      %sign3A_195 = arith.extui %sign3A_194 : i1 to i32
      %sign3A_196 = arith.constant 0 : i32
      %sign3A_197 = arith.cmpi slt, %while3A_190, %sign3A_196 : i32
      %sign3A_198 = arith.extui %sign3A_197 : i1 to i32
      %sign3A_199 = arith.subi %sign3A_195, %sign3A_198 : i32
      %sign3A_200 = arith.constant 0 : i32
      %sign3A_201 = arith.cmpi sgt, %jit3A_193, %sign3A_200 : i32
      %sign3A_202 = arith.extui %sign3A_201 : i1 to i32
      %sign3A_203 = arith.constant 0 : i32
      %sign3A_204 = arith.cmpi slt, %jit3A_193, %sign3A_203 : i32
      %sign3A_205 = arith.extui %sign3A_204 : i1 to i32
      %sign3A_206 = arith.subi %sign3A_202, %sign3A_205 : i32
      %ne3A = arith.cmpi ne, %sign3A_199, %sign3A_206 : i32
      %rem3A = arith.remsi %while3A_190, %jit3A_193 : i32
      %ne3A_207 = arith.constant 0 : i32
      %ne3A_208 = arith.cmpi ne, %rem3A, %ne3A_207 : i32
      %and3A = arith.andi %ne3A, %ne3A_208 : i1
      %sub3A = arith.constant 1 : i32
      %sub3A_209 = arith.subi %div3A, %sub3A : i32
      %select_n3A_210 = arith.select %and3A, %sub3A_209, %div3A : i32
      %mul3A_211 = arith.constant 128 : i32
      %mul3A_212 = arith.muli %select_n3A_210, %mul3A_211 : i32
      %jit3A_213 = arith.constant 8 : i32
      %eq3A_214 = arith.constant 0 : i32
      %eq3A_215 = arith.cmpi eq, %jit3A_213, %eq3A_214 : i32
      %jit3A_216 = arith.constant 1 : i32
      %select_n3A_217 = arith.select %eq3A_215, %jit3A_216, %jit3A_213 : i32
      %rem3A_218 = arith.remsi %while3A_190, %select_n3A_217 : i32
      %ne3A_219 = arith.constant 0 : i32
      %ne3A_220 = arith.cmpi ne, %rem3A_218, %ne3A_219 : i32
      %lt3A = arith.constant 0 : i32
      %lt3A_221 = arith.cmpi slt, %rem3A_218, %lt3A : i32
      %lt3A_222 = arith.constant 0 : i32
      %lt3A_223 = arith.cmpi slt, %select_n3A_217, %lt3A_222 : i32
      %ne3A_224 = arith.xori %lt3A_221, %lt3A_223 : i1
      %and3A_225 = arith.andi %ne3A_224, %ne3A_220 : i1
      %add3A_226 = arith.addi %rem3A_218, %select_n3A_217 : i32
      %select_n3A_227 = arith.select %and3A_225, %add3A_226, %rem3A_218 : i32
      %mul3A_228 = arith.constant 16 : i32
      %mul3A_229 = arith.muli %select_n3A_227, %mul3A_228 : i32
      %add3A_230 = arith.addi %mul3A_212, %mul3A_229 : i32
      %swap3A = arith.index_cast %add3A_230 : i32 to index
      %swap3A_231 = tpu.vector_load %arg12[%swap3A] {strides = array<i32>} : memref<10240xf32, #tpu.memory_space<vmem>>, vector<16xf32>,
      tpu.vector_store %arg12[%swap3A], %get3A_192 {strides = array<i32>} : memref<10240xf32, #tpu.memory_space<vmem>>, vector<16xf32>,
    }
    %mul3A_180 = arith.constant 160000 : i32
    %mul3A_181 = arith.muli %arg0, %mul3A_180 : i32
    %mul3A_182 = arith.constant 9984 : i32
    %mul3A_183 = arith.muli %arg1, %mul3A_182 : i32
    %add3A_184 = arith.addi %mul3A_181, %mul3A_183 : i32
    "tpu.region"() ({
      %run_scoped3A = tpu.sem_alloc : memref<!tpu.dma_semaphore, #tpu.memory_space<semaphore_mem>>
      %dma_start3A_190 = arith.constant 0 : i32
      %dma_start3A_191 = tpu.memref_slice %arg12[%dma_start3A_190] : memref<10240xf32, #tpu.memory_space<vmem>> -> memref<9984xf32, #tpu.memory_space<vmem>>
      %dma_start3A_192 = tpu.memref_slice %arg4[%add3A_184] : memref<320000xf32, #tpu.memory_space<hbm>> -> memref<9984xf32, #tpu.memory_space<hbm>>
      %dma_start3A_193 = tpu.memref_slice %arg4[%add3A_184] : memref<320000xf32, #tpu.memory_space<hbm>> -> memref<9984xf32, #tpu.memory_space<hbm>>
      %dma_start3A_194 = arith.constant 0 : i32
      %dma_start3A_195 = tpu.memref_slice %arg12[%dma_start3A_194] : memref<10240xf32, #tpu.memory_space<vmem>> -> memref<9984xf32, #tpu.memory_space<vmem>>
      tpu.enqueue_dma source(%dma_start3A_195 : memref<9984xf32, #tpu.memory_space<vmem>>) target(%dma_start3A_193 : memref<9984xf32, #tpu.memory_space<hbm>>) target_semaphore(%run_scoped3A : memref<!tpu.dma_semaphore, #tpu.memory_space<semaphore_mem>>)
      %dma_wait3A_196 = arith.constant 0 : i32
      %dma_wait3A_197 = tpu.memref_slice %arg12[%dma_wait3A_196] : memref<10240xf32, #tpu.memory_space<vmem>> -> memref<9984xf32, #tpu.memory_space<vmem>>
      %dma_wait3A_198 = tpu.memref_slice %arg4[%add3A_184] : memref<320000xf32, #tpu.memory_space<hbm>> -> memref<9984xf32, #tpu.memory_space<hbm>>
      %dma_wait3A_199 = tpu.memref_slice %arg4[%add3A_184] : memref<320000xf32, #tpu.memory_space<hbm>> -> memref<9984xf32, #tpu.memory_space<hbm>>
      %dma_wait3A_200 = arith.constant 0 : i32
      %dma_wait3A_201 = tpu.memref_slice %arg12[%dma_wait3A_200] : memref<10240xf32, #tpu.memory_space<vmem>> -> memref<9984xf32, #tpu.memory_space<vmem>>
      tpu.wait_dma2 semaphore(%run_scoped3A : memref<!tpu.dma_semaphore, #tpu.memory_space<semaphore_mem>>) src(%dma_wait3A_201 : memref<9984xf32, #tpu.memory_space<vmem>>) dst(%dma_wait3A_199 : memref<9984xf32, #tpu.memory_space<hbm>>)
      tpu.yield
    }) : () -> ()
    %eq3A_185 = arith.constant 15 : i32
    %eq3A_186 = arith.cmpi eq, %arg1, %eq3A_185 : i32
    %convert_element_type3A_187 = arith.extui %eq3A_186 : i1 to i32
    %cond3A_188 = arith.constant 0 : i32
    %cond3A_189 = arith.cmpi ne, %convert_element_type3A_187, %cond3A_188 : i32
    scf.if %cond3A_189 {
      %mul3A_190 = arith.constant 160000 : i32
      %mul3A_191 = arith.muli %arg0, %mul3A_190 : i32
      %add3A_192 = arith.constant 159744 : i32
      %add3A_193 = arith.addi %mul3A_191, %add3A_192 : i32
      "tpu.region"() ({
        %run_scoped3A = tpu.sem_alloc : memref<!tpu.dma_semaphore, #tpu.memory_space<semaphore_mem>>
        %dma_start3A_194 = arith.constant 9984 : i32
        %dma_start3A_195 = tpu.memref_slice %arg12[%dma_start3A_194] : memref<10240xf32, #tpu.memory_space<vmem>> -> memref<256xf32, #tpu.memory_space<vmem>>
        %dma_start3A_196 = tpu.memref_slice %arg4[%add3A_193] : memref<320000xf32, #tpu.memory_space<hbm>> -> memref<256xf32, #tpu.memory_space<hbm>>
        %dma_start3A_197 = tpu.memref_slice %arg4[%add3A_193] : memref<320000xf32, #tpu.memory_space<hbm>> -> memref<256xf32, #tpu.memory_space<hbm>>
        %dma_start3A_198 = arith.constant 9984 : i32
        %dma_start3A_199 = tpu.memref_slice %arg12[%dma_start3A_198] : memref<10240xf32, #tpu.memory_space<vmem>> -> memref<256xf32, #tpu.memory_space<vmem>>
        tpu.enqueue_dma source(%dma_start3A_199 : memref<256xf32, #tpu.memory_space<vmem>>) target(%dma_start3A_197 : memref<256xf32, #tpu.memory_space<hbm>>) target_semaphore(%run_scoped3A : memref<!tpu.dma_semaphore, #tpu.memory_space<semaphore_mem>>)
        %dma_wait3A_200 = arith.constant 9984 : i32
        %dma_wait3A_201 = tpu.memref_slice %arg12[%dma_wait3A_200] : memref<10240xf32, #tpu.memory_space<vmem>> -> memref<256xf32, #tpu.memory_space<vmem>>
        %dma_wait3A_202 = tpu.memref_slice %arg4[%add3A_193] : memref<320000xf32, #tpu.memory_space<hbm>> -> memref<256xf32, #tpu.memory_space<hbm>>
        %dma_wait3A_203 = tpu.memref_slice %arg4[%add3A_193] : memref<320000xf32, #tpu.memory_space<hbm>> -> memref<256xf32, #tpu.memory_space<hbm>>
        %dma_wait3A_204 = arith.constant 9984 : i32
        %dma_wait3A_205 = tpu.memref_slice %arg12[%dma_wait3A_204] : memref<10240xf32, #tpu.memory_space<vmem>> -> memref<256xf32, #tpu.memory_space<vmem>>
        tpu.wait_dma2 semaphore(%run_scoped3A : memref<!tpu.dma_semaphore, #tpu.memory_space<semaphore_mem>>) src(%dma_wait3A_205 : memref<256xf32, #tpu.memory_space<vmem>>) dst(%dma_wait3A_203 : memref<256xf32, #tpu.memory_space<hbm>>)
        tpu.yield
      }) : () -> ()
    } else {
    }
    return
  }
}

#map = affine_map<(d0, d1) -> (0, 0)>
#map1 = affine_map<(d0, d1) -> (0)>
module attributes {stable_mosaic.version = 14 : i64} {
  func.func @_sc_agg(%arg0: i32, %arg1: i32, %arg2: memref<2x320000xi32, #tpu.memory_space<hbm>>, %arg3: memref<10000x16xf32, #tpu.memory_space<hbm>>, %arg4: memref<320000xf32, #tpu.memory_space<hbm>>, %arg5: memref<2000xi32, #tpu.memory_space<vmem>>, %arg6: memref<2000xi32, #tpu.memory_space<vmem>>, %arg7: memref<2000xi32, #tpu.memory_space<vmem>>, %arg8: memref<2000xi32, #tpu.memory_space<vmem>>, %arg9: memref<2000x16xf32, #tpu.memory_space<vmem>>, %arg10: memref<2000x16xf32, #tpu.memory_space<vmem>>, %arg11: memref<640x16xf32, #tpu.memory_space<vmem>>, %arg12: memref<10240xf32, #tpu.memory_space<vmem>>, %arg13: memref<10000x16xf32, #tpu.memory_space<vmem_shared>>, %arg14: memref<!tpu.dma_semaphore, #tpu.memory_space<semaphore_mem>>, %arg15: memref<!tpu.dma_semaphore, #tpu.memory_space<semaphore_mem>>, %arg16: memref<!tpu.dma_semaphore, #tpu.memory_space<semaphore_mem>>, %arg17: memref<!tpu.dma_semaphore, #tpu.memory_space<semaphore_mem>>, %arg18: memref<!tpu.dma_semaphore, #tpu.memory_space<semaphore_mem>>, %arg19: memref<!tpu.dma_semaphore, #tpu.memory_space<semaphore_mem>>) attributes {dimension_semantics = [#tpu.dimension_semantics<core_parallel>, #tpu.dimension_semantics<subcore_parallel>], iteration_bounds = array<i64: 2, 16>, scalar_prefetch = 0 : i64, scratch_operands = 15 : i64, tpu.core_type = #tpu.core_type<sc_vector_subcore>, window_params = [{transform_indices = #map}, {transform_indices = #map}, {transform_indices = #map1}]} {
    %mul3A = arith.constant 2 : i32
    %mul3A_0 = arith.muli %arg1, %mul3A : i32
    %add3A = arith.addi %mul3A_0, %arg0 : i32
    %mul3A_1 = arith.constant 10000 : i32
    %mul3A_2 = arith.muli %add3A, %mul3A_1 : i32
    %add3A_3 = arith.constant 0 : i32
    %add3A_4 = arith.addi %mul3A_2, %add3A_3 : i32
    %dma_start3A = arith.constant 0 : i32
    %dma_start3A_5 = tpu.memref_slice %arg2[%dma_start3A, %add3A_4] : memref<2x320000xi32, #tpu.memory_space<hbm>> -> memref<1x2000xi32, #tpu.memory_space<hbm>>
    %dma_start3A_6 = tpu.memref_squeeze %dma_start3A_5 : memref<1x2000xi32, #tpu.memory_space<hbm>> -> memref<2000xi32, #tpu.memory_space<hbm>>
    %dma_start3A_7 = tpu.memref_slice %arg2[%dma_start3A, %add3A_4] : memref<2x320000xi32, #tpu.memory_space<hbm>> -> memref<1x2000xi32, #tpu.memory_space<hbm>>
    %dma_start3A_8 = tpu.memref_squeeze %dma_start3A_7 : memref<1x2000xi32, #tpu.memory_space<hbm>> -> memref<2000xi32, #tpu.memory_space<hbm>>
    tpu.enqueue_dma source(%dma_start3A_8 : memref<2000xi32, #tpu.memory_space<hbm>>) target(%arg5 : memref<2000xi32, #tpu.memory_space<vmem>>) target_semaphore(%arg14 : memref<!tpu.dma_semaphore, #tpu.memory_space<semaphore_mem>>)
    %add3A_9 = arith.constant 0 : i32
    %add3A_10 = arith.addi %mul3A_2, %add3A_9 : i32
    %dma_start3A_11 = arith.constant 1 : i32
    %dma_start3A_12 = tpu.memref_slice %arg2[%dma_start3A_11, %add3A_10] : memref<2x320000xi32, #tpu.memory_space<hbm>> -> memref<1x2000xi32, #tpu.memory_space<hbm>>
    %dma_start3A_13 = tpu.memref_squeeze %dma_start3A_12 : memref<1x2000xi32, #tpu.memory_space<hbm>> -> memref<2000xi32, #tpu.memory_space<hbm>>
    %dma_start3A_14 = tpu.memref_slice %arg2[%dma_start3A_11, %add3A_10] : memref<2x320000xi32, #tpu.memory_space<hbm>> -> memref<1x2000xi32, #tpu.memory_space<hbm>>
    %dma_start3A_15 = tpu.memref_squeeze %dma_start3A_14 : memref<1x2000xi32, #tpu.memory_space<hbm>> -> memref<2000xi32, #tpu.memory_space<hbm>>
    tpu.enqueue_dma source(%dma_start3A_15 : memref<2000xi32, #tpu.memory_space<hbm>>) target(%arg7 : memref<2000xi32, #tpu.memory_space<vmem>>) target_semaphore(%arg16 : memref<!tpu.dma_semaphore, #tpu.memory_space<semaphore_mem>>)
    %add3A_16 = arith.constant 2000 : i32
    %add3A_17 = arith.addi %mul3A_2, %add3A_16 : i32
    %dma_start3A_18 = arith.constant 0 : i32
    %dma_start3A_19 = tpu.memref_slice %arg2[%dma_start3A_18, %add3A_17] : memref<2x320000xi32, #tpu.memory_space<hbm>> -> memref<1x2000xi32, #tpu.memory_space<hbm>>
    %dma_start3A_20 = tpu.memref_squeeze %dma_start3A_19 : memref<1x2000xi32, #tpu.memory_space<hbm>> -> memref<2000xi32, #tpu.memory_space<hbm>>
    %dma_start3A_21 = tpu.memref_slice %arg2[%dma_start3A_18, %add3A_17] : memref<2x320000xi32, #tpu.memory_space<hbm>> -> memref<1x2000xi32, #tpu.memory_space<hbm>>
    %dma_start3A_22 = tpu.memref_squeeze %dma_start3A_21 : memref<1x2000xi32, #tpu.memory_space<hbm>> -> memref<2000xi32, #tpu.memory_space<hbm>>
    tpu.enqueue_dma source(%dma_start3A_22 : memref<2000xi32, #tpu.memory_space<hbm>>) target(%arg6 : memref<2000xi32, #tpu.memory_space<vmem>>) target_semaphore(%arg15 : memref<!tpu.dma_semaphore, #tpu.memory_space<semaphore_mem>>)
    %add3A_23 = arith.constant 2000 : i32
    %add3A_24 = arith.addi %mul3A_2, %add3A_23 : i32
    %dma_start3A_25 = arith.constant 1 : i32
    %dma_start3A_26 = tpu.memref_slice %arg2[%dma_start3A_25, %add3A_24] : memref<2x320000xi32, #tpu.memory_space<hbm>> -> memref<1x2000xi32, #tpu.memory_space<hbm>>
    %dma_start3A_27 = tpu.memref_squeeze %dma_start3A_26 : memref<1x2000xi32, #tpu.memory_space<hbm>> -> memref<2000xi32, #tpu.memory_space<hbm>>
    %dma_start3A_28 = tpu.memref_slice %arg2[%dma_start3A_25, %add3A_24] : memref<2x320000xi32, #tpu.memory_space<hbm>> -> memref<1x2000xi32, #tpu.memory_space<hbm>>
    %dma_start3A_29 = tpu.memref_squeeze %dma_start3A_28 : memref<1x2000xi32, #tpu.memory_space<hbm>> -> memref<2000xi32, #tpu.memory_space<hbm>>
    tpu.enqueue_dma source(%dma_start3A_29 : memref<2000xi32, #tpu.memory_space<hbm>>) target(%arg8 : memref<2000xi32, #tpu.memory_space<vmem>>) target_semaphore(%arg17 : memref<!tpu.dma_semaphore, #tpu.memory_space<semaphore_mem>>)
    %dma_wait3A = arith.constant 0 : i32
    %dma_wait3A_30 = tpu.memref_slice %arg2[%dma_wait3A, %add3A_4] : memref<2x320000xi32, #tpu.memory_space<hbm>> -> memref<1x2000xi32, #tpu.memory_space<hbm>>
    %dma_wait3A_31 = tpu.memref_squeeze %dma_wait3A_30 : memref<1x2000xi32, #tpu.memory_space<hbm>> -> memref<2000xi32, #tpu.memory_space<hbm>>
    %dma_wait3A_32 = tpu.memref_slice %arg2[%dma_wait3A, %add3A_4] : memref<2x320000xi32, #tpu.memory_space<hbm>> -> memref<1x2000xi32, #tpu.memory_space<hbm>>
    %dma_wait3A_33 = tpu.memref_squeeze %dma_wait3A_32 : memref<1x2000xi32, #tpu.memory_space<hbm>> -> memref<2000xi32, #tpu.memory_space<hbm>>
    tpu.wait_dma2 semaphore(%arg14 : memref<!tpu.dma_semaphore, #tpu.memory_space<semaphore_mem>>) src(%dma_wait3A_33 : memref<2000xi32, #tpu.memory_space<hbm>>) dst(%arg5 : memref<2000xi32, #tpu.memory_space<vmem>>)
    %dma_start3A_34 = arith.constant 0 : i32
    %dma_start3A_35 = arith.constant 0 : i32
    %dma_start3A_36 = tpu.memref_slice %arg3[%dma_start3A_34, %dma_start3A_35] : memref<10000x16xf32, #tpu.memory_space<hbm>> -> memref<10000x16xf32, #tpu.memory_space<hbm>>
    tpu.enqueue_indirect_dma source(%dma_start3A_36 : memref<10000x16xf32, #tpu.memory_space<hbm>>) target(%arg9 : memref<2000x16xf32, #tpu.memory_space<vmem>>) offsets(%arg5 : memref<2000xi32, #tpu.memory_space<vmem>>) semaphore(%arg18 : memref<!tpu.dma_semaphore, #tpu.memory_space<semaphore_mem>>)
    %scan3A = arith.constant 0 : i32
    %scan3A_37 = arith.constant 0 : i32
    %scan3A_38 = arith.constant 624 : i32
    %scan3A_39 = arith.addi %scan3A_37, %scan3A_38 : i32
    %scan3A_40 = arith.constant 1 : i32
    scf.for %scan3A_190 = %scan3A_37 to %scan3A_39 step %scan3A_40  : i32 {
      %broadcast_in_dim3A = arith.constant 0.000000e+00 : f32
      %broadcast_in_dim3A_191 = vector.broadcast %broadcast_in_dim3A : f32 to vector<16xf32>
      %swap3A = arith.index_cast %scan3A_190 : i32 to index
      %swap3A_192 = arith.constant 0 : index
      %swap3A_193 = tpu.vector_load %arg11[%swap3A, %swap3A_192] {strides = array<i32>} : memref<640x16xf32, #tpu.memory_space<vmem>>, vector<16xf32>,
      tpu.vector_store %arg11[%swap3A, %swap3A_192], %broadcast_in_dim3A_191 {strides = array<i32>} : memref<640x16xf32, #tpu.memory_space<vmem>>, vector<16xf32>,
    }
    %scan3A_41 = arith.constant 624 : i32
    %mul3A_42 = arith.constant 624 : i32
    %mul3A_43 = arith.muli %arg1, %mul3A_42 : i32
    "tpu.region"() ({
      %run_scoped3A = tpu.sem_alloc : memref<!tpu.dma_semaphore, #tpu.memory_space<semaphore_mem>>
      %dma_start3A_190 = arith.constant 0 : i32
      %dma_start3A_191 = arith.constant 0 : i32
      %dma_start3A_192 = tpu.memref_slice %arg11[%dma_start3A_190, %dma_start3A_191] : memref<640x16xf32, #tpu.memory_space<vmem>> -> memref<624x16xf32, #tpu.memory_space<vmem>>
      %dma_start3A_193 = arith.constant 0 : i32
      %dma_start3A_194 = tpu.memref_slice %arg13[%mul3A_43, %dma_start3A_193] : memref<10000x16xf32, #tpu.memory_space<vmem_shared>> -> memref<624x16xf32, #tpu.memory_space<vmem_shared>>
      %dma_start3A_195 = arith.constant 0 : i32
      %dma_start3A_196 = tpu.memref_slice %arg13[%mul3A_43, %dma_start3A_195] : memref<10000x16xf32, #tpu.memory_space<vmem_shared>> -> memref<624x16xf32, #tpu.memory_space<vmem_shared>>
      %dma_start3A_197 = arith.constant 0 : i32
      %dma_start3A_198 = arith.constant 0 : i32
      %dma_start3A_199 = tpu.memref_slice %arg11[%dma_start3A_197, %dma_start3A_198] : memref<640x16xf32, #tpu.memory_space<vmem>> -> memref<624x16xf32, #tpu.memory_space<vmem>>
      tpu.enqueue_dma source(%dma_start3A_199 : memref<624x16xf32, #tpu.memory_space<vmem>>) target(%dma_start3A_196 : memref<624x16xf32, #tpu.memory_space<vmem_shared>>) target_semaphore(%run_scoped3A : memref<!tpu.dma_semaphore, #tpu.memory_space<semaphore_mem>>)
      %dma_wait3A_200 = arith.constant 0 : i32
      %dma_wait3A_201 = arith.constant 0 : i32
      %dma_wait3A_202 = tpu.memref_slice %arg11[%dma_wait3A_200, %dma_wait3A_201] : memref<640x16xf32, #tpu.memory_space<vmem>> -> memref<624x16xf32, #tpu.memory_space<vmem>>
      %dma_wait3A_203 = arith.constant 0 : i32
      %dma_wait3A_204 = tpu.memref_slice %arg13[%mul3A_43, %dma_wait3A_203] : memref<10000x16xf32, #tpu.memory_space<vmem_shared>> -> memref<624x16xf32, #tpu.memory_space<vmem_shared>>
      %dma_wait3A_205 = arith.constant 0 : i32
      %dma_wait3A_206 = tpu.memref_slice %arg13[%mul3A_43, %dma_wait3A_205] : memref<10000x16xf32, #tpu.memory_space<vmem_shared>> -> memref<624x16xf32, #tpu.memory_space<vmem_shared>>
      %dma_wait3A_207 = arith.constant 0 : i32
      %dma_wait3A_208 = arith.constant 0 : i32
      %dma_wait3A_209 = tpu.memref_slice %arg11[%dma_wait3A_207, %dma_wait3A_208] : memref<640x16xf32, #tpu.memory_space<vmem>> -> memref<624x16xf32, #tpu.memory_space<vmem>>
      tpu.wait_dma2 semaphore(%run_scoped3A : memref<!tpu.dma_semaphore, #tpu.memory_space<semaphore_mem>>) src(%dma_wait3A_209 : memref<624x16xf32, #tpu.memory_space<vmem>>) dst(%dma_wait3A_206 : memref<624x16xf32, #tpu.memory_space<vmem_shared>>)
      tpu.yield
    }) : () -> ()
    %eq3A = arith.constant 15 : i32
    %eq3A_44 = arith.cmpi eq, %arg1, %eq3A : i32
    %convert_element_type3A = arith.extui %eq3A_44 : i1 to i32
    %cond3A = arith.constant 0 : i32
    %cond3A_45 = arith.cmpi ne, %convert_element_type3A, %cond3A : i32
    scf.if %cond3A_45 {
      "tpu.region"() ({
        %run_scoped3A = tpu.sem_alloc : memref<!tpu.dma_semaphore, #tpu.memory_space<semaphore_mem>>
        %dma_start3A_190 = arith.constant 0 : i32
        %dma_start3A_191 = arith.constant 0 : i32
        %dma_start3A_192 = tpu.memref_slice %arg11[%dma_start3A_190, %dma_start3A_191] : memref<640x16xf32, #tpu.memory_space<vmem>> -> memref<16x16xf32, #tpu.memory_space<vmem>>
        %dma_start3A_193 = arith.constant 9984 : i32
        %dma_start3A_194 = arith.constant 0 : i32
        %dma_start3A_195 = tpu.memref_slice %arg13[%dma_start3A_193, %dma_start3A_194] : memref<10000x16xf32, #tpu.memory_space<vmem_shared>> -> memref<16x16xf32, #tpu.memory_space<vmem_shared>>
        %dma_start3A_196 = arith.constant 9984 : i32
        %dma_start3A_197 = arith.constant 0 : i32
        %dma_start3A_198 = tpu.memref_slice %arg13[%dma_start3A_196, %dma_start3A_197] : memref<10000x16xf32, #tpu.memory_space<vmem_shared>> -> memref<16x16xf32, #tpu.memory_space<vmem_shared>>
        %dma_start3A_199 = arith.constant 0 : i32
        %dma_start3A_200 = arith.constant 0 : i32
        %dma_start3A_201 = tpu.memref_slice %arg11[%dma_start3A_199, %dma_start3A_200] : memref<640x16xf32, #tpu.memory_space<vmem>> -> memref<16x16xf32, #tpu.memory_space<vmem>>
        tpu.enqueue_dma source(%dma_start3A_201 : memref<16x16xf32, #tpu.memory_space<vmem>>) target(%dma_start3A_198 : memref<16x16xf32, #tpu.memory_space<vmem_shared>>) target_semaphore(%run_scoped3A : memref<!tpu.dma_semaphore, #tpu.memory_space<semaphore_mem>>)
        %dma_wait3A_202 = arith.constant 0 : i32
        %dma_wait3A_203 = arith.constant 0 : i32
        %dma_wait3A_204 = tpu.memref_slice %arg11[%dma_wait3A_202, %dma_wait3A_203] : memref<640x16xf32, #tpu.memory_space<vmem>> -> memref<16x16xf32, #tpu.memory_space<vmem>>
        %dma_wait3A_205 = arith.constant 9984 : i32
        %dma_wait3A_206 = arith.constant 0 : i32
        %dma_wait3A_207 = tpu.memref_slice %arg13[%dma_wait3A_205, %dma_wait3A_206] : memref<10000x16xf32, #tpu.memory_space<vmem_shared>> -> memref<16x16xf32, #tpu.memory_space<vmem_shared>>
        %dma_wait3A_208 = arith.constant 9984 : i32
        %dma_wait3A_209 = arith.constant 0 : i32
        %dma_wait3A_210 = tpu.memref_slice %arg13[%dma_wait3A_208, %dma_wait3A_209] : memref<10000x16xf32, #tpu.memory_space<vmem_shared>> -> memref<16x16xf32, #tpu.memory_space<vmem_shared>>
        %dma_wait3A_211 = arith.constant 0 : i32
        %dma_wait3A_212 = arith.constant 0 : i32
        %dma_wait3A_213 = tpu.memref_slice %arg11[%dma_wait3A_211, %dma_wait3A_212] : memref<640x16xf32, #tpu.memory_space<vmem>> -> memref<16x16xf32, #tpu.memory_space<vmem>>
        tpu.wait_dma2 semaphore(%run_scoped3A : memref<!tpu.dma_semaphore, #tpu.memory_space<semaphore_mem>>) src(%dma_wait3A_213 : memref<16x16xf32, #tpu.memory_space<vmem>>) dst(%dma_wait3A_210 : memref<16x16xf32, #tpu.memory_space<vmem_shared>>)
        tpu.yield
      }) : () -> ()
    } else {
    }
    %barrier3A = arith.constant 0 : index
    tpu.barrier barrier_id(%barrier3A)
    %dma_wait3A_46 = arith.constant 0 : i32
    %dma_wait3A_47 = tpu.memref_slice %arg2[%dma_wait3A_46, %add3A_17] : memref<2x320000xi32, #tpu.memory_space<hbm>> -> memref<1x2000xi32, #tpu.memory_space<hbm>>
    %dma_wait3A_48 = tpu.memref_squeeze %dma_wait3A_47 : memref<1x2000xi32, #tpu.memory_space<hbm>> -> memref<2000xi32, #tpu.memory_space<hbm>>
    %dma_wait3A_49 = tpu.memref_slice %arg2[%dma_wait3A_46, %add3A_17] : memref<2x320000xi32, #tpu.memory_space<hbm>> -> memref<1x2000xi32, #tpu.memory_space<hbm>>
    %dma_wait3A_50 = tpu.memref_squeeze %dma_wait3A_49 : memref<1x2000xi32, #tpu.memory_space<hbm>> -> memref<2000xi32, #tpu.memory_space<hbm>>
    tpu.wait_dma2 semaphore(%arg15 : memref<!tpu.dma_semaphore, #tpu.memory_space<semaphore_mem>>) src(%dma_wait3A_50 : memref<2000xi32, #tpu.memory_space<hbm>>) dst(%arg6 : memref<2000xi32, #tpu.memory_space<vmem>>)
    %dma_start3A_51 = arith.constant 0 : i32
    %dma_start3A_52 = arith.constant 0 : i32
    %dma_start3A_53 = tpu.memref_slice %arg3[%dma_start3A_51, %dma_start3A_52] : memref<10000x16xf32, #tpu.memory_space<hbm>> -> memref<10000x16xf32, #tpu.memory_space<hbm>>
    tpu.enqueue_indirect_dma source(%dma_start3A_53 : memref<10000x16xf32, #tpu.memory_space<hbm>>) target(%arg10 : memref<2000x16xf32, #tpu.memory_space<vmem>>) offsets(%arg6 : memref<2000xi32, #tpu.memory_space<vmem>>) semaphore(%arg19 : memref<!tpu.dma_semaphore, #tpu.memory_space<semaphore_mem>>)
    %dma_wait3A_54 = arith.constant 0 : i32
    %dma_wait3A_55 = arith.constant 0 : i32
    %dma_wait3A_56 = tpu.memref_slice %arg3[%dma_wait3A_54, %dma_wait3A_55] : memref<10000x16xf32, #tpu.memory_space<hbm>> -> memref<10000x16xf32, #tpu.memory_space<hbm>>
    tpu.wait_indirect_dma semaphore(%arg18 : memref<!tpu.dma_semaphore, #tpu.memory_space<semaphore_mem>>) src(%dma_wait3A_56 : memref<10000x16xf32, #tpu.memory_space<hbm>>) dst(%arg9 : memref<2000x16xf32, #tpu.memory_space<vmem>>)
    %dma_wait3A_57 = arith.constant 1 : i32
    %dma_wait3A_58 = tpu.memref_slice %arg2[%dma_wait3A_57, %add3A_10] : memref<2x320000xi32, #tpu.memory_space<hbm>> -> memref<1x2000xi32, #tpu.memory_space<hbm>>
    %dma_wait3A_59 = tpu.memref_squeeze %dma_wait3A_58 : memref<1x2000xi32, #tpu.memory_space<hbm>> -> memref<2000xi32, #tpu.memory_space<hbm>>
    %dma_wait3A_60 = tpu.memref_slice %arg2[%dma_wait3A_57, %add3A_10] : memref<2x320000xi32, #tpu.memory_space<hbm>> -> memref<1x2000xi32, #tpu.memory_space<hbm>>
    %dma_wait3A_61 = tpu.memref_squeeze %dma_wait3A_60 : memref<1x2000xi32, #tpu.memory_space<hbm>> -> memref<2000xi32, #tpu.memory_space<hbm>>
    tpu.wait_dma2 semaphore(%arg16 : memref<!tpu.dma_semaphore, #tpu.memory_space<semaphore_mem>>) src(%dma_wait3A_61 : memref<2000xi32, #tpu.memory_space<hbm>>) dst(%arg7 : memref<2000xi32, #tpu.memory_space<vmem>>)
    "tpu.region"() ({
      %run_scoped3A = tpu.sem_alloc : memref<!tpu.dma_semaphore, #tpu.memory_space<semaphore_mem>>
      %dma_start3A_190 = arith.constant 0 : i32
      %dma_start3A_191 = arith.constant 0 : i32
      %dma_start3A_192 = tpu.memref_slice %arg13[%dma_start3A_190, %dma_start3A_191] : memref<10000x16xf32, #tpu.memory_space<vmem_shared>> -> memref<10000x16xf32, #tpu.memory_space<vmem_shared>>
      tpu.enqueue_indirect_dma source(%arg9 : memref<2000x16xf32, #tpu.memory_space<vmem>>) target(%dma_start3A_192 : memref<10000x16xf32, #tpu.memory_space<vmem_shared>>) offsets(%arg7 : memref<2000xi32, #tpu.memory_space<vmem>>) semaphore(%run_scoped3A : memref<!tpu.dma_semaphore, #tpu.memory_space<semaphore_mem>>) {add = true}
      %dma_wait3A_193 = arith.constant 0 : i32
      %dma_wait3A_194 = arith.constant 0 : i32
      %dma_wait3A_195 = tpu.memref_slice %arg13[%dma_wait3A_193, %dma_wait3A_194] : memref<10000x16xf32, #tpu.memory_space<vmem_shared>> -> memref<10000x16xf32, #tpu.memory_space<vmem_shared>>
      tpu.wait_indirect_dma semaphore(%run_scoped3A : memref<!tpu.dma_semaphore, #tpu.memory_space<semaphore_mem>>) src(%arg9 : memref<2000x16xf32, #tpu.memory_space<vmem>>) dst(%dma_wait3A_195 : memref<10000x16xf32, #tpu.memory_space<vmem_shared>>)
      tpu.yield
    }) : () -> ()
    %add3A_62 = arith.constant 4000 : i32
    %add3A_63 = arith.addi %mul3A_2, %add3A_62 : i32
    %dma_start3A_64 = arith.constant 0 : i32
    %dma_start3A_65 = tpu.memref_slice %arg2[%dma_start3A_64, %add3A_63] : memref<2x320000xi32, #tpu.memory_space<hbm>> -> memref<1x2000xi32, #tpu.memory_space<hbm>>
    %dma_start3A_66 = tpu.memref_squeeze %dma_start3A_65 : memref<1x2000xi32, #tpu.memory_space<hbm>> -> memref<2000xi32, #tpu.memory_space<hbm>>
    %dma_start3A_67 = tpu.memref_slice %arg2[%dma_start3A_64, %add3A_63] : memref<2x320000xi32, #tpu.memory_space<hbm>> -> memref<1x2000xi32, #tpu.memory_space<hbm>>
    %dma_start3A_68 = tpu.memref_squeeze %dma_start3A_67 : memref<1x2000xi32, #tpu.memory_space<hbm>> -> memref<2000xi32, #tpu.memory_space<hbm>>
    tpu.enqueue_dma source(%dma_start3A_68 : memref<2000xi32, #tpu.memory_space<hbm>>) target(%arg5 : memref<2000xi32, #tpu.memory_space<vmem>>) target_semaphore(%arg14 : memref<!tpu.dma_semaphore, #tpu.memory_space<semaphore_mem>>)
    %add3A_69 = arith.constant 4000 : i32
    %add3A_70 = arith.addi %mul3A_2, %add3A_69 : i32
    %dma_start3A_71 = arith.constant 1 : i32
    %dma_start3A_72 = tpu.memref_slice %arg2[%dma_start3A_71, %add3A_70] : memref<2x320000xi32, #tpu.memory_space<hbm>> -> memref<1x2000xi32, #tpu.memory_space<hbm>>
    %dma_start3A_73 = tpu.memref_squeeze %dma_start3A_72 : memref<1x2000xi32, #tpu.memory_space<hbm>> -> memref<2000xi32, #tpu.memory_space<hbm>>
    %dma_start3A_74 = tpu.memref_slice %arg2[%dma_start3A_71, %add3A_70] : memref<2x320000xi32, #tpu.memory_space<hbm>> -> memref<1x2000xi32, #tpu.memory_space<hbm>>
    %dma_start3A_75 = tpu.memref_squeeze %dma_start3A_74 : memref<1x2000xi32, #tpu.memory_space<hbm>> -> memref<2000xi32, #tpu.memory_space<hbm>>
    tpu.enqueue_dma source(%dma_start3A_75 : memref<2000xi32, #tpu.memory_space<hbm>>) target(%arg7 : memref<2000xi32, #tpu.memory_space<vmem>>) target_semaphore(%arg16 : memref<!tpu.dma_semaphore, #tpu.memory_space<semaphore_mem>>)
    %dma_wait3A_76 = arith.constant 0 : i32
    %dma_wait3A_77 = tpu.memref_slice %arg2[%dma_wait3A_76, %add3A_63] : memref<2x320000xi32, #tpu.memory_space<hbm>> -> memref<1x2000xi32, #tpu.memory_space<hbm>>
    %dma_wait3A_78 = tpu.memref_squeeze %dma_wait3A_77 : memref<1x2000xi32, #tpu.memory_space<hbm>> -> memref<2000xi32, #tpu.memory_space<hbm>>
    %dma_wait3A_79 = tpu.memref_slice %arg2[%dma_wait3A_76, %add3A_63] : memref<2x320000xi32, #tpu.memory_space<hbm>> -> memref<1x2000xi32, #tpu.memory_space<hbm>>
    %dma_wait3A_80 = tpu.memref_squeeze %dma_wait3A_79 : memref<1x2000xi32, #tpu.memory_space<hbm>> -> memref<2000xi32, #tpu.memory_space<hbm>>
    tpu.wait_dma2 semaphore(%arg14 : memref<!tpu.dma_semaphore, #tpu.memory_space<semaphore_mem>>) src(%dma_wait3A_80 : memref<2000xi32, #tpu.memory_space<hbm>>) dst(%arg5 : memref<2000xi32, #tpu.memory_space<vmem>>)
    %dma_start3A_81 = arith.constant 0 : i32
    %dma_start3A_82 = arith.constant 0 : i32
    %dma_start3A_83 = tpu.memref_slice %arg3[%dma_start3A_81, %dma_start3A_82] : memref<10000x16xf32, #tpu.memory_space<hbm>> -> memref<10000x16xf32, #tpu.memory_space<hbm>>
    tpu.enqueue_indirect_dma source(%dma_start3A_83 : memref<10000x16xf32, #tpu.memory_space<hbm>>) target(%arg9 : memref<2000x16xf32, #tpu.memory_space<vmem>>) offsets(%arg5 : memref<2000xi32, #tpu.memory_space<vmem>>) semaphore(%arg18 : memref<!tpu.dma_semaphore, #tpu.memory_space<semaphore_mem>>)
    %dma_wait3A_84 = arith.constant 0 : i32
    %dma_wait3A_85 = arith.constant 0 : i32
    %dma_wait3A_86 = tpu.memref_slice %arg3[%dma_wait3A_84, %dma_wait3A_85] : memref<10000x16xf32, #tpu.memory_space<hbm>> -> memref<10000x16xf32, #tpu.memory_space<hbm>>
    tpu.wait_indirect_dma semaphore(%arg19 : memref<!tpu.dma_semaphore, #tpu.memory_space<semaphore_mem>>) src(%dma_wait3A_86 : memref<10000x16xf32, #tpu.memory_space<hbm>>) dst(%arg10 : memref<2000x16xf32, #tpu.memory_space<vmem>>)
    %dma_wait3A_87 = arith.constant 1 : i32
    %dma_wait3A_88 = tpu.memref_slice %arg2[%dma_wait3A_87, %add3A_24] : memref<2x320000xi32, #tpu.memory_space<hbm>> -> memref<1x2000xi32, #tpu.memory_space<hbm>>
    %dma_wait3A_89 = tpu.memref_squeeze %dma_wait3A_88 : memref<1x2000xi32, #tpu.memory_space<hbm>> -> memref<2000xi32, #tpu.memory_space<hbm>>
    %dma_wait3A_90 = tpu.memref_slice %arg2[%dma_wait3A_87, %add3A_24] : memref<2x320000xi32, #tpu.memory_space<hbm>> -> memref<1x2000xi32, #tpu.memory_space<hbm>>
    %dma_wait3A_91 = tpu.memref_squeeze %dma_wait3A_90 : memref<1x2000xi32, #tpu.memory_space<hbm>> -> memref<2000xi32, #tpu.memory_space<hbm>>
    tpu.wait_dma2 semaphore(%arg17 : memref<!tpu.dma_semaphore, #tpu.memory_space<semaphore_mem>>) src(%dma_wait3A_91 : memref<2000xi32, #tpu.memory_space<hbm>>) dst(%arg8 : memref<2000xi32, #tpu.memory_space<vmem>>)
    "tpu.region"() ({
      %run_scoped3A = tpu.sem_alloc : memref<!tpu.dma_semaphore, #tpu.memory_space<semaphore_mem>>
      %dma_start3A_190 = arith.constant 0 : i32
      %dma_start3A_191 = arith.constant 0 : i32
      %dma_start3A_192 = tpu.memref_slice %arg13[%dma_start3A_190, %dma_start3A_191] : memref<10000x16xf32, #tpu.memory_space<vmem_shared>> -> memref<10000x16xf32, #tpu.memory_space<vmem_shared>>
      tpu.enqueue_indirect_dma source(%arg10 : memref<2000x16xf32, #tpu.memory_space<vmem>>) target(%dma_start3A_192 : memref<10000x16xf32, #tpu.memory_space<vmem_shared>>) offsets(%arg8 : memref<2000xi32, #tpu.memory_space<vmem>>) semaphore(%run_scoped3A : memref<!tpu.dma_semaphore, #tpu.memory_space<semaphore_mem>>) {add = true}
      %dma_wait3A_193 = arith.constant 0 : i32
      %dma_wait3A_194 = arith.constant 0 : i32
      %dma_wait3A_195 = tpu.memref_slice %arg13[%dma_wait3A_193, %dma_wait3A_194] : memref<10000x16xf32, #tpu.memory_space<vmem_shared>> -> memref<10000x16xf32, #tpu.memory_space<vmem_shared>>
      tpu.wait_indirect_dma semaphore(%run_scoped3A : memref<!tpu.dma_semaphore, #tpu.memory_space<semaphore_mem>>) src(%arg10 : memref<2000x16xf32, #tpu.memory_space<vmem>>) dst(%dma_wait3A_195 : memref<10000x16xf32, #tpu.memory_space<vmem_shared>>)
      tpu.yield
    }) : () -> ()
    %add3A_92 = arith.constant 6000 : i32
    %add3A_93 = arith.addi %mul3A_2, %add3A_92 : i32
    %dma_start3A_94 = arith.constant 0 : i32
    %dma_start3A_95 = tpu.memref_slice %arg2[%dma_start3A_94, %add3A_93] : memref<2x320000xi32, #tpu.memory_space<hbm>> -> memref<1x2000xi32, #tpu.memory_space<hbm>>
    %dma_start3A_96 = tpu.memref_squeeze %dma_start3A_95 : memref<1x2000xi32, #tpu.memory_space<hbm>> -> memref<2000xi32, #tpu.memory_space<hbm>>
    %dma_start3A_97 = tpu.memref_slice %arg2[%dma_start3A_94, %add3A_93] : memref<2x320000xi32, #tpu.memory_space<hbm>> -> memref<1x2000xi32, #tpu.memory_space<hbm>>
    %dma_start3A_98 = tpu.memref_squeeze %dma_start3A_97 : memref<1x2000xi32, #tpu.memory_space<hbm>> -> memref<2000xi32, #tpu.memory_space<hbm>>
    tpu.enqueue_dma source(%dma_start3A_98 : memref<2000xi32, #tpu.memory_space<hbm>>) target(%arg6 : memref<2000xi32, #tpu.memory_space<vmem>>) target_semaphore(%arg15 : memref<!tpu.dma_semaphore, #tpu.memory_space<semaphore_mem>>)
    %add3A_99 = arith.constant 6000 : i32
    %add3A_100 = arith.addi %mul3A_2, %add3A_99 : i32
    %dma_start3A_101 = arith.constant 1 : i32
    %dma_start3A_102 = tpu.memref_slice %arg2[%dma_start3A_101, %add3A_100] : memref<2x320000xi32, #tpu.memory_space<hbm>> -> memref<1x2000xi32, #tpu.memory_space<hbm>>
    %dma_start3A_103 = tpu.memref_squeeze %dma_start3A_102 : memref<1x2000xi32, #tpu.memory_space<hbm>> -> memref<2000xi32, #tpu.memory_space<hbm>>
    %dma_start3A_104 = tpu.memref_slice %arg2[%dma_start3A_101, %add3A_100] : memref<2x320000xi32, #tpu.memory_space<hbm>> -> memref<1x2000xi32, #tpu.memory_space<hbm>>
    %dma_start3A_105 = tpu.memref_squeeze %dma_start3A_104 : memref<1x2000xi32, #tpu.memory_space<hbm>> -> memref<2000xi32, #tpu.memory_space<hbm>>
    tpu.enqueue_dma source(%dma_start3A_105 : memref<2000xi32, #tpu.memory_space<hbm>>) target(%arg8 : memref<2000xi32, #tpu.memory_space<vmem>>) target_semaphore(%arg17 : memref<!tpu.dma_semaphore, #tpu.memory_space<semaphore_mem>>)
    %dma_wait3A_106 = arith.constant 0 : i32
    %dma_wait3A_107 = tpu.memref_slice %arg2[%dma_wait3A_106, %add3A_93] : memref<2x320000xi32, #tpu.memory_space<hbm>> -> memref<1x2000xi32, #tpu.memory_space<hbm>>
    %dma_wait3A_108 = tpu.memref_squeeze %dma_wait3A_107 : memref<1x2000xi32, #tpu.memory_space<hbm>> -> memref<2000xi32, #tpu.memory_space<hbm>>
    %dma_wait3A_109 = tpu.memref_slice %arg2[%dma_wait3A_106, %add3A_93] : memref<2x320000xi32, #tpu.memory_space<hbm>> -> memref<1x2000xi32, #tpu.memory_space<hbm>>
    %dma_wait3A_110 = tpu.memref_squeeze %dma_wait3A_109 : memref<1x2000xi32, #tpu.memory_space<hbm>> -> memref<2000xi32, #tpu.memory_space<hbm>>
    tpu.wait_dma2 semaphore(%arg15 : memref<!tpu.dma_semaphore, #tpu.memory_space<semaphore_mem>>) src(%dma_wait3A_110 : memref<2000xi32, #tpu.memory_space<hbm>>) dst(%arg6 : memref<2000xi32, #tpu.memory_space<vmem>>)
    %dma_start3A_111 = arith.constant 0 : i32
    %dma_start3A_112 = arith.constant 0 : i32
    %dma_start3A_113 = tpu.memref_slice %arg3[%dma_start3A_111, %dma_start3A_112] : memref<10000x16xf32, #tpu.memory_space<hbm>> -> memref<10000x16xf32, #tpu.memory_space<hbm>>
    tpu.enqueue_indirect_dma source(%dma_start3A_113 : memref<10000x16xf32, #tpu.memory_space<hbm>>) target(%arg10 : memref<2000x16xf32, #tpu.memory_space<vmem>>) offsets(%arg6 : memref<2000xi32, #tpu.memory_space<vmem>>) semaphore(%arg19 : memref<!tpu.dma_semaphore, #tpu.memory_space<semaphore_mem>>)
    %dma_wait3A_114 = arith.constant 0 : i32
    %dma_wait3A_115 = arith.constant 0 : i32
    %dma_wait3A_116 = tpu.memref_slice %arg3[%dma_wait3A_114, %dma_wait3A_115] : memref<10000x16xf32, #tpu.memory_space<hbm>> -> memref<10000x16xf32, #tpu.memory_space<hbm>>
    tpu.wait_indirect_dma semaphore(%arg18 : memref<!tpu.dma_semaphore, #tpu.memory_space<semaphore_mem>>) src(%dma_wait3A_116 : memref<10000x16xf32, #tpu.memory_space<hbm>>) dst(%arg9 : memref<2000x16xf32, #tpu.memory_space<vmem>>)
    %dma_wait3A_117 = arith.constant 1 : i32
    %dma_wait3A_118 = tpu.memref_slice %arg2[%dma_wait3A_117, %add3A_70] : memref<2x320000xi32, #tpu.memory_space<hbm>> -> memref<1x2000xi32, #tpu.memory_space<hbm>>
    %dma_wait3A_119 = tpu.memref_squeeze %dma_wait3A_118 : memref<1x2000xi32, #tpu.memory_space<hbm>> -> memref<2000xi32, #tpu.memory_space<hbm>>
    %dma_wait3A_120 = tpu.memref_slice %arg2[%dma_wait3A_117, %add3A_70] : memref<2x320000xi32, #tpu.memory_space<hbm>> -> memref<1x2000xi32, #tpu.memory_space<hbm>>
    %dma_wait3A_121 = tpu.memref_squeeze %dma_wait3A_120 : memref<1x2000xi32, #tpu.memory_space<hbm>> -> memref<2000xi32, #tpu.memory_space<hbm>>
    tpu.wait_dma2 semaphore(%arg16 : memref<!tpu.dma_semaphore, #tpu.memory_space<semaphore_mem>>) src(%dma_wait3A_121 : memref<2000xi32, #tpu.memory_space<hbm>>) dst(%arg7 : memref<2000xi32, #tpu.memory_space<vmem>>)
    "tpu.region"() ({
      %run_scoped3A = tpu.sem_alloc : memref<!tpu.dma_semaphore, #tpu.memory_space<semaphore_mem>>
      %dma_start3A_190 = arith.constant 0 : i32
      %dma_start3A_191 = arith.constant 0 : i32
      %dma_start3A_192 = tpu.memref_slice %arg13[%dma_start3A_190, %dma_start3A_191] : memref<10000x16xf32, #tpu.memory_space<vmem_shared>> -> memref<10000x16xf32, #tpu.memory_space<vmem_shared>>
      tpu.enqueue_indirect_dma source(%arg9 : memref<2000x16xf32, #tpu.memory_space<vmem>>) target(%dma_start3A_192 : memref<10000x16xf32, #tpu.memory_space<vmem_shared>>) offsets(%arg7 : memref<2000xi32, #tpu.memory_space<vmem>>) semaphore(%run_scoped3A : memref<!tpu.dma_semaphore, #tpu.memory_space<semaphore_mem>>) {add = true}
      %dma_wait3A_193 = arith.constant 0 : i32
      %dma_wait3A_194 = arith.constant 0 : i32
      %dma_wait3A_195 = tpu.memref_slice %arg13[%dma_wait3A_193, %dma_wait3A_194] : memref<10000x16xf32, #tpu.memory_space<vmem_shared>> -> memref<10000x16xf32, #tpu.memory_space<vmem_shared>>
      tpu.wait_indirect_dma semaphore(%run_scoped3A : memref<!tpu.dma_semaphore, #tpu.memory_space<semaphore_mem>>) src(%arg9 : memref<2000x16xf32, #tpu.memory_space<vmem>>) dst(%dma_wait3A_195 : memref<10000x16xf32, #tpu.memory_space<vmem_shared>>)
      tpu.yield
    }) : () -> ()
    %add3A_122 = arith.constant 8000 : i32
    %add3A_123 = arith.addi %mul3A_2, %add3A_122 : i32
    %dma_start3A_124 = arith.constant 0 : i32
    %dma_start3A_125 = tpu.memref_slice %arg2[%dma_start3A_124, %add3A_123] : memref<2x320000xi32, #tpu.memory_space<hbm>> -> memref<1x2000xi32, #tpu.memory_space<hbm>>
    %dma_start3A_126 = tpu.memref_squeeze %dma_start3A_125 : memref<1x2000xi32, #tpu.memory_space<hbm>> -> memref<2000xi32, #tpu.memory_space<hbm>>
    %dma_start3A_127 = tpu.memref_slice %arg2[%dma_start3A_124, %add3A_123] : memref<2x320000xi32, #tpu.memory_space<hbm>> -> memref<1x2000xi32, #tpu.memory_space<hbm>>
    %dma_start3A_128 = tpu.memref_squeeze %dma_start3A_127 : memref<1x2000xi32, #tpu.memory_space<hbm>> -> memref<2000xi32, #tpu.memory_space<hbm>>
    tpu.enqueue_dma source(%dma_start3A_128 : memref<2000xi32, #tpu.memory_space<hbm>>) target(%arg5 : memref<2000xi32, #tpu.memory_space<vmem>>) target_semaphore(%arg14 : memref<!tpu.dma_semaphore, #tpu.memory_space<semaphore_mem>>)
    %add3A_129 = arith.constant 8000 : i32
    %add3A_130 = arith.addi %mul3A_2, %add3A_129 : i32
    %dma_start3A_131 = arith.constant 1 : i32
    %dma_start3A_132 = tpu.memref_slice %arg2[%dma_start3A_131, %add3A_130] : memref<2x320000xi32, #tpu.memory_space<hbm>> -> memref<1x2000xi32, #tpu.memory_space<hbm>>
    %dma_start3A_133 = tpu.memref_squeeze %dma_start3A_132 : memref<1x2000xi32, #tpu.memory_space<hbm>> -> memref<2000xi32, #tpu.memory_space<hbm>>
    %dma_start3A_134 = tpu.memref_slice %arg2[%dma_start3A_131, %add3A_130] : memref<2x320000xi32, #tpu.memory_space<hbm>> -> memref<1x2000xi32, #tpu.memory_space<hbm>>
    %dma_start3A_135 = tpu.memref_squeeze %dma_start3A_134 : memref<1x2000xi32, #tpu.memory_space<hbm>> -> memref<2000xi32, #tpu.memory_space<hbm>>
    tpu.enqueue_dma source(%dma_start3A_135 : memref<2000xi32, #tpu.memory_space<hbm>>) target(%arg7 : memref<2000xi32, #tpu.memory_space<vmem>>) target_semaphore(%arg16 : memref<!tpu.dma_semaphore, #tpu.memory_space<semaphore_mem>>)
    %dma_wait3A_136 = arith.constant 0 : i32
    %dma_wait3A_137 = tpu.memref_slice %arg2[%dma_wait3A_136, %add3A_123] : memref<2x320000xi32, #tpu.memory_space<hbm>> -> memref<1x2000xi32, #tpu.memory_space<hbm>>
    %dma_wait3A_138 = tpu.memref_squeeze %dma_wait3A_137 : memref<1x2000xi32, #tpu.memory_space<hbm>> -> memref<2000xi32, #tpu.memory_space<hbm>>
    %dma_wait3A_139 = tpu.memref_slice %arg2[%dma_wait3A_136, %add3A_123] : memref<2x320000xi32, #tpu.memory_space<hbm>> -> memref<1x2000xi32, #tpu.memory_space<hbm>>
    %dma_wait3A_140 = tpu.memref_squeeze %dma_wait3A_139 : memref<1x2000xi32, #tpu.memory_space<hbm>> -> memref<2000xi32, #tpu.memory_space<hbm>>
    tpu.wait_dma2 semaphore(%arg14 : memref<!tpu.dma_semaphore, #tpu.memory_space<semaphore_mem>>) src(%dma_wait3A_140 : memref<2000xi32, #tpu.memory_space<hbm>>) dst(%arg5 : memref<2000xi32, #tpu.memory_space<vmem>>)
    %dma_start3A_141 = arith.constant 0 : i32
    %dma_start3A_142 = arith.constant 0 : i32
    %dma_start3A_143 = tpu.memref_slice %arg3[%dma_start3A_141, %dma_start3A_142] : memref<10000x16xf32, #tpu.memory_space<hbm>> -> memref<10000x16xf32, #tpu.memory_space<hbm>>
    tpu.enqueue_indirect_dma source(%dma_start3A_143 : memref<10000x16xf32, #tpu.memory_space<hbm>>) target(%arg9 : memref<2000x16xf32, #tpu.memory_space<vmem>>) offsets(%arg5 : memref<2000xi32, #tpu.memory_space<vmem>>) semaphore(%arg18 : memref<!tpu.dma_semaphore, #tpu.memory_space<semaphore_mem>>)
    %dma_wait3A_144 = arith.constant 0 : i32
    %dma_wait3A_145 = arith.constant 0 : i32
    %dma_wait3A_146 = tpu.memref_slice %arg3[%dma_wait3A_144, %dma_wait3A_145] : memref<10000x16xf32, #tpu.memory_space<hbm>> -> memref<10000x16xf32, #tpu.memory_space<hbm>>
    tpu.wait_indirect_dma semaphore(%arg19 : memref<!tpu.dma_semaphore, #tpu.memory_space<semaphore_mem>>) src(%dma_wait3A_146 : memref<10000x16xf32, #tpu.memory_space<hbm>>) dst(%arg10 : memref<2000x16xf32, #tpu.memory_space<vmem>>)
    %dma_wait3A_147 = arith.constant 1 : i32
    %dma_wait3A_148 = tpu.memref_slice %arg2[%dma_wait3A_147, %add3A_100] : memref<2x320000xi32, #tpu.memory_space<hbm>> -> memref<1x2000xi32, #tpu.memory_space<hbm>>
    %dma_wait3A_149 = tpu.memref_squeeze %dma_wait3A_148 : memref<1x2000xi32, #tpu.memory_space<hbm>> -> memref<2000xi32, #tpu.memory_space<hbm>>
    %dma_wait3A_150 = tpu.memref_slice %arg2[%dma_wait3A_147, %add3A_100] : memref<2x320000xi32, #tpu.memory_space<hbm>> -> memref<1x2000xi32, #tpu.memory_space<hbm>>
    %dma_wait3A_151 = tpu.memref_squeeze %dma_wait3A_150 : memref<1x2000xi32, #tpu.memory_space<hbm>> -> memref<2000xi32, #tpu.memory_space<hbm>>
    tpu.wait_dma2 semaphore(%arg17 : memref<!tpu.dma_semaphore, #tpu.memory_space<semaphore_mem>>) src(%dma_wait3A_151 : memref<2000xi32, #tpu.memory_space<hbm>>) dst(%arg8 : memref<2000xi32, #tpu.memory_space<vmem>>)
    "tpu.region"() ({
      %run_scoped3A = tpu.sem_alloc : memref<!tpu.dma_semaphore, #tpu.memory_space<semaphore_mem>>
      %dma_start3A_190 = arith.constant 0 : i32
      %dma_start3A_191 = arith.constant 0 : i32
      %dma_start3A_192 = tpu.memref_slice %arg13[%dma_start3A_190, %dma_start3A_191] : memref<10000x16xf32, #tpu.memory_space<vmem_shared>> -> memref<10000x16xf32, #tpu.memory_space<vmem_shared>>
      tpu.enqueue_indirect_dma source(%arg10 : memref<2000x16xf32, #tpu.memory_space<vmem>>) target(%dma_start3A_192 : memref<10000x16xf32, #tpu.memory_space<vmem_shared>>) offsets(%arg8 : memref<2000xi32, #tpu.memory_space<vmem>>) semaphore(%run_scoped3A : memref<!tpu.dma_semaphore, #tpu.memory_space<semaphore_mem>>) {add = true}
      %dma_wait3A_193 = arith.constant 0 : i32
      %dma_wait3A_194 = arith.constant 0 : i32
      %dma_wait3A_195 = tpu.memref_slice %arg13[%dma_wait3A_193, %dma_wait3A_194] : memref<10000x16xf32, #tpu.memory_space<vmem_shared>> -> memref<10000x16xf32, #tpu.memory_space<vmem_shared>>
      tpu.wait_indirect_dma semaphore(%run_scoped3A : memref<!tpu.dma_semaphore, #tpu.memory_space<semaphore_mem>>) src(%arg10 : memref<2000x16xf32, #tpu.memory_space<vmem>>) dst(%dma_wait3A_195 : memref<10000x16xf32, #tpu.memory_space<vmem_shared>>)
      tpu.yield
    }) : () -> ()
    %dma_wait3A_152 = arith.constant 0 : i32
    %dma_wait3A_153 = arith.constant 0 : i32
    %dma_wait3A_154 = tpu.memref_slice %arg3[%dma_wait3A_152, %dma_wait3A_153] : memref<10000x16xf32, #tpu.memory_space<hbm>> -> memref<10000x16xf32, #tpu.memory_space<hbm>>
    tpu.wait_indirect_dma semaphore(%arg18 : memref<!tpu.dma_semaphore, #tpu.memory_space<semaphore_mem>>) src(%dma_wait3A_154 : memref<10000x16xf32, #tpu.memory_space<hbm>>) dst(%arg9 : memref<2000x16xf32, #tpu.memory_space<vmem>>)
    %dma_wait3A_155 = arith.constant 1 : i32
    %dma_wait3A_156 = tpu.memref_slice %arg2[%dma_wait3A_155, %add3A_130] : memref<2x320000xi32, #tpu.memory_space<hbm>> -> memref<1x2000xi32, #tpu.memory_space<hbm>>
    %dma_wait3A_157 = tpu.memref_squeeze %dma_wait3A_156 : memref<1x2000xi32, #tpu.memory_space<hbm>> -> memref<2000xi32, #tpu.memory_space<hbm>>
    %dma_wait3A_158 = tpu.memref_slice %arg2[%dma_wait3A_155, %add3A_130] : memref<2x320000xi32, #tpu.memory_space<hbm>> -> memref<1x2000xi32, #tpu.memory_space<hbm>>
    %dma_wait3A_159 = tpu.memref_squeeze %dma_wait3A_158 : memref<1x2000xi32, #tpu.memory_space<hbm>> -> memref<2000xi32, #tpu.memory_space<hbm>>
    tpu.wait_dma2 semaphore(%arg16 : memref<!tpu.dma_semaphore, #tpu.memory_space<semaphore_mem>>) src(%dma_wait3A_159 : memref<2000xi32, #tpu.memory_space<hbm>>) dst(%arg7 : memref<2000xi32, #tpu.memory_space<vmem>>)
    "tpu.region"() ({
      %run_scoped3A = tpu.sem_alloc : memref<!tpu.dma_semaphore, #tpu.memory_space<semaphore_mem>>
      %dma_start3A_190 = arith.constant 0 : i32
      %dma_start3A_191 = arith.constant 0 : i32
      %dma_start3A_192 = tpu.memref_slice %arg13[%dma_start3A_190, %dma_start3A_191] : memref<10000x16xf32, #tpu.memory_space<vmem_shared>> -> memref<10000x16xf32, #tpu.memory_space<vmem_shared>>
      tpu.enqueue_indirect_dma source(%arg9 : memref<2000x16xf32, #tpu.memory_space<vmem>>) target(%dma_start3A_192 : memref<10000x16xf32, #tpu.memory_space<vmem_shared>>) offsets(%arg7 : memref<2000xi32, #tpu.memory_space<vmem>>) semaphore(%run_scoped3A : memref<!tpu.dma_semaphore, #tpu.memory_space<semaphore_mem>>) {add = true}
      %dma_wait3A_193 = arith.constant 0 : i32
      %dma_wait3A_194 = arith.constant 0 : i32
      %dma_wait3A_195 = tpu.memref_slice %arg13[%dma_wait3A_193, %dma_wait3A_194] : memref<10000x16xf32, #tpu.memory_space<vmem_shared>> -> memref<10000x16xf32, #tpu.memory_space<vmem_shared>>
      tpu.wait_indirect_dma semaphore(%run_scoped3A : memref<!tpu.dma_semaphore, #tpu.memory_space<semaphore_mem>>) src(%arg9 : memref<2000x16xf32, #tpu.memory_space<vmem>>) dst(%dma_wait3A_195 : memref<10000x16xf32, #tpu.memory_space<vmem_shared>>)
      tpu.yield
    }) : () -> ()
    %barrier3A_160 = arith.constant 0 : index
    tpu.barrier barrier_id(%barrier3A_160)
    %eq3A_161 = arith.constant 15 : i32
    %eq3A_162 = arith.cmpi eq, %arg1, %eq3A_161 : i32
    %jit3A = arith.constant 640 : i32
    %jit3A_163 = arith.constant 624 : i32
    %select_n3A = arith.select %eq3A_162, %jit3A, %jit3A_163 : i32
    %mul3A_164 = arith.constant 624 : i32
    %mul3A_165 = arith.muli %arg1, %mul3A_164 : i32
    "tpu.region"() ({
      %run_scoped3A = tpu.sem_alloc : memref<!tpu.dma_semaphore, #tpu.memory_space<semaphore_mem>>
      %dma_start3A_190 = arith.constant 0 : i32
      %dma_start3A_191 = arith.constant 0 : i32
      %dma_start3A_192 = tpu.memref_slice %arg11[%dma_start3A_190, %dma_start3A_191] : memref<640x16xf32, #tpu.memory_space<vmem>> -> memref<624x16xf32, #tpu.memory_space<vmem>>
      %dma_start3A_193 = arith.constant 0 : i32
      %dma_start3A_194 = tpu.memref_slice %arg13[%mul3A_165, %dma_start3A_193] : memref<10000x16xf32, #tpu.memory_space<vmem_shared>> -> memref<624x16xf32, #tpu.memory_space<vmem_shared>>
      %dma_start3A_195 = arith.constant 0 : i32
      %dma_start3A_196 = arith.constant 0 : i32
      %dma_start3A_197 = tpu.memref_slice %arg11[%dma_start3A_195, %dma_start3A_196] : memref<640x16xf32, #tpu.memory_space<vmem>> -> memref<624x16xf32, #tpu.memory_space<vmem>>
      %dma_start3A_198 = arith.constant 0 : i32
      %dma_start3A_199 = tpu.memref_slice %arg13[%mul3A_165, %dma_start3A_198] : memref<10000x16xf32, #tpu.memory_space<vmem_shared>> -> memref<624x16xf32, #tpu.memory_space<vmem_shared>>
      tpu.enqueue_dma source(%dma_start3A_199 : memref<624x16xf32, #tpu.memory_space<vmem_shared>>) target(%dma_start3A_197 : memref<624x16xf32, #tpu.memory_space<vmem>>) target_semaphore(%run_scoped3A : memref<!tpu.dma_semaphore, #tpu.memory_space<semaphore_mem>>)
      %dma_wait3A_200 = arith.constant 0 : i32
      %dma_wait3A_201 = arith.constant 0 : i32
      %dma_wait3A_202 = tpu.memref_slice %arg11[%dma_wait3A_200, %dma_wait3A_201] : memref<640x16xf32, #tpu.memory_space<vmem>> -> memref<624x16xf32, #tpu.memory_space<vmem>>
      %dma_wait3A_203 = arith.constant 0 : i32
      %dma_wait3A_204 = tpu.memref_slice %arg13[%mul3A_165, %dma_wait3A_203] : memref<10000x16xf32, #tpu.memory_space<vmem_shared>> -> memref<624x16xf32, #tpu.memory_space<vmem_shared>>
      %dma_wait3A_205 = arith.constant 0 : i32
      %dma_wait3A_206 = arith.constant 0 : i32
      %dma_wait3A_207 = tpu.memref_slice %arg11[%dma_wait3A_205, %dma_wait3A_206] : memref<640x16xf32, #tpu.memory_space<vmem>> -> memref<624x16xf32, #tpu.memory_space<vmem>>
      %dma_wait3A_208 = arith.constant 0 : i32
      %dma_wait3A_209 = tpu.memref_slice %arg13[%mul3A_165, %dma_wait3A_208] : memref<10000x16xf32, #tpu.memory_space<vmem_shared>> -> memref<624x16xf32, #tpu.memory_space<vmem_shared>>
      tpu.wait_dma2 semaphore(%run_scoped3A : memref<!tpu.dma_semaphore, #tpu.memory_space<semaphore_mem>>) src(%dma_wait3A_209 : memref<624x16xf32, #tpu.memory_space<vmem_shared>>) dst(%dma_wait3A_207 : memref<624x16xf32, #tpu.memory_space<vmem>>)
      tpu.yield
    }) : () -> ()
    %eq3A_166 = arith.constant 15 : i32
    %eq3A_167 = arith.cmpi eq, %arg1, %eq3A_166 : i32
    %convert_element_type3A_168 = arith.extui %eq3A_167 : i1 to i32
    %cond3A_169 = arith.constant 0 : i32
    %cond3A_170 = arith.cmpi ne, %convert_element_type3A_168, %cond3A_169 : i32
    scf.if %cond3A_170 {
      "tpu.region"() ({
        %run_scoped3A = tpu.sem_alloc : memref<!tpu.dma_semaphore, #tpu.memory_space<semaphore_mem>>
        %dma_start3A_190 = arith.constant 624 : i32
        %dma_start3A_191 = arith.constant 0 : i32
        %dma_start3A_192 = tpu.memref_slice %arg11[%dma_start3A_190, %dma_start3A_191] : memref<640x16xf32, #tpu.memory_space<vmem>> -> memref<16x16xf32, #tpu.memory_space<vmem>>
        %dma_start3A_193 = arith.constant 9984 : i32
        %dma_start3A_194 = arith.constant 0 : i32
        %dma_start3A_195 = tpu.memref_slice %arg13[%dma_start3A_193, %dma_start3A_194] : memref<10000x16xf32, #tpu.memory_space<vmem_shared>> -> memref<16x16xf32, #tpu.memory_space<vmem_shared>>
        %dma_start3A_196 = arith.constant 624 : i32
        %dma_start3A_197 = arith.constant 0 : i32
        %dma_start3A_198 = tpu.memref_slice %arg11[%dma_start3A_196, %dma_start3A_197] : memref<640x16xf32, #tpu.memory_space<vmem>> -> memref<16x16xf32, #tpu.memory_space<vmem>>
        %dma_start3A_199 = arith.constant 9984 : i32
        %dma_start3A_200 = arith.constant 0 : i32
        %dma_start3A_201 = tpu.memref_slice %arg13[%dma_start3A_199, %dma_start3A_200] : memref<10000x16xf32, #tpu.memory_space<vmem_shared>> -> memref<16x16xf32, #tpu.memory_space<vmem_shared>>
        tpu.enqueue_dma source(%dma_start3A_201 : memref<16x16xf32, #tpu.memory_space<vmem_shared>>) target(%dma_start3A_198 : memref<16x16xf32, #tpu.memory_space<vmem>>) target_semaphore(%run_scoped3A : memref<!tpu.dma_semaphore, #tpu.memory_space<semaphore_mem>>)
        %dma_wait3A_202 = arith.constant 624 : i32
        %dma_wait3A_203 = arith.constant 0 : i32
        %dma_wait3A_204 = tpu.memref_slice %arg11[%dma_wait3A_202, %dma_wait3A_203] : memref<640x16xf32, #tpu.memory_space<vmem>> -> memref<16x16xf32, #tpu.memory_space<vmem>>
        %dma_wait3A_205 = arith.constant 9984 : i32
        %dma_wait3A_206 = arith.constant 0 : i32
        %dma_wait3A_207 = tpu.memref_slice %arg13[%dma_wait3A_205, %dma_wait3A_206] : memref<10000x16xf32, #tpu.memory_space<vmem_shared>> -> memref<16x16xf32, #tpu.memory_space<vmem_shared>>
        %dma_wait3A_208 = arith.constant 624 : i32
        %dma_wait3A_209 = arith.constant 0 : i32
        %dma_wait3A_210 = tpu.memref_slice %arg11[%dma_wait3A_208, %dma_wait3A_209] : memref<640x16xf32, #tpu.memory_space<vmem>> -> memref<16x16xf32, #tpu.memory_space<vmem>>
        %dma_wait3A_211 = arith.constant 9984 : i32
        %dma_wait3A_212 = arith.constant 0 : i32
        %dma_wait3A_213 = tpu.memref_slice %arg13[%dma_wait3A_211, %dma_wait3A_212] : memref<10000x16xf32, #tpu.memory_space<vmem_shared>> -> memref<16x16xf32, #tpu.memory_space<vmem_shared>>
        tpu.wait_dma2 semaphore(%run_scoped3A : memref<!tpu.dma_semaphore, #tpu.memory_space<semaphore_mem>>) src(%dma_wait3A_213 : memref<16x16xf32, #tpu.memory_space<vmem_shared>>) dst(%dma_wait3A_210 : memref<16x16xf32, #tpu.memory_space<vmem>>)
        tpu.yield
      }) : () -> ()
    } else {
    }
    %while3A = arith.constant 0 : i32
    %while3A_171 = arith.constant 0 : i32
    %while3A_172 = arith.subi %select_n3A, %while3A_171 : i32
    %while3A_173 = arith.addi %while3A_171, %while3A_172 : i32
    %while3A_174 = arith.constant 1 : i32
    %while3A_175 = arith.divsi %while3A_172, %while3A_174 : i32
    %while3A_176 = arith.muli %while3A_175, %while3A_174 : i32
    %while3A_177 = arith.addi %while3A_171, %while3A_176 : i32
    %while3A_178 = arith.constant 1 : i32
    scf.for %while3A_190 = %while3A_171 to %while3A_177 step %while3A_178  : i32 {
      %get3A = arith.index_cast %while3A_190 : i32 to index
      %get3A_191 = arith.constant 0 : index
      %get3A_192 = tpu.vector_load %arg11[%get3A, %get3A_191] {strides = array<i32>} : memref<640x16xf32, #tpu.memory_space<vmem>>, vector<16xf32>,
      %jit3A_193 = arith.constant 8 : i32
      %div3A = arith.divsi %while3A_190, %jit3A_193 : i32
      %sign3A = arith.constant 0 : i32
      %sign3A_194 = arith.cmpi sgt, %while3A_190, %sign3A : i32
      %sign3A_195 = arith.extui %sign3A_194 : i1 to i32
      %sign3A_196 = arith.constant 0 : i32
      %sign3A_197 = arith.cmpi slt, %while3A_190, %sign3A_196 : i32
      %sign3A_198 = arith.extui %sign3A_197 : i1 to i32
      %sign3A_199 = arith.subi %sign3A_195, %sign3A_198 : i32
      %sign3A_200 = arith.constant 0 : i32
      %sign3A_201 = arith.cmpi sgt, %jit3A_193, %sign3A_200 : i32
      %sign3A_202 = arith.extui %sign3A_201 : i1 to i32
      %sign3A_203 = arith.constant 0 : i32
      %sign3A_204 = arith.cmpi slt, %jit3A_193, %sign3A_203 : i32
      %sign3A_205 = arith.extui %sign3A_204 : i1 to i32
      %sign3A_206 = arith.subi %sign3A_202, %sign3A_205 : i32
      %ne3A = arith.cmpi ne, %sign3A_199, %sign3A_206 : i32
      %rem3A = arith.remsi %while3A_190, %jit3A_193 : i32
      %ne3A_207 = arith.constant 0 : i32
      %ne3A_208 = arith.cmpi ne, %rem3A, %ne3A_207 : i32
      %and3A = arith.andi %ne3A, %ne3A_208 : i1
      %sub3A = arith.constant 1 : i32
      %sub3A_209 = arith.subi %div3A, %sub3A : i32
      %select_n3A_210 = arith.select %and3A, %sub3A_209, %div3A : i32
      %mul3A_211 = arith.constant 128 : i32
      %mul3A_212 = arith.muli %select_n3A_210, %mul3A_211 : i32
      %jit3A_213 = arith.constant 8 : i32
      %eq3A_214 = arith.constant 0 : i32
      %eq3A_215 = arith.cmpi eq, %jit3A_213, %eq3A_214 : i32
      %jit3A_216 = arith.constant 1 : i32
      %select_n3A_217 = arith.select %eq3A_215, %jit3A_216, %jit3A_213 : i32
      %rem3A_218 = arith.remsi %while3A_190, %select_n3A_217 : i32
      %ne3A_219 = arith.constant 0 : i32
      %ne3A_220 = arith.cmpi ne, %rem3A_218, %ne3A_219 : i32
      %lt3A = arith.constant 0 : i32
      %lt3A_221 = arith.cmpi slt, %rem3A_218, %lt3A : i32
      %lt3A_222 = arith.constant 0 : i32
      %lt3A_223 = arith.cmpi slt, %select_n3A_217, %lt3A_222 : i32
      %ne3A_224 = arith.xori %lt3A_221, %lt3A_223 : i1
      %and3A_225 = arith.andi %ne3A_224, %ne3A_220 : i1
      %add3A_226 = arith.addi %rem3A_218, %select_n3A_217 : i32
      %select_n3A_227 = arith.select %and3A_225, %add3A_226, %rem3A_218 : i32
      %mul3A_228 = arith.constant 16 : i32
      %mul3A_229 = arith.muli %select_n3A_227, %mul3A_228 : i32
      %add3A_230 = arith.addi %mul3A_212, %mul3A_229 : i32
      %swap3A = arith.index_cast %add3A_230 : i32 to index
      %swap3A_231 = tpu.vector_load %arg12[%swap3A] {strides = array<i32>} : memref<10240xf32, #tpu.memory_space<vmem>>, vector<16xf32>,
      tpu.vector_store %arg12[%swap3A], %get3A_192 {strides = array<i32>} : memref<10240xf32, #tpu.memory_space<vmem>>, vector<16xf32>,
    }
    %while3A_179 = arith.constant 1 : i32
    scf.for %while3A_190 = %while3A_177 to %while3A_173 step %while3A_179  : i32 {
      %get3A = arith.index_cast %while3A_190 : i32 to index
      %get3A_191 = arith.constant 0 : index
      %get3A_192 = tpu.vector_load %arg11[%get3A, %get3A_191] {strides = array<i32>} : memref<640x16xf32, #tpu.memory_space<vmem>>, vector<16xf32>,
      %jit3A_193 = arith.constant 8 : i32
      %div3A = arith.divsi %while3A_190, %jit3A_193 : i32
      %sign3A = arith.constant 0 : i32
      %sign3A_194 = arith.cmpi sgt, %while3A_190, %sign3A : i32
      %sign3A_195 = arith.extui %sign3A_194 : i1 to i32
      %sign3A_196 = arith.constant 0 : i32
      %sign3A_197 = arith.cmpi slt, %while3A_190, %sign3A_196 : i32
      %sign3A_198 = arith.extui %sign3A_197 : i1 to i32
      %sign3A_199 = arith.subi %sign3A_195, %sign3A_198 : i32
      %sign3A_200 = arith.constant 0 : i32
      %sign3A_201 = arith.cmpi sgt, %jit3A_193, %sign3A_200 : i32
      %sign3A_202 = arith.extui %sign3A_201 : i1 to i32
      %sign3A_203 = arith.constant 0 : i32
      %sign3A_204 = arith.cmpi slt, %jit3A_193, %sign3A_203 : i32
      %sign3A_205 = arith.extui %sign3A_204 : i1 to i32
      %sign3A_206 = arith.subi %sign3A_202, %sign3A_205 : i32
      %ne3A = arith.cmpi ne, %sign3A_199, %sign3A_206 : i32
      %rem3A = arith.remsi %while3A_190, %jit3A_193 : i32
      %ne3A_207 = arith.constant 0 : i32
      %ne3A_208 = arith.cmpi ne, %rem3A, %ne3A_207 : i32
      %and3A = arith.andi %ne3A, %ne3A_208 : i1
      %sub3A = arith.constant 1 : i32
      %sub3A_209 = arith.subi %div3A, %sub3A : i32
      %select_n3A_210 = arith.select %and3A, %sub3A_209, %div3A : i32
      %mul3A_211 = arith.constant 128 : i32
      %mul3A_212 = arith.muli %select_n3A_210, %mul3A_211 : i32
      %jit3A_213 = arith.constant 8 : i32
      %eq3A_214 = arith.constant 0 : i32
      %eq3A_215 = arith.cmpi eq, %jit3A_213, %eq3A_214 : i32
      %jit3A_216 = arith.constant 1 : i32
      %select_n3A_217 = arith.select %eq3A_215, %jit3A_216, %jit3A_213 : i32
      %rem3A_218 = arith.remsi %while3A_190, %select_n3A_217 : i32
      %ne3A_219 = arith.constant 0 : i32
      %ne3A_220 = arith.cmpi ne, %rem3A_218, %ne3A_219 : i32
      %lt3A = arith.constant 0 : i32
      %lt3A_221 = arith.cmpi slt, %rem3A_218, %lt3A : i32
      %lt3A_222 = arith.constant 0 : i32
      %lt3A_223 = arith.cmpi slt, %select_n3A_217, %lt3A_222 : i32
      %ne3A_224 = arith.xori %lt3A_221, %lt3A_223 : i1
      %and3A_225 = arith.andi %ne3A_224, %ne3A_220 : i1
      %add3A_226 = arith.addi %rem3A_218, %select_n3A_217 : i32
      %select_n3A_227 = arith.select %and3A_225, %add3A_226, %rem3A_218 : i32
      %mul3A_228 = arith.constant 16 : i32
      %mul3A_229 = arith.muli %select_n3A_227, %mul3A_228 : i32
      %add3A_230 = arith.addi %mul3A_212, %mul3A_229 : i32
      %swap3A = arith.index_cast %add3A_230 : i32 to index
      %swap3A_231 = tpu.vector_load %arg12[%swap3A] {strides = array<i32>} : memref<10240xf32, #tpu.memory_space<vmem>>, vector<16xf32>,
      tpu.vector_store %arg12[%swap3A], %get3A_192 {strides = array<i32>} : memref<10240xf32, #tpu.memory_space<vmem>>, vector<16xf32>,
    }
    %mul3A_180 = arith.constant 160000 : i32
    %mul3A_181 = arith.muli %arg0, %mul3A_180 : i32
    %mul3A_182 = arith.constant 9984 : i32
    %mul3A_183 = arith.muli %arg1, %mul3A_182 : i32
    %add3A_184 = arith.addi %mul3A_181, %mul3A_183 : i32
    "tpu.region"() ({
      %run_scoped3A = tpu.sem_alloc : memref<!tpu.dma_semaphore, #tpu.memory_space<semaphore_mem>>
      %dma_start3A_190 = arith.constant 0 : i32
      %dma_start3A_191 = tpu.memref_slice %arg12[%dma_start3A_190] : memref<10240xf32, #tpu.memory_space<vmem>> -> memref<9984xf32, #tpu.memory_space<vmem>>
      %dma_start3A_192 = tpu.memref_slice %arg4[%add3A_184] : memref<320000xf32, #tpu.memory_space<hbm>> -> memref<9984xf32, #tpu.memory_space<hbm>>
      %dma_start3A_193 = tpu.memref_slice %arg4[%add3A_184] : memref<320000xf32, #tpu.memory_space<hbm>> -> memref<9984xf32, #tpu.memory_space<hbm>>
      %dma_start3A_194 = arith.constant 0 : i32
      %dma_start3A_195 = tpu.memref_slice %arg12[%dma_start3A_194] : memref<10240xf32, #tpu.memory_space<vmem>> -> memref<9984xf32, #tpu.memory_space<vmem>>
      tpu.enqueue_dma source(%dma_start3A_195 : memref<9984xf32, #tpu.memory_space<vmem>>) target(%dma_start3A_193 : memref<9984xf32, #tpu.memory_space<hbm>>) target_semaphore(%run_scoped3A : memref<!tpu.dma_semaphore, #tpu.memory_space<semaphore_mem>>)
      %dma_wait3A_196 = arith.constant 0 : i32
      %dma_wait3A_197 = tpu.memref_slice %arg12[%dma_wait3A_196] : memref<10240xf32, #tpu.memory_space<vmem>> -> memref<9984xf32, #tpu.memory_space<vmem>>
      %dma_wait3A_198 = tpu.memref_slice %arg4[%add3A_184] : memref<320000xf32, #tpu.memory_space<hbm>> -> memref<9984xf32, #tpu.memory_space<hbm>>
      %dma_wait3A_199 = tpu.memref_slice %arg4[%add3A_184] : memref<320000xf32, #tpu.memory_space<hbm>> -> memref<9984xf32, #tpu.memory_space<hbm>>
      %dma_wait3A_200 = arith.constant 0 : i32
      %dma_wait3A_201 = tpu.memref_slice %arg12[%dma_wait3A_200] : memref<10240xf32, #tpu.memory_space<vmem>> -> memref<9984xf32, #tpu.memory_space<vmem>>
      tpu.wait_dma2 semaphore(%run_scoped3A : memref<!tpu.dma_semaphore, #tpu.memory_space<semaphore_mem>>) src(%dma_wait3A_201 : memref<9984xf32, #tpu.memory_space<vmem>>) dst(%dma_wait3A_199 : memref<9984xf32, #tpu.memory_space<hbm>>)
      tpu.yield
    }) : () -> ()
    %eq3A_185 = arith.constant 15 : i32
    %eq3A_186 = arith.cmpi eq, %arg1, %eq3A_185 : i32
    %convert_element_type3A_187 = arith.extui %eq3A_186 : i1 to i32
    %cond3A_188 = arith.constant 0 : i32
    %cond3A_189 = arith.cmpi ne, %convert_element_type3A_187, %cond3A_188 : i32
    scf.if %cond3A_189 {
      %mul3A_190 = arith.constant 160000 : i32
      %mul3A_191 = arith.muli %arg0, %mul3A_190 : i32
      %add3A_192 = arith.constant 159744 : i32
      %add3A_193 = arith.addi %mul3A_191, %add3A_192 : i32
      "tpu.region"() ({
        %run_scoped3A = tpu.sem_alloc : memref<!tpu.dma_semaphore, #tpu.memory_space<semaphore_mem>>
        %dma_start3A_194 = arith.constant 9984 : i32
        %dma_start3A_195 = tpu.memref_slice %arg12[%dma_start3A_194] : memref<10240xf32, #tpu.memory_space<vmem>> -> memref<256xf32, #tpu.memory_space<vmem>>
        %dma_start3A_196 = tpu.memref_slice %arg4[%add3A_193] : memref<320000xf32, #tpu.memory_space<hbm>> -> memref<256xf32, #tpu.memory_space<hbm>>
        %dma_start3A_197 = tpu.memref_slice %arg4[%add3A_193] : memref<320000xf32, #tpu.memory_space<hbm>> -> memref<256xf32, #tpu.memory_space<hbm>>
        %dma_start3A_198 = arith.constant 9984 : i32
        %dma_start3A_199 = tpu.memref_slice %arg12[%dma_start3A_198] : memref<10240xf32, #tpu.memory_space<vmem>> -> memref<256xf32, #tpu.memory_space<vmem>>
        tpu.enqueue_dma source(%dma_start3A_199 : memref<256xf32, #tpu.memory_space<vmem>>) target(%dma_start3A_197 : memref<256xf32, #tpu.memory_space<hbm>>) target_semaphore(%run_scoped3A : memref<!tpu.dma_semaphore, #tpu.memory_space<semaphore_mem>>)
        %dma_wait3A_200 = arith.constant 9984 : i32
        %dma_wait3A_201 = tpu.memref_slice %arg12[%dma_wait3A_200] : memref<10240xf32, #tpu.memory_space<vmem>> -> memref<256xf32, #tpu.memory_space<vmem>>
        %dma_wait3A_202 = tpu.memref_slice %arg4[%add3A_193] : memref<320000xf32, #tpu.memory_space<hbm>> -> memref<256xf32, #tpu.memory_space<hbm>>
        %dma_wait3A_203 = tpu.memref_slice %arg4[%add3A_193] : memref<320000xf32, #tpu.memory_space<hbm>> -> memref<256xf32, #tpu.memory_space<hbm>>
        %dma_wait3A_204 = arith.constant 9984 : i32
        %dma_wait3A_205 = tpu.memref_slice %arg12[%dma_wait3A_204] : memref<10240xf32, #tpu.memory_space<vmem>> -> memref<256xf32, #tpu.memory_space<vmem>>
        tpu.wait_dma2 semaphore(%run_scoped3A : memref<!tpu.dma_semaphore, #tpu.memory_space<semaphore_mem>>) src(%dma_wait3A_205 : memref<256xf32, #tpu.memory_space<vmem>>) dst(%dma_wait3A_203 : memref<256xf32, #tpu.memory_space<hbm>>)
        tpu.yield
      }) : () -> ()
    } else {
    }
    return
  }
}

#map = affine_map<(d0, d1) -> (0, 0)>
#map1 = affine_map<(d0, d1) -> (0)>
module attributes {stable_mosaic.version = 14 : i64} {
  func.func @_sc_agg(%arg0: i32, %arg1: i32, %arg2: memref<2x320000xi32, #tpu.memory_space<hbm>>, %arg3: memref<10000x16xf32, #tpu.memory_space<hbm>>, %arg4: memref<320000xf32, #tpu.memory_space<hbm>>, %arg5: memref<2000xi32, #tpu.memory_space<vmem>>, %arg6: memref<2000xi32, #tpu.memory_space<vmem>>, %arg7: memref<2000xi32, #tpu.memory_space<vmem>>, %arg8: memref<2000xi32, #tpu.memory_space<vmem>>, %arg9: memref<2000x16xf32, #tpu.memory_space<vmem>>, %arg10: memref<2000x16xf32, #tpu.memory_space<vmem>>, %arg11: memref<640x16xf32, #tpu.memory_space<vmem>>, %arg12: memref<10240xf32, #tpu.memory_space<vmem>>, %arg13: memref<10000x16xf32, #tpu.memory_space<vmem_shared>>, %arg14: memref<!tpu.dma_semaphore, #tpu.memory_space<semaphore_mem>>, %arg15: memref<!tpu.dma_semaphore, #tpu.memory_space<semaphore_mem>>, %arg16: memref<!tpu.dma_semaphore, #tpu.memory_space<semaphore_mem>>, %arg17: memref<!tpu.dma_semaphore, #tpu.memory_space<semaphore_mem>>, %arg18: memref<!tpu.dma_semaphore, #tpu.memory_space<semaphore_mem>>, %arg19: memref<!tpu.dma_semaphore, #tpu.memory_space<semaphore_mem>>) attributes {dimension_semantics = [#tpu.dimension_semantics<core_parallel>, #tpu.dimension_semantics<subcore_parallel>], iteration_bounds = array<i64: 2, 16>, scalar_prefetch = 0 : i64, scratch_operands = 15 : i64, tpu.core_type = #tpu.core_type<sc_vector_subcore>, window_params = [{transform_indices = #map}, {transform_indices = #map}, {transform_indices = #map1}]} {
    %mul3A = arith.constant 2 : i32
    %mul3A_0 = arith.muli %arg1, %mul3A : i32
    %add3A = arith.addi %mul3A_0, %arg0 : i32
    %mul3A_1 = arith.constant 10000 : i32
    %mul3A_2 = arith.muli %add3A, %mul3A_1 : i32
    %add3A_3 = arith.constant 0 : i32
    %add3A_4 = arith.addi %mul3A_2, %add3A_3 : i32
    %dma_start3A = arith.constant 0 : i32
    %dma_start3A_5 = tpu.memref_slice %arg2[%dma_start3A, %add3A_4] : memref<2x320000xi32, #tpu.memory_space<hbm>> -> memref<1x2000xi32, #tpu.memory_space<hbm>>
    %dma_start3A_6 = tpu.memref_squeeze %dma_start3A_5 : memref<1x2000xi32, #tpu.memory_space<hbm>> -> memref<2000xi32, #tpu.memory_space<hbm>>
    %dma_start3A_7 = tpu.memref_slice %arg2[%dma_start3A, %add3A_4] : memref<2x320000xi32, #tpu.memory_space<hbm>> -> memref<1x2000xi32, #tpu.memory_space<hbm>>
    %dma_start3A_8 = tpu.memref_squeeze %dma_start3A_7 : memref<1x2000xi32, #tpu.memory_space<hbm>> -> memref<2000xi32, #tpu.memory_space<hbm>>
    tpu.enqueue_dma source(%dma_start3A_8 : memref<2000xi32, #tpu.memory_space<hbm>>) target(%arg5 : memref<2000xi32, #tpu.memory_space<vmem>>) target_semaphore(%arg14 : memref<!tpu.dma_semaphore, #tpu.memory_space<semaphore_mem>>)
    %add3A_9 = arith.constant 0 : i32
    %add3A_10 = arith.addi %mul3A_2, %add3A_9 : i32
    %dma_start3A_11 = arith.constant 1 : i32
    %dma_start3A_12 = tpu.memref_slice %arg2[%dma_start3A_11, %add3A_10] : memref<2x320000xi32, #tpu.memory_space<hbm>> -> memref<1x2000xi32, #tpu.memory_space<hbm>>
    %dma_start3A_13 = tpu.memref_squeeze %dma_start3A_12 : memref<1x2000xi32, #tpu.memory_space<hbm>> -> memref<2000xi32, #tpu.memory_space<hbm>>
    %dma_start3A_14 = tpu.memref_slice %arg2[%dma_start3A_11, %add3A_10] : memref<2x320000xi32, #tpu.memory_space<hbm>> -> memref<1x2000xi32, #tpu.memory_space<hbm>>
    %dma_start3A_15 = tpu.memref_squeeze %dma_start3A_14 : memref<1x2000xi32, #tpu.memory_space<hbm>> -> memref<2000xi32, #tpu.memory_space<hbm>>
    tpu.enqueue_dma source(%dma_start3A_15 : memref<2000xi32, #tpu.memory_space<hbm>>) target(%arg7 : memref<2000xi32, #tpu.memory_space<vmem>>) target_semaphore(%arg16 : memref<!tpu.dma_semaphore, #tpu.memory_space<semaphore_mem>>)
    %add3A_16 = arith.constant 2000 : i32
    %add3A_17 = arith.addi %mul3A_2, %add3A_16 : i32
    %dma_start3A_18 = arith.constant 0 : i32
    %dma_start3A_19 = tpu.memref_slice %arg2[%dma_start3A_18, %add3A_17] : memref<2x320000xi32, #tpu.memory_space<hbm>> -> memref<1x2000xi32, #tpu.memory_space<hbm>>
    %dma_start3A_20 = tpu.memref_squeeze %dma_start3A_19 : memref<1x2000xi32, #tpu.memory_space<hbm>> -> memref<2000xi32, #tpu.memory_space<hbm>>
    %dma_start3A_21 = tpu.memref_slice %arg2[%dma_start3A_18, %add3A_17] : memref<2x320000xi32, #tpu.memory_space<hbm>> -> memref<1x2000xi32, #tpu.memory_space<hbm>>
    %dma_start3A_22 = tpu.memref_squeeze %dma_start3A_21 : memref<1x2000xi32, #tpu.memory_space<hbm>> -> memref<2000xi32, #tpu.memory_space<hbm>>
    tpu.enqueue_dma source(%dma_start3A_22 : memref<2000xi32, #tpu.memory_space<hbm>>) target(%arg6 : memref<2000xi32, #tpu.memory_space<vmem>>) target_semaphore(%arg15 : memref<!tpu.dma_semaphore, #tpu.memory_space<semaphore_mem>>)
    %add3A_23 = arith.constant 2000 : i32
    %add3A_24 = arith.addi %mul3A_2, %add3A_23 : i32
    %dma_start3A_25 = arith.constant 1 : i32
    %dma_start3A_26 = tpu.memref_slice %arg2[%dma_start3A_25, %add3A_24] : memref<2x320000xi32, #tpu.memory_space<hbm>> -> memref<1x2000xi32, #tpu.memory_space<hbm>>
    %dma_start3A_27 = tpu.memref_squeeze %dma_start3A_26 : memref<1x2000xi32, #tpu.memory_space<hbm>> -> memref<2000xi32, #tpu.memory_space<hbm>>
    %dma_start3A_28 = tpu.memref_slice %arg2[%dma_start3A_25, %add3A_24] : memref<2x320000xi32, #tpu.memory_space<hbm>> -> memref<1x2000xi32, #tpu.memory_space<hbm>>
    %dma_start3A_29 = tpu.memref_squeeze %dma_start3A_28 : memref<1x2000xi32, #tpu.memory_space<hbm>> -> memref<2000xi32, #tpu.memory_space<hbm>>
    tpu.enqueue_dma source(%dma_start3A_29 : memref<2000xi32, #tpu.memory_space<hbm>>) target(%arg8 : memref<2000xi32, #tpu.memory_space<vmem>>) target_semaphore(%arg17 : memref<!tpu.dma_semaphore, #tpu.memory_space<semaphore_mem>>)
    %dma_wait3A = arith.constant 0 : i32
    %dma_wait3A_30 = tpu.memref_slice %arg2[%dma_wait3A, %add3A_4] : memref<2x320000xi32, #tpu.memory_space<hbm>> -> memref<1x2000xi32, #tpu.memory_space<hbm>>
    %dma_wait3A_31 = tpu.memref_squeeze %dma_wait3A_30 : memref<1x2000xi32, #tpu.memory_space<hbm>> -> memref<2000xi32, #tpu.memory_space<hbm>>
    %dma_wait3A_32 = tpu.memref_slice %arg2[%dma_wait3A, %add3A_4] : memref<2x320000xi32, #tpu.memory_space<hbm>> -> memref<1x2000xi32, #tpu.memory_space<hbm>>
    %dma_wait3A_33 = tpu.memref_squeeze %dma_wait3A_32 : memref<1x2000xi32, #tpu.memory_space<hbm>> -> memref<2000xi32, #tpu.memory_space<hbm>>
    tpu.wait_dma2 semaphore(%arg14 : memref<!tpu.dma_semaphore, #tpu.memory_space<semaphore_mem>>) src(%dma_wait3A_33 : memref<2000xi32, #tpu.memory_space<hbm>>) dst(%arg5 : memref<2000xi32, #tpu.memory_space<vmem>>)
    %dma_start3A_34 = arith.constant 0 : i32
    %dma_start3A_35 = arith.constant 0 : i32
    %dma_start3A_36 = tpu.memref_slice %arg3[%dma_start3A_34, %dma_start3A_35] : memref<10000x16xf32, #tpu.memory_space<hbm>> -> memref<10000x16xf32, #tpu.memory_space<hbm>>
    tpu.enqueue_indirect_dma source(%dma_start3A_36 : memref<10000x16xf32, #tpu.memory_space<hbm>>) target(%arg9 : memref<2000x16xf32, #tpu.memory_space<vmem>>) offsets(%arg5 : memref<2000xi32, #tpu.memory_space<vmem>>) semaphore(%arg18 : memref<!tpu.dma_semaphore, #tpu.memory_space<semaphore_mem>>)
    %scan3A = arith.constant 0 : i32
    %scan3A_37 = arith.constant 0 : i32
    %scan3A_38 = arith.constant 624 : i32
    %scan3A_39 = arith.addi %scan3A_37, %scan3A_38 : i32
    %scan3A_40 = arith.constant 1 : i32
    scf.for %scan3A_190 = %scan3A_37 to %scan3A_39 step %scan3A_40  : i32 {
      %broadcast_in_dim3A = arith.constant 0.000000e+00 : f32
      %broadcast_in_dim3A_191 = vector.broadcast %broadcast_in_dim3A : f32 to vector<16xf32>
      %swap3A = arith.index_cast %scan3A_190 : i32 to index
      %swap3A_192 = arith.constant 0 : index
      %swap3A_193 = tpu.vector_load %arg11[%swap3A, %swap3A_192] {strides = array<i32>} : memref<640x16xf32, #tpu.memory_space<vmem>>, vector<16xf32>,
      tpu.vector_store %arg11[%swap3A, %swap3A_192], %broadcast_in_dim3A_191 {strides = array<i32>} : memref<640x16xf32, #tpu.memory_space<vmem>>, vector<16xf32>,
    }
    %scan3A_41 = arith.constant 624 : i32
    %mul3A_42 = arith.constant 624 : i32
    %mul3A_43 = arith.muli %arg1, %mul3A_42 : i32
    "tpu.region"() ({
      %run_scoped3A = tpu.sem_alloc : memref<!tpu.dma_semaphore, #tpu.memory_space<semaphore_mem>>
      %dma_start3A_190 = arith.constant 0 : i32
      %dma_start3A_191 = arith.constant 0 : i32
      %dma_start3A_192 = tpu.memref_slice %arg11[%dma_start3A_190, %dma_start3A_191] : memref<640x16xf32, #tpu.memory_space<vmem>> -> memref<624x16xf32, #tpu.memory_space<vmem>>
      %dma_start3A_193 = arith.constant 0 : i32
      %dma_start3A_194 = tpu.memref_slice %arg13[%mul3A_43, %dma_start3A_193] : memref<10000x16xf32, #tpu.memory_space<vmem_shared>> -> memref<624x16xf32, #tpu.memory_space<vmem_shared>>
      %dma_start3A_195 = arith.constant 0 : i32
      %dma_start3A_196 = tpu.memref_slice %arg13[%mul3A_43, %dma_start3A_195] : memref<10000x16xf32, #tpu.memory_space<vmem_shared>> -> memref<624x16xf32, #tpu.memory_space<vmem_shared>>
      %dma_start3A_197 = arith.constant 0 : i32
      %dma_start3A_198 = arith.constant 0 : i32
      %dma_start3A_199 = tpu.memref_slice %arg11[%dma_start3A_197, %dma_start3A_198] : memref<640x16xf32, #tpu.memory_space<vmem>> -> memref<624x16xf32, #tpu.memory_space<vmem>>
      tpu.enqueue_dma source(%dma_start3A_199 : memref<624x16xf32, #tpu.memory_space<vmem>>) target(%dma_start3A_196 : memref<624x16xf32, #tpu.memory_space<vmem_shared>>) target_semaphore(%run_scoped3A : memref<!tpu.dma_semaphore, #tpu.memory_space<semaphore_mem>>)
      %dma_wait3A_200 = arith.constant 0 : i32
      %dma_wait3A_201 = arith.constant 0 : i32
      %dma_wait3A_202 = tpu.memref_slice %arg11[%dma_wait3A_200, %dma_wait3A_201] : memref<640x16xf32, #tpu.memory_space<vmem>> -> memref<624x16xf32, #tpu.memory_space<vmem>>
      %dma_wait3A_203 = arith.constant 0 : i32
      %dma_wait3A_204 = tpu.memref_slice %arg13[%mul3A_43, %dma_wait3A_203] : memref<10000x16xf32, #tpu.memory_space<vmem_shared>> -> memref<624x16xf32, #tpu.memory_space<vmem_shared>>
      %dma_wait3A_205 = arith.constant 0 : i32
      %dma_wait3A_206 = tpu.memref_slice %arg13[%mul3A_43, %dma_wait3A_205] : memref<10000x16xf32, #tpu.memory_space<vmem_shared>> -> memref<624x16xf32, #tpu.memory_space<vmem_shared>>
      %dma_wait3A_207 = arith.constant 0 : i32
      %dma_wait3A_208 = arith.constant 0 : i32
      %dma_wait3A_209 = tpu.memref_slice %arg11[%dma_wait3A_207, %dma_wait3A_208] : memref<640x16xf32, #tpu.memory_space<vmem>> -> memref<624x16xf32, #tpu.memory_space<vmem>>
      tpu.wait_dma2 semaphore(%run_scoped3A : memref<!tpu.dma_semaphore, #tpu.memory_space<semaphore_mem>>) src(%dma_wait3A_209 : memref<624x16xf32, #tpu.memory_space<vmem>>) dst(%dma_wait3A_206 : memref<624x16xf32, #tpu.memory_space<vmem_shared>>)
      tpu.yield
    }) : () -> ()
    %eq3A = arith.constant 15 : i32
    %eq3A_44 = arith.cmpi eq, %arg1, %eq3A : i32
    %convert_element_type3A = arith.extui %eq3A_44 : i1 to i32
    %cond3A = arith.constant 0 : i32
    %cond3A_45 = arith.cmpi ne, %convert_element_type3A, %cond3A : i32
    scf.if %cond3A_45 {
      "tpu.region"() ({
        %run_scoped3A = tpu.sem_alloc : memref<!tpu.dma_semaphore, #tpu.memory_space<semaphore_mem>>
        %dma_start3A_190 = arith.constant 0 : i32
        %dma_start3A_191 = arith.constant 0 : i32
        %dma_start3A_192 = tpu.memref_slice %arg11[%dma_start3A_190, %dma_start3A_191] : memref<640x16xf32, #tpu.memory_space<vmem>> -> memref<16x16xf32, #tpu.memory_space<vmem>>
        %dma_start3A_193 = arith.constant 9984 : i32
        %dma_start3A_194 = arith.constant 0 : i32
        %dma_start3A_195 = tpu.memref_slice %arg13[%dma_start3A_193, %dma_start3A_194] : memref<10000x16xf32, #tpu.memory_space<vmem_shared>> -> memref<16x16xf32, #tpu.memory_space<vmem_shared>>
        %dma_start3A_196 = arith.constant 9984 : i32
        %dma_start3A_197 = arith.constant 0 : i32
        %dma_start3A_198 = tpu.memref_slice %arg13[%dma_start3A_196, %dma_start3A_197] : memref<10000x16xf32, #tpu.memory_space<vmem_shared>> -> memref<16x16xf32, #tpu.memory_space<vmem_shared>>
        %dma_start3A_199 = arith.constant 0 : i32
        %dma_start3A_200 = arith.constant 0 : i32
        %dma_start3A_201 = tpu.memref_slice %arg11[%dma_start3A_199, %dma_start3A_200] : memref<640x16xf32, #tpu.memory_space<vmem>> -> memref<16x16xf32, #tpu.memory_space<vmem>>
        tpu.enqueue_dma source(%dma_start3A_201 : memref<16x16xf32, #tpu.memory_space<vmem>>) target(%dma_start3A_198 : memref<16x16xf32, #tpu.memory_space<vmem_shared>>) target_semaphore(%run_scoped3A : memref<!tpu.dma_semaphore, #tpu.memory_space<semaphore_mem>>)
        %dma_wait3A_202 = arith.constant 0 : i32
        %dma_wait3A_203 = arith.constant 0 : i32
        %dma_wait3A_204 = tpu.memref_slice %arg11[%dma_wait3A_202, %dma_wait3A_203] : memref<640x16xf32, #tpu.memory_space<vmem>> -> memref<16x16xf32, #tpu.memory_space<vmem>>
        %dma_wait3A_205 = arith.constant 9984 : i32
        %dma_wait3A_206 = arith.constant 0 : i32
        %dma_wait3A_207 = tpu.memref_slice %arg13[%dma_wait3A_205, %dma_wait3A_206] : memref<10000x16xf32, #tpu.memory_space<vmem_shared>> -> memref<16x16xf32, #tpu.memory_space<vmem_shared>>
        %dma_wait3A_208 = arith.constant 9984 : i32
        %dma_wait3A_209 = arith.constant 0 : i32
        %dma_wait3A_210 = tpu.memref_slice %arg13[%dma_wait3A_208, %dma_wait3A_209] : memref<10000x16xf32, #tpu.memory_space<vmem_shared>> -> memref<16x16xf32, #tpu.memory_space<vmem_shared>>
        %dma_wait3A_211 = arith.constant 0 : i32
        %dma_wait3A_212 = arith.constant 0 : i32
        %dma_wait3A_213 = tpu.memref_slice %arg11[%dma_wait3A_211, %dma_wait3A_212] : memref<640x16xf32, #tpu.memory_space<vmem>> -> memref<16x16xf32, #tpu.memory_space<vmem>>
        tpu.wait_dma2 semaphore(%run_scoped3A : memref<!tpu.dma_semaphore, #tpu.memory_space<semaphore_mem>>) src(%dma_wait3A_213 : memref<16x16xf32, #tpu.memory_space<vmem>>) dst(%dma_wait3A_210 : memref<16x16xf32, #tpu.memory_space<vmem_shared>>)
        tpu.yield
      }) : () -> ()
    } else {
    }
    %barrier3A = arith.constant 0 : index
    tpu.barrier barrier_id(%barrier3A)
    %dma_wait3A_46 = arith.constant 0 : i32
    %dma_wait3A_47 = tpu.memref_slice %arg2[%dma_wait3A_46, %add3A_17] : memref<2x320000xi32, #tpu.memory_space<hbm>> -> memref<1x2000xi32, #tpu.memory_space<hbm>>
    %dma_wait3A_48 = tpu.memref_squeeze %dma_wait3A_47 : memref<1x2000xi32, #tpu.memory_space<hbm>> -> memref<2000xi32, #tpu.memory_space<hbm>>
    %dma_wait3A_49 = tpu.memref_slice %arg2[%dma_wait3A_46, %add3A_17] : memref<2x320000xi32, #tpu.memory_space<hbm>> -> memref<1x2000xi32, #tpu.memory_space<hbm>>
    %dma_wait3A_50 = tpu.memref_squeeze %dma_wait3A_49 : memref<1x2000xi32, #tpu.memory_space<hbm>> -> memref<2000xi32, #tpu.memory_space<hbm>>
    tpu.wait_dma2 semaphore(%arg15 : memref<!tpu.dma_semaphore, #tpu.memory_space<semaphore_mem>>) src(%dma_wait3A_50 : memref<2000xi32, #tpu.memory_space<hbm>>) dst(%arg6 : memref<2000xi32, #tpu.memory_space<vmem>>)
    %dma_start3A_51 = arith.constant 0 : i32
    %dma_start3A_52 = arith.constant 0 : i32
    %dma_start3A_53 = tpu.memref_slice %arg3[%dma_start3A_51, %dma_start3A_52] : memref<10000x16xf32, #tpu.memory_space<hbm>> -> memref<10000x16xf32, #tpu.memory_space<hbm>>
    tpu.enqueue_indirect_dma source(%dma_start3A_53 : memref<10000x16xf32, #tpu.memory_space<hbm>>) target(%arg10 : memref<2000x16xf32, #tpu.memory_space<vmem>>) offsets(%arg6 : memref<2000xi32, #tpu.memory_space<vmem>>) semaphore(%arg19 : memref<!tpu.dma_semaphore, #tpu.memory_space<semaphore_mem>>)
    %dma_wait3A_54 = arith.constant 0 : i32
    %dma_wait3A_55 = arith.constant 0 : i32
    %dma_wait3A_56 = tpu.memref_slice %arg3[%dma_wait3A_54, %dma_wait3A_55] : memref<10000x16xf32, #tpu.memory_space<hbm>> -> memref<10000x16xf32, #tpu.memory_space<hbm>>
    tpu.wait_indirect_dma semaphore(%arg18 : memref<!tpu.dma_semaphore, #tpu.memory_space<semaphore_mem>>) src(%dma_wait3A_56 : memref<10000x16xf32, #tpu.memory_space<hbm>>) dst(%arg9 : memref<2000x16xf32, #tpu.memory_space<vmem>>)
    %dma_wait3A_57 = arith.constant 1 : i32
    %dma_wait3A_58 = tpu.memref_slice %arg2[%dma_wait3A_57, %add3A_10] : memref<2x320000xi32, #tpu.memory_space<hbm>> -> memref<1x2000xi32, #tpu.memory_space<hbm>>
    %dma_wait3A_59 = tpu.memref_squeeze %dma_wait3A_58 : memref<1x2000xi32, #tpu.memory_space<hbm>> -> memref<2000xi32, #tpu.memory_space<hbm>>
    %dma_wait3A_60 = tpu.memref_slice %arg2[%dma_wait3A_57, %add3A_10] : memref<2x320000xi32, #tpu.memory_space<hbm>> -> memref<1x2000xi32, #tpu.memory_space<hbm>>
    %dma_wait3A_61 = tpu.memref_squeeze %dma_wait3A_60 : memref<1x2000xi32, #tpu.memory_space<hbm>> -> memref<2000xi32, #tpu.memory_space<hbm>>
    tpu.wait_dma2 semaphore(%arg16 : memref<!tpu.dma_semaphore, #tpu.memory_space<semaphore_mem>>) src(%dma_wait3A_61 : memref<2000xi32, #tpu.memory_space<hbm>>) dst(%arg7 : memref<2000xi32, #tpu.memory_space<vmem>>)
    "tpu.region"() ({
      %run_scoped3A = tpu.sem_alloc : memref<!tpu.dma_semaphore, #tpu.memory_space<semaphore_mem>>
      %dma_start3A_190 = arith.constant 0 : i32
      %dma_start3A_191 = arith.constant 0 : i32
      %dma_start3A_192 = tpu.memref_slice %arg13[%dma_start3A_190, %dma_start3A_191] : memref<10000x16xf32, #tpu.memory_space<vmem_shared>> -> memref<10000x16xf32, #tpu.memory_space<vmem_shared>>
      tpu.enqueue_indirect_dma source(%arg9 : memref<2000x16xf32, #tpu.memory_space<vmem>>) target(%dma_start3A_192 : memref<10000x16xf32, #tpu.memory_space<vmem_shared>>) offsets(%arg7 : memref<2000xi32, #tpu.memory_space<vmem>>) semaphore(%run_scoped3A : memref<!tpu.dma_semaphore, #tpu.memory_space<semaphore_mem>>) {add = true}
      %dma_wait3A_193 = arith.constant 0 : i32
      %dma_wait3A_194 = arith.constant 0 : i32
      %dma_wait3A_195 = tpu.memref_slice %arg13[%dma_wait3A_193, %dma_wait3A_194] : memref<10000x16xf32, #tpu.memory_space<vmem_shared>> -> memref<10000x16xf32, #tpu.memory_space<vmem_shared>>
      tpu.wait_indirect_dma semaphore(%run_scoped3A : memref<!tpu.dma_semaphore, #tpu.memory_space<semaphore_mem>>) src(%arg9 : memref<2000x16xf32, #tpu.memory_space<vmem>>) dst(%dma_wait3A_195 : memref<10000x16xf32, #tpu.memory_space<vmem_shared>>)
      tpu.yield
    }) : () -> ()
    %add3A_62 = arith.constant 4000 : i32
    %add3A_63 = arith.addi %mul3A_2, %add3A_62 : i32
    %dma_start3A_64 = arith.constant 0 : i32
    %dma_start3A_65 = tpu.memref_slice %arg2[%dma_start3A_64, %add3A_63] : memref<2x320000xi32, #tpu.memory_space<hbm>> -> memref<1x2000xi32, #tpu.memory_space<hbm>>
    %dma_start3A_66 = tpu.memref_squeeze %dma_start3A_65 : memref<1x2000xi32, #tpu.memory_space<hbm>> -> memref<2000xi32, #tpu.memory_space<hbm>>
    %dma_start3A_67 = tpu.memref_slice %arg2[%dma_start3A_64, %add3A_63] : memref<2x320000xi32, #tpu.memory_space<hbm>> -> memref<1x2000xi32, #tpu.memory_space<hbm>>
    %dma_start3A_68 = tpu.memref_squeeze %dma_start3A_67 : memref<1x2000xi32, #tpu.memory_space<hbm>> -> memref<2000xi32, #tpu.memory_space<hbm>>
    tpu.enqueue_dma source(%dma_start3A_68 : memref<2000xi32, #tpu.memory_space<hbm>>) target(%arg5 : memref<2000xi32, #tpu.memory_space<vmem>>) target_semaphore(%arg14 : memref<!tpu.dma_semaphore, #tpu.memory_space<semaphore_mem>>)
    %add3A_69 = arith.constant 4000 : i32
    %add3A_70 = arith.addi %mul3A_2, %add3A_69 : i32
    %dma_start3A_71 = arith.constant 1 : i32
    %dma_start3A_72 = tpu.memref_slice %arg2[%dma_start3A_71, %add3A_70] : memref<2x320000xi32, #tpu.memory_space<hbm>> -> memref<1x2000xi32, #tpu.memory_space<hbm>>
    %dma_start3A_73 = tpu.memref_squeeze %dma_start3A_72 : memref<1x2000xi32, #tpu.memory_space<hbm>> -> memref<2000xi32, #tpu.memory_space<hbm>>
    %dma_start3A_74 = tpu.memref_slice %arg2[%dma_start3A_71, %add3A_70] : memref<2x320000xi32, #tpu.memory_space<hbm>> -> memref<1x2000xi32, #tpu.memory_space<hbm>>
    %dma_start3A_75 = tpu.memref_squeeze %dma_start3A_74 : memref<1x2000xi32, #tpu.memory_space<hbm>> -> memref<2000xi32, #tpu.memory_space<hbm>>
    tpu.enqueue_dma source(%dma_start3A_75 : memref<2000xi32, #tpu.memory_space<hbm>>) target(%arg7 : memref<2000xi32, #tpu.memory_space<vmem>>) target_semaphore(%arg16 : memref<!tpu.dma_semaphore, #tpu.memory_space<semaphore_mem>>)
    %dma_wait3A_76 = arith.constant 0 : i32
    %dma_wait3A_77 = tpu.memref_slice %arg2[%dma_wait3A_76, %add3A_63] : memref<2x320000xi32, #tpu.memory_space<hbm>> -> memref<1x2000xi32, #tpu.memory_space<hbm>>
    %dma_wait3A_78 = tpu.memref_squeeze %dma_wait3A_77 : memref<1x2000xi32, #tpu.memory_space<hbm>> -> memref<2000xi32, #tpu.memory_space<hbm>>
    %dma_wait3A_79 = tpu.memref_slice %arg2[%dma_wait3A_76, %add3A_63] : memref<2x320000xi32, #tpu.memory_space<hbm>> -> memref<1x2000xi32, #tpu.memory_space<hbm>>
    %dma_wait3A_80 = tpu.memref_squeeze %dma_wait3A_79 : memref<1x2000xi32, #tpu.memory_space<hbm>> -> memref<2000xi32, #tpu.memory_space<hbm>>
    tpu.wait_dma2 semaphore(%arg14 : memref<!tpu.dma_semaphore, #tpu.memory_space<semaphore_mem>>) src(%dma_wait3A_80 : memref<2000xi32, #tpu.memory_space<hbm>>) dst(%arg5 : memref<2000xi32, #tpu.memory_space<vmem>>)
    %dma_start3A_81 = arith.constant 0 : i32
    %dma_start3A_82 = arith.constant 0 : i32
    %dma_start3A_83 = tpu.memref_slice %arg3[%dma_start3A_81, %dma_start3A_82] : memref<10000x16xf32, #tpu.memory_space<hbm>> -> memref<10000x16xf32, #tpu.memory_space<hbm>>
    tpu.enqueue_indirect_dma source(%dma_start3A_83 : memref<10000x16xf32, #tpu.memory_space<hbm>>) target(%arg9 : memref<2000x16xf32, #tpu.memory_space<vmem>>) offsets(%arg5 : memref<2000xi32, #tpu.memory_space<vmem>>) semaphore(%arg18 : memref<!tpu.dma_semaphore, #tpu.memory_space<semaphore_mem>>)
    %dma_wait3A_84 = arith.constant 0 : i32
    %dma_wait3A_85 = arith.constant 0 : i32
    %dma_wait3A_86 = tpu.memref_slice %arg3[%dma_wait3A_84, %dma_wait3A_85] : memref<10000x16xf32, #tpu.memory_space<hbm>> -> memref<10000x16xf32, #tpu.memory_space<hbm>>
    tpu.wait_indirect_dma semaphore(%arg19 : memref<!tpu.dma_semaphore, #tpu.memory_space<semaphore_mem>>) src(%dma_wait3A_86 : memref<10000x16xf32, #tpu.memory_space<hbm>>) dst(%arg10 : memref<2000x16xf32, #tpu.memory_space<vmem>>)
    %dma_wait3A_87 = arith.constant 1 : i32
    %dma_wait3A_88 = tpu.memref_slice %arg2[%dma_wait3A_87, %add3A_24] : memref<2x320000xi32, #tpu.memory_space<hbm>> -> memref<1x2000xi32, #tpu.memory_space<hbm>>
    %dma_wait3A_89 = tpu.memref_squeeze %dma_wait3A_88 : memref<1x2000xi32, #tpu.memory_space<hbm>> -> memref<2000xi32, #tpu.memory_space<hbm>>
    %dma_wait3A_90 = tpu.memref_slice %arg2[%dma_wait3A_87, %add3A_24] : memref<2x320000xi32, #tpu.memory_space<hbm>> -> memref<1x2000xi32, #tpu.memory_space<hbm>>
    %dma_wait3A_91 = tpu.memref_squeeze %dma_wait3A_90 : memref<1x2000xi32, #tpu.memory_space<hbm>> -> memref<2000xi32, #tpu.memory_space<hbm>>
    tpu.wait_dma2 semaphore(%arg17 : memref<!tpu.dma_semaphore, #tpu.memory_space<semaphore_mem>>) src(%dma_wait3A_91 : memref<2000xi32, #tpu.memory_space<hbm>>) dst(%arg8 : memref<2000xi32, #tpu.memory_space<vmem>>)
    "tpu.region"() ({
      %run_scoped3A = tpu.sem_alloc : memref<!tpu.dma_semaphore, #tpu.memory_space<semaphore_mem>>
      %dma_start3A_190 = arith.constant 0 : i32
      %dma_start3A_191 = arith.constant 0 : i32
      %dma_start3A_192 = tpu.memref_slice %arg13[%dma_start3A_190, %dma_start3A_191] : memref<10000x16xf32, #tpu.memory_space<vmem_shared>> -> memref<10000x16xf32, #tpu.memory_space<vmem_shared>>
      tpu.enqueue_indirect_dma source(%arg10 : memref<2000x16xf32, #tpu.memory_space<vmem>>) target(%dma_start3A_192 : memref<10000x16xf32, #tpu.memory_space<vmem_shared>>) offsets(%arg8 : memref<2000xi32, #tpu.memory_space<vmem>>) semaphore(%run_scoped3A : memref<!tpu.dma_semaphore, #tpu.memory_space<semaphore_mem>>) {add = true}
      %dma_wait3A_193 = arith.constant 0 : i32
      %dma_wait3A_194 = arith.constant 0 : i32
      %dma_wait3A_195 = tpu.memref_slice %arg13[%dma_wait3A_193, %dma_wait3A_194] : memref<10000x16xf32, #tpu.memory_space<vmem_shared>> -> memref<10000x16xf32, #tpu.memory_space<vmem_shared>>
      tpu.wait_indirect_dma semaphore(%run_scoped3A : memref<!tpu.dma_semaphore, #tpu.memory_space<semaphore_mem>>) src(%arg10 : memref<2000x16xf32, #tpu.memory_space<vmem>>) dst(%dma_wait3A_195 : memref<10000x16xf32, #tpu.memory_space<vmem_shared>>)
      tpu.yield
    }) : () -> ()
    %add3A_92 = arith.constant 6000 : i32
    %add3A_93 = arith.addi %mul3A_2, %add3A_92 : i32
    %dma_start3A_94 = arith.constant 0 : i32
    %dma_start3A_95 = tpu.memref_slice %arg2[%dma_start3A_94, %add3A_93] : memref<2x320000xi32, #tpu.memory_space<hbm>> -> memref<1x2000xi32, #tpu.memory_space<hbm>>
    %dma_start3A_96 = tpu.memref_squeeze %dma_start3A_95 : memref<1x2000xi32, #tpu.memory_space<hbm>> -> memref<2000xi32, #tpu.memory_space<hbm>>
    %dma_start3A_97 = tpu.memref_slice %arg2[%dma_start3A_94, %add3A_93] : memref<2x320000xi32, #tpu.memory_space<hbm>> -> memref<1x2000xi32, #tpu.memory_space<hbm>>
    %dma_start3A_98 = tpu.memref_squeeze %dma_start3A_97 : memref<1x2000xi32, #tpu.memory_space<hbm>> -> memref<2000xi32, #tpu.memory_space<hbm>>
    tpu.enqueue_dma source(%dma_start3A_98 : memref<2000xi32, #tpu.memory_space<hbm>>) target(%arg6 : memref<2000xi32, #tpu.memory_space<vmem>>) target_semaphore(%arg15 : memref<!tpu.dma_semaphore, #tpu.memory_space<semaphore_mem>>)
    %add3A_99 = arith.constant 6000 : i32
    %add3A_100 = arith.addi %mul3A_2, %add3A_99 : i32
    %dma_start3A_101 = arith.constant 1 : i32
    %dma_start3A_102 = tpu.memref_slice %arg2[%dma_start3A_101, %add3A_100] : memref<2x320000xi32, #tpu.memory_space<hbm>> -> memref<1x2000xi32, #tpu.memory_space<hbm>>
    %dma_start3A_103 = tpu.memref_squeeze %dma_start3A_102 : memref<1x2000xi32, #tpu.memory_space<hbm>> -> memref<2000xi32, #tpu.memory_space<hbm>>
    %dma_start3A_104 = tpu.memref_slice %arg2[%dma_start3A_101, %add3A_100] : memref<2x320000xi32, #tpu.memory_space<hbm>> -> memref<1x2000xi32, #tpu.memory_space<hbm>>
    %dma_start3A_105 = tpu.memref_squeeze %dma_start3A_104 : memref<1x2000xi32, #tpu.memory_space<hbm>> -> memref<2000xi32, #tpu.memory_space<hbm>>
    tpu.enqueue_dma source(%dma_start3A_105 : memref<2000xi32, #tpu.memory_space<hbm>>) target(%arg8 : memref<2000xi32, #tpu.memory_space<vmem>>) target_semaphore(%arg17 : memref<!tpu.dma_semaphore, #tpu.memory_space<semaphore_mem>>)
    %dma_wait3A_106 = arith.constant 0 : i32
    %dma_wait3A_107 = tpu.memref_slice %arg2[%dma_wait3A_106, %add3A_93] : memref<2x320000xi32, #tpu.memory_space<hbm>> -> memref<1x2000xi32, #tpu.memory_space<hbm>>
    %dma_wait3A_108 = tpu.memref_squeeze %dma_wait3A_107 : memref<1x2000xi32, #tpu.memory_space<hbm>> -> memref<2000xi32, #tpu.memory_space<hbm>>
    %dma_wait3A_109 = tpu.memref_slice %arg2[%dma_wait3A_106, %add3A_93] : memref<2x320000xi32, #tpu.memory_space<hbm>> -> memref<1x2000xi32, #tpu.memory_space<hbm>>
    %dma_wait3A_110 = tpu.memref_squeeze %dma_wait3A_109 : memref<1x2000xi32, #tpu.memory_space<hbm>> -> memref<2000xi32, #tpu.memory_space<hbm>>
    tpu.wait_dma2 semaphore(%arg15 : memref<!tpu.dma_semaphore, #tpu.memory_space<semaphore_mem>>) src(%dma_wait3A_110 : memref<2000xi32, #tpu.memory_space<hbm>>) dst(%arg6 : memref<2000xi32, #tpu.memory_space<vmem>>)
    %dma_start3A_111 = arith.constant 0 : i32
    %dma_start3A_112 = arith.constant 0 : i32
    %dma_start3A_113 = tpu.memref_slice %arg3[%dma_start3A_111, %dma_start3A_112] : memref<10000x16xf32, #tpu.memory_space<hbm>> -> memref<10000x16xf32, #tpu.memory_space<hbm>>
    tpu.enqueue_indirect_dma source(%dma_start3A_113 : memref<10000x16xf32, #tpu.memory_space<hbm>>) target(%arg10 : memref<2000x16xf32, #tpu.memory_space<vmem>>) offsets(%arg6 : memref<2000xi32, #tpu.memory_space<vmem>>) semaphore(%arg19 : memref<!tpu.dma_semaphore, #tpu.memory_space<semaphore_mem>>)
    %dma_wait3A_114 = arith.constant 0 : i32
    %dma_wait3A_115 = arith.constant 0 : i32
    %dma_wait3A_116 = tpu.memref_slice %arg3[%dma_wait3A_114, %dma_wait3A_115] : memref<10000x16xf32, #tpu.memory_space<hbm>> -> memref<10000x16xf32, #tpu.memory_space<hbm>>
    tpu.wait_indirect_dma semaphore(%arg18 : memref<!tpu.dma_semaphore, #tpu.memory_space<semaphore_mem>>) src(%dma_wait3A_116 : memref<10000x16xf32, #tpu.memory_space<hbm>>) dst(%arg9 : memref<2000x16xf32, #tpu.memory_space<vmem>>)
    %dma_wait3A_117 = arith.constant 1 : i32
    %dma_wait3A_118 = tpu.memref_slice %arg2[%dma_wait3A_117, %add3A_70] : memref<2x320000xi32, #tpu.memory_space<hbm>> -> memref<1x2000xi32, #tpu.memory_space<hbm>>
    %dma_wait3A_119 = tpu.memref_squeeze %dma_wait3A_118 : memref<1x2000xi32, #tpu.memory_space<hbm>> -> memref<2000xi32, #tpu.memory_space<hbm>>
    %dma_wait3A_120 = tpu.memref_slice %arg2[%dma_wait3A_117, %add3A_70] : memref<2x320000xi32, #tpu.memory_space<hbm>> -> memref<1x2000xi32, #tpu.memory_space<hbm>>
    %dma_wait3A_121 = tpu.memref_squeeze %dma_wait3A_120 : memref<1x2000xi32, #tpu.memory_space<hbm>> -> memref<2000xi32, #tpu.memory_space<hbm>>
    tpu.wait_dma2 semaphore(%arg16 : memref<!tpu.dma_semaphore, #tpu.memory_space<semaphore_mem>>) src(%dma_wait3A_121 : memref<2000xi32, #tpu.memory_space<hbm>>) dst(%arg7 : memref<2000xi32, #tpu.memory_space<vmem>>)
    "tpu.region"() ({
      %run_scoped3A = tpu.sem_alloc : memref<!tpu.dma_semaphore, #tpu.memory_space<semaphore_mem>>
      %dma_start3A_190 = arith.constant 0 : i32
      %dma_start3A_191 = arith.constant 0 : i32
      %dma_start3A_192 = tpu.memref_slice %arg13[%dma_start3A_190, %dma_start3A_191] : memref<10000x16xf32, #tpu.memory_space<vmem_shared>> -> memref<10000x16xf32, #tpu.memory_space<vmem_shared>>
      tpu.enqueue_indirect_dma source(%arg9 : memref<2000x16xf32, #tpu.memory_space<vmem>>) target(%dma_start3A_192 : memref<10000x16xf32, #tpu.memory_space<vmem_shared>>) offsets(%arg7 : memref<2000xi32, #tpu.memory_space<vmem>>) semaphore(%run_scoped3A : memref<!tpu.dma_semaphore, #tpu.memory_space<semaphore_mem>>) {add = true}
      %dma_wait3A_193 = arith.constant 0 : i32
      %dma_wait3A_194 = arith.constant 0 : i32
      %dma_wait3A_195 = tpu.memref_slice %arg13[%dma_wait3A_193, %dma_wait3A_194] : memref<10000x16xf32, #tpu.memory_space<vmem_shared>> -> memref<10000x16xf32, #tpu.memory_space<vmem_shared>>
      tpu.wait_indirect_dma semaphore(%run_scoped3A : memref<!tpu.dma_semaphore, #tpu.memory_space<semaphore_mem>>) src(%arg9 : memref<2000x16xf32, #tpu.memory_space<vmem>>) dst(%dma_wait3A_195 : memref<10000x16xf32, #tpu.memory_space<vmem_shared>>)
      tpu.yield
    }) : () -> ()
    %add3A_122 = arith.constant 8000 : i32
    %add3A_123 = arith.addi %mul3A_2, %add3A_122 : i32
    %dma_start3A_124 = arith.constant 0 : i32
    %dma_start3A_125 = tpu.memref_slice %arg2[%dma_start3A_124, %add3A_123] : memref<2x320000xi32, #tpu.memory_space<hbm>> -> memref<1x2000xi32, #tpu.memory_space<hbm>>
    %dma_start3A_126 = tpu.memref_squeeze %dma_start3A_125 : memref<1x2000xi32, #tpu.memory_space<hbm>> -> memref<2000xi32, #tpu.memory_space<hbm>>
    %dma_start3A_127 = tpu.memref_slice %arg2[%dma_start3A_124, %add3A_123] : memref<2x320000xi32, #tpu.memory_space<hbm>> -> memref<1x2000xi32, #tpu.memory_space<hbm>>
    %dma_start3A_128 = tpu.memref_squeeze %dma_start3A_127 : memref<1x2000xi32, #tpu.memory_space<hbm>> -> memref<2000xi32, #tpu.memory_space<hbm>>
    tpu.enqueue_dma source(%dma_start3A_128 : memref<2000xi32, #tpu.memory_space<hbm>>) target(%arg5 : memref<2000xi32, #tpu.memory_space<vmem>>) target_semaphore(%arg14 : memref<!tpu.dma_semaphore, #tpu.memory_space<semaphore_mem>>)
    %add3A_129 = arith.constant 8000 : i32
    %add3A_130 = arith.addi %mul3A_2, %add3A_129 : i32
    %dma_start3A_131 = arith.constant 1 : i32
    %dma_start3A_132 = tpu.memref_slice %arg2[%dma_start3A_131, %add3A_130] : memref<2x320000xi32, #tpu.memory_space<hbm>> -> memref<1x2000xi32, #tpu.memory_space<hbm>>
    %dma_start3A_133 = tpu.memref_squeeze %dma_start3A_132 : memref<1x2000xi32, #tpu.memory_space<hbm>> -> memref<2000xi32, #tpu.memory_space<hbm>>
    %dma_start3A_134 = tpu.memref_slice %arg2[%dma_start3A_131, %add3A_130] : memref<2x320000xi32, #tpu.memory_space<hbm>> -> memref<1x2000xi32, #tpu.memory_space<hbm>>
    %dma_start3A_135 = tpu.memref_squeeze %dma_start3A_134 : memref<1x2000xi32, #tpu.memory_space<hbm>> -> memref<2000xi32, #tpu.memory_space<hbm>>
    tpu.enqueue_dma source(%dma_start3A_135 : memref<2000xi32, #tpu.memory_space<hbm>>) target(%arg7 : memref<2000xi32, #tpu.memory_space<vmem>>) target_semaphore(%arg16 : memref<!tpu.dma_semaphore, #tpu.memory_space<semaphore_mem>>)
    %dma_wait3A_136 = arith.constant 0 : i32
    %dma_wait3A_137 = tpu.memref_slice %arg2[%dma_wait3A_136, %add3A_123] : memref<2x320000xi32, #tpu.memory_space<hbm>> -> memref<1x2000xi32, #tpu.memory_space<hbm>>
    %dma_wait3A_138 = tpu.memref_squeeze %dma_wait3A_137 : memref<1x2000xi32, #tpu.memory_space<hbm>> -> memref<2000xi32, #tpu.memory_space<hbm>>
    %dma_wait3A_139 = tpu.memref_slice %arg2[%dma_wait3A_136, %add3A_123] : memref<2x320000xi32, #tpu.memory_space<hbm>> -> memref<1x2000xi32, #tpu.memory_space<hbm>>
    %dma_wait3A_140 = tpu.memref_squeeze %dma_wait3A_139 : memref<1x2000xi32, #tpu.memory_space<hbm>> -> memref<2000xi32, #tpu.memory_space<hbm>>
    tpu.wait_dma2 semaphore(%arg14 : memref<!tpu.dma_semaphore, #tpu.memory_space<semaphore_mem>>) src(%dma_wait3A_140 : memref<2000xi32, #tpu.memory_space<hbm>>) dst(%arg5 : memref<2000xi32, #tpu.memory_space<vmem>>)
    %dma_start3A_141 = arith.constant 0 : i32
    %dma_start3A_142 = arith.constant 0 : i32
    %dma_start3A_143 = tpu.memref_slice %arg3[%dma_start3A_141, %dma_start3A_142] : memref<10000x16xf32, #tpu.memory_space<hbm>> -> memref<10000x16xf32, #tpu.memory_space<hbm>>
    tpu.enqueue_indirect_dma source(%dma_start3A_143 : memref<10000x16xf32, #tpu.memory_space<hbm>>) target(%arg9 : memref<2000x16xf32, #tpu.memory_space<vmem>>) offsets(%arg5 : memref<2000xi32, #tpu.memory_space<vmem>>) semaphore(%arg18 : memref<!tpu.dma_semaphore, #tpu.memory_space<semaphore_mem>>)
    %dma_wait3A_144 = arith.constant 0 : i32
    %dma_wait3A_145 = arith.constant 0 : i32
    %dma_wait3A_146 = tpu.memref_slice %arg3[%dma_wait3A_144, %dma_wait3A_145] : memref<10000x16xf32, #tpu.memory_space<hbm>> -> memref<10000x16xf32, #tpu.memory_space<hbm>>
    tpu.wait_indirect_dma semaphore(%arg19 : memref<!tpu.dma_semaphore, #tpu.memory_space<semaphore_mem>>) src(%dma_wait3A_146 : memref<10000x16xf32, #tpu.memory_space<hbm>>) dst(%arg10 : memref<2000x16xf32, #tpu.memory_space<vmem>>)
    %dma_wait3A_147 = arith.constant 1 : i32
    %dma_wait3A_148 = tpu.memref_slice %arg2[%dma_wait3A_147, %add3A_100] : memref<2x320000xi32, #tpu.memory_space<hbm>> -> memref<1x2000xi32, #tpu.memory_space<hbm>>
    %dma_wait3A_149 = tpu.memref_squeeze %dma_wait3A_148 : memref<1x2000xi32, #tpu.memory_space<hbm>> -> memref<2000xi32, #tpu.memory_space<hbm>>
    %dma_wait3A_150 = tpu.memref_slice %arg2[%dma_wait3A_147, %add3A_100] : memref<2x320000xi32, #tpu.memory_space<hbm>> -> memref<1x2000xi32, #tpu.memory_space<hbm>>
    %dma_wait3A_151 = tpu.memref_squeeze %dma_wait3A_150 : memref<1x2000xi32, #tpu.memory_space<hbm>> -> memref<2000xi32, #tpu.memory_space<hbm>>
    tpu.wait_dma2 semaphore(%arg17 : memref<!tpu.dma_semaphore, #tpu.memory_space<semaphore_mem>>) src(%dma_wait3A_151 : memref<2000xi32, #tpu.memory_space<hbm>>) dst(%arg8 : memref<2000xi32, #tpu.memory_space<vmem>>)
    "tpu.region"() ({
      %run_scoped3A = tpu.sem_alloc : memref<!tpu.dma_semaphore, #tpu.memory_space<semaphore_mem>>
      %dma_start3A_190 = arith.constant 0 : i32
      %dma_start3A_191 = arith.constant 0 : i32
      %dma_start3A_192 = tpu.memref_slice %arg13[%dma_start3A_190, %dma_start3A_191] : memref<10000x16xf32, #tpu.memory_space<vmem_shared>> -> memref<10000x16xf32, #tpu.memory_space<vmem_shared>>
      tpu.enqueue_indirect_dma source(%arg10 : memref<2000x16xf32, #tpu.memory_space<vmem>>) target(%dma_start3A_192 : memref<10000x16xf32, #tpu.memory_space<vmem_shared>>) offsets(%arg8 : memref<2000xi32, #tpu.memory_space<vmem>>) semaphore(%run_scoped3A : memref<!tpu.dma_semaphore, #tpu.memory_space<semaphore_mem>>) {add = true}
      %dma_wait3A_193 = arith.constant 0 : i32
      %dma_wait3A_194 = arith.constant 0 : i32
      %dma_wait3A_195 = tpu.memref_slice %arg13[%dma_wait3A_193, %dma_wait3A_194] : memref<10000x16xf32, #tpu.memory_space<vmem_shared>> -> memref<10000x16xf32, #tpu.memory_space<vmem_shared>>
      tpu.wait_indirect_dma semaphore(%run_scoped3A : memref<!tpu.dma_semaphore, #tpu.memory_space<semaphore_mem>>) src(%arg10 : memref<2000x16xf32, #tpu.memory_space<vmem>>) dst(%dma_wait3A_195 : memref<10000x16xf32, #tpu.memory_space<vmem_shared>>)
      tpu.yield
    }) : () -> ()
    %dma_wait3A_152 = arith.constant 0 : i32
    %dma_wait3A_153 = arith.constant 0 : i32
    %dma_wait3A_154 = tpu.memref_slice %arg3[%dma_wait3A_152, %dma_wait3A_153] : memref<10000x16xf32, #tpu.memory_space<hbm>> -> memref<10000x16xf32, #tpu.memory_space<hbm>>
    tpu.wait_indirect_dma semaphore(%arg18 : memref<!tpu.dma_semaphore, #tpu.memory_space<semaphore_mem>>) src(%dma_wait3A_154 : memref<10000x16xf32, #tpu.memory_space<hbm>>) dst(%arg9 : memref<2000x16xf32, #tpu.memory_space<vmem>>)
    %dma_wait3A_155 = arith.constant 1 : i32
    %dma_wait3A_156 = tpu.memref_slice %arg2[%dma_wait3A_155, %add3A_130] : memref<2x320000xi32, #tpu.memory_space<hbm>> -> memref<1x2000xi32, #tpu.memory_space<hbm>>
    %dma_wait3A_157 = tpu.memref_squeeze %dma_wait3A_156 : memref<1x2000xi32, #tpu.memory_space<hbm>> -> memref<2000xi32, #tpu.memory_space<hbm>>
    %dma_wait3A_158 = tpu.memref_slice %arg2[%dma_wait3A_155, %add3A_130] : memref<2x320000xi32, #tpu.memory_space<hbm>> -> memref<1x2000xi32, #tpu.memory_space<hbm>>
    %dma_wait3A_159 = tpu.memref_squeeze %dma_wait3A_158 : memref<1x2000xi32, #tpu.memory_space<hbm>> -> memref<2000xi32, #tpu.memory_space<hbm>>
    tpu.wait_dma2 semaphore(%arg16 : memref<!tpu.dma_semaphore, #tpu.memory_space<semaphore_mem>>) src(%dma_wait3A_159 : memref<2000xi32, #tpu.memory_space<hbm>>) dst(%arg7 : memref<2000xi32, #tpu.memory_space<vmem>>)
    "tpu.region"() ({
      %run_scoped3A = tpu.sem_alloc : memref<!tpu.dma_semaphore, #tpu.memory_space<semaphore_mem>>
      %dma_start3A_190 = arith.constant 0 : i32
      %dma_start3A_191 = arith.constant 0 : i32
      %dma_start3A_192 = tpu.memref_slice %arg13[%dma_start3A_190, %dma_start3A_191] : memref<10000x16xf32, #tpu.memory_space<vmem_shared>> -> memref<10000x16xf32, #tpu.memory_space<vmem_shared>>
      tpu.enqueue_indirect_dma source(%arg9 : memref<2000x16xf32, #tpu.memory_space<vmem>>) target(%dma_start3A_192 : memref<10000x16xf32, #tpu.memory_space<vmem_shared>>) offsets(%arg7 : memref<2000xi32, #tpu.memory_space<vmem>>) semaphore(%run_scoped3A : memref<!tpu.dma_semaphore, #tpu.memory_space<semaphore_mem>>) {add = true}
      %dma_wait3A_193 = arith.constant 0 : i32
      %dma_wait3A_194 = arith.constant 0 : i32
      %dma_wait3A_195 = tpu.memref_slice %arg13[%dma_wait3A_193, %dma_wait3A_194] : memref<10000x16xf32, #tpu.memory_space<vmem_shared>> -> memref<10000x16xf32, #tpu.memory_space<vmem_shared>>
      tpu.wait_indirect_dma semaphore(%run_scoped3A : memref<!tpu.dma_semaphore, #tpu.memory_space<semaphore_mem>>) src(%arg9 : memref<2000x16xf32, #tpu.memory_space<vmem>>) dst(%dma_wait3A_195 : memref<10000x16xf32, #tpu.memory_space<vmem_shared>>)
      tpu.yield
    }) : () -> ()
    %barrier3A_160 = arith.constant 0 : index
    tpu.barrier barrier_id(%barrier3A_160)
    %eq3A_161 = arith.constant 15 : i32
    %eq3A_162 = arith.cmpi eq, %arg1, %eq3A_161 : i32
    %jit3A = arith.constant 640 : i32
    %jit3A_163 = arith.constant 624 : i32
    %select_n3A = arith.select %eq3A_162, %jit3A, %jit3A_163 : i32
    %mul3A_164 = arith.constant 624 : i32
    %mul3A_165 = arith.muli %arg1, %mul3A_164 : i32
    "tpu.region"() ({
      %run_scoped3A = tpu.sem_alloc : memref<!tpu.dma_semaphore, #tpu.memory_space<semaphore_mem>>
      %dma_start3A_190 = arith.constant 0 : i32
      %dma_start3A_191 = arith.constant 0 : i32
      %dma_start3A_192 = tpu.memref_slice %arg11[%dma_start3A_190, %dma_start3A_191] : memref<640x16xf32, #tpu.memory_space<vmem>> -> memref<624x16xf32, #tpu.memory_space<vmem>>
      %dma_start3A_193 = arith.constant 0 : i32
      %dma_start3A_194 = tpu.memref_slice %arg13[%mul3A_165, %dma_start3A_193] : memref<10000x16xf32, #tpu.memory_space<vmem_shared>> -> memref<624x16xf32, #tpu.memory_space<vmem_shared>>
      %dma_start3A_195 = arith.constant 0 : i32
      %dma_start3A_196 = arith.constant 0 : i32
      %dma_start3A_197 = tpu.memref_slice %arg11[%dma_start3A_195, %dma_start3A_196] : memref<640x16xf32, #tpu.memory_space<vmem>> -> memref<624x16xf32, #tpu.memory_space<vmem>>
      %dma_start3A_198 = arith.constant 0 : i32
      %dma_start3A_199 = tpu.memref_slice %arg13[%mul3A_165, %dma_start3A_198] : memref<10000x16xf32, #tpu.memory_space<vmem_shared>> -> memref<624x16xf32, #tpu.memory_space<vmem_shared>>
      tpu.enqueue_dma source(%dma_start3A_199 : memref<624x16xf32, #tpu.memory_space<vmem_shared>>) target(%dma_start3A_197 : memref<624x16xf32, #tpu.memory_space<vmem>>) target_semaphore(%run_scoped3A : memref<!tpu.dma_semaphore, #tpu.memory_space<semaphore_mem>>)
      %dma_wait3A_200 = arith.constant 0 : i32
      %dma_wait3A_201 = arith.constant 0 : i32
      %dma_wait3A_202 = tpu.memref_slice %arg11[%dma_wait3A_200, %dma_wait3A_201] : memref<640x16xf32, #tpu.memory_space<vmem>> -> memref<624x16xf32, #tpu.memory_space<vmem>>
      %dma_wait3A_203 = arith.constant 0 : i32
      %dma_wait3A_204 = tpu.memref_slice %arg13[%mul3A_165, %dma_wait3A_203] : memref<10000x16xf32, #tpu.memory_space<vmem_shared>> -> memref<624x16xf32, #tpu.memory_space<vmem_shared>>
      %dma_wait3A_205 = arith.constant 0 : i32
      %dma_wait3A_206 = arith.constant 0 : i32
      %dma_wait3A_207 = tpu.memref_slice %arg11[%dma_wait3A_205, %dma_wait3A_206] : memref<640x16xf32, #tpu.memory_space<vmem>> -> memref<624x16xf32, #tpu.memory_space<vmem>>
      %dma_wait3A_208 = arith.constant 0 : i32
      %dma_wait3A_209 = tpu.memref_slice %arg13[%mul3A_165, %dma_wait3A_208] : memref<10000x16xf32, #tpu.memory_space<vmem_shared>> -> memref<624x16xf32, #tpu.memory_space<vmem_shared>>
      tpu.wait_dma2 semaphore(%run_scoped3A : memref<!tpu.dma_semaphore, #tpu.memory_space<semaphore_mem>>) src(%dma_wait3A_209 : memref<624x16xf32, #tpu.memory_space<vmem_shared>>) dst(%dma_wait3A_207 : memref<624x16xf32, #tpu.memory_space<vmem>>)
      tpu.yield
    }) : () -> ()
    %eq3A_166 = arith.constant 15 : i32
    %eq3A_167 = arith.cmpi eq, %arg1, %eq3A_166 : i32
    %convert_element_type3A_168 = arith.extui %eq3A_167 : i1 to i32
    %cond3A_169 = arith.constant 0 : i32
    %cond3A_170 = arith.cmpi ne, %convert_element_type3A_168, %cond3A_169 : i32
    scf.if %cond3A_170 {
      "tpu.region"() ({
        %run_scoped3A = tpu.sem_alloc : memref<!tpu.dma_semaphore, #tpu.memory_space<semaphore_mem>>
        %dma_start3A_190 = arith.constant 624 : i32
        %dma_start3A_191 = arith.constant 0 : i32
        %dma_start3A_192 = tpu.memref_slice %arg11[%dma_start3A_190, %dma_start3A_191] : memref<640x16xf32, #tpu.memory_space<vmem>> -> memref<16x16xf32, #tpu.memory_space<vmem>>
        %dma_start3A_193 = arith.constant 9984 : i32
        %dma_start3A_194 = arith.constant 0 : i32
        %dma_start3A_195 = tpu.memref_slice %arg13[%dma_start3A_193, %dma_start3A_194] : memref<10000x16xf32, #tpu.memory_space<vmem_shared>> -> memref<16x16xf32, #tpu.memory_space<vmem_shared>>
        %dma_start3A_196 = arith.constant 624 : i32
        %dma_start3A_197 = arith.constant 0 : i32
        %dma_start3A_198 = tpu.memref_slice %arg11[%dma_start3A_196, %dma_start3A_197] : memref<640x16xf32, #tpu.memory_space<vmem>> -> memref<16x16xf32, #tpu.memory_space<vmem>>
        %dma_start3A_199 = arith.constant 9984 : i32
        %dma_start3A_200 = arith.constant 0 : i32
        %dma_start3A_201 = tpu.memref_slice %arg13[%dma_start3A_199, %dma_start3A_200] : memref<10000x16xf32, #tpu.memory_space<vmem_shared>> -> memref<16x16xf32, #tpu.memory_space<vmem_shared>>
        tpu.enqueue_dma source(%dma_start3A_201 : memref<16x16xf32, #tpu.memory_space<vmem_shared>>) target(%dma_start3A_198 : memref<16x16xf32, #tpu.memory_space<vmem>>) target_semaphore(%run_scoped3A : memref<!tpu.dma_semaphore, #tpu.memory_space<semaphore_mem>>)
        %dma_wait3A_202 = arith.constant 624 : i32
        %dma_wait3A_203 = arith.constant 0 : i32
        %dma_wait3A_204 = tpu.memref_slice %arg11[%dma_wait3A_202, %dma_wait3A_203] : memref<640x16xf32, #tpu.memory_space<vmem>> -> memref<16x16xf32, #tpu.memory_space<vmem>>
        %dma_wait3A_205 = arith.constant 9984 : i32
        %dma_wait3A_206 = arith.constant 0 : i32
        %dma_wait3A_207 = tpu.memref_slice %arg13[%dma_wait3A_205, %dma_wait3A_206] : memref<10000x16xf32, #tpu.memory_space<vmem_shared>> -> memref<16x16xf32, #tpu.memory_space<vmem_shared>>
        %dma_wait3A_208 = arith.constant 624 : i32
        %dma_wait3A_209 = arith.constant 0 : i32
        %dma_wait3A_210 = tpu.memref_slice %arg11[%dma_wait3A_208, %dma_wait3A_209] : memref<640x16xf32, #tpu.memory_space<vmem>> -> memref<16x16xf32, #tpu.memory_space<vmem>>
        %dma_wait3A_211 = arith.constant 9984 : i32
        %dma_wait3A_212 = arith.constant 0 : i32
        %dma_wait3A_213 = tpu.memref_slice %arg13[%dma_wait3A_211, %dma_wait3A_212] : memref<10000x16xf32, #tpu.memory_space<vmem_shared>> -> memref<16x16xf32, #tpu.memory_space<vmem_shared>>
        tpu.wait_dma2 semaphore(%run_scoped3A : memref<!tpu.dma_semaphore, #tpu.memory_space<semaphore_mem>>) src(%dma_wait3A_213 : memref<16x16xf32, #tpu.memory_space<vmem_shared>>) dst(%dma_wait3A_210 : memref<16x16xf32, #tpu.memory_space<vmem>>)
        tpu.yield
      }) : () -> ()
    } else {
    }
    %while3A = arith.constant 0 : i32
    %while3A_171 = arith.constant 0 : i32
    %while3A_172 = arith.subi %select_n3A, %while3A_171 : i32
    %while3A_173 = arith.addi %while3A_171, %while3A_172 : i32
    %while3A_174 = arith.constant 1 : i32
    %while3A_175 = arith.divsi %while3A_172, %while3A_174 : i32
    %while3A_176 = arith.muli %while3A_175, %while3A_174 : i32
    %while3A_177 = arith.addi %while3A_171, %while3A_176 : i32
    %while3A_178 = arith.constant 1 : i32
    scf.for %while3A_190 = %while3A_171 to %while3A_177 step %while3A_178  : i32 {
      %get3A = arith.index_cast %while3A_190 : i32 to index
      %get3A_191 = arith.constant 0 : index
      %get3A_192 = tpu.vector_load %arg11[%get3A, %get3A_191] {strides = array<i32>} : memref<640x16xf32, #tpu.memory_space<vmem>>, vector<16xf32>,
      %jit3A_193 = arith.constant 8 : i32
      %div3A = arith.divsi %while3A_190, %jit3A_193 : i32
      %sign3A = arith.constant 0 : i32
      %sign3A_194 = arith.cmpi sgt, %while3A_190, %sign3A : i32
      %sign3A_195 = arith.extui %sign3A_194 : i1 to i32
      %sign3A_196 = arith.constant 0 : i32
      %sign3A_197 = arith.cmpi slt, %while3A_190, %sign3A_196 : i32
      %sign3A_198 = arith.extui %sign3A_197 : i1 to i32
      %sign3A_199 = arith.subi %sign3A_195, %sign3A_198 : i32
      %sign3A_200 = arith.constant 0 : i32
      %sign3A_201 = arith.cmpi sgt, %jit3A_193, %sign3A_200 : i32
      %sign3A_202 = arith.extui %sign3A_201 : i1 to i32
      %sign3A_203 = arith.constant 0 : i32
      %sign3A_204 = arith.cmpi slt, %jit3A_193, %sign3A_203 : i32
      %sign3A_205 = arith.extui %sign3A_204 : i1 to i32
      %sign3A_206 = arith.subi %sign3A_202, %sign3A_205 : i32
      %ne3A = arith.cmpi ne, %sign3A_199, %sign3A_206 : i32
      %rem3A = arith.remsi %while3A_190, %jit3A_193 : i32
      %ne3A_207 = arith.constant 0 : i32
      %ne3A_208 = arith.cmpi ne, %rem3A, %ne3A_207 : i32
      %and3A = arith.andi %ne3A, %ne3A_208 : i1
      %sub3A = arith.constant 1 : i32
      %sub3A_209 = arith.subi %div3A, %sub3A : i32
      %select_n3A_210 = arith.select %and3A, %sub3A_209, %div3A : i32
      %mul3A_211 = arith.constant 128 : i32
      %mul3A_212 = arith.muli %select_n3A_210, %mul3A_211 : i32
      %jit3A_213 = arith.constant 8 : i32
      %eq3A_214 = arith.constant 0 : i32
      %eq3A_215 = arith.cmpi eq, %jit3A_213, %eq3A_214 : i32
      %jit3A_216 = arith.constant 1 : i32
      %select_n3A_217 = arith.select %eq3A_215, %jit3A_216, %jit3A_213 : i32
      %rem3A_218 = arith.remsi %while3A_190, %select_n3A_217 : i32
      %ne3A_219 = arith.constant 0 : i32
      %ne3A_220 = arith.cmpi ne, %rem3A_218, %ne3A_219 : i32
      %lt3A = arith.constant 0 : i32
      %lt3A_221 = arith.cmpi slt, %rem3A_218, %lt3A : i32
      %lt3A_222 = arith.constant 0 : i32
      %lt3A_223 = arith.cmpi slt, %select_n3A_217, %lt3A_222 : i32
      %ne3A_224 = arith.xori %lt3A_221, %lt3A_223 : i1
      %and3A_225 = arith.andi %ne3A_224, %ne3A_220 : i1
      %add3A_226 = arith.addi %rem3A_218, %select_n3A_217 : i32
      %select_n3A_227 = arith.select %and3A_225, %add3A_226, %rem3A_218 : i32
      %mul3A_228 = arith.constant 16 : i32
      %mul3A_229 = arith.muli %select_n3A_227, %mul3A_228 : i32
      %add3A_230 = arith.addi %mul3A_212, %mul3A_229 : i32
      %swap3A = arith.index_cast %add3A_230 : i32 to index
      %swap3A_231 = tpu.vector_load %arg12[%swap3A] {strides = array<i32>} : memref<10240xf32, #tpu.memory_space<vmem>>, vector<16xf32>,
      tpu.vector_store %arg12[%swap3A], %get3A_192 {strides = array<i32>} : memref<10240xf32, #tpu.memory_space<vmem>>, vector<16xf32>,
    }
    %while3A_179 = arith.constant 1 : i32
    scf.for %while3A_190 = %while3A_177 to %while3A_173 step %while3A_179  : i32 {
      %get3A = arith.index_cast %while3A_190 : i32 to index
      %get3A_191 = arith.constant 0 : index
      %get3A_192 = tpu.vector_load %arg11[%get3A, %get3A_191] {strides = array<i32>} : memref<640x16xf32, #tpu.memory_space<vmem>>, vector<16xf32>,
      %jit3A_193 = arith.constant 8 : i32
      %div3A = arith.divsi %while3A_190, %jit3A_193 : i32
      %sign3A = arith.constant 0 : i32
      %sign3A_194 = arith.cmpi sgt, %while3A_190, %sign3A : i32
      %sign3A_195 = arith.extui %sign3A_194 : i1 to i32
      %sign3A_196 = arith.constant 0 : i32
      %sign3A_197 = arith.cmpi slt, %while3A_190, %sign3A_196 : i32
      %sign3A_198 = arith.extui %sign3A_197 : i1 to i32
      %sign3A_199 = arith.subi %sign3A_195, %sign3A_198 : i32
      %sign3A_200 = arith.constant 0 : i32
      %sign3A_201 = arith.cmpi sgt, %jit3A_193, %sign3A_200 : i32
      %sign3A_202 = arith.extui %sign3A_201 : i1 to i32
      %sign3A_203 = arith.constant 0 : i32
      %sign3A_204 = arith.cmpi slt, %jit3A_193, %sign3A_203 : i32
      %sign3A_205 = arith.extui %sign3A_204 : i1 to i32
      %sign3A_206 = arith.subi %sign3A_202, %sign3A_205 : i32
      %ne3A = arith.cmpi ne, %sign3A_199, %sign3A_206 : i32
      %rem3A = arith.remsi %while3A_190, %jit3A_193 : i32
      %ne3A_207 = arith.constant 0 : i32
      %ne3A_208 = arith.cmpi ne, %rem3A, %ne3A_207 : i32
      %and3A = arith.andi %ne3A, %ne3A_208 : i1
      %sub3A = arith.constant 1 : i32
      %sub3A_209 = arith.subi %div3A, %sub3A : i32
      %select_n3A_210 = arith.select %and3A, %sub3A_209, %div3A : i32
      %mul3A_211 = arith.constant 128 : i32
      %mul3A_212 = arith.muli %select_n3A_210, %mul3A_211 : i32
      %jit3A_213 = arith.constant 8 : i32
      %eq3A_214 = arith.constant 0 : i32
      %eq3A_215 = arith.cmpi eq, %jit3A_213, %eq3A_214 : i32
      %jit3A_216 = arith.constant 1 : i32
      %select_n3A_217 = arith.select %eq3A_215, %jit3A_216, %jit3A_213 : i32
      %rem3A_218 = arith.remsi %while3A_190, %select_n3A_217 : i32
      %ne3A_219 = arith.constant 0 : i32
      %ne3A_220 = arith.cmpi ne, %rem3A_218, %ne3A_219 : i32
      %lt3A = arith.constant 0 : i32
      %lt3A_221 = arith.cmpi slt, %rem3A_218, %lt3A : i32
      %lt3A_222 = arith.constant 0 : i32
      %lt3A_223 = arith.cmpi slt, %select_n3A_217, %lt3A_222 : i32
      %ne3A_224 = arith.xori %lt3A_221, %lt3A_223 : i1
      %and3A_225 = arith.andi %ne3A_224, %ne3A_220 : i1
      %add3A_226 = arith.addi %rem3A_218, %select_n3A_217 : i32
      %select_n3A_227 = arith.select %and3A_225, %add3A_226, %rem3A_218 : i32
      %mul3A_228 = arith.constant 16 : i32
      %mul3A_229 = arith.muli %select_n3A_227, %mul3A_228 : i32
      %add3A_230 = arith.addi %mul3A_212, %mul3A_229 : i32
      %swap3A = arith.index_cast %add3A_230 : i32 to index
      %swap3A_231 = tpu.vector_load %arg12[%swap3A] {strides = array<i32>} : memref<10240xf32, #tpu.memory_space<vmem>>, vector<16xf32>,
      tpu.vector_store %arg12[%swap3A], %get3A_192 {strides = array<i32>} : memref<10240xf32, #tpu.memory_space<vmem>>, vector<16xf32>,
    }
    %mul3A_180 = arith.constant 160000 : i32
    %mul3A_181 = arith.muli %arg0, %mul3A_180 : i32
    %mul3A_182 = arith.constant 9984 : i32
    %mul3A_183 = arith.muli %arg1, %mul3A_182 : i32
    %add3A_184 = arith.addi %mul3A_181, %mul3A_183 : i32
    "tpu.region"() ({
      %run_scoped3A = tpu.sem_alloc : memref<!tpu.dma_semaphore, #tpu.memory_space<semaphore_mem>>
      %dma_start3A_190 = arith.constant 0 : i32
      %dma_start3A_191 = tpu.memref_slice %arg12[%dma_start3A_190] : memref<10240xf32, #tpu.memory_space<vmem>> -> memref<9984xf32, #tpu.memory_space<vmem>>
      %dma_start3A_192 = tpu.memref_slice %arg4[%add3A_184] : memref<320000xf32, #tpu.memory_space<hbm>> -> memref<9984xf32, #tpu.memory_space<hbm>>
      %dma_start3A_193 = tpu.memref_slice %arg4[%add3A_184] : memref<320000xf32, #tpu.memory_space<hbm>> -> memref<9984xf32, #tpu.memory_space<hbm>>
      %dma_start3A_194 = arith.constant 0 : i32
      %dma_start3A_195 = tpu.memref_slice %arg12[%dma_start3A_194] : memref<10240xf32, #tpu.memory_space<vmem>> -> memref<9984xf32, #tpu.memory_space<vmem>>
      tpu.enqueue_dma source(%dma_start3A_195 : memref<9984xf32, #tpu.memory_space<vmem>>) target(%dma_start3A_193 : memref<9984xf32, #tpu.memory_space<hbm>>) target_semaphore(%run_scoped3A : memref<!tpu.dma_semaphore, #tpu.memory_space<semaphore_mem>>)
      %dma_wait3A_196 = arith.constant 0 : i32
      %dma_wait3A_197 = tpu.memref_slice %arg12[%dma_wait3A_196] : memref<10240xf32, #tpu.memory_space<vmem>> -> memref<9984xf32, #tpu.memory_space<vmem>>
      %dma_wait3A_198 = tpu.memref_slice %arg4[%add3A_184] : memref<320000xf32, #tpu.memory_space<hbm>> -> memref<9984xf32, #tpu.memory_space<hbm>>
      %dma_wait3A_199 = tpu.memref_slice %arg4[%add3A_184] : memref<320000xf32, #tpu.memory_space<hbm>> -> memref<9984xf32, #tpu.memory_space<hbm>>
      %dma_wait3A_200 = arith.constant 0 : i32
      %dma_wait3A_201 = tpu.memref_slice %arg12[%dma_wait3A_200] : memref<10240xf32, #tpu.memory_space<vmem>> -> memref<9984xf32, #tpu.memory_space<vmem>>
      tpu.wait_dma2 semaphore(%run_scoped3A : memref<!tpu.dma_semaphore, #tpu.memory_space<semaphore_mem>>) src(%dma_wait3A_201 : memref<9984xf32, #tpu.memory_space<vmem>>) dst(%dma_wait3A_199 : memref<9984xf32, #tpu.memory_space<hbm>>)
      tpu.yield
    }) : () -> ()
    %eq3A_185 = arith.constant 15 : i32
    %eq3A_186 = arith.cmpi eq, %arg1, %eq3A_185 : i32
    %convert_element_type3A_187 = arith.extui %eq3A_186 : i1 to i32
    %cond3A_188 = arith.constant 0 : i32
    %cond3A_189 = arith.cmpi ne, %convert_element_type3A_187, %cond3A_188 : i32
    scf.if %cond3A_189 {
      %mul3A_190 = arith.constant 160000 : i32
      %mul3A_191 = arith.muli %arg0, %mul3A_190 : i32
      %add3A_192 = arith.constant 159744 : i32
      %add3A_193 = arith.addi %mul3A_191, %add3A_192 : i32
      "tpu.region"() ({
        %run_scoped3A = tpu.sem_alloc : memref<!tpu.dma_semaphore, #tpu.memory_space<semaphore_mem>>
        %dma_start3A_194 = arith.constant 9984 : i32
        %dma_start3A_195 = tpu.memref_slice %arg12[%dma_start3A_194] : memref<10240xf32, #tpu.memory_space<vmem>> -> memref<256xf32, #tpu.memory_space<vmem>>
        %dma_start3A_196 = tpu.memref_slice %arg4[%add3A_193] : memref<320000xf32, #tpu.memory_space<hbm>> -> memref<256xf32, #tpu.memory_space<hbm>>
        %dma_start3A_197 = tpu.memref_slice %arg4[%add3A_193] : memref<320000xf32, #tpu.memory_space<hbm>> -> memref<256xf32, #tpu.memory_space<hbm>>
        %dma_start3A_198 = arith.constant 9984 : i32
        %dma_start3A_199 = tpu.memref_slice %arg12[%dma_start3A_198] : memref<10240xf32, #tpu.memory_space<vmem>> -> memref<256xf32, #tpu.memory_space<vmem>>
        tpu.enqueue_dma source(%dma_start3A_199 : memref<256xf32, #tpu.memory_space<vmem>>) target(%dma_start3A_197 : memref<256xf32, #tpu.memory_space<hbm>>) target_semaphore(%run_scoped3A : memref<!tpu.dma_semaphore, #tpu.memory_space<semaphore_mem>>)
        %dma_wait3A_200 = arith.constant 9984 : i32
        %dma_wait3A_201 = tpu.memref_slice %arg12[%dma_wait3A_200] : memref<10240xf32, #tpu.memory_space<vmem>> -> memref<256xf32, #tpu.memory_space<vmem>>
        %dma_wait3A_202 = tpu.memref_slice %arg4[%add3A_193] : memref<320000xf32, #tpu.memory_space<hbm>> -> memref<256xf32, #tpu.memory_space<hbm>>
        %dma_wait3A_203 = tpu.memref_slice %arg4[%add3A_193] : memref<320000xf32, #tpu.memory_space<hbm>> -> memref<256xf32, #tpu.memory_space<hbm>>
        %dma_wait3A_204 = arith.constant 9984 : i32
        %dma_wait3A_205 = tpu.memref_slice %arg12[%dma_wait3A_204] : memref<10240xf32, #tpu.memory_space<vmem>> -> memref<256xf32, #tpu.memory_space<vmem>>
        tpu.wait_dma2 semaphore(%run_scoped3A : memref<!tpu.dma_semaphore, #tpu.memory_space<semaphore_mem>>) src(%dma_wait3A_205 : memref<256xf32, #tpu.memory_space<vmem>>) dst(%dma_wait3A_203 : memref<256xf32, #tpu.memory_space<hbm>>)
        tpu.yield
      }) : () -> ()
    } else {
    }
    return
  }
}

module attributes {stable_mosaic.version = 14 : i64} {
  func.func @body(%arg0: memref<1250x1024xf32, #tpu.memory_space<vmem>>, %arg1: memref<128x16xf32, #tpu.memory_space<vmem>>, %arg2: memref<1250x128xf32, #tpu.memory_space<vmem>>) attributes {dimension_semantics = [], scalar_prefetch = 0 : i64, scratch_operands = 0 : i64, tpu.core_type = #tpu.core_type<tc>} {
    %get3A = arith.constant 0 : index
    %get3A_0 = arith.constant 0 : index
    %get3A_1 = vector.load %arg1[%get3A, %get3A_0] : memref<128x16xf32, #tpu.memory_space<vmem>>, vector<128x16xf32>
    %concatenate3A = tpu.concatenate %get3A_1, %get3A_1, %get3A_1, %get3A_1, %get3A_1, %get3A_1, %get3A_1, %get3A_1 in 1 : vector<128x16xf32>, vector<128x16xf32>, vector<128x16xf32>, vector<128x16xf32>, vector<128x16xf32>, vector<128x16xf32>, vector<128x16xf32>, vector<128x16xf32> -> vector<128x128xf32>
    %iota3A = tpu.iota {dimensions = array<i32: 1>} : vector<128x128xi32>
    %jit3A = arith.constant 16 : i32
    %div3A = vector.broadcast %jit3A : i32 to vector<128x128xi32>
    %div3A_2 = arith.divsi %iota3A, %div3A : vector<128x128xi32>
    %sign3A = arith.constant 0 : i32
    %sign3A_3 = vector.broadcast %sign3A : i32 to vector<128x128xi32>
    %sign3A_4 = arith.cmpi sgt, %iota3A, %sign3A_3 : vector<128x128xi32>
    %sign3A_5 = arith.extui %sign3A_4 : vector<128x128xi1> to vector<128x128xi32>
    %sign3A_6 = arith.constant 0 : i32
    %sign3A_7 = vector.broadcast %sign3A_6 : i32 to vector<128x128xi32>
    %sign3A_8 = arith.cmpi slt, %iota3A, %sign3A_7 : vector<128x128xi32>
    %sign3A_9 = arith.extui %sign3A_8 : vector<128x128xi1> to vector<128x128xi32>
    %sign3A_10 = arith.subi %sign3A_5, %sign3A_9 : vector<128x128xi32>
    %sign3A_11 = arith.constant 0 : i32
    %sign3A_12 = arith.cmpi sgt, %jit3A, %sign3A_11 : i32
    %sign3A_13 = arith.extui %sign3A_12 : i1 to i32
    %sign3A_14 = arith.constant 0 : i32
    %sign3A_15 = arith.cmpi slt, %jit3A, %sign3A_14 : i32
    %sign3A_16 = arith.extui %sign3A_15 : i1 to i32
    %sign3A_17 = arith.subi %sign3A_13, %sign3A_16 : i32
    %ne3A = vector.broadcast %sign3A_17 : i32 to vector<128x128xi32>
    %ne3A_18 = arith.cmpi ne, %sign3A_10, %ne3A : vector<128x128xi32>
    %rem3A = vector.broadcast %jit3A : i32 to vector<128x128xi32>
    %rem3A_19 = arith.remsi %iota3A, %rem3A : vector<128x128xi32>
    %ne3A_20 = arith.constant 0 : i32
    %ne3A_21 = vector.broadcast %ne3A_20 : i32 to vector<128x128xi32>
    %ne3A_22 = arith.cmpi ne, %rem3A_19, %ne3A_21 : vector<128x128xi32>
    %and3A = arith.andi %ne3A_18, %ne3A_22 : vector<128x128xi1>
    %sub3A = arith.constant 1 : i32
    %sub3A_23 = vector.broadcast %sub3A : i32 to vector<128x128xi32>
    %sub3A_24 = arith.subi %div3A_2, %sub3A_23 : vector<128x128xi32>
    %select_n3A = arith.select %and3A, %sub3A_24, %div3A_2 : vector<128x128xi1>, vector<128x128xi32>
    %eq3A = arith.constant 0 : i32
    %eq3A_25 = vector.broadcast %eq3A : i32 to vector<128x128xi32>
    %eq3A_26 = arith.cmpi eq, %select_n3A, %eq3A_25 : vector<128x128xi32>
    %jit3A_27 = arith.constant 0.000000e+00 : f32
    %broadcast_in_dim3A = vector.broadcast %jit3A_27 : f32 to vector<128x128xf32>
    %select_n3A_28 = arith.select %eq3A_26, %concatenate3A, %broadcast_in_dim3A : vector<128x128xi1>, vector<128x128xf32>
    %eq3A_29 = arith.constant 1 : i32
    %eq3A_30 = vector.broadcast %eq3A_29 : i32 to vector<128x128xi32>
    %eq3A_31 = arith.cmpi eq, %select_n3A, %eq3A_30 : vector<128x128xi32>
    %jit3A_32 = arith.constant 0.000000e+00 : f32
    %broadcast_in_dim3A_33 = vector.broadcast %jit3A_32 : f32 to vector<128x128xf32>
    %select_n3A_34 = arith.select %eq3A_31, %concatenate3A, %broadcast_in_dim3A_33 : vector<128x128xi1>, vector<128x128xf32>
    %eq3A_35 = arith.constant 2 : i32
    %eq3A_36 = vector.broadcast %eq3A_35 : i32 to vector<128x128xi32>
    %eq3A_37 = arith.cmpi eq, %select_n3A, %eq3A_36 : vector<128x128xi32>
    %jit3A_38 = arith.constant 0.000000e+00 : f32
    %broadcast_in_dim3A_39 = vector.broadcast %jit3A_38 : f32 to vector<128x128xf32>
    %select_n3A_40 = arith.select %eq3A_37, %concatenate3A, %broadcast_in_dim3A_39 : vector<128x128xi1>, vector<128x128xf32>
    %eq3A_41 = arith.constant 3 : i32
    %eq3A_42 = vector.broadcast %eq3A_41 : i32 to vector<128x128xi32>
    %eq3A_43 = arith.cmpi eq, %select_n3A, %eq3A_42 : vector<128x128xi32>
    %jit3A_44 = arith.constant 0.000000e+00 : f32
    %broadcast_in_dim3A_45 = vector.broadcast %jit3A_44 : f32 to vector<128x128xf32>
    %select_n3A_46 = arith.select %eq3A_43, %concatenate3A, %broadcast_in_dim3A_45 : vector<128x128xi1>, vector<128x128xf32>
    %eq3A_47 = arith.constant 4 : i32
    %eq3A_48 = vector.broadcast %eq3A_47 : i32 to vector<128x128xi32>
    %eq3A_49 = arith.cmpi eq, %select_n3A, %eq3A_48 : vector<128x128xi32>
    %jit3A_50 = arith.constant 0.000000e+00 : f32
    %broadcast_in_dim3A_51 = vector.broadcast %jit3A_50 : f32 to vector<128x128xf32>
    %select_n3A_52 = arith.select %eq3A_49, %concatenate3A, %broadcast_in_dim3A_51 : vector<128x128xi1>, vector<128x128xf32>
    %eq3A_53 = arith.constant 5 : i32
    %eq3A_54 = vector.broadcast %eq3A_53 : i32 to vector<128x128xi32>
    %eq3A_55 = arith.cmpi eq, %select_n3A, %eq3A_54 : vector<128x128xi32>
    %jit3A_56 = arith.constant 0.000000e+00 : f32
    %broadcast_in_dim3A_57 = vector.broadcast %jit3A_56 : f32 to vector<128x128xf32>
    %select_n3A_58 = arith.select %eq3A_55, %concatenate3A, %broadcast_in_dim3A_57 : vector<128x128xi1>, vector<128x128xf32>
    %eq3A_59 = arith.constant 6 : i32
    %eq3A_60 = vector.broadcast %eq3A_59 : i32 to vector<128x128xi32>
    %eq3A_61 = arith.cmpi eq, %select_n3A, %eq3A_60 : vector<128x128xi32>
    %jit3A_62 = arith.constant 0.000000e+00 : f32
    %broadcast_in_dim3A_63 = vector.broadcast %jit3A_62 : f32 to vector<128x128xf32>
    %select_n3A_64 = arith.select %eq3A_61, %concatenate3A, %broadcast_in_dim3A_63 : vector<128x128xi1>, vector<128x128xf32>
    %eq3A_65 = arith.constant 7 : i32
    %eq3A_66 = vector.broadcast %eq3A_65 : i32 to vector<128x128xi32>
    %eq3A_67 = arith.cmpi eq, %select_n3A, %eq3A_66 : vector<128x128xi32>
    %jit3A_68 = arith.constant 0.000000e+00 : f32
    %broadcast_in_dim3A_69 = vector.broadcast %jit3A_68 : f32 to vector<128x128xf32>
    %select_n3A_70 = arith.select %eq3A_67, %concatenate3A, %broadcast_in_dim3A_69 : vector<128x128xi1>, vector<128x128xf32>
    %concatenate3A_71 = tpu.concatenate %select_n3A_28, %select_n3A_34, %select_n3A_40, %select_n3A_46, %select_n3A_52, %select_n3A_58, %select_n3A_64, %select_n3A_70 in 0 : vector<128x128xf32>, vector<128x128xf32>, vector<128x128xf32>, vector<128x128xf32>, vector<128x128xf32>, vector<128x128xf32>, vector<128x128xf32>, vector<128x128xf32> -> vector<1024x128xf32>
    %get3A_72 = arith.constant 0 : index
    %get3A_73 = arith.constant 0 : index
    %get3A_74 = vector.load %arg0[%get3A_72, %get3A_73] : memref<1250x1024xf32, #tpu.memory_space<vmem>>, vector<1250x1024xf32>
    %dot_general3A = arith.constant dense<0.000000e+00> : vector<1250x128xf32>
    %dot_general3A_75 = tpu.matmul %get3A_74, %concatenate3A_71, %dot_general3A {dimension_numbers = #tpu.dot_dimension_numbers<[1], [0], [0], [1], [0, 0, 1, 1], [], []>, transpose_lhs_hint = false} : vector<1250x1024xf32>, vector<1024x128xf32>, vector<1250x128xf32> -> vector<1250x128xf32>
    %swap3A = arith.constant 0 : index
    %swap3A_76 = arith.constant 0 : index
    %swap3A_77 = vector.load %arg2[%swap3A, %swap3A_76] : memref<1250x128xf32, #tpu.memory_space<vmem>>, vector<1250x128xf32>
    tpu.vector_store %arg2[%swap3A, %swap3A_76], %dot_general3A_75 {strides = array<i32>} : memref<1250x128xf32, #tpu.memory_space<vmem>>, vector<1250x128xf32>,
    return
  }
}

module attributes {stable_mosaic.version = 14 : i64} {
  func.func @body(%arg0: memref<1250x128xf32, #tpu.memory_space<vmem>>, %arg1: memref<2x1250x128xf32, #tpu.memory_space<vmem>>, %arg2: memref<1250x128xf32, #tpu.memory_space<vmem>>, %arg3: memref<1250x128xf32, #tpu.memory_space<vmem>>) attributes {dimension_semantics = [], scalar_prefetch = 0 : i64, scratch_operands = 0 : i64, tpu.core_type = #tpu.core_type<tc>} {
    %get3A = arith.constant 0 : index
    %get3A_0 = arith.constant 0 : index
    %get3A_1 = arith.constant 0 : index
    %get3A_2 = vector.load %arg1[%get3A, %get3A_0, %get3A_1] : memref<2x1250x128xf32, #tpu.memory_space<vmem>>, vector<1x1250x128xf32>
    %get3A_3 = vector.shape_cast %get3A_2 : vector<1x1250x128xf32> to vector<1250x128xf32>
    %get3A_4 = arith.constant 1 : index
    %get3A_5 = arith.constant 0 : index
    %get3A_6 = arith.constant 0 : index
    %get3A_7 = vector.load %arg1[%get3A_4, %get3A_5, %get3A_6] : memref<2x1250x128xf32, #tpu.memory_space<vmem>>, vector<1x1250x128xf32>
    %get3A_8 = vector.shape_cast %get3A_7 : vector<1x1250x128xf32> to vector<1250x128xf32>
    %add3A = arith.addf %get3A_3, %get3A_8 : vector<1250x128xf32>
    %add3A_9 = arith.constant 1.000000e+00 : f32
    %add3A_10 = vector.broadcast %add3A_9 : f32 to vector<1250x128xf32>
    %add3A_11 = arith.addf %add3A, %add3A_10 : vector<1250x128xf32>
    %rsqrt3A = math.rsqrt %add3A_11 : vector<1250x128xf32>
    %swap3A = arith.constant 0 : index
    %swap3A_12 = arith.constant 0 : index
    %swap3A_13 = vector.load %arg2[%swap3A, %swap3A_12] : memref<1250x128xf32, #tpu.memory_space<vmem>>, vector<1250x128xf32>
    tpu.vector_store %arg2[%swap3A, %swap3A_12], %rsqrt3A {strides = array<i32>} : memref<1250x128xf32, #tpu.memory_space<vmem>>, vector<1250x128xf32>,
    %get3A_14 = arith.constant 0 : index
    %get3A_15 = arith.constant 0 : index
    %get3A_16 = vector.load %arg0[%get3A_14, %get3A_15] : memref<1250x128xf32, #tpu.memory_space<vmem>>, vector<1250x128xf32>
    %mul3A = arith.mulf %rsqrt3A, %get3A_16 : vector<1250x128xf32>
    %swap3A_17 = arith.constant 0 : index
    %swap3A_18 = arith.constant 0 : index
    %swap3A_19 = vector.load %arg3[%swap3A_17, %swap3A_18] : memref<1250x128xf32, #tpu.memory_space<vmem>>, vector<1250x128xf32>
    tpu.vector_store %arg3[%swap3A_17, %swap3A_18], %mul3A {strides = array<i32>} : memref<1250x128xf32, #tpu.memory_space<vmem>>, vector<1250x128xf32>,
    return
  }
}

module attributes {stable_mosaic.version = 14 : i64} {
  func.func @body(%arg0: memref<2x1250x128xf32, #tpu.memory_space<vmem>>, %arg1: memref<1250x128xf32, #tpu.memory_space<vmem>>, %arg2: memref<1250x128xf32, #tpu.memory_space<vmem>>, %arg3: memref<1x16xf32, #tpu.memory_space<vmem>>, %arg4: memref<16x16xf32, #tpu.memory_space<vmem>>, %arg5: memref<1250x128xf32, #tpu.memory_space<vmem>>) attributes {dimension_semantics = [], scalar_prefetch = 0 : i64, scratch_operands = 0 : i64, tpu.core_type = #tpu.core_type<tc>} {
    %get3A = arith.constant 0 : index
    %get3A_0 = arith.constant 0 : index
    %get3A_1 = vector.load %arg2[%get3A, %get3A_0] : memref<1250x128xf32, #tpu.memory_space<vmem>>, vector<1250x128xf32>
    %get3A_2 = arith.constant 0 : index
    %get3A_3 = arith.constant 0 : index
    %get3A_4 = vector.load %arg3[%get3A_2, %get3A_3] : memref<1x16xf32, #tpu.memory_space<vmem>>, vector<1x16xf32>
    %concatenate3A = tpu.concatenate %get3A_4, %get3A_4, %get3A_4, %get3A_4, %get3A_4, %get3A_4, %get3A_4, %get3A_4 in 1 : vector<1x16xf32>, vector<1x16xf32>, vector<1x16xf32>, vector<1x16xf32>, vector<1x16xf32>, vector<1x16xf32>, vector<1x16xf32>, vector<1x16xf32> -> vector<1x128xf32>
    %get3A_5 = arith.constant 0 : index
    %get3A_6 = arith.constant 0 : index
    %get3A_7 = arith.constant 0 : index
    %get3A_8 = vector.load %arg0[%get3A_5, %get3A_6, %get3A_7] : memref<2x1250x128xf32, #tpu.memory_space<vmem>>, vector<1x1250x128xf32>
    %get3A_9 = vector.shape_cast %get3A_8 : vector<1x1250x128xf32> to vector<1250x128xf32>
    %get3A_10 = arith.constant 1 : index
    %get3A_11 = arith.constant 0 : index
    %get3A_12 = arith.constant 0 : index
    %get3A_13 = vector.load %arg0[%get3A_10, %get3A_11, %get3A_12] : memref<2x1250x128xf32, #tpu.memory_space<vmem>>, vector<1x1250x128xf32>
    %get3A_14 = vector.shape_cast %get3A_13 : vector<1x1250x128xf32> to vector<1250x128xf32>
    %add3A = arith.addf %get3A_9, %get3A_14 : vector<1250x128xf32>
    %get3A_15 = arith.constant 0 : index
    %get3A_16 = arith.constant 0 : index
    %get3A_17 = vector.load %arg1[%get3A_15, %get3A_16] : memref<1250x128xf32, #tpu.memory_space<vmem>>, vector<1250x128xf32>
    %add3A_18 = arith.addf %add3A, %get3A_17 : vector<1250x128xf32>
    %mul3A = arith.mulf %get3A_1, %add3A_18 : vector<1250x128xf32>
    %add3A_19 = vector.broadcast %concatenate3A : vector<1x128xf32> to vector<1250x128xf32>
    %add3A_20 = arith.addf %mul3A, %add3A_19 : vector<1250x128xf32>
    %max3A = arith.constant 0.000000e+00 : f32
    %max3A_21 = vector.broadcast %max3A : f32 to vector<1250x128xf32>
    %max3A_22 = arith.maximumf %add3A_20, %max3A_21 : vector<1250x128xf32>
    %get3A_23 = arith.constant 0 : index
    %get3A_24 = arith.constant 0 : index
    %get3A_25 = vector.load %arg4[%get3A_23, %get3A_24] : memref<16x16xf32, #tpu.memory_space<vmem>>, vector<16x16xf32>
    %concatenate3A_26 = tpu.concatenate %get3A_25, %get3A_25, %get3A_25, %get3A_25, %get3A_25, %get3A_25, %get3A_25, %get3A_25 in 1 : vector<16x16xf32>, vector<16x16xf32>, vector<16x16xf32>, vector<16x16xf32>, vector<16x16xf32>, vector<16x16xf32>, vector<16x16xf32>, vector<16x16xf32> -> vector<16x128xf32>
    %iota3A = tpu.iota {dimensions = array<i32: 1>} : vector<16x128xi32>
    %jit3A = arith.constant 16 : i32
    %div3A = vector.broadcast %jit3A : i32 to vector<16x128xi32>
    %div3A_27 = arith.divsi %iota3A, %div3A : vector<16x128xi32>
    %sign3A = arith.constant 0 : i32
    %sign3A_28 = vector.broadcast %sign3A : i32 to vector<16x128xi32>
    %sign3A_29 = arith.cmpi sgt, %iota3A, %sign3A_28 : vector<16x128xi32>
    %sign3A_30 = arith.extui %sign3A_29 : vector<16x128xi1> to vector<16x128xi32>
    %sign3A_31 = arith.constant 0 : i32
    %sign3A_32 = vector.broadcast %sign3A_31 : i32 to vector<16x128xi32>
    %sign3A_33 = arith.cmpi slt, %iota3A, %sign3A_32 : vector<16x128xi32>
    %sign3A_34 = arith.extui %sign3A_33 : vector<16x128xi1> to vector<16x128xi32>
    %sign3A_35 = arith.subi %sign3A_30, %sign3A_34 : vector<16x128xi32>
    %sign3A_36 = arith.constant 0 : i32
    %sign3A_37 = arith.cmpi sgt, %jit3A, %sign3A_36 : i32
    %sign3A_38 = arith.extui %sign3A_37 : i1 to i32
    %sign3A_39 = arith.constant 0 : i32
    %sign3A_40 = arith.cmpi slt, %jit3A, %sign3A_39 : i32
    %sign3A_41 = arith.extui %sign3A_40 : i1 to i32
    %sign3A_42 = arith.subi %sign3A_38, %sign3A_41 : i32
    %ne3A = vector.broadcast %sign3A_42 : i32 to vector<16x128xi32>
    %ne3A_43 = arith.cmpi ne, %sign3A_35, %ne3A : vector<16x128xi32>
    %rem3A = vector.broadcast %jit3A : i32 to vector<16x128xi32>
    %rem3A_44 = arith.remsi %iota3A, %rem3A : vector<16x128xi32>
    %ne3A_45 = arith.constant 0 : i32
    %ne3A_46 = vector.broadcast %ne3A_45 : i32 to vector<16x128xi32>
    %ne3A_47 = arith.cmpi ne, %rem3A_44, %ne3A_46 : vector<16x128xi32>
    %and3A = arith.andi %ne3A_43, %ne3A_47 : vector<16x128xi1>
    %sub3A = arith.constant 1 : i32
    %sub3A_48 = vector.broadcast %sub3A : i32 to vector<16x128xi32>
    %sub3A_49 = arith.subi %div3A_27, %sub3A_48 : vector<16x128xi32>
    %select_n3A = arith.select %and3A, %sub3A_49, %div3A_27 : vector<16x128xi1>, vector<16x128xi32>
    %eq3A = arith.constant 0 : i32
    %eq3A_50 = vector.broadcast %eq3A : i32 to vector<16x128xi32>
    %eq3A_51 = arith.cmpi eq, %select_n3A, %eq3A_50 : vector<16x128xi32>
    %jit3A_52 = arith.constant 0.000000e+00 : f32
    %broadcast_in_dim3A = vector.broadcast %jit3A_52 : f32 to vector<16x128xf32>
    %select_n3A_53 = arith.select %eq3A_51, %concatenate3A_26, %broadcast_in_dim3A : vector<16x128xi1>, vector<16x128xf32>
    %eq3A_54 = arith.constant 1 : i32
    %eq3A_55 = vector.broadcast %eq3A_54 : i32 to vector<16x128xi32>
    %eq3A_56 = arith.cmpi eq, %select_n3A, %eq3A_55 : vector<16x128xi32>
    %jit3A_57 = arith.constant 0.000000e+00 : f32
    %broadcast_in_dim3A_58 = vector.broadcast %jit3A_57 : f32 to vector<16x128xf32>
    %select_n3A_59 = arith.select %eq3A_56, %concatenate3A_26, %broadcast_in_dim3A_58 : vector<16x128xi1>, vector<16x128xf32>
    %eq3A_60 = arith.constant 2 : i32
    %eq3A_61 = vector.broadcast %eq3A_60 : i32 to vector<16x128xi32>
    %eq3A_62 = arith.cmpi eq, %select_n3A, %eq3A_61 : vector<16x128xi32>
    %jit3A_63 = arith.constant 0.000000e+00 : f32
    %broadcast_in_dim3A_64 = vector.broadcast %jit3A_63 : f32 to vector<16x128xf32>
    %select_n3A_65 = arith.select %eq3A_62, %concatenate3A_26, %broadcast_in_dim3A_64 : vector<16x128xi1>, vector<16x128xf32>
    %eq3A_66 = arith.constant 3 : i32
    %eq3A_67 = vector.broadcast %eq3A_66 : i32 to vector<16x128xi32>
    %eq3A_68 = arith.cmpi eq, %select_n3A, %eq3A_67 : vector<16x128xi32>
    %jit3A_69 = arith.constant 0.000000e+00 : f32
    %broadcast_in_dim3A_70 = vector.broadcast %jit3A_69 : f32 to vector<16x128xf32>
    %select_n3A_71 = arith.select %eq3A_68, %concatenate3A_26, %broadcast_in_dim3A_70 : vector<16x128xi1>, vector<16x128xf32>
    %eq3A_72 = arith.constant 4 : i32
    %eq3A_73 = vector.broadcast %eq3A_72 : i32 to vector<16x128xi32>
    %eq3A_74 = arith.cmpi eq, %select_n3A, %eq3A_73 : vector<16x128xi32>
    %jit3A_75 = arith.constant 0.000000e+00 : f32
    %broadcast_in_dim3A_76 = vector.broadcast %jit3A_75 : f32 to vector<16x128xf32>
    %select_n3A_77 = arith.select %eq3A_74, %concatenate3A_26, %broadcast_in_dim3A_76 : vector<16x128xi1>, vector<16x128xf32>
    %eq3A_78 = arith.constant 5 : i32
    %eq3A_79 = vector.broadcast %eq3A_78 : i32 to vector<16x128xi32>
    %eq3A_80 = arith.cmpi eq, %select_n3A, %eq3A_79 : vector<16x128xi32>
    %jit3A_81 = arith.constant 0.000000e+00 : f32
    %broadcast_in_dim3A_82 = vector.broadcast %jit3A_81 : f32 to vector<16x128xf32>
    %select_n3A_83 = arith.select %eq3A_80, %concatenate3A_26, %broadcast_in_dim3A_82 : vector<16x128xi1>, vector<16x128xf32>
    %eq3A_84 = arith.constant 6 : i32
    %eq3A_85 = vector.broadcast %eq3A_84 : i32 to vector<16x128xi32>
    %eq3A_86 = arith.cmpi eq, %select_n3A, %eq3A_85 : vector<16x128xi32>
    %jit3A_87 = arith.constant 0.000000e+00 : f32
    %broadcast_in_dim3A_88 = vector.broadcast %jit3A_87 : f32 to vector<16x128xf32>
    %select_n3A_89 = arith.select %eq3A_86, %concatenate3A_26, %broadcast_in_dim3A_88 : vector<16x128xi1>, vector<16x128xf32>
    %eq3A_90 = arith.constant 7 : i32
    %eq3A_91 = vector.broadcast %eq3A_90 : i32 to vector<16x128xi32>
    %eq3A_92 = arith.cmpi eq, %select_n3A, %eq3A_91 : vector<16x128xi32>
    %jit3A_93 = arith.constant 0.000000e+00 : f32
    %broadcast_in_dim3A_94 = vector.broadcast %jit3A_93 : f32 to vector<16x128xf32>
    %select_n3A_95 = arith.select %eq3A_92, %concatenate3A_26, %broadcast_in_dim3A_94 : vector<16x128xi1>, vector<16x128xf32>
    %concatenate3A_96 = tpu.concatenate %select_n3A_53, %select_n3A_59, %select_n3A_65, %select_n3A_71, %select_n3A_77, %select_n3A_83, %select_n3A_89, %select_n3A_95 in 0 : vector<16x128xf32>, vector<16x128xf32>, vector<16x128xf32>, vector<16x128xf32>, vector<16x128xf32>, vector<16x128xf32>, vector<16x128xf32>, vector<16x128xf32> -> vector<128x128xf32>
    %dot_general3A = arith.constant dense<0.000000e+00> : vector<1250x128xf32>
    %dot_general3A_97 = tpu.matmul %max3A_22, %concatenate3A_96, %dot_general3A {dimension_numbers = #tpu.dot_dimension_numbers<[1], [0], [0], [1], [0, 0, 1, 1], [], []>, transpose_lhs_hint = false} : vector<1250x128xf32>, vector<128x128xf32>, vector<1250x128xf32> -> vector<1250x128xf32>
    %mul3A_98 = arith.mulf %get3A_1, %dot_general3A_97 : vector<1250x128xf32>
    %swap3A = arith.constant 0 : index
    %swap3A_99 = arith.constant 0 : index
    %swap3A_100 = vector.load %arg5[%swap3A, %swap3A_99] : memref<1250x128xf32, #tpu.memory_space<vmem>>, vector<1250x128xf32>
    tpu.vector_store %arg5[%swap3A, %swap3A_99], %mul3A_98 {strides = array<i32>} : memref<1250x128xf32, #tpu.memory_space<vmem>>, vector<1250x128xf32>,
    return
  }
}

module attributes {stable_mosaic.version = 14 : i64} {
  func.func @body(%arg0: memref<2x1250x128xf32, #tpu.memory_space<vmem>>, %arg1: memref<1250x128xf32, #tpu.memory_space<vmem>>, %arg2: memref<1250x128xf32, #tpu.memory_space<vmem>>, %arg3: memref<1x16xf32, #tpu.memory_space<vmem>>, %arg4: memref<1250x8xi32, #tpu.memory_space<vmem>>, %arg5: memref<16x10xf32, #tpu.memory_space<vmem>>, %arg6: memref<1x10xf32, #tpu.memory_space<vmem>>, %arg7: memref<64x10xf32, #tpu.memory_space<vmem>>) attributes {dimension_semantics = [], scalar_prefetch = 0 : i64, scratch_operands = 0 : i64, tpu.core_type = #tpu.core_type<tc>} {
    %get3A = arith.constant 0 : index
    %get3A_0 = arith.constant 0 : index
    %get3A_1 = vector.load %arg3[%get3A, %get3A_0] : memref<1x16xf32, #tpu.memory_space<vmem>>, vector<1x16xf32>
    %concatenate3A = tpu.concatenate %get3A_1, %get3A_1, %get3A_1, %get3A_1, %get3A_1, %get3A_1, %get3A_1, %get3A_1 in 1 : vector<1x16xf32>, vector<1x16xf32>, vector<1x16xf32>, vector<1x16xf32>, vector<1x16xf32>, vector<1x16xf32>, vector<1x16xf32>, vector<1x16xf32> -> vector<1x128xf32>
    %get3A_2 = arith.constant 0 : index
    %get3A_3 = arith.constant 0 : index
    %get3A_4 = vector.load %arg2[%get3A_2, %get3A_3] : memref<1250x128xf32, #tpu.memory_space<vmem>>, vector<1250x128xf32>
    %get3A_5 = arith.constant 0 : index
    %get3A_6 = arith.constant 0 : index
    %get3A_7 = arith.constant 0 : index
    %get3A_8 = vector.load %arg0[%get3A_5, %get3A_6, %get3A_7] : memref<2x1250x128xf32, #tpu.memory_space<vmem>>, vector<1x1250x128xf32>
    %get3A_9 = vector.shape_cast %get3A_8 : vector<1x1250x128xf32> to vector<1250x128xf32>
    %get3A_10 = arith.constant 1 : index
    %get3A_11 = arith.constant 0 : index
    %get3A_12 = arith.constant 0 : index
    %get3A_13 = vector.load %arg0[%get3A_10, %get3A_11, %get3A_12] : memref<2x1250x128xf32, #tpu.memory_space<vmem>>, vector<1x1250x128xf32>
    %get3A_14 = vector.shape_cast %get3A_13 : vector<1x1250x128xf32> to vector<1250x128xf32>
    %add3A = arith.addf %get3A_9, %get3A_14 : vector<1250x128xf32>
    %get3A_15 = arith.constant 0 : index
    %get3A_16 = arith.constant 0 : index
    %get3A_17 = vector.load %arg1[%get3A_15, %get3A_16] : memref<1250x128xf32, #tpu.memory_space<vmem>>, vector<1250x128xf32>
    %add3A_18 = arith.addf %add3A, %get3A_17 : vector<1250x128xf32>
    %mul3A = arith.mulf %get3A_4, %add3A_18 : vector<1250x128xf32>
    %add3A_19 = vector.broadcast %concatenate3A : vector<1x128xf32> to vector<1250x128xf32>
    %add3A_20 = arith.addf %mul3A, %add3A_19 : vector<1250x128xf32>
    %broadcast_in_dim3A = arith.constant 0.000000e+00 : f32
    %broadcast_in_dim3A_21 = vector.broadcast %broadcast_in_dim3A : f32 to vector<64x16xf32>
    %slice3A = vector.extract_strided_slice %add3A_20 {offsets = [0, 0], sizes = [1250, 16], strides = [1, 1]} : vector<1250x128xf32> to vector<1250x16xf32>
    %get3A_22 = arith.constant 0 : index
    %get3A_23 = arith.constant 0 : index
    %get3A_24 = vector.load %arg4[%get3A_22, %get3A_23] : memref<1250x8xi32, #tpu.memory_space<vmem>>, vector<1250x1xi32>
    %iota3A = tpu.iota {dimensions = array<i32: 1>} : vector<1250x64xi32>
    %eq3A = vector.broadcast %get3A_24 : vector<1250x1xi32> to vector<1250x64xi32>
    %eq3A_25 = arith.cmpi eq, %eq3A, %iota3A : vector<1250x64xi32>
    %convert_element_type3A = arith.extui %eq3A_25 : vector<1250x64xi1> to vector<1250x64xi32>
    %convert_element_type3A_26 = arith.sitofp %convert_element_type3A : vector<1250x64xi32> to vector<1250x64xf32>
    %dot_general3A = arith.constant dense<0.000000e+00> : vector<64x16xf32>
    %dot_general3A_27 = tpu.matmul %convert_element_type3A_26, %slice3A, %dot_general3A {dimension_numbers = #tpu.dot_dimension_numbers<[0], [0], [1], [1], [0, 1, 1, 1], [], []>, transpose_lhs_hint = false} : vector<1250x64xf32>, vector<1250x16xf32>, vector<64x16xf32> -> vector<64x16xf32>
    %add3A_28 = arith.addf %broadcast_in_dim3A_21, %dot_general3A_27 : vector<64x16xf32>
    %slice3A_29 = vector.extract_strided_slice %add3A_20 {offsets = [0, 16], sizes = [1250, 16], strides = [1, 1]} : vector<1250x128xf32> to vector<1250x16xf32>
    %get3A_30 = arith.constant 0 : index
    %get3A_31 = arith.constant 1 : index
    %get3A_32 = vector.load %arg4[%get3A_30, %get3A_31] : memref<1250x8xi32, #tpu.memory_space<vmem>>, vector<1250x1xi32>
    %iota3A_33 = tpu.iota {dimensions = array<i32: 1>} : vector<1250x64xi32>
    %eq3A_34 = vector.broadcast %get3A_32 : vector<1250x1xi32> to vector<1250x64xi32>
    %eq3A_35 = arith.cmpi eq, %eq3A_34, %iota3A_33 : vector<1250x64xi32>
    %convert_element_type3A_36 = arith.extui %eq3A_35 : vector<1250x64xi1> to vector<1250x64xi32>
    %convert_element_type3A_37 = arith.sitofp %convert_element_type3A_36 : vector<1250x64xi32> to vector<1250x64xf32>
    %dot_general3A_38 = arith.constant dense<0.000000e+00> : vector<64x16xf32>
    %dot_general3A_39 = tpu.matmul %convert_element_type3A_37, %slice3A_29, %dot_general3A_38 {dimension_numbers = #tpu.dot_dimension_numbers<[0], [0], [1], [1], [0, 1, 1, 1], [], []>, transpose_lhs_hint = false} : vector<1250x64xf32>, vector<1250x16xf32>, vector<64x16xf32> -> vector<64x16xf32>
    %add3A_40 = arith.addf %add3A_28, %dot_general3A_39 : vector<64x16xf32>
    %slice3A_41 = vector.extract_strided_slice %add3A_20 {offsets = [0, 32], sizes = [1250, 16], strides = [1, 1]} : vector<1250x128xf32> to vector<1250x16xf32>
    %get3A_42 = arith.constant 0 : index
    %get3A_43 = arith.constant 2 : index
    %get3A_44 = vector.load %arg4[%get3A_42, %get3A_43] : memref<1250x8xi32, #tpu.memory_space<vmem>>, vector<1250x1xi32>
    %iota3A_45 = tpu.iota {dimensions = array<i32: 1>} : vector<1250x64xi32>
    %eq3A_46 = vector.broadcast %get3A_44 : vector<1250x1xi32> to vector<1250x64xi32>
    %eq3A_47 = arith.cmpi eq, %eq3A_46, %iota3A_45 : vector<1250x64xi32>
    %convert_element_type3A_48 = arith.extui %eq3A_47 : vector<1250x64xi1> to vector<1250x64xi32>
    %convert_element_type3A_49 = arith.sitofp %convert_element_type3A_48 : vector<1250x64xi32> to vector<1250x64xf32>
    %dot_general3A_50 = arith.constant dense<0.000000e+00> : vector<64x16xf32>
    %dot_general3A_51 = tpu.matmul %convert_element_type3A_49, %slice3A_41, %dot_general3A_50 {dimension_numbers = #tpu.dot_dimension_numbers<[0], [0], [1], [1], [0, 1, 1, 1], [], []>, transpose_lhs_hint = false} : vector<1250x64xf32>, vector<1250x16xf32>, vector<64x16xf32> -> vector<64x16xf32>
    %add3A_52 = arith.addf %add3A_40, %dot_general3A_51 : vector<64x16xf32>
    %slice3A_53 = vector.extract_strided_slice %add3A_20 {offsets = [0, 48], sizes = [1250, 16], strides = [1, 1]} : vector<1250x128xf32> to vector<1250x16xf32>
    %get3A_54 = arith.constant 0 : index
    %get3A_55 = arith.constant 3 : index
    %get3A_56 = vector.load %arg4[%get3A_54, %get3A_55] : memref<1250x8xi32, #tpu.memory_space<vmem>>, vector<1250x1xi32>
    %iota3A_57 = tpu.iota {dimensions = array<i32: 1>} : vector<1250x64xi32>
    %eq3A_58 = vector.broadcast %get3A_56 : vector<1250x1xi32> to vector<1250x64xi32>
    %eq3A_59 = arith.cmpi eq, %eq3A_58, %iota3A_57 : vector<1250x64xi32>
    %convert_element_type3A_60 = arith.extui %eq3A_59 : vector<1250x64xi1> to vector<1250x64xi32>
    %convert_element_type3A_61 = arith.sitofp %convert_element_type3A_60 : vector<1250x64xi32> to vector<1250x64xf32>
    %dot_general3A_62 = arith.constant dense<0.000000e+00> : vector<64x16xf32>
    %dot_general3A_63 = tpu.matmul %convert_element_type3A_61, %slice3A_53, %dot_general3A_62 {dimension_numbers = #tpu.dot_dimension_numbers<[0], [0], [1], [1], [0, 1, 1, 1], [], []>, transpose_lhs_hint = false} : vector<1250x64xf32>, vector<1250x16xf32>, vector<64x16xf32> -> vector<64x16xf32>
    %add3A_64 = arith.addf %add3A_52, %dot_general3A_63 : vector<64x16xf32>
    %slice3A_65 = vector.extract_strided_slice %add3A_20 {offsets = [0, 64], sizes = [1250, 16], strides = [1, 1]} : vector<1250x128xf32> to vector<1250x16xf32>
    %get3A_66 = arith.constant 0 : index
    %get3A_67 = arith.constant 4 : index
    %get3A_68 = vector.load %arg4[%get3A_66, %get3A_67] : memref<1250x8xi32, #tpu.memory_space<vmem>>, vector<1250x1xi32>
    %iota3A_69 = tpu.iota {dimensions = array<i32: 1>} : vector<1250x64xi32>
    %eq3A_70 = vector.broadcast %get3A_68 : vector<1250x1xi32> to vector<1250x64xi32>
    %eq3A_71 = arith.cmpi eq, %eq3A_70, %iota3A_69 : vector<1250x64xi32>
    %convert_element_type3A_72 = arith.extui %eq3A_71 : vector<1250x64xi1> to vector<1250x64xi32>
    %convert_element_type3A_73 = arith.sitofp %convert_element_type3A_72 : vector<1250x64xi32> to vector<1250x64xf32>
    %dot_general3A_74 = arith.constant dense<0.000000e+00> : vector<64x16xf32>
    %dot_general3A_75 = tpu.matmul %convert_element_type3A_73, %slice3A_65, %dot_general3A_74 {dimension_numbers = #tpu.dot_dimension_numbers<[0], [0], [1], [1], [0, 1, 1, 1], [], []>, transpose_lhs_hint = false} : vector<1250x64xf32>, vector<1250x16xf32>, vector<64x16xf32> -> vector<64x16xf32>
    %add3A_76 = arith.addf %add3A_64, %dot_general3A_75 : vector<64x16xf32>
    %slice3A_77 = vector.extract_strided_slice %add3A_20 {offsets = [0, 80], sizes = [1250, 16], strides = [1, 1]} : vector<1250x128xf32> to vector<1250x16xf32>
    %get3A_78 = arith.constant 0 : index
    %get3A_79 = arith.constant 5 : index
    %get3A_80 = vector.load %arg4[%get3A_78, %get3A_79] : memref<1250x8xi32, #tpu.memory_space<vmem>>, vector<1250x1xi32>
    %iota3A_81 = tpu.iota {dimensions = array<i32: 1>} : vector<1250x64xi32>
    %eq3A_82 = vector.broadcast %get3A_80 : vector<1250x1xi32> to vector<1250x64xi32>
    %eq3A_83 = arith.cmpi eq, %eq3A_82, %iota3A_81 : vector<1250x64xi32>
    %convert_element_type3A_84 = arith.extui %eq3A_83 : vector<1250x64xi1> to vector<1250x64xi32>
    %convert_element_type3A_85 = arith.sitofp %convert_element_type3A_84 : vector<1250x64xi32> to vector<1250x64xf32>
    %dot_general3A_86 = arith.constant dense<0.000000e+00> : vector<64x16xf32>
    %dot_general3A_87 = tpu.matmul %convert_element_type3A_85, %slice3A_77, %dot_general3A_86 {dimension_numbers = #tpu.dot_dimension_numbers<[0], [0], [1], [1], [0, 1, 1, 1], [], []>, transpose_lhs_hint = false} : vector<1250x64xf32>, vector<1250x16xf32>, vector<64x16xf32> -> vector<64x16xf32>
    %add3A_88 = arith.addf %add3A_76, %dot_general3A_87 : vector<64x16xf32>
    %slice3A_89 = vector.extract_strided_slice %add3A_20 {offsets = [0, 96], sizes = [1250, 16], strides = [1, 1]} : vector<1250x128xf32> to vector<1250x16xf32>
    %get3A_90 = arith.constant 0 : index
    %get3A_91 = arith.constant 6 : index
    %get3A_92 = vector.load %arg4[%get3A_90, %get3A_91] : memref<1250x8xi32, #tpu.memory_space<vmem>>, vector<1250x1xi32>
    %iota3A_93 = tpu.iota {dimensions = array<i32: 1>} : vector<1250x64xi32>
    %eq3A_94 = vector.broadcast %get3A_92 : vector<1250x1xi32> to vector<1250x64xi32>
    %eq3A_95 = arith.cmpi eq, %eq3A_94, %iota3A_93 : vector<1250x64xi32>
    %convert_element_type3A_96 = arith.extui %eq3A_95 : vector<1250x64xi1> to vector<1250x64xi32>
    %convert_element_type3A_97 = arith.sitofp %convert_element_type3A_96 : vector<1250x64xi32> to vector<1250x64xf32>
    %dot_general3A_98 = arith.constant dense<0.000000e+00> : vector<64x16xf32>
    %dot_general3A_99 = tpu.matmul %convert_element_type3A_97, %slice3A_89, %dot_general3A_98 {dimension_numbers = #tpu.dot_dimension_numbers<[0], [0], [1], [1], [0, 1, 1, 1], [], []>, transpose_lhs_hint = false} : vector<1250x64xf32>, vector<1250x16xf32>, vector<64x16xf32> -> vector<64x16xf32>
    %add3A_100 = arith.addf %add3A_88, %dot_general3A_99 : vector<64x16xf32>
    %slice3A_101 = vector.extract_strided_slice %add3A_20 {offsets = [0, 112], sizes = [1250, 16], strides = [1, 1]} : vector<1250x128xf32> to vector<1250x16xf32>
    %get3A_102 = arith.constant 0 : index
    %get3A_103 = arith.constant 7 : index
    %get3A_104 = vector.load %arg4[%get3A_102, %get3A_103] : memref<1250x8xi32, #tpu.memory_space<vmem>>, vector<1250x1xi32>
    %iota3A_105 = tpu.iota {dimensions = array<i32: 1>} : vector<1250x64xi32>
    %eq3A_106 = vector.broadcast %get3A_104 : vector<1250x1xi32> to vector<1250x64xi32>
    %eq3A_107 = arith.cmpi eq, %eq3A_106, %iota3A_105 : vector<1250x64xi32>
    %convert_element_type3A_108 = arith.extui %eq3A_107 : vector<1250x64xi1> to vector<1250x64xi32>
    %convert_element_type3A_109 = arith.sitofp %convert_element_type3A_108 : vector<1250x64xi32> to vector<1250x64xf32>
    %dot_general3A_110 = arith.constant dense<0.000000e+00> : vector<64x16xf32>
    %dot_general3A_111 = tpu.matmul %convert_element_type3A_109, %slice3A_101, %dot_general3A_110 {dimension_numbers = #tpu.dot_dimension_numbers<[0], [0], [1], [1], [0, 1, 1, 1], [], []>, transpose_lhs_hint = false} : vector<1250x64xf32>, vector<1250x16xf32>, vector<64x16xf32> -> vector<64x16xf32>
    %add3A_112 = arith.addf %add3A_100, %dot_general3A_111 : vector<64x16xf32>
    %get3A_113 = arith.constant 0 : index
    %get3A_114 = arith.constant 0 : index
    %get3A_115 = vector.load %arg5[%get3A_113, %get3A_114] : memref<16x10xf32, #tpu.memory_space<vmem>>, vector<16x10xf32>
    %dot_general3A_116 = arith.constant dense<0.000000e+00> : vector<64x10xf32>
    %dot_general3A_117 = tpu.matmul %add3A_112, %get3A_115, %dot_general3A_116 {dimension_numbers = #tpu.dot_dimension_numbers<[1], [0], [0], [1], [0, 0, 1, 1], [], []>, transpose_lhs_hint = false} : vector<64x16xf32>, vector<16x10xf32>, vector<64x10xf32> -> vector<64x10xf32>
    %get3A_118 = arith.constant 0 : index
    %get3A_119 = arith.constant 0 : index
    %get3A_120 = vector.load %arg6[%get3A_118, %get3A_119] : memref<1x10xf32, #tpu.memory_space<vmem>>, vector<1x10xf32>
    %add3A_121 = vector.broadcast %get3A_120 : vector<1x10xf32> to vector<64x10xf32>
    %add3A_122 = arith.addf %dot_general3A_117, %add3A_121 : vector<64x10xf32>
    %swap3A = arith.constant 0 : index
    %swap3A_123 = arith.constant 0 : index
    %swap3A_124 = vector.load %arg7[%swap3A, %swap3A_123] : memref<64x10xf32, #tpu.memory_space<vmem>>, vector<64x10xf32>
    tpu.vector_store %arg7[%swap3A, %swap3A_123], %add3A_122 {strides = array<i32>} : memref<64x10xf32, #tpu.memory_space<vmem>>, vector<64x10xf32>,
    return
  }
}

</mosaic_0001>

<sc_bundles>
// kernel: kernel.11.cloned.1.call-start
scs
__scs_entry_jumppad:
0x0: {  	(pc) =	sbr.rel $0x88, $3  }
0x1: {  	(tag) =	ssettag $0x0;
	lr =	simm.s32 $0x1  }
0x2: {  	[smem:$0x3F96] =	sst lr;
	_ =	strace $0xD0000000  }
0x3: {  	_ = 	snop  }
0x4: {  	_ = 	snop  }
0x5: {  	_ = 	snop  }
0x6: {  	_ = 	snop  }
0x7: {  	_ = 	snop  }
__scs_overlays_trampoline_lowered:
0x8: {  	[smem:$0x3FA5] =	sst s0  }
0x9: {  	[smem:$0x3FA6] =	sst s1  }
0xa: {  	[smem:$0x3FA7] =	sst s2  }
0xb: {  	[smem:$0x3FA8] =	sst s3  }
0xc: {  	[smem:$0x3FA9] =	sst s4  }
0xd: {  	[smem:$0x3FAA] =	sst s5  }
0xe: {  	[smem:$0x3FAB] =	sst s6  }
0xf: {  	[smem:$0x3FAC] =	sst s7  }
0x10: {  	[smem:$0x3FAD] =	sst s8  }
0x11: {  	[smem:$0x3FAE] =	sst s9;
	s0 =	simm.s32 @!p0 $0x0  }
0x12: {  	s1 =	sld [smem:$0x3F94];
	s0 =	simm.s32 @p0 $0x1  }
0x13: {  	[smem:$0x3FAF] =	sst s0;
	s0 =	simm.s32 @!p1 $0x0  }
0x14: {  	s2 =	sld [smem:$0x3F93];
	s0 =	simm.s32 @p1 $0x1  }
0x15: {  	[smem:$0x3FB0] =	sst s0;
	s0 =	simm.s32 @!p2 $0x0  }
0x16: {  	s3 =	sld [smem:$0x3FDB];
	s0 =	simm.s32 @p2 $0x1  }
0x17: {  	s4 =	simm.s32 $0x1BF5;
	[smem:$0x3FB2] =	sst s0  }
0x18: {  	s0 =	sld [smem:$0x3F95];
	_ =	swait.ge [sflag:s4], $0x0  }
0x19: {  	s7 =	sld [smem:$0x3F96]  }
0x1a: {  	s8 =	sadd.s32 $0xFFFFE003, lr  }
0x1b: {  	s9 =	sadd.s32 $0xFFFFFEF7, lr;
	s5 =	simm.s32 $0xFFFFFFFF;
	p2 =	slt.u32 s8, $0xFFFFF086  }
0x1c: {  	p1 =	slt.u32 s9, $0xF7A;
	s5 =	simm.s32 @!p2 $0x0  }
0x1d: {  	s5 =	simm.s32 @p1 $0x1;
	p0 =	seq.s32 s7, s2  }
0x1e: {  	s7 =	smul.u32 @!p0 $0xF7A, s2;
	p2 =	seq.s32 @!p0 s5, $0x0  }
0x1f: {  	s9 =	smul.u32 $0xF7A, s1;
	s8 =	simm.s32 @!p0 $0x1BF5;
	p2 =	por !p2, p0  }
0x20: {  	[sflag:s8] =	ssyncset.s32 @!p0 $0xFFFFF086;
	s6 =	sadd.s32 @!p0 s3, s7;
	s7 =	simm.s32 @!p0 $0x108  }
0x21: {  	s3 =	sadd.s32 s3, s9;
	s6 =	sadd.s32 @!p0 $0x88, s6;
	s7 =	simm.s32 @p2 $0x1082  }
0x22: {  	[simem:s7], [sflag:s8] =	dma.local @!p0 [hbm:s6], $0xF7A  }
0x23: {  	s9 =	sor.u32 $0xD0000000, s2;
	s6 =	simm.s32 $0x108;
	_ =	swait.ge @!p0 [sflag:s8], $0x0  }
0x24: {  	s3 =	sadd.s32 $0x88, s3;
	s6 =	simm.s32 @!p1 $0x1082;
	[sflag:s4] =	ssyncset.s32 $0xFFFFF086  }
0x25: {  	[simem:s6], [sflag:s4] =	dma.local [hbm:s3], $0xF7A  }
0x26: {  	[smem:$0x3F96] =	sst s1;
	(tag) =	ssettag s2;
	_ =	strace s9  }
0x27: {  	s1 =	sld [smem:$0x3FA6]  }
0x28: {  	s2 =	sld [smem:$0x3FA7]  }
0x29: {  	s4 =	sld [smem:$0x3FA9]  }
0x2a: {  	p0 =	seq.s32 s5, $0x0;
	s5 =	sld [smem:$0x3FAA]  }
0x2b: {  	s6 =	sld [smem:$0x3FAB]  }
0x2c: {  	s7 =	sld [smem:$0x3FAC]  }
0x2d: {  	s3 =	simm.s32 $0x108;
	s8 =	sld [smem:$0x3FAD]  }
0x2e: {  	s3 =	simm.s32 @!p0 $0x1082;
	s9 =	sld [smem:$0x3FAE]  }
0x2f: {  	lr =	sadd.s32 s0, s3;
	s0 =	sld [smem:$0x3FA5]  }
0x30: {  	s3 =	sld [smem:$0x3FA8]  }
0x31: {  	[smem:$0x3FB1] =	sst s10  }
0x32: {  	s10 =	sld [smem:$0x3FAF];
	_ =	sdelay $0x3  }
0x33: {  	p0 =	seq.s32 s10, $0x1;
	s10 =	sld [smem:$0x3FB1];
	_ =	sdelay $0x3  }
0x34: {  	[smem:$0x3FB1] =	sst s10  }
0x35: {  	s10 =	sld [smem:$0x3FB0];
	_ =	sdelay $0x3  }
0x36: {  	p1 =	seq.s32 s10, $0x1;
	s10 =	sld [smem:$0x3FB1];
	_ =	sdelay $0x3  }
0x37: {  	[smem:$0x3FB1] =	sst s10  }
0x38: {  	s10 =	sld [smem:$0x3FB2]  }
0x39: {  	_ = 	snop;
	(pc) =	sbr.ind lr, $3  }
0x3a: {  	_ = 	snop  }
0x3b: {  	_ = 	snop  }
0x3c: {  	p2 =	seq.s32 s10, $0x1;
	s10 =	sld [smem:$0x3FB1]  }
0x3d: {  	_ =	shalt  }
0x3e: {  	_ =	shalt  }
0x3f: {  	_ =	shalt  }
0x40: {  	_ =	shalt  }
0x41: {  	_ =	shalt  }
0x42: {  	_ =	shalt  }
0x43: {  	_ =	shalt  }
0x44: {  	_ =	shalt  }
0x45: {  	_ =	shalt  }
0x46: {  	_ =	shalt  }
0x47: {  	_ =	shalt  }
0x48: {  	_ =	shalt  }
0x49: {  	_ =	shalt  }
0x4a: {  	_ =	shalt  }
0x4b: {  	_ =	shalt  }
0x4c: {  	_ =	shalt  }
0x4d: {  	_ =	shalt  }
0x4e: {  	_ =	shalt  }
0x4f: {  	_ =	shalt  }
0x50: {  	_ =	shalt  }
0x51: {  	_ =	shalt  }
0x52: {  	_ =	shalt  }
0x53: {  	_ =	shalt  }
0x54: {  	_ =	shalt  }
0x55: {  	_ =	shalt  }
0x56: {  	_ =	shalt  }
0x57: {  	_ =	shalt  }
0x58: {  	_ =	shalt  }
0x59: {  	_ =	shalt  }
0x5a: {  	_ =	shalt  }
0x5b: {  	_ =	shalt  }
0x5c: {  	_ =	shalt  }
0x5d: {  	_ =	shalt  }
0x5e: {  	_ =	shalt  }
0x5f: {  	_ =	shalt  }
0x60: {  	_ =	shalt  }
0x61: {  	_ =	shalt  }
0x62: {  	_ =	shalt  }
0x63: {  	_ =	shalt  }
0x64: {  	_ =	shalt  }
0x65: {  	_ =	shalt  }
0x66: {  	_ =	shalt  }
0x67: {  	_ =	shalt  }
0x68: {  	_ =	shalt  }
0x69: {  	_ =	shalt  }
0x6a: {  	_ =	shalt  }
0x6b: {  	_ =	shalt  }
0x6c: {  	_ =	shalt  }
0x6d: {  	_ =	shalt  }
0x6e: {  	_ =	shalt  }
0x6f: {  	_ =	shalt  }
0x70: {  	_ =	shalt  }
0x71: {  	_ =	shalt  }
0x72: {  	_ =	shalt  }
0x73: {  	_ =	shalt  }
0x74: {  	_ =	shalt  }
0x75: {  	_ =	shalt  }
0x76: {  	_ =	shalt  }
0x77: {  	_ =	shalt  }
0x78: {  	_ =	shalt  }
0x79: {  	_ =	shalt  }
0x7a: {  	_ =	shalt  }
0x7b: {  	_ =	shalt  }
0x7c: {  	_ =	shalt  }
0x7d: {  	_ =	shalt  }
0x7e: {  	_ =	shalt  }
0x7f: {  	_ =	shalt  }
0x80: {  	_ =	shalt  }
0x81: {  	_ =	shalt  }
0x82: {  	_ =	shalt  }
0x83: {  	_ =	shalt  }
0x84: {  	_ =	shalt  }
0x85: {  	_ =	shalt  }
0x86: {  	_ =	shalt  }
0x87: {  	_ =	shalt  }
.Lfunc_end0:
.L_simem_size_0:
called_computation_lowered:
.L_overlay_start_0:
0x88: {  	s2 =	sld [smem:$0x3FD9]  }
0x89: {  	s3 =	sld [smem:$0x3FFE];
	_ =	sdelay $0x1  }
0x8a: {  	s1 =	srdreg.scid  }
0x8b: {  	s0 =	sand.u32 $0x1, s1  }
0x8c: {  	s16 =	sshll.u32 s0, $0xA;
	s2 =	sadd.s32 s3, s2  }
0x8d: {  	s2 =	sadd.s32 s2, s16  }
0x8e: {  	[smem:$0x3FBD] =	sst s2  }
0x8f: {  	_ = 	snop  }
0x90: {  	(tm) =	ssettm $0x1  }
0x91: {  	s17 =	sld [smem:$0x3FFB];
	_ =	sdelay $0x3  }
0x92: {  	_ =	strace s17  }
0x93: {  	s2 =	sld [smem:$0x3FFC];
	_ =	sdelay $0x3  }
0x94: {  	_ =	strace s2  }
0x95: {  	s2 =	sld [smem:$0x3FFD];
	_ =	sdelay $0x3  }
0x96: {  	_ =	strace s2  }
0x97: {  	_ =	strace $0x8FFFFFFF  }
0x98: {  	s18 =	sld [smem:$0x3FDB];
	_ =	sdelay $0x1  }
0x99: {  	s19 =	simm.s32 $_scs_section_size  }
0x9a: {  	s4 =	simm.s32 $_size__tile_overlayer_lowered;
	s5 =	simm.s32 $_tile_overlayer_lowered  }
0x9b: {  	s22 =	simm.s32 $0x1BFF;
	s21 =	sshll.u32 s5, $0x1;
	s2 =	sadd.s32 s19, s18  }
0x9c: {  	s6 =	simm.s32 $0x0;
	s20 =	sshll.u32 s4, $0x1;
	s4 =	sadd.s32 s21, s2  }
0x9d: {  	[timem:s6], [sflag:s22] =	dma.local [hbm:s4], s20  }
0x9e: {  	_ =	swait.ge [sflag:s22], s20  }
0x9f: {  	s3 =	ssub.s32 $0x0, s20;
	[sflag:s22] =	ssyncset.done $0x0  }
0xa0: {  	[sflag:s22] =	ssyncadd.s32 s3;
	_ =	sdelay $0x1  }
0xa1: {  	s23 =	simm.s32 $0x1B8B  }
0xa2: {  	_ =	swait.ge [sflag:s23], $0x1  }
0xa3: {  	[sflag:s23] =	ssyncset.done $0x0  }
0xa4: {  	s25 =	simm.s32 $0x1B8E;
	s24 =	sld [smem:$0x3FFE];
	[sflag:s23] =	ssyncadd.s32 $0xFFFFFFFF  }
0xa5: {  	s26 =	simm.s32 $execute0_lowered;
	[smem:$0x3FD2] =	sst s25  }
0xa6: {  	s4 =	sshll.u32 s26, $0x1;
	_ =	strace $0x80000046;
	[dreg:$0x1] =	wrdreg $0xFFFFFFFF  }
0xa7: {  	s28 =	simm.s32 $_size_execute0_lowered;
	s2 =	sadd.s32 s2, s4;
	[dreg:$0x0] =	wrdreg $0x0  }
0xa8: {  	s4 =	sshll.u32 s28, $0x1;
	[dreg:$0x2] =	wrdreg s2  }
0xa9: {  	[dreg:$0x3] =	wrdreg s4  }
0xaa: {  	[dreg:$0x4] =	wrdreg $0xC0  }
0xab: {  	_ =	task [dreg:s6], $0x5FFFF  }
0xac: {  	[dreg:$0x1] =	wrdreg $0xFFFFFFFF  }
0xad: {  	[dreg:$0x0] =	wrdreg $0x60  }
0xae: {  	[dreg:$0x2] =	wrdreg s24  }
0xaf: {  	[dreg:$0x3] =	wrdreg $0x41F00  }
0xb0: {  	[dreg:$0x4] =	wrdreg $0x9  }
0xb1: {  	_ =	task.clear_ibuf [dreg:s6], $0x5FFFF;
	_ =	strace $0x90000046  }
0xb2: {  	s29 =	simm.s32 $0x9;
	_ =	strace $0x80000048  }
0xb3: {  	_ =	swait.ge [sflag:s29], $0x1  }
0xb4: {  	[sflag:s29] =	ssyncadd.s32 $0xFFFFFFFF  }
0xb5: {  	_ =	strace $0x90000048  }
0xb6: {  	_ =	sfence  }
0xb7: {  	s30 =	sld [smem:$0x0];
	_ =	sdelay $0x2  }
0xb8: {  	s31 =	sshll.u32 s1, $0xD;
	s1 =	sshrl.u32 s1, $0x2  }
0xb9: {  	s3 =	sand.u32 $0x4000, s31;
	s1 =	sadd.s32 s1, s30  }
0xba: {  	s0 =	sor.u32 s3, s0;
	s1 =	sshll.u32 s1, $0x11  }
0xbb: {  	s0 =	sor.u32 s1, s0  }
0xbc: {  	s0 =	sadd.s32 $0x8F2B, s0  }
0xbd: {  	[sflag:s0] =	ssyncadd.remote.s32 $0x1  }
0xbe: {  	_ =	sfence.sel $0xFFFF  }
0xbf: {  	[dreg:$0x0] =	wrdreg $0xFFFFFFFF;
	(pc) =	sbr.abs _section_cstart, $3  }
0xc0: {  	[dreg:$0x1] =	wrdreg $0xFFFFFFFF  }
0xc1: {  	_ =	task.clear_ibuf [dreg:s6], $0x2FFFF;
	_ =	strace $0x9FFFFFFF  }
0xc2: {  	(tm) =	ssettm $0x7FFFFFFF  }
0xc3: {  	_ =	shalt  }
tec
execute0_lowered:
.L_overlay_start_1:
0x0: {  	(tag) =	ssettag $0x1  }
0x1: {  	s1 =	srdreg.scid  }
0x2: {  	s0 =	stileid.u32;
	s4 =	rddreg [dreg:$0x0]  }
0x3: {  	s2 =	rddreg [dreg:$0x1];
	s3 =	simm.s32 $0x0;
	s15 =	simm.s32 $0x1770  }
0x4: {  	s16 =	simm.s32 $0x3;
	s17 =	simm.s32 $0x1;
	s18 =	simm.s32 $0xFA0  }
0x5: {  	s19 =	simm.s32 $0x2;
	s20 =	simm.s32 $0x19F0;
	s21 =	simm.s32 $0x0  }
0x6: {  	s5 =	sand.u32 $0x1, s1;
	s28 =	sshll.u32 s0, $0x1;
	s7 =	smul.u32 $0x9C0, s0  }
0x7: {  	[smem:$0x7FF] =	sst s3;
	s11 =	sadd.s32 $0x17200, s4;
	s14 =	smul.u32 $0x2700, s0  }
0x8: {  	p0 =	sne.s32 s0, $0xF;
	s1 =	sor.u32 s5, s28;
	s12 =	smul.u32 $0x27100, s5  }
0x9: {  	s29 =	ssub.s32 $0x2, s5;
	s6 =	smul.u32 $0x2710, s1;
	s1 =	rddreg [dreg:$0x2]  }
0xa: {  	_ =	strace $0x80000047;
	s30 =	sshrl.u32 s29, $0x1;
	s31 =	sshrl.u32 s7, $0x2  }
0xb: {  	s7 =	sadd.s32 $0x2700, s2;
	s13 =	ssub.s32 s29, s30;
	s14 =	sadd.s32 s14, s12  }
0xc: {  	s12 =	sshrl.u32 s12, $0x3;
	s6 =	sshrl.u32 s6, $0x3;
	s14 =	sshrl.u32 s14, $0x3  }
0xd: {  	s12 =	sadd.s32 s11, s12;
	s13 =	smax.u32 s13, $0x1;
	s10 =	sadd.s32 s6, s4  }
0xe: {  	s6 =	sadd.s32 s31, s2;
	s11 =	sadd.s32 s11, s14;
	s12 =	sadd.s32 $0x4E00, s12  }
0xf: {  	s14 =	simm.s32 $0x7D0;
	s4 =	sadd.s32 $0xD440, s10;
	s5 =	sadd.s32 $0xD53A, s10  }
0x10: {  	v0 =	vimm.f32 $1.000000000e+00;
	v1 =	vimm.f32 $0.0e+00;
	s8 =	sadd.s32 $0xD634, s10;
	s9 =	sadd.s32 $0xD72E, s10;
	s10 =	sadd.s32 $0xD828, s10  }
.LBB2_1:
0x11: {  	[tilespmem:s3], [sflag:$0x1] =	stream.linear.gather [hbm4b:s4+s3], $0x7D0, $0x38;
	[tilespmem:$0x4468] =	vst v63  }
0x12: {  	s22 =	simm.s32 $0x40;
	s23 =	simm.s32 $0x0  }
0x13: {  	[tilespmem:s14], [sflag:$0x2] =	stream.linear.gather [hbm4b:s5+s3], $0x7D0, $0x38;
	[tilespmem:$0x4468] =	vst v63  }
.LBB2_2:
0x14: {  	p1 =	sne.s32 s22, $0x1F00;
	[tilespmem:s23+$0xFA0] =	vst v0;
	s23 =	smov.u32 s22;
	s22 =	sadd.s32 $0x40, s22  }
.Ltmp0:
0x15: {  	(pc) =	sbr.rel @p1 .LBB2_2-.Ltmp0, $2  }
0x16: {  	_ =	sdelay $0x2  }
0x17: {  	s23 =	sshra.s32 s23, $0x2  }
0x18: {  	[tilespmem:s23+$0xFA0] =	vst v0  }
0x19: {  	[tilespmem:$0x1770] =	vst v1  }
0x1a: {  	[tilespmem:$0x1780] =	vst v1  }
0x1b: {  	[tilespmem:$0x1790] =	vst v1  }
0x1c: {  	[tilespmem:$0x17A0] =	vst v1  }
0x1d: {  	[tilespmem:$0x17B0] =	vst v1  }
0x1e: {  	[tilespmem:$0x17C0] =	vst v1  }
0x1f: {  	[tilespmem:$0x17D0] =	vst v1  }
0x20: {  	[tilespmem:$0x17E0] =	vst v1  }
0x21: {  	[tilespmem:$0x17F0] =	vst v1  }
0x22: {  	[tilespmem:$0x1800] =	vst v1  }
0x23: {  	[tilespmem:$0x1810] =	vst v1  }
0x24: {  	[tilespmem:$0x1820] =	vst v1  }
0x25: {  	[tilespmem:$0x1830] =	vst v1  }
0x26: {  	[tilespmem:$0x1840] =	vst v1  }
0x27: {  	[tilespmem:$0x1850] =	vst v1  }
0x28: {  	[tilespmem:$0x1860] =	vst v1  }
0x29: {  	[tilespmem:$0x1870] =	vst v1  }
0x2a: {  	[tilespmem:$0x1880] =	vst v1  }
0x2b: {  	[tilespmem:$0x1890] =	vst v1  }
0x2c: {  	[tilespmem:$0x18A0] =	vst v1  }
0x2d: {  	[tilespmem:$0x18B0] =	vst v1  }
0x2e: {  	[tilespmem:$0x18C0] =	vst v1  }
0x2f: {  	[tilespmem:$0x18D0] =	vst v1  }
0x30: {  	[tilespmem:$0x18E0] =	vst v1  }
0x31: {  	[tilespmem:$0x18F0] =	vst v1  }
0x32: {  	[tilespmem:$0x1900] =	vst v1  }
0x33: {  	[tilespmem:$0x1910] =	vst v1  }
0x34: {  	[tilespmem:$0x1920] =	vst v1  }
0x35: {  	[tilespmem:$0x1930] =	vst v1  }
0x36: {  	[tilespmem:$0x1940] =	vst v1  }
0x37: {  	[tilespmem:$0x1950] =	vst v1  }
0x38: {  	[tilespmem:$0x1960] =	vst v1  }
0x39: {  	[tilespmem:$0x1970] =	vst v1  }
0x3a: {  	[tilespmem:$0x1980] =	vst v1  }
0x3b: {  	[tilespmem:$0x1990] =	vst v1  }
0x3c: {  	[tilespmem:$0x19A0] =	vst v1  }
0x3d: {  	[tilespmem:$0x19B0] =	vst v1  }
0x3e: {  	[tilespmem:$0x19C0] =	vst v1  }
0x3f: {  	[tilespmem:$0x19D0] =	vst v1  }
0x40: {  	[tilespmem:$0x19E0] =	vst v1  }
0x41: {  	[spmem:s6] =	stream.linear.scatter [tilespmem:s15], [sflag:$0x3], $0x270, $0x38;
	[tilespmem:$0x4468] =	vst v63  }
0x42: {  	_ =	swait.ge [sflag:s16], $0x270  }
0x43: {  	[sflag:s16] =	ssyncset.done $0x0  }
0x44: {  	s22 =	simm.s32 @!p0 $0x1770;
	[sflag:s16] =	ssyncadd.s32 $0xFFFFFD90  }
0x45: {  	[spmem:s7] =	stream.linear.scatter @!p0 [tilespmem:s22], [sflag:$0x3], $0x10, $0x38;
	[tilespmem:$0x4468] =	vst v63  }
0x46: {  	s22 =	simm.s32 @!p0 $0x3  }
0x47: {  	_ =	swait.ge @!p0 [sflag:s22], $0x10  }
0x48: {  	[sflag:s22] =	ssyncset.done @!p0 $0x0  }
0x49: {  	[sflag:s22] =	ssyncadd.s32 @!p0 $0xFFFFFFF0  }
0x4a: {  	[bflag:$0x0] =	sbarrier.arrive $0xFFFF  }
0x4b: {  	_ =	swait.ge [sflag:s17], $0x7D0  }
0x4c: {  	[sflag:s17] =	ssyncset.done $0x0  }
0x4d: {  	[sflag:s17] =	ssyncadd.s32 $0xFFFFF830  }
0x4e: {  	[spmem:s2] =	stream.indirect.scatter.add.f32 [tilespmem:s18], [sflag:$0x3], $0x1, s3, s14, $0xb8;
	[tilespmem:$0x4468] =	vst v63  }
0x4f: {  	_ =	swait.ge [sflag:s16], $0x7D0  }
0x50: {  	[sflag:s16] =	ssyncset.done $0x0  }
0x51: {  	[sflag:s16] =	ssyncadd.s32 $0xFFFFF830  }
0x52: {  	[tilespmem:s3], [sflag:$0x1] =	stream.linear.gather [hbm4b:s8+s3], $0x7D0, $0x38;
	[tilespmem:$0x4468] =	vst v63  }
0x53: {  	_ =	swait.ge [sflag:s19], $0x7D0  }
0x54: {  	[sflag:s19] =	ssyncset.done $0x0  }
0x55: {  	[sflag:s19] =	ssyncadd.s32 $0xFFFFF830  }
0x56: {  	[spmem:s2] =	stream.indirect.scatter.add.f32 [tilespmem:s18], [sflag:$0x3], $0x1, s14, s14, $0xb8;
	[tilespmem:$0x4468] =	vst v63  }
0x57: {  	_ =	swait.ge [sflag:s16], $0x7D0  }
0x58: {  	[sflag:s16] =	ssyncset.done $0x0  }
0x59: {  	[sflag:s16] =	ssyncadd.s32 $0xFFFFF830  }
0x5a: {  	[tilespmem:s14], [sflag:$0x2] =	stream.linear.gather [hbm4b:s9+s3], $0x7D0, $0x38;
	[tilespmem:$0x4468] =	vst v63  }
0x5b: {  	_ =	swait.ge [sflag:s17], $0x7D0  }
0x5c: {  	[sflag:s17] =	ssyncset.done $0x0  }
0x5d: {  	[sflag:s17] =	ssyncadd.s32 $0xFFFFF830  }
0x5e: {  	[spmem:s2] =	stream.indirect.scatter.add.f32 [tilespmem:s18], [sflag:$0x3], $0x1, s3, s14, $0xb8;
	[tilespmem:$0x4468] =	vst v63  }
0x5f: {  	_ =	swait.ge [sflag:s16], $0x7D0  }
0x60: {  	[sflag:s16] =	ssyncset.done $0x0  }
0x61: {  	[sflag:s16] =	ssyncadd.s32 $0xFFFFF830  }
0x62: {  	[tilespmem:s3], [sflag:$0x1] =	stream.linear.gather [hbm4b:s10+s3], $0x7D0, $0x38;
	[tilespmem:$0x4468] =	vst v63  }
0x63: {  	_ =	swait.ge [sflag:s19], $0x7D0  }
0x64: {  	[sflag:s19] =	ssyncset.done $0x0  }
0x65: {  	[sflag:s19] =	ssyncadd.s32 $0xFFFFF830  }
0x66: {  	[spmem:s2] =	stream.indirect.scatter.add.f32 [tilespmem:s18], [sflag:$0x3], $0x1, s14, s14, $0xb8;
	[tilespmem:$0x4468] =	vst v63  }
0x67: {  	_ =	swait.ge [sflag:s16], $0x7D0  }
0x68: {  	[sflag:s16] =	ssyncset.done $0x0  }
0x69: {  	[sflag:s16] =	ssyncadd.s32 $0xFFFFF830  }
0x6a: {  	_ =	swait.ge [sflag:s17], $0x7D0  }
0x6b: {  	[sflag:s17] =	ssyncset.done $0x0  }
0x6c: {  	[sflag:s17] =	ssyncadd.s32 $0xFFFFF830  }
0x6d: {  	[spmem:s2] =	stream.indirect.scatter.add.f32 [tilespmem:s18], [sflag:$0x3], $0x1, s3, s14, $0xb8;
	[tilespmem:$0x4468] =	vst v63  }
0x6e: {  	_ =	swait.ge [sflag:s16], $0x7D0  }
0x6f: {  	[sflag:s16] =	ssyncset.done $0x0  }
0x70: {  	[sflag:s16] =	ssyncadd.s32 $0xFFFFF830  }
0x71: {  	s24 =	simm.s32 @!p0 $0x280;
	[bflag:$0x0] =	sbarrier.arrive $0xFFFF  }
0x72: {  	[tilespmem:s15], [sflag:$0x3] =	stream.linear.gather [spmem:s6], $0x270, $0x38;
	[tilespmem:$0x4468] =	vst v63  }
0x73: {  	s24 =	simm.s32 @p0 $0x270;
	_ =	swait.ge [sflag:s16], $0x270  }
0x74: {  	s23 =	simm.s32 $0x0;
	s24 =	sshll.u32 s24, $0x6;
	[sflag:s16] =	ssyncset.done $0x0  }
0x75: {  	s25 =	simm.s32 @!p0 $0x19E0;
	p2 =	sne.s32 s24, $0x40;
	[sflag:s16] =	ssyncadd.s32 $0xFFFFFD90  }
0x76: {  	v2 =	vmov s23;
	[tilespmem:s25], [sflag:$0x3] =	stream.linear.gather @!p0 [spmem:s7], $0x10, $0x38;
	[tilespmem:$0x4468] =	vst v63  }
.Ltmp1:
0x77: {  	_ = 	snop;
	(pc) =	sbr.rel @!p2 .LBB2_4-.Ltmp1, $4  }
0x78: {  	_ =	swait.ge @!p0 [sflag:s22], $0x10  }
0x79: {  	[sflag:s22] =	ssyncset.done @!p0 $0x0  }
0x7a: {  	[sflag:s22] =	ssyncadd.s32 @!p0 $0xFFFFFFF0  }
0x7b: {  	s26 =	simm.s32 $0x1;
	p1 =	por $0x0, $0x0;
	s25 =	simm.s32 $0x40;
	v2 =	vld.idx.msk [tilespmem:v2+s15+$0x0], $0xffff  }
0x7c: {  	v3 =	vmov s26;
	p2 =	sne.s32 s24, $0x80  }
.Ltmp2:
0x7d: {  	s31 =	sand.u32 $0xFFFFFE00, s23;
	(pc) =	sbr.rel @!p2 .LBB2_6-.Ltmp2, $4  }
0x7e: {  	s28 =	sand.u32 $0x70, s23;
	s26 =	sshra.s32 s31, $0x2  }
0x7f: {  	s28 =	sor.u32 s28, s26  }
0x80: {  	s29 =	simm.s32 $0x2;
	[tilespmem:s28+$0x19F0] =	vst v2  }
0x81: {  	p1 =	por $0x1, $0x1;
	s26 =	simm.s32 $0x80;
	s28 =	simm.s32 $0x0;
	v2 =	vld.idx.msk [tilespmem:v3+s15+$0x0], $0xffff  }
.LBB2_7:
0x82: {  	v3 =	vmov s29;
	s30 =	smov.u32 s26;
	s26 =	sadd.s32 $0x40, s26  }
0x83: {  	s25 =	sand.u32 $0xFFFFFE00, s25;
	s28 =	sadd.s32 $0x10, s28;
	p2 =	sne.s32 s24, s26  }
.Ltmp3:
0x84: {  	s31 =	sand.u32 $0x70, s28;
	s25 =	sshra.s32 s25, $0x2;
	(pc) =	sbr.rel @p2 .LBB2_7-.Ltmp3, $4  }
0x85: {  	s31 =	sor.u32 s31, s25;
	s25 =	smov.u32 s30  }
0x86: {  	[tilespmem:s31+$0x19F0] =	vst v2  }
0x87: {  	v2 =	vld.idx.msk [tilespmem:v3+s15+$0x0], $0xffff  }
0x88: {  	s29 =	sadd.s32 $0x1, s29  }
.LBB2_8:
0x89: {  	s24 =	sadd.s32 @p1 $0x10, s28  }
0x8a: {  	s25 =	sand.u32 $0xFFFFFE00, s25;
	s23 =	smov.u32 @p1 s24  }
0x8b: {  	s31 =	sshra.s32 s25, $0x2;
	s23 =	sand.u32 $0x70, s23  }
0x8c: {  	s23 =	sor.u32 s23, s31  }
0x8d: {  	[tilespmem:s23+$0x19F0] =	vst v2  }
0x8e: {  	[hbm4b:s11+s3] =	stream.linear.scatter [tilespmem:s20], [sflag:$0x3], $0x2700, $0x38;
	[tilespmem:$0x4468] =	vst v63  }
0x8f: {  	_ =	swait.ge [sflag:s16], $0x2700  }
0x90: {  	s21 =	sadd.s32 $0x1, s21;
	s24 =	simm.s32 @!p0 $0x40F0;
	[sflag:s16] =	ssyncset.done $0x0  }
0x91: {  	p1 =	sne.s32 s21, s13;
	s23 =	simm.s32 @!p0 $0x0;
	[sflag:s16] =	ssyncadd.s32 $0xFFFFD900  }
0x92: {  	[hbm4b:s12+s23] =	stream.linear.scatter @!p0 [tilespmem:s24], [sflag:$0x3], $0x100, $0x38;
	[tilespmem:$0x4468] =	vst v63  }
.Ltmp4:
0x93: {  	_ = 	snop;
	(pc) =	sbr.rel @p1 .LBB2_1-.Ltmp4, $4  }
.Ltmp5:
0x94: {  	_ = 	snop;
	(pc) =	sbr.rel @!p1 .LBB2_9-.Ltmp5, $4  }
0x95: {  	_ =	swait.ge @!p0 [sflag:s22], $0x100  }
0x96: {  	[sflag:s22] =	ssyncset.done @!p0 $0x0  }
0x97: {  	[sflag:s22] =	ssyncadd.s32 @!p0 $0xFFFFFF00  }
0x98: {  	_ = 	snop  }
.LBB2_4:
.Ltmp6:
0x99: {  	(pc) =	sbr.rel .LBB2_8-.Ltmp6, $2  }
0x9a: {  	_ =	sdelay $0x2  }
0x9b: {  	s25 =	simm.s32 $0x0;
	s28 =	simm.s32 $0x0  }
.LBB2_6:
.Ltmp7:
0x9c: {  	(pc) =	sbr.rel .LBB2_8-.Ltmp7, $2  }
0x9d: {  	_ =	sdelay $0x2  }
0x9e: {  	s28 =	simm.s32 $0x0  }
.LBB2_9:
0x9f: {  	_ =	sfence.sel $0x180000  }
0xa0: {  	[bflag:$0x0] =	sbarrier.arrive $0xFFFF  }
0xa1: {  	p0 =	sne.s32 s0, $0x0;
	_ =	strace $0x90000047  }
0xa2: {  	s0 =	sadd.s32 @!p0 $0x100000, s1;
	[bflag:$0x2] =	sbarrier.arrive $0xFFFF  }
0xa3: {  	[sflag:s0] =	ssyncadd.tile.s32 @!p0 $0x1;
	_ =	shalt  }
.Lfunc_end2:
_tile_overlayer_lowered:
.L_overlay_start_2:
0xa4: {  	(tag) =	ssettag $0x2  }
0xa5: {  	s0 =	rddreg [dreg:$0x0];
	s2 =	stileid.u32  }
0xa6: {  	s1 =	rddreg [dreg:$0x1];
	p0 =	sne.s32 s2, $0x0  }
0xa7: {  	s3 =	rddreg [dreg:$0x2];
	[bflag:$0x3] =	sbarrier.arrive $0xFFFF;
	s2 =	simm.s32 @!p0 $0x1C03  }
0xa8: {  	[timem:s3], [sflag:s2] =	dma.local @!p0 [hbm:s0], s1  }
0xa9: {  	s0 =	simm.s32 @!p0 $0x3  }
0xaa: {  	_ =	swait.ge @!p0 [sflag:s0], s1  }
0xab: {  	s1 =	ssub.s32 @!p0 $0x0, s1;
	[sflag:s0] =	ssyncset.done @!p0 $0x0  }
0xac: {  	[sflag:s0] =	ssyncadd.s32 @!p0 s1  }
0xad: {  	[bflag:$0x3] =	sbarrier.arrive $0xFFFF  }
0xae: {  	_ =	shalt  }

// kernel: kernel.14.cloned.1.call-start
scs
__scs_entry_jumppad:
0x0: {  	(pc) =	sbr.rel $0x88, $3  }
0x1: {  	(tag) =	ssettag $0x0;
	lr =	simm.s32 $0x1  }
0x2: {  	[smem:$0x3F96] =	sst lr;
	_ =	strace $0xD0000000  }
0x3: {  	_ = 	snop  }
0x4: {  	_ = 	snop  }
0x5: {  	_ = 	snop  }
0x6: {  	_ = 	snop  }
0x7: {  	_ = 	snop  }
__scs_overlays_trampoline_lowered:
0x8: {  	[smem:$0x3FA5] =	sst s0  }
0x9: {  	[smem:$0x3FA6] =	sst s1  }
0xa: {  	[smem:$0x3FA7] =	sst s2  }
0xb: {  	[smem:$0x3FA8] =	sst s3  }
0xc: {  	[smem:$0x3FA9] =	sst s4  }
0xd: {  	[smem:$0x3FAA] =	sst s5  }
0xe: {  	[smem:$0x3FAB] =	sst s6  }
0xf: {  	[smem:$0x3FAC] =	sst s7  }
0x10: {  	[smem:$0x3FAD] =	sst s8  }
0x11: {  	[smem:$0x3FAE] =	sst s9;
	s0 =	simm.s32 @!p0 $0x0  }
0x12: {  	s1 =	sld [smem:$0x3F94];
	s0 =	simm.s32 @p0 $0x1  }
0x13: {  	[smem:$0x3FAF] =	sst s0;
	s0 =	simm.s32 @!p1 $0x0  }
0x14: {  	s2 =	sld [smem:$0x3F93];
	s0 =	simm.s32 @p1 $0x1  }
0x15: {  	[smem:$0x3FB0] =	sst s0;
	s0 =	simm.s32 @!p2 $0x0  }
0x16: {  	s3 =	sld [smem:$0x3FDB];
	s0 =	simm.s32 @p2 $0x1  }
0x17: {  	s4 =	simm.s32 $0x1BF5;
	[smem:$0x3FB2] =	sst s0  }
0x18: {  	s0 =	sld [smem:$0x3F95];
	_ =	swait.ge [sflag:s4], $0x0  }
0x19: {  	s7 =	sld [smem:$0x3F96]  }
0x1a: {  	s8 =	sadd.s32 $0xFFFFE003, lr  }
0x1b: {  	s9 =	sadd.s32 $0xFFFFFEF7, lr;
	s5 =	simm.s32 $0xFFFFFFFF;
	p2 =	slt.u32 s8, $0xFFFFF086  }
0x1c: {  	p1 =	slt.u32 s9, $0xF7A;
	s5 =	simm.s32 @!p2 $0x0  }
0x1d: {  	s5 =	simm.s32 @p1 $0x1;
	p0 =	seq.s32 s7, s2  }
0x1e: {  	s7 =	smul.u32 @!p0 $0xF7A, s2;
	p2 =	seq.s32 @!p0 s5, $0x0  }
0x1f: {  	s9 =	smul.u32 $0xF7A, s1;
	s8 =	simm.s32 @!p0 $0x1BF5;
	p2 =	por !p2, p0  }
0x20: {  	[sflag:s8] =	ssyncset.s32 @!p0 $0xFFFFF086;
	s6 =	sadd.s32 @!p0 s3, s7;
	s7 =	simm.s32 @!p0 $0x108  }
0x21: {  	s3 =	sadd.s32 s3, s9;
	s6 =	sadd.s32 @!p0 $0x88, s6;
	s7 =	simm.s32 @p2 $0x1082  }
0x22: {  	[simem:s7], [sflag:s8] =	dma.local @!p0 [hbm:s6], $0xF7A  }
0x23: {  	s9 =	sor.u32 $0xD0000000, s2;
	s6 =	simm.s32 $0x108;
	_ =	swait.ge @!p0 [sflag:s8], $0x0  }
0x24: {  	s3 =	sadd.s32 $0x88, s3;
	s6 =	simm.s32 @!p1 $0x1082;
	[sflag:s4] =	ssyncset.s32 $0xFFFFF086  }
0x25: {  	[simem:s6], [sflag:s4] =	dma.local [hbm:s3], $0xF7A  }
0x26: {  	[smem:$0x3F96] =	sst s1;
	(tag) =	ssettag s2;
	_ =	strace s9  }
0x27: {  	s1 =	sld [smem:$0x3FA6]  }
0x28: {  	s2 =	sld [smem:$0x3FA7]  }
0x29: {  	s4 =	sld [smem:$0x3FA9]  }
0x2a: {  	p0 =	seq.s32 s5, $0x0;
	s5 =	sld [smem:$0x3FAA]  }
0x2b: {  	s6 =	sld [smem:$0x3FAB]  }
0x2c: {  	s7 =	sld [smem:$0x3FAC]  }
0x2d: {  	s3 =	simm.s32 $0x108;
	s8 =	sld [smem:$0x3FAD]  }
0x2e: {  	s3 =	simm.s32 @!p0 $0x1082;
	s9 =	sld [smem:$0x3FAE]  }
0x2f: {  	lr =	sadd.s32 s0, s3;
	s0 =	sld [smem:$0x3FA5]  }
0x30: {  	s3 =	sld [smem:$0x3FA8]  }
0x31: {  	[smem:$0x3FB1] =	sst s10  }
0x32: {  	s10 =	sld [smem:$0x3FAF];
	_ =	sdelay $0x3  }
0x33: {  	p0 =	seq.s32 s10, $0x1;
	s10 =	sld [smem:$0x3FB1];
	_ =	sdelay $0x3  }
0x34: {  	[smem:$0x3FB1] =	sst s10  }
0x35: {  	s10 =	sld [smem:$0x3FB0];
	_ =	sdelay $0x3  }
0x36: {  	p1 =	seq.s32 s10, $0x1;
	s10 =	sld [smem:$0x3FB1];
	_ =	sdelay $0x3  }
0x37: {  	[smem:$0x3FB1] =	sst s10  }
0x38: {  	s10 =	sld [smem:$0x3FB2]  }
0x39: {  	_ = 	snop;
	(pc) =	sbr.ind lr, $3  }
0x3a: {  	_ = 	snop  }
0x3b: {  	_ = 	snop  }
0x3c: {  	p2 =	seq.s32 s10, $0x1;
	s10 =	sld [smem:$0x3FB1]  }
0x3d: {  	_ =	shalt  }
0x3e: {  	_ =	shalt  }
0x3f: {  	_ =	shalt  }
0x40: {  	_ =	shalt  }
0x41: {  	_ =	shalt  }
0x42: {  	_ =	shalt  }
0x43: {  	_ =	shalt  }
0x44: {  	_ =	shalt  }
0x45: {  	_ =	shalt  }
0x46: {  	_ =	shalt  }
0x47: {  	_ =	shalt  }
0x48: {  	_ =	shalt  }
0x49: {  	_ =	shalt  }
0x4a: {  	_ =	shalt  }
0x4b: {  	_ =	shalt  }
0x4c: {  	_ =	shalt  }
0x4d: {  	_ =	shalt  }
0x4e: {  	_ =	shalt  }
0x4f: {  	_ =	shalt  }
0x50: {  	_ =	shalt  }
0x51: {  	_ =	shalt  }
0x52: {  	_ =	shalt  }
0x53: {  	_ =	shalt  }
0x54: {  	_ =	shalt  }
0x55: {  	_ =	shalt  }
0x56: {  	_ =	shalt  }
0x57: {  	_ =	shalt  }
0x58: {  	_ =	shalt  }
0x59: {  	_ =	shalt  }
0x5a: {  	_ =	shalt  }
0x5b: {  	_ =	shalt  }
0x5c: {  	_ =	shalt  }
0x5d: {  	_ =	shalt  }
0x5e: {  	_ =	shalt  }
0x5f: {  	_ =	shalt  }
0x60: {  	_ =	shalt  }
0x61: {  	_ =	shalt  }
0x62: {  	_ =	shalt  }
0x63: {  	_ =	shalt  }
0x64: {  	_ =	shalt  }
0x65: {  	_ =	shalt  }
0x66: {  	_ =	shalt  }
0x67: {  	_ =	shalt  }
0x68: {  	_ =	shalt  }
0x69: {  	_ =	shalt  }
0x6a: {  	_ =	shalt  }
0x6b: {  	_ =	shalt  }
0x6c: {  	_ =	shalt  }
0x6d: {  	_ =	shalt  }
0x6e: {  	_ =	shalt  }
0x6f: {  	_ =	shalt  }
0x70: {  	_ =	shalt  }
0x71: {  	_ =	shalt  }
0x72: {  	_ =	shalt  }
0x73: {  	_ =	shalt  }
0x74: {  	_ =	shalt  }
0x75: {  	_ =	shalt  }
0x76: {  	_ =	shalt  }
0x77: {  	_ =	shalt  }
0x78: {  	_ =	shalt  }
0x79: {  	_ =	shalt  }
0x7a: {  	_ =	shalt  }
0x7b: {  	_ =	shalt  }
0x7c: {  	_ =	shalt  }
0x7d: {  	_ =	shalt  }
0x7e: {  	_ =	shalt  }
0x7f: {  	_ =	shalt  }
0x80: {  	_ =	shalt  }
0x81: {  	_ =	shalt  }
0x82: {  	_ =	shalt  }
0x83: {  	_ =	shalt  }
0x84: {  	_ =	shalt  }
0x85: {  	_ =	shalt  }
0x86: {  	_ =	shalt  }
0x87: {  	_ =	shalt  }
.Lfunc_end0:
.L_simem_size_0:
called_computation.1_lowered:
.L_overlay_start_0:
0x88: {  	s2 =	sld [smem:$0x3FD9]  }
0x89: {  	s3 =	sld [smem:$0x3FFE];
	_ =	sdelay $0x1  }
0x8a: {  	s1 =	srdreg.scid  }
0x8b: {  	s0 =	sand.u32 $0x1, s1  }
0x8c: {  	s16 =	sshll.u32 s0, $0xA;
	s2 =	sadd.s32 s3, s2  }
0x8d: {  	s2 =	sadd.s32 s2, s16  }
0x8e: {  	[smem:$0x3FBD] =	sst s2  }
0x8f: {  	_ = 	snop  }
0x90: {  	(tm) =	ssettm $0x1  }
0x91: {  	s17 =	sld [smem:$0x3FFB];
	_ =	sdelay $0x3  }
0x92: {  	_ =	strace s17  }
0x93: {  	s2 =	sld [smem:$0x3FFC];
	_ =	sdelay $0x3  }
0x94: {  	_ =	strace s2  }
0x95: {  	s2 =	sld [smem:$0x3FFD];
	_ =	sdelay $0x3  }
0x96: {  	_ =	strace s2  }
0x97: {  	_ =	strace $0x8FFFFFFF  }
0x98: {  	s18 =	sld [smem:$0x3FDB];
	_ =	sdelay $0x1  }
0x99: {  	s19 =	simm.s32 $_scs_section_size  }
0x9a: {  	s4 =	simm.s32 $_size__tile_overlayer_lowered;
	s5 =	simm.s32 $_tile_overlayer_lowered  }
0x9b: {  	s22 =	simm.s32 $0x1BFF;
	s21 =	sshll.u32 s5, $0x1;
	s2 =	sadd.s32 s19, s18  }
0x9c: {  	s6 =	simm.s32 $0x0;
	s20 =	sshll.u32 s4, $0x1;
	s4 =	sadd.s32 s21, s2  }
0x9d: {  	[timem:s6], [sflag:s22] =	dma.local [hbm:s4], s20  }
0x9e: {  	_ =	swait.ge [sflag:s22], s20  }
0x9f: {  	s3 =	ssub.s32 $0x0, s20;
	[sflag:s22] =	ssyncset.done $0x0  }
0xa0: {  	[sflag:s22] =	ssyncadd.s32 s3;
	_ =	sdelay $0x1  }
0xa1: {  	s23 =	simm.s32 $0x1B8B  }
0xa2: {  	_ =	swait.ge [sflag:s23], $0x1  }
0xa3: {  	[sflag:s23] =	ssyncset.done $0x0  }
0xa4: {  	s25 =	simm.s32 $0x1B8E;
	s24 =	sld [smem:$0x3FFE];
	[sflag:s23] =	ssyncadd.s32 $0xFFFFFFFF  }
0xa5: {  	s26 =	simm.s32 $execute0_lowered;
	[smem:$0x3FD2] =	sst s25  }
0xa6: {  	s4 =	sshll.u32 s26, $0x1;
	_ =	strace $0x80000049;
	[dreg:$0x1] =	wrdreg $0xFFFFFFFF  }
0xa7: {  	s28 =	simm.s32 $_size_execute0_lowered;
	s2 =	sadd.s32 s2, s4;
	[dreg:$0x0] =	wrdreg $0x0  }
0xa8: {  	s4 =	sshll.u32 s28, $0x1;
	[dreg:$0x2] =	wrdreg s2  }
0xa9: {  	[dreg:$0x3] =	wrdreg s4  }
0xaa: {  	[dreg:$0x4] =	wrdreg $0xC0  }
0xab: {  	_ =	task [dreg:s6], $0x5FFFF  }
0xac: {  	[dreg:$0x1] =	wrdreg $0xFFFFFFFF  }
0xad: {  	[dreg:$0x0] =	wrdreg $0x60  }
0xae: {  	[dreg:$0x2] =	wrdreg s24  }
0xaf: {  	[dreg:$0x3] =	wrdreg $0x169400  }
0xb0: {  	[dreg:$0x4] =	wrdreg $0x9  }
0xb1: {  	_ =	task.clear_ibuf [dreg:s6], $0x5FFFF;
	_ =	strace $0x90000049  }
0xb2: {  	s29 =	simm.s32 $0x9;
	_ =	strace $0x8000004B  }
0xb3: {  	_ =	swait.ge [sflag:s29], $0x1  }
0xb4: {  	[sflag:s29] =	ssyncadd.s32 $0xFFFFFFFF  }
0xb5: {  	_ =	strace $0x9000004B  }
0xb6: {  	_ =	sfence  }
0xb7: {  	s30 =	sld [smem:$0x0];
	_ =	sdelay $0x2  }
0xb8: {  	s31 =	sshll.u32 s1, $0xD;
	s1 =	sshrl.u32 s1, $0x2  }
0xb9: {  	s3 =	sand.u32 $0x4000, s31;
	s1 =	sadd.s32 s1, s30  }
0xba: {  	s0 =	sor.u32 s3, s0;
	s1 =	sshll.u32 s1, $0x11  }
0xbb: {  	s0 =	sor.u32 s1, s0  }
0xbc: {  	s0 =	sadd.s32 $0x8F2B, s0  }
0xbd: {  	[sflag:s0] =	ssyncadd.remote.s32 $0x1  }
0xbe: {  	_ =	sfence.sel $0xFFFF  }
0xbf: {  	[dreg:$0x0] =	wrdreg $0xFFFFFFFF;
	(pc) =	sbr.abs _section_cstart, $3  }
0xc0: {  	[dreg:$0x1] =	wrdreg $0xFFFFFFFF  }
0xc1: {  	_ =	task.clear_ibuf [dreg:s6], $0x2FFFF;
	_ =	strace $0x9FFFFFFF  }
0xc2: {  	(tm) =	ssettm $0x7FFFFFFF  }
0xc3: {  	_ =	shalt  }
tec
execute0_lowered:
.L_overlay_start_1:
0x0: {  	(tag) =	ssettag $0x1  }
0x1: {  	s0 =	srdreg.scid;
	s1 =	rddreg [dreg:$0x0]  }
0x2: {  	s11 =	stileid.u32;
	s2 =	rddreg [dreg:$0x1];
	s28 =	simm.s32 $0x2  }
0x3: {  	s0 =	sand.u32 $0x1, s0;
	s3 =	sshll.u32 s11, $0x1;
	s8 =	smul.u32 $0x9C00, s11  }
0x4: {  	s29 =	simm.s32 $0x9C40;
	s21 =	smul.u32 $0x2700, s11;
	s4 =	sor.u32 s0, s3  }
0x5: {  	s30 =	simm.s32 $0x5;
	s31 =	simm.s32 $0x3;
	s4 =	smul.u32 $0x2710, s4  }
0x6: {  	s10 =	sadd.s32 $0x27000, s2;
	p0 =	sne.s32 s11, $0xF;
	s3 =	simm.s32 $0x0  }
0x7: {  	s6 =	ssub.s32 $0x2, s0;
	s0 =	smul.u32 $0x27100, s0;
	s4 =	sshrl.u32 s4, $0x3  }
0x8: {  	[smem:$0x7FF] =	sst s3;
	s7 =	sshrl.u32 s6, $0x1;
	s5 =	sadd.s32 s4, s1  }
0x9: {  	s19 =	sshrl.u32 s8, $0x2;
	_ =	strace $0x8000004A;
	s16 =	sadd.s32 $0x3800, s5  }
0xa: {  	s6 =	ssub.s32 s6, s7;
	s17 =	sadd.s32 $0xD440, s5;
	[dreg:$0x3] =	wrdreg s16  }
0xb: {  	s9 =	sadd.s32 s19, s2;
	s18 =	sadd.s32 $0x38FA, s5;
	[dreg:$0x4] =	wrdreg s17  }
0xc: {  	s7 =	sadd.s32 s21, s0;
	s20 =	sadd.s32 $0xD53A, s5;
	[dreg:$0x5] =	wrdreg s18  }
0xd: {  	s0 =	sshrl.u32 s0, $0x3;
	s22 =	sadd.s32 $0x39F4, s5;
	[dreg:$0x6] =	wrdreg s20  }
0xe: {  	s21 =	simm.s32 $0x7D0;
	s23 =	sadd.s32 $0xD634, s5;
	[dreg:$0x7] =	wrdreg s22  }
0xf: {  	s7 =	sshrl.u32 s7, $0x3;
	s24 =	sadd.s32 $0x3AEE, s5;
	[dreg:$0x8] =	wrdreg s23  }
0x10: {  	s4 =	sadd.s32 $0x17200, s1;
	s25 =	sadd.s32 $0xD72E, s5;
	[dreg:$0x9] =	wrdreg s24  }
0x11: {  	s1 =	sadd.s32 $0x1C200, s1;
	s26 =	sadd.s32 $0x3BE8, s5;
	[dreg:$0xa] =	wrdreg s25  }
0x12: {  	s19 =	smax.u32 s6, $0x1;
	s0 =	sadd.s32 s1, s0;
	[dreg:$0xb] =	wrdreg s26  }
0x13: {  	s16 =	sadd.s32 $0xD828, s5;
	s17 =	sadd.s32 s1, s7;
	s18 =	sadd.s32 $0x4E00, s0  }
0x14: {  	s20 =	simm.s32 $0xFA0;
	s22 =	simm.s32 $0x1770;
	s23 =	simm.s32 $0x1  }
0x15: {  	s24 =	simm.s32 $0x1F40;
	s25 =	simm.s32 $0x11940;
	s26 =	simm.s32 $0x7  }
0x16: {  	v0 =	vimm.f32 $0.0e+00;
	s1 =	simm.s32 $0x6;
	s0 =	simm.s32 $0x4;
	s5 =	simm.s32 $0x0  }
.LBB2_1:
0x17: {  	s6 =	rddreg [dreg:$0x3]  }
0x18: {  	[tilespmem:s3], [sflag:$0x1] =	stream.linear.gather [hbm4b:s6+s3], $0x7D0, $0x38;
	[tilespmem:$0x19050] =	vst v63  }
0x19: {  	s13 =	rddreg [dreg:$0x4]  }
0x1a: {  	[tilespmem:s20], [sflag:$0x3] =	stream.linear.gather [hbm4b:s13+s3], $0x7D0, $0x38;
	[tilespmem:$0x19050] =	vst v63  }
0x1b: {  	s14 =	rddreg [dreg:$0x5]  }
0x1c: {  	[tilespmem:s21], [sflag:$0x2] =	stream.linear.gather [hbm4b:s14+s3], $0x7D0, $0x38;
	[tilespmem:$0x19050] =	vst v63  }
0x1d: {  	s15 =	rddreg [dreg:$0x6]  }
0x1e: {  	[tilespmem:s22], [sflag:$0x4] =	stream.linear.gather [hbm4b:s15+s3], $0x7D0, $0x38;
	[tilespmem:$0x19050] =	vst v63  }
0x1f: {  	_ =	swait.ge [sflag:s23], $0x7D0  }
0x20: {  	[sflag:s23] =	ssyncset.done $0x0  }
0x21: {  	s7 =	simm.s32 $0x0;
	s6 =	simm.s32 $0x40;
	[sflag:s23] =	ssyncadd.s32 $0xFFFFF830  }
0x22: {  	[tilespmem:s24], [sflag:$0x5] =	stream.indirect.gather [hbm4b:s4+s21], $0x10, s3, s21, $0xb8;
	[tilespmem:$0x19050] =	vst v63  }
.LBB2_2:
0x23: {  	p1 =	sne.s32 s6, $0x9BC0;
	[tilespmem:s7+$0x11940] =	vst v0;
	s7 =	smov.u32 s6;
	s6 =	sadd.s32 $0x40, s6  }
.Ltmp0:
0x24: {  	(pc) =	sbr.rel @p1 .LBB2_2-.Ltmp0, $2  }
0x25: {  	_ =	sdelay $0x2  }
0x26: {  	s7 =	sshra.s32 s7, $0x2  }
0x27: {  	[tilespmem:s7+$0x11940] =	vst v0  }
0x28: {  	[spmem:s9] =	stream.linear.scatter [tilespmem:s25], [sflag:$0x7], $0x2700, $0x38;
	[tilespmem:$0x19050] =	vst v63  }
0x29: {  	_ =	swait.ge [sflag:s26], $0x2700  }
0x2a: {  	[sflag:s26] =	ssyncset.done $0x0  }
0x2b: {  	s6 =	simm.s32 @!p0 $0x11940;
	[sflag:s26] =	ssyncadd.s32 $0xFFFFD900  }
0x2c: {  	[spmem:s10] =	stream.linear.scatter @!p0 [tilespmem:s6], [sflag:$0x7], $0x100, $0x38;
	[tilespmem:$0x19050] =	vst v63  }
0x2d: {  	s6 =	simm.s32 @!p0 $0x7  }
0x2e: {  	_ =	swait.ge @!p0 [sflag:s6], $0x100  }
0x2f: {  	[sflag:s6] =	ssyncset.done @!p0 $0x0  }
0x30: {  	[sflag:s6] =	ssyncadd.s32 @!p0 $0xFFFFFF00  }
0x31: {  	[bflag:$0x0] =	sbarrier.arrive $0xFFFF  }
0x32: {  	_ =	swait.ge [sflag:s28], $0x7D0  }
0x33: {  	[sflag:s28] =	ssyncset.done $0x0  }
0x34: {  	[sflag:s28] =	ssyncadd.s32 $0xFFFFF830  }
0x35: {  	[tilespmem:s29], [sflag:$0x6] =	stream.indirect.gather [hbm4b:s4+s21], $0x10, s21, s21, $0xb8;
	[tilespmem:$0x19050] =	vst v63  }
0x36: {  	_ =	swait.ge [sflag:s30], $0x7D00  }
0x37: {  	[sflag:s30] =	ssyncset.done $0x0  }
0x38: {  	[sflag:s30] =	ssyncadd.s32 $0xFFFF8300  }
0x39: {  	_ =	swait.ge [sflag:s31], $0x7D0  }
0x3a: {  	[sflag:s31] =	ssyncset.done $0x0  }
0x3b: {  	[sflag:s31] =	ssyncadd.s32 $0xFFFFF830  }
0x3c: {  	[spmem:s2] =	stream.indirect.scatter.add.f32 [tilespmem:s24], [sflag:$0x7], $0x10, s20, s21, $0xb8;
	[tilespmem:$0x19050] =	vst v63  }
0x3d: {  	_ =	swait.ge [sflag:s26], $0x7D00  }
0x3e: {  	[sflag:s26] =	ssyncset.done $0x0  }
0x3f: {  	s11 =	rddreg [dreg:$0x7];
	[sflag:s26] =	ssyncadd.s32 $0xFFFF8300  }
0x40: {  	[tilespmem:s3], [sflag:$0x1] =	stream.linear.gather [hbm4b:s11+s3], $0x7D0, $0x38;
	[tilespmem:$0x19050] =	vst v63  }
0x41: {  	s12 =	rddreg [dreg:$0x8]  }
0x42: {  	[tilespmem:s20], [sflag:$0x3] =	stream.linear.gather [hbm4b:s12+s3], $0x7D0, $0x38;
	[tilespmem:$0x19050] =	vst v63  }
0x43: {  	_ =	swait.ge [sflag:s23], $0x7D0  }
0x44: {  	[sflag:s23] =	ssyncset.done $0x0  }
0x45: {  	[sflag:s23] =	ssyncadd.s32 $0xFFFFF830  }
0x46: {  	[tilespmem:s24], [sflag:$0x5] =	stream.indirect.gather [hbm4b:s4+s21], $0x10, s3, s21, $0xb8;
	[tilespmem:$0x19050] =	vst v63  }
0x47: {  	_ =	swait.ge [sflag:s1], $0x7D00  }
0x48: {  	[sflag:s1] =	ssyncset.done $0x0  }
0x49: {  	[sflag:s1] =	ssyncadd.s32 $0xFFFF8300  }
0x4a: {  	_ =	swait.ge [sflag:s0], $0x7D0  }
0x4b: {  	[sflag:s0] =	ssyncset.done $0x0  }
0x4c: {  	[sflag:s0] =	ssyncadd.s32 $0xFFFFF830  }
0x4d: {  	[spmem:s2] =	stream.indirect.scatter.add.f32 [tilespmem:s29], [sflag:$0x7], $0x10, s22, s21, $0xb8;
	[tilespmem:$0x19050] =	vst v63  }
0x4e: {  	_ =	swait.ge [sflag:s26], $0x7D00  }
0x4f: {  	[sflag:s26] =	ssyncset.done $0x0  }
0x50: {  	s13 =	rddreg [dreg:$0x9];
	[sflag:s26] =	ssyncadd.s32 $0xFFFF8300  }
0x51: {  	[tilespmem:s21], [sflag:$0x2] =	stream.linear.gather [hbm4b:s13+s3], $0x7D0, $0x38;
	[tilespmem:$0x19050] =	vst v63  }
0x52: {  	s14 =	rddreg [dreg:$0xa]  }
0x53: {  	[tilespmem:s22], [sflag:$0x4] =	stream.linear.gather [hbm4b:s14+s3], $0x7D0, $0x38;
	[tilespmem:$0x19050] =	vst v63  }
0x54: {  	_ =	swait.ge [sflag:s28], $0x7D0  }
0x55: {  	[sflag:s28] =	ssyncset.done $0x0  }
0x56: {  	[sflag:s28] =	ssyncadd.s32 $0xFFFFF830  }
0x57: {  	[tilespmem:s29], [sflag:$0x6] =	stream.indirect.gather [hbm4b:s4+s21], $0x10, s21, s21, $0xb8;
	[tilespmem:$0x19050] =	vst v63  }
0x58: {  	_ =	swait.ge [sflag:s30], $0x7D00  }
0x59: {  	[sflag:s30] =	ssyncset.done $0x0  }
0x5a: {  	[sflag:s30] =	ssyncadd.s32 $0xFFFF8300  }
0x5b: {  	_ =	swait.ge [sflag:s31], $0x7D0  }
0x5c: {  	[sflag:s31] =	ssyncset.done $0x0  }
0x5d: {  	[sflag:s31] =	ssyncadd.s32 $0xFFFFF830  }
0x5e: {  	[spmem:s2] =	stream.indirect.scatter.add.f32 [tilespmem:s24], [sflag:$0x7], $0x10, s20, s21, $0xb8;
	[tilespmem:$0x19050] =	vst v63  }
0x5f: {  	_ =	swait.ge [sflag:s26], $0x7D00  }
0x60: {  	[sflag:s26] =	ssyncset.done $0x0  }
0x61: {  	s15 =	rddreg [dreg:$0xb];
	[sflag:s26] =	ssyncadd.s32 $0xFFFF8300  }
0x62: {  	[tilespmem:s3], [sflag:$0x1] =	stream.linear.gather [hbm4b:s15+s3], $0x7D0, $0x38;
	[tilespmem:$0x19050] =	vst v63  }
0x63: {  	_ = 	snop  }
0x64: {  	[tilespmem:s20], [sflag:$0x3] =	stream.linear.gather [hbm4b:s16+s3], $0x7D0, $0x38;
	[tilespmem:$0x19050] =	vst v63  }
0x65: {  	_ =	swait.ge [sflag:s23], $0x7D0  }
0x66: {  	[sflag:s23] =	ssyncset.done $0x0  }
0x67: {  	[sflag:s23] =	ssyncadd.s32 $0xFFFFF830  }
0x68: {  	[tilespmem:s24], [sflag:$0x5] =	stream.indirect.gather [hbm4b:s4+s21], $0x10, s3, s21, $0xb8;
	[tilespmem:$0x19050] =	vst v63  }
0x69: {  	_ =	swait.ge [sflag:s1], $0x7D00  }
0x6a: {  	[sflag:s1] =	ssyncset.done $0x0  }
0x6b: {  	[sflag:s1] =	ssyncadd.s32 $0xFFFF8300  }
0x6c: {  	_ =	swait.ge [sflag:s0], $0x7D0  }
0x6d: {  	[sflag:s0] =	ssyncset.done $0x0  }
0x6e: {  	[sflag:s0] =	ssyncadd.s32 $0xFFFFF830  }
0x6f: {  	[spmem:s2] =	stream.indirect.scatter.add.f32 [tilespmem:s29], [sflag:$0x7], $0x10, s22, s21, $0xb8;
	[tilespmem:$0x19050] =	vst v63  }
0x70: {  	_ =	swait.ge [sflag:s26], $0x7D00  }
0x71: {  	[sflag:s26] =	ssyncset.done $0x0  }
0x72: {  	[sflag:s26] =	ssyncadd.s32 $0xFFFF8300  }
0x73: {  	_ =	swait.ge [sflag:s30], $0x7D00  }
0x74: {  	[sflag:s30] =	ssyncset.done $0x0  }
0x75: {  	[sflag:s30] =	ssyncadd.s32 $0xFFFF8300  }
0x76: {  	_ =	swait.ge [sflag:s31], $0x7D0  }
0x77: {  	[sflag:s31] =	ssyncset.done $0x0  }
0x78: {  	[sflag:s31] =	ssyncadd.s32 $0xFFFFF830  }
0x79: {  	[spmem:s2] =	stream.indirect.scatter.add.f32 [tilespmem:s24], [sflag:$0x7], $0x10, s20, s21, $0xb8;
	[tilespmem:$0x19050] =	vst v63  }
0x7a: {  	_ =	swait.ge [sflag:s26], $0x7D00  }
0x7b: {  	[sflag:s26] =	ssyncset.done $0x0  }
0x7c: {  	s7 =	simm.s32 @!p0 $0x280;
	[sflag:s26] =	ssyncadd.s32 $0xFFFF8300  }
0x7d: {  	s7 =	simm.s32 @p0 $0x270;
	[bflag:$0x0] =	sbarrier.arrive $0xFFFF  }
0x7e: {  	[tilespmem:s25], [sflag:$0x7] =	stream.linear.gather [spmem:s9], $0x2700, $0x38;
	[tilespmem:$0x19050] =	vst v63  }
0x7f: {  	s11 =	sshll.u32 s7, $0x4;
	_ =	swait.ge [sflag:s26], $0x2700  }
0x80: {  	p2 =	sne.s32 s11, $0x10;
	[sflag:s26] =	ssyncset.done $0x0  }
.Ltmp1:
0x81: {  	s8 =	simm.s32 @!p0 $0x14040;
	[sflag:s26] =	ssyncadd.s32 $0xFFFFD900;
	(pc) =	sbr.rel @!p2 .LBB2_4-.Ltmp1, $4  }
0x82: {  	[tilespmem:s8], [sflag:$0x7] =	stream.linear.gather @!p0 [spmem:s10], $0x100, $0x38;
	[tilespmem:$0x19050] =	vst v63  }
0x83: {  	_ =	swait.ge @!p0 [sflag:s6], $0x100  }
0x84: {  	p1 =	por $0x0, $0x0;
	[sflag:s6] =	ssyncset.done @!p0 $0x0  }
0x85: {  	s7 =	simm.s32 $0x0;
	s8 =	simm.s32 $0x10;
	[sflag:s6] =	ssyncadd.s32 @!p0 $0xFFFFFF00  }
0x86: {  	s13 =	simm.s32 $0x0;
	p2 =	sne.s32 s11, $0x20  }
.Ltmp2:
0x87: {  	v1 =	vld [tilespmem:s13+$0x11940];
	(pc) =	sbr.rel @!p2 .LBB2_7-.Ltmp2, $4  }
0x88: {  	_ = 	snop  }
0x89: {  	s14 =	sand.u32 $0xFFFFFE00, s7  }
0x8a: {  	s12 =	simm.s32 $0x20;
	s15 =	sand.u32 $0x70, s7;
	s14 =	sshra.s32 s14, $0x2  }
0x8b: {  	s7 =	simm.s32 $0x40;
	p1 =	por $0x1, $0x1;
	s13 =	sor.u32 s15, s14  }
.LBB2_6:
0x8c: {  	[tilespmem:s13+$0x14140] =	vst v1;
	s13 =	smov.u32 s12;
	s12 =	sadd.s32 $0x10, s12  }
0x8d: {  	s14 =	sshra.s32 s7, $0x2;
	p2 =	sne.s32 s11, s12  }
.Ltmp3:
0x8e: {  	v1 =	vld [tilespmem:s14+$0x11940];
	(pc) =	sbr.rel @p2 .LBB2_6-.Ltmp3, $4  }
0x8f: {  	_ = 	snop  }
0x90: {  	s14 =	sand.u32 $0xFFFFFE00, s7  }
0x91: {  	s15 =	sand.u32 $0x70, s8;
	s8 =	smov.u32 s13;
	s14 =	sshra.s32 s14, $0x2  }
0x92: {  	s7 =	sadd.s32 $0x40, s7;
	s13 =	sor.u32 s15, s14  }
.LBB2_7:
0x93: {  	s11 =	sshra.s32 s7, $0x2;
	[tilespmem:s13+$0x14140] =	vst @p1 v1  }
0x94: {  	v1 =	vld [tilespmem:s11+$0x11940];
	_ =	sdelay $0x1  }
0x95: {  	s14 =	sand.u32 $0xFFFFFE00, s7  }
0x96: {  	s8 =	sand.u32 $0x70, s8;
	s7 =	sshra.s32 s14, $0x2  }
0x97: {  	s7 =	sor.u32 s8, s7  }
0x98: {  	s15 =	simm.s32 $0x14140;
	[tilespmem:s7+$0x14140] =	vst v1  }
0x99: {  	[hbm4b:s17+s3] =	stream.linear.scatter [tilespmem:s15], [sflag:$0x7], $0x2700, $0x38;
	[tilespmem:$0x19050] =	vst v63  }
0x9a: {  	s5 =	sadd.s32 $0x1, s5;
	_ =	swait.ge [sflag:s26], $0x2700  }
0x9b: {  	p1 =	sne.s32 s5, s19;
	[sflag:s26] =	ssyncset.done $0x0  }
0x9c: {  	s8 =	simm.s32 @!p0 $0x16840;
	s7 =	simm.s32 @!p0 $0x0;
	[sflag:s26] =	ssyncadd.s32 $0xFFFFD900  }
0x9d: {  	[hbm4b:s18+s7] =	stream.linear.scatter @!p0 [tilespmem:s8], [sflag:$0x7], $0x100, $0x38;
	[tilespmem:$0x19050] =	vst v63  }
.Ltmp4:
0x9e: {  	_ = 	snop;
	(pc) =	sbr.rel @p1 .LBB2_1-.Ltmp4, $4  }
.Ltmp5:
0x9f: {  	_ = 	snop;
	(pc) =	sbr.rel @!p1 .LBB2_8-.Ltmp5, $4  }
0xa0: {  	_ =	swait.ge @!p0 [sflag:s6], $0x100  }
0xa1: {  	[sflag:s6] =	ssyncset.done @!p0 $0x0  }
0xa2: {  	[sflag:s6] =	ssyncadd.s32 @!p0 $0xFFFFFF00  }
0xa3: {  	_ = 	snop  }
.LBB2_4:
.Ltmp6:
0xa4: {  	(pc) =	sbr.rel .LBB2_7-.Ltmp6, $2  }
0xa5: {  	_ =	sdelay $0x2  }
0xa6: {  	s8 =	simm.s32 $0x0  }
.LBB2_8:
0xa7: {  	_ =	sfence.sel $0x180000  }
0xa8: {  	[bflag:$0x0] =	sbarrier.arrive $0xFFFF  }
0xa9: {  	_ =	strace $0x9000004A  }
0xaa: {  	s0 =	stileid.u32;
	[bflag:$0x2] =	sbarrier.arrive $0xFFFF  }
0xab: {  	p0 =	sne.s32 s0, $0x0;
	s0 =	rddreg [dreg:$0x2]  }
0xac: {  	s0 =	sadd.s32 @!p0 $0x100000, s0  }
0xad: {  	[sflag:s0] =	ssyncadd.tile.s32 @!p0 $0x1;
	_ =	shalt  }
.Lfunc_end2:
_tile_overlayer_lowered:
.L_overlay_start_2:
0xae: {  	(tag) =	ssettag $0x2  }
0xaf: {  	s0 =	rddreg [dreg:$0x0];
	s2 =	stileid.u32  }
0xb0: {  	s1 =	rddreg [dreg:$0x1];
	p0 =	sne.s32 s2, $0x0  }
0xb1: {  	s3 =	rddreg [dreg:$0x2];
	[bflag:$0x3] =	sbarrier.arrive $0xFFFF;
	s2 =	simm.s32 @!p0 $0x1C07  }
0xb2: {  	[timem:s3], [sflag:s2] =	dma.local @!p0 [hbm:s0], s1  }
0xb3: {  	s0 =	simm.s32 @!p0 $0x7  }
0xb4: {  	_ =	swait.ge @!p0 [sflag:s0], s1  }
0xb5: {  	s1 =	ssub.s32 @!p0 $0x0, s1;
	[sflag:s0] =	ssyncset.done @!p0 $0x0  }
0xb6: {  	[sflag:s0] =	ssyncadd.s32 @!p0 s1  }
0xb7: {  	[bflag:$0x3] =	sbarrier.arrive $0xFFFF  }
0xb8: {  	_ =	shalt  }

// kernel: kernel.17.cloned.1.call-start
scs
__scs_entry_jumppad:
0x0: {  	(pc) =	sbr.rel $0x88, $3  }
0x1: {  	(tag) =	ssettag $0x0;
	lr =	simm.s32 $0x1  }
0x2: {  	[smem:$0x3F96] =	sst lr;
	_ =	strace $0xD0000000  }
0x3: {  	_ = 	snop  }
0x4: {  	_ = 	snop  }
0x5: {  	_ = 	snop  }
0x6: {  	_ = 	snop  }
0x7: {  	_ = 	snop  }
__scs_overlays_trampoline_lowered:
0x8: {  	[smem:$0x3FA5] =	sst s0  }
0x9: {  	[smem:$0x3FA6] =	sst s1  }
0xa: {  	[smem:$0x3FA7] =	sst s2  }
0xb: {  	[smem:$0x3FA8] =	sst s3  }
0xc: {  	[smem:$0x3FA9] =	sst s4  }
0xd: {  	[smem:$0x3FAA] =	sst s5  }
0xe: {  	[smem:$0x3FAB] =	sst s6  }
0xf: {  	[smem:$0x3FAC] =	sst s7  }
0x10: {  	[smem:$0x3FAD] =	sst s8  }
0x11: {  	[smem:$0x3FAE] =	sst s9;
	s0 =	simm.s32 @!p0 $0x0  }
0x12: {  	s1 =	sld [smem:$0x3F94];
	s0 =	simm.s32 @p0 $0x1  }
0x13: {  	[smem:$0x3FAF] =	sst s0;
	s0 =	simm.s32 @!p1 $0x0  }
0x14: {  	s2 =	sld [smem:$0x3F93];
	s0 =	simm.s32 @p1 $0x1  }
0x15: {  	[smem:$0x3FB0] =	sst s0;
	s0 =	simm.s32 @!p2 $0x0  }
0x16: {  	s3 =	sld [smem:$0x3FDB];
	s0 =	simm.s32 @p2 $0x1  }
0x17: {  	s4 =	simm.s32 $0x1BF5;
	[smem:$0x3FB2] =	sst s0  }
0x18: {  	s0 =	sld [smem:$0x3F95];
	_ =	swait.ge [sflag:s4], $0x0  }
0x19: {  	s7 =	sld [smem:$0x3F96]  }
0x1a: {  	s8 =	sadd.s32 $0xFFFFE003, lr  }
0x1b: {  	s9 =	sadd.s32 $0xFFFFFEF7, lr;
	s5 =	simm.s32 $0xFFFFFFFF;
	p2 =	slt.u32 s8, $0xFFFFF086  }
0x1c: {  	p1 =	slt.u32 s9, $0xF7A;
	s5 =	simm.s32 @!p2 $0x0  }
0x1d: {  	s5 =	simm.s32 @p1 $0x1;
	p0 =	seq.s32 s7, s2  }
0x1e: {  	s7 =	smul.u32 @!p0 $0xF7A, s2;
	p2 =	seq.s32 @!p0 s5, $0x0  }
0x1f: {  	s9 =	smul.u32 $0xF7A, s1;
	s8 =	simm.s32 @!p0 $0x1BF5;
	p2 =	por !p2, p0  }
0x20: {  	[sflag:s8] =	ssyncset.s32 @!p0 $0xFFFFF086;
	s6 =	sadd.s32 @!p0 s3, s7;
	s7 =	simm.s32 @!p0 $0x108  }
0x21: {  	s3 =	sadd.s32 s3, s9;
	s6 =	sadd.s32 @!p0 $0x88, s6;
	s7 =	simm.s32 @p2 $0x1082  }
0x22: {  	[simem:s7], [sflag:s8] =	dma.local @!p0 [hbm:s6], $0xF7A  }
0x23: {  	s9 =	sor.u32 $0xD0000000, s2;
	s6 =	simm.s32 $0x108;
	_ =	swait.ge @!p0 [sflag:s8], $0x0  }
0x24: {  	s3 =	sadd.s32 $0x88, s3;
	s6 =	simm.s32 @!p1 $0x1082;
	[sflag:s4] =	ssyncset.s32 $0xFFFFF086  }
0x25: {  	[simem:s6], [sflag:s4] =	dma.local [hbm:s3], $0xF7A  }
0x26: {  	[smem:$0x3F96] =	sst s1;
	(tag) =	ssettag s2;
	_ =	strace s9  }
0x27: {  	s1 =	sld [smem:$0x3FA6]  }
0x28: {  	s2 =	sld [smem:$0x3FA7]  }
0x29: {  	s4 =	sld [smem:$0x3FA9]  }
0x2a: {  	p0 =	seq.s32 s5, $0x0;
	s5 =	sld [smem:$0x3FAA]  }
0x2b: {  	s6 =	sld [smem:$0x3FAB]  }
0x2c: {  	s7 =	sld [smem:$0x3FAC]  }
0x2d: {  	s3 =	simm.s32 $0x108;
	s8 =	sld [smem:$0x3FAD]  }
0x2e: {  	s3 =	simm.s32 @!p0 $0x1082;
	s9 =	sld [smem:$0x3FAE]  }
0x2f: {  	lr =	sadd.s32 s0, s3;
	s0 =	sld [smem:$0x3FA5]  }
0x30: {  	s3 =	sld [smem:$0x3FA8]  }
0x31: {  	[smem:$0x3FB1] =	sst s10  }
0x32: {  	s10 =	sld [smem:$0x3FAF];
	_ =	sdelay $0x3  }
0x33: {  	p0 =	seq.s32 s10, $0x1;
	s10 =	sld [smem:$0x3FB1];
	_ =	sdelay $0x3  }
0x34: {  	[smem:$0x3FB1] =	sst s10  }
0x35: {  	s10 =	sld [smem:$0x3FB0];
	_ =	sdelay $0x3  }
0x36: {  	p1 =	seq.s32 s10, $0x1;
	s10 =	sld [smem:$0x3FB1];
	_ =	sdelay $0x3  }
0x37: {  	[smem:$0x3FB1] =	sst s10  }
0x38: {  	s10 =	sld [smem:$0x3FB2]  }
0x39: {  	_ = 	snop;
	(pc) =	sbr.ind lr, $3  }
0x3a: {  	_ = 	snop  }
0x3b: {  	_ = 	snop  }
0x3c: {  	p2 =	seq.s32 s10, $0x1;
	s10 =	sld [smem:$0x3FB1]  }
0x3d: {  	_ =	shalt  }
0x3e: {  	_ =	shalt  }
0x3f: {  	_ =	shalt  }
0x40: {  	_ =	shalt  }
0x41: {  	_ =	shalt  }
0x42: {  	_ =	shalt  }
0x43: {  	_ =	shalt  }
0x44: {  	_ =	shalt  }
0x45: {  	_ =	shalt  }
0x46: {  	_ =	shalt  }
0x47: {  	_ =	shalt  }
0x48: {  	_ =	shalt  }
0x49: {  	_ =	shalt  }
0x4a: {  	_ =	shalt  }
0x4b: {  	_ =	shalt  }
0x4c: {  	_ =	shalt  }
0x4d: {  	_ =	shalt  }
0x4e: {  	_ =	shalt  }
0x4f: {  	_ =	shalt  }
0x50: {  	_ =	shalt  }
0x51: {  	_ =	shalt  }
0x52: {  	_ =	shalt  }
0x53: {  	_ =	shalt  }
0x54: {  	_ =	shalt  }
0x55: {  	_ =	shalt  }
0x56: {  	_ =	shalt  }
0x57: {  	_ =	shalt  }
0x58: {  	_ =	shalt  }
0x59: {  	_ =	shalt  }
0x5a: {  	_ =	shalt  }
0x5b: {  	_ =	shalt  }
0x5c: {  	_ =	shalt  }
0x5d: {  	_ =	shalt  }
0x5e: {  	_ =	shalt  }
0x5f: {  	_ =	shalt  }
0x60: {  	_ =	shalt  }
0x61: {  	_ =	shalt  }
0x62: {  	_ =	shalt  }
0x63: {  	_ =	shalt  }
0x64: {  	_ =	shalt  }
0x65: {  	_ =	shalt  }
0x66: {  	_ =	shalt  }
0x67: {  	_ =	shalt  }
0x68: {  	_ =	shalt  }
0x69: {  	_ =	shalt  }
0x6a: {  	_ =	shalt  }
0x6b: {  	_ =	shalt  }
0x6c: {  	_ =	shalt  }
0x6d: {  	_ =	shalt  }
0x6e: {  	_ =	shalt  }
0x6f: {  	_ =	shalt  }
0x70: {  	_ =	shalt  }
0x71: {  	_ =	shalt  }
0x72: {  	_ =	shalt  }
0x73: {  	_ =	shalt  }
0x74: {  	_ =	shalt  }
0x75: {  	_ =	shalt  }
0x76: {  	_ =	shalt  }
0x77: {  	_ =	shalt  }
0x78: {  	_ =	shalt  }
0x79: {  	_ =	shalt  }
0x7a: {  	_ =	shalt  }
0x7b: {  	_ =	shalt  }
0x7c: {  	_ =	shalt  }
0x7d: {  	_ =	shalt  }
0x7e: {  	_ =	shalt  }
0x7f: {  	_ =	shalt  }
0x80: {  	_ =	shalt  }
0x81: {  	_ =	shalt  }
0x82: {  	_ =	shalt  }
0x83: {  	_ =	shalt  }
0x84: {  	_ =	shalt  }
0x85: {  	_ =	shalt  }
0x86: {  	_ =	shalt  }
0x87: {  	_ =	shalt  }
.Lfunc_end0:
.L_simem_size_0:
called_computation.2_lowered:
.L_overlay_start_0:
0x88: {  	s2 =	sld [smem:$0x3FD9]  }
0x89: {  	s3 =	sld [smem:$0x3FFE];
	_ =	sdelay $0x1  }
0x8a: {  	s1 =	srdreg.scid  }
0x8b: {  	s0 =	sand.u32 $0x1, s1  }
0x8c: {  	s16 =	sshll.u32 s0, $0xA;
	s2 =	sadd.s32 s3, s2  }
0x8d: {  	s2 =	sadd.s32 s2, s16  }
0x8e: {  	[smem:$0x3FBD] =	sst s2  }
0x8f: {  	_ = 	snop  }
0x90: {  	(tm) =	ssettm $0x1  }
0x91: {  	s17 =	sld [smem:$0x3FFB];
	_ =	sdelay $0x3  }
0x92: {  	_ =	strace s17  }
0x93: {  	s2 =	sld [smem:$0x3FFC];
	_ =	sdelay $0x3  }
0x94: {  	_ =	strace s2  }
0x95: {  	s2 =	sld [smem:$0x3FFD];
	_ =	sdelay $0x3  }
0x96: {  	_ =	strace s2  }
0x97: {  	_ =	strace $0x8FFFFFFF  }
0x98: {  	s18 =	sld [smem:$0x3FDB];
	_ =	sdelay $0x1  }
0x99: {  	s19 =	simm.s32 $_scs_section_size  }
0x9a: {  	s4 =	simm.s32 $_size__tile_overlayer_lowered;
	s5 =	simm.s32 $_tile_overlayer_lowered  }
0x9b: {  	s22 =	simm.s32 $0x1BFF;
	s21 =	sshll.u32 s5, $0x1;
	s2 =	sadd.s32 s19, s18  }
0x9c: {  	s6 =	simm.s32 $0x0;
	s20 =	sshll.u32 s4, $0x1;
	s4 =	sadd.s32 s21, s2  }
0x9d: {  	[timem:s6], [sflag:s22] =	dma.local [hbm:s4], s20  }
0x9e: {  	_ =	swait.ge [sflag:s22], s20  }
0x9f: {  	s3 =	ssub.s32 $0x0, s20;
	[sflag:s22] =	ssyncset.done $0x0  }
0xa0: {  	[sflag:s22] =	ssyncadd.s32 s3;
	_ =	sdelay $0x1  }
0xa1: {  	s23 =	simm.s32 $0x1B8B  }
0xa2: {  	_ =	swait.ge [sflag:s23], $0x1  }
0xa3: {  	[sflag:s23] =	ssyncset.done $0x0  }
0xa4: {  	s25 =	simm.s32 $0x1B8E;
	s24 =	sld [smem:$0x3FFE];
	[sflag:s23] =	ssyncadd.s32 $0xFFFFFFFF  }
0xa5: {  	s26 =	simm.s32 $execute0_lowered;
	[smem:$0x3FD2] =	sst s25  }
0xa6: {  	s4 =	sshll.u32 s26, $0x1;
	_ =	strace $0x8000004C;
	[dreg:$0x1] =	wrdreg $0xFFFFFFFF  }
0xa7: {  	s28 =	simm.s32 $_size_execute0_lowered;
	s2 =	sadd.s32 s2, s4;
	[dreg:$0x0] =	wrdreg $0x0  }
0xa8: {  	s4 =	sshll.u32 s28, $0x1;
	[dreg:$0x2] =	wrdreg s2  }
0xa9: {  	[dreg:$0x3] =	wrdreg s4  }
0xaa: {  	[dreg:$0x4] =	wrdreg $0xC0  }
0xab: {  	_ =	task [dreg:s6], $0x5FFFF  }
0xac: {  	[dreg:$0x1] =	wrdreg $0xFFFFFFFF  }
0xad: {  	[dreg:$0x0] =	wrdreg $0x60  }
0xae: {  	[dreg:$0x2] =	wrdreg s24  }
0xaf: {  	[dreg:$0x3] =	wrdreg $0x169400  }
0xb0: {  	[dreg:$0x4] =	wrdreg $0x9  }
0xb1: {  	_ =	task.clear_ibuf [dreg:s6], $0x5FFFF;
	_ =	strace $0x9000004C  }
0xb2: {  	s29 =	simm.s32 $0x9;
	_ =	strace $0x8000004E  }
0xb3: {  	_ =	swait.ge [sflag:s29], $0x1  }
0xb4: {  	[sflag:s29] =	ssyncadd.s32 $0xFFFFFFFF  }
0xb5: {  	_ =	strace $0x9000004E  }
0xb6: {  	_ =	sfence  }
0xb7: {  	s30 =	sld [smem:$0x0];
	_ =	sdelay $0x2  }
0xb8: {  	s31 =	sshll.u32 s1, $0xD;
	s1 =	sshrl.u32 s1, $0x2  }
0xb9: {  	s3 =	sand.u32 $0x4000, s31;
	s1 =	sadd.s32 s1, s30  }
0xba: {  	s0 =	sor.u32 s3, s0;
	s1 =	sshll.u32 s1, $0x11  }
0xbb: {  	s0 =	sor.u32 s1, s0  }
0xbc: {  	s0 =	sadd.s32 $0x8F2B, s0  }
0xbd: {  	[sflag:s0] =	ssyncadd.remote.s32 $0x1  }
0xbe: {  	_ =	sfence.sel $0xFFFF  }
0xbf: {  	[dreg:$0x0] =	wrdreg $0xFFFFFFFF;
	(pc) =	sbr.abs _section_cstart, $3  }
0xc0: {  	[dreg:$0x1] =	wrdreg $0xFFFFFFFF  }
0xc1: {  	_ =	task.clear_ibuf [dreg:s6], $0x2FFFF;
	_ =	strace $0x9FFFFFFF  }
0xc2: {  	(tm) =	ssettm $0x7FFFFFFF  }
0xc3: {  	_ =	shalt  }
tec
execute0_lowered:
.L_overlay_start_1:
0x0: {  	(tag) =	ssettag $0x1  }
0x1: {  	s0 =	srdreg.scid;
	s1 =	rddreg [dreg:$0x0]  }
0x2: {  	s11 =	stileid.u32;
	s2 =	rddreg [dreg:$0x1];
	s28 =	simm.s32 $0x2  }
0x3: {  	s0 =	sand.u32 $0x1, s0;
	s3 =	sshll.u32 s11, $0x1;
	s8 =	smul.u32 $0x9C00, s11  }
0x4: {  	s29 =	simm.s32 $0x9C40;
	s21 =	smul.u32 $0x2700, s11;
	s4 =	sor.u32 s0, s3  }
0x5: {  	s30 =	simm.s32 $0x5;
	s31 =	simm.s32 $0x3;
	s4 =	smul.u32 $0x2710, s4  }
0x6: {  	s10 =	sadd.s32 $0x27000, s2;
	p0 =	sne.s32 s11, $0xF;
	s3 =	simm.s32 $0x0  }
0x7: {  	s6 =	ssub.s32 $0x2, s0;
	s0 =	smul.u32 $0x27100, s0;
	s4 =	sshrl.u32 s4, $0x3  }
0x8: {  	[smem:$0x7FF] =	sst s3;
	s7 =	sshrl.u32 s6, $0x1;
	s5 =	sadd.s32 s4, s1  }
0x9: {  	s19 =	sshrl.u32 s8, $0x2;
	_ =	strace $0x8000004D;
	s16 =	sadd.s32 $0x3800, s5  }
0xa: {  	s6 =	ssub.s32 s6, s7;
	s17 =	sadd.s32 $0xD440, s5;
	[dreg:$0x3] =	wrdreg s16  }
0xb: {  	s9 =	sadd.s32 s19, s2;
	s18 =	sadd.s32 $0x38FA, s5;
	[dreg:$0x4] =	wrdreg s17  }
0xc: {  	s7 =	sadd.s32 s21, s0;
	s20 =	sadd.s32 $0xD53A, s5;
	[dreg:$0x5] =	wrdreg s18  }
0xd: {  	s0 =	sshrl.u32 s0, $0x3;
	s22 =	sadd.s32 $0x39F4, s5;
	[dreg:$0x6] =	wrdreg s20  }
0xe: {  	s21 =	simm.s32 $0x7D0;
	s23 =	sadd.s32 $0xD634, s5;
	[dreg:$0x7] =	wrdreg s22  }
0xf: {  	s7 =	sshrl.u32 s7, $0x3;
	s24 =	sadd.s32 $0x3AEE, s5;
	[dreg:$0x8] =	wrdreg s23  }
0x10: {  	s4 =	sadd.s32 $0x17200, s1;
	s25 =	sadd.s32 $0xD72E, s5;
	[dreg:$0x9] =	wrdreg s24  }
0x11: {  	s1 =	sadd.s32 $0x1C200, s1;
	s26 =	sadd.s32 $0x3BE8, s5;
	[dreg:$0xa] =	wrdreg s25  }
0x12: {  	s19 =	smax.u32 s6, $0x1;
	s0 =	sadd.s32 s1, s0;
	[dreg:$0xb] =	wrdreg s26  }
0x13: {  	s16 =	sadd.s32 $0xD828, s5;
	s17 =	sadd.s32 s1, s7;
	s18 =	sadd.s32 $0x4E00, s0  }
0x14: {  	s20 =	simm.s32 $0xFA0;
	s22 =	simm.s32 $0x1770;
	s23 =	simm.s32 $0x1  }
0x15: {  	s24 =	simm.s32 $0x1F40;
	s25 =	simm.s32 $0x11940;
	s26 =	simm.s32 $0x7  }
0x16: {  	v0 =	vimm.f32 $0.0e+00;
	s1 =	simm.s32 $0x6;
	s0 =	simm.s32 $0x4;
	s5 =	simm.s32 $0x0  }
.LBB2_1:
0x17: {  	s6 =	rddreg [dreg:$0x3]  }
0x18: {  	[tilespmem:s3], [sflag:$0x1] =	stream.linear.gather [hbm4b:s6+s3], $0x7D0, $0x38;
	[tilespmem:$0x19050] =	vst v63  }
0x19: {  	s13 =	rddreg [dreg:$0x4]  }
0x1a: {  	[tilespmem:s20], [sflag:$0x3] =	stream.linear.gather [hbm4b:s13+s3], $0x7D0, $0x38;
	[tilespmem:$0x19050] =	vst v63  }
0x1b: {  	s14 =	rddreg [dreg:$0x5]  }
0x1c: {  	[tilespmem:s21], [sflag:$0x2] =	stream.linear.gather [hbm4b:s14+s3], $0x7D0, $0x38;
	[tilespmem:$0x19050] =	vst v63  }
0x1d: {  	s15 =	rddreg [dreg:$0x6]  }
0x1e: {  	[tilespmem:s22], [sflag:$0x4] =	stream.linear.gather [hbm4b:s15+s3], $0x7D0, $0x38;
	[tilespmem:$0x19050] =	vst v63  }
0x1f: {  	_ =	swait.ge [sflag:s23], $0x7D0  }
0x20: {  	[sflag:s23] =	ssyncset.done $0x0  }
0x21: {  	s7 =	simm.s32 $0x0;
	s6 =	simm.s32 $0x40;
	[sflag:s23] =	ssyncadd.s32 $0xFFFFF830  }
0x22: {  	[tilespmem:s24], [sflag:$0x5] =	stream.indirect.gather [hbm4b:s4+s21], $0x10, s3, s21, $0xb8;
	[tilespmem:$0x19050] =	vst v63  }
.LBB2_2:
0x23: {  	p1 =	sne.s32 s6, $0x9BC0;
	[tilespmem:s7+$0x11940] =	vst v0;
	s7 =	smov.u32 s6;
	s6 =	sadd.s32 $0x40, s6  }
.Ltmp0:
0x24: {  	(pc) =	sbr.rel @p1 .LBB2_2-.Ltmp0, $2  }
0x25: {  	_ =	sdelay $0x2  }
0x26: {  	s7 =	sshra.s32 s7, $0x2  }
0x27: {  	[tilespmem:s7+$0x11940] =	vst v0  }
0x28: {  	[spmem:s9] =	stream.linear.scatter [tilespmem:s25], [sflag:$0x7], $0x2700, $0x38;
	[tilespmem:$0x19050] =	vst v63  }
0x29: {  	_ =	swait.ge [sflag:s26], $0x2700  }
0x2a: {  	[sflag:s26] =	ssyncset.done $0x0  }
0x2b: {  	s6 =	simm.s32 @!p0 $0x11940;
	[sflag:s26] =	ssyncadd.s32 $0xFFFFD900  }
0x2c: {  	[spmem:s10] =	stream.linear.scatter @!p0 [tilespmem:s6], [sflag:$0x7], $0x100, $0x38;
	[tilespmem:$0x19050] =	vst v63  }
0x2d: {  	s6 =	simm.s32 @!p0 $0x7  }
0x2e: {  	_ =	swait.ge @!p0 [sflag:s6], $0x100  }
0x2f: {  	[sflag:s6] =	ssyncset.done @!p0 $0x0  }
0x30: {  	[sflag:s6] =	ssyncadd.s32 @!p0 $0xFFFFFF00  }
0x31: {  	[bflag:$0x0] =	sbarrier.arrive $0xFFFF  }
0x32: {  	_ =	swait.ge [sflag:s28], $0x7D0  }
0x33: {  	[sflag:s28] =	ssyncset.done $0x0  }
0x34: {  	[sflag:s28] =	ssyncadd.s32 $0xFFFFF830  }
0x35: {  	[tilespmem:s29], [sflag:$0x6] =	stream.indirect.gather [hbm4b:s4+s21], $0x10, s21, s21, $0xb8;
	[tilespmem:$0x19050] =	vst v63  }
0x36: {  	_ =	swait.ge [sflag:s30], $0x7D00  }
0x37: {  	[sflag:s30] =	ssyncset.done $0x0  }
0x38: {  	[sflag:s30] =	ssyncadd.s32 $0xFFFF8300  }
0x39: {  	_ =	swait.ge [sflag:s31], $0x7D0  }
0x3a: {  	[sflag:s31] =	ssyncset.done $0x0  }
0x3b: {  	[sflag:s31] =	ssyncadd.s32 $0xFFFFF830  }
0x3c: {  	[spmem:s2] =	stream.indirect.scatter.add.f32 [tilespmem:s24], [sflag:$0x7], $0x10, s20, s21, $0xb8;
	[tilespmem:$0x19050] =	vst v63  }
0x3d: {  	_ =	swait.ge [sflag:s26], $0x7D00  }
0x3e: {  	[sflag:s26] =	ssyncset.done $0x0  }
0x3f: {  	s11 =	rddreg [dreg:$0x7];
	[sflag:s26] =	ssyncadd.s32 $0xFFFF8300  }
0x40: {  	[tilespmem:s3], [sflag:$0x1] =	stream.linear.gather [hbm4b:s11+s3], $0x7D0, $0x38;
	[tilespmem:$0x19050] =	vst v63  }
0x41: {  	s12 =	rddreg [dreg:$0x8]  }
0x42: {  	[tilespmem:s20], [sflag:$0x3] =	stream.linear.gather [hbm4b:s12+s3], $0x7D0, $0x38;
	[tilespmem:$0x19050] =	vst v63  }
0x43: {  	_ =	swait.ge [sflag:s23], $0x7D0  }
0x44: {  	[sflag:s23] =	ssyncset.done $0x0  }
0x45: {  	[sflag:s23] =	ssyncadd.s32 $0xFFFFF830  }
0x46: {  	[tilespmem:s24], [sflag:$0x5] =	stream.indirect.gather [hbm4b:s4+s21], $0x10, s3, s21, $0xb8;
	[tilespmem:$0x19050] =	vst v63  }
0x47: {  	_ =	swait.ge [sflag:s1], $0x7D00  }
0x48: {  	[sflag:s1] =	ssyncset.done $0x0  }
0x49: {  	[sflag:s1] =	ssyncadd.s32 $0xFFFF8300  }
0x4a: {  	_ =	swait.ge [sflag:s0], $0x7D0  }
0x4b: {  	[sflag:s0] =	ssyncset.done $0x0  }
0x4c: {  	[sflag:s0] =	ssyncadd.s32 $0xFFFFF830  }
0x4d: {  	[spmem:s2] =	stream.indirect.scatter.add.f32 [tilespmem:s29], [sflag:$0x7], $0x10, s22, s21, $0xb8;
	[tilespmem:$0x19050] =	vst v63  }
0x4e: {  	_ =	swait.ge [sflag:s26], $0x7D00  }
0x4f: {  	[sflag:s26] =	ssyncset.done $0x0  }
0x50: {  	s13 =	rddreg [dreg:$0x9];
	[sflag:s26] =	ssyncadd.s32 $0xFFFF8300  }
0x51: {  	[tilespmem:s21], [sflag:$0x2] =	stream.linear.gather [hbm4b:s13+s3], $0x7D0, $0x38;
	[tilespmem:$0x19050] =	vst v63  }
0x52: {  	s14 =	rddreg [dreg:$0xa]  }
0x53: {  	[tilespmem:s22], [sflag:$0x4] =	stream.linear.gather [hbm4b:s14+s3], $0x7D0, $0x38;
	[tilespmem:$0x19050] =	vst v63  }
0x54: {  	_ =	swait.ge [sflag:s28], $0x7D0  }
0x55: {  	[sflag:s28] =	ssyncset.done $0x0  }
0x56: {  	[sflag:s28] =	ssyncadd.s32 $0xFFFFF830  }
0x57: {  	[tilespmem:s29], [sflag:$0x6] =	stream.indirect.gather [hbm4b:s4+s21], $0x10, s21, s21, $0xb8;
	[tilespmem:$0x19050] =	vst v63  }
0x58: {  	_ =	swait.ge [sflag:s30], $0x7D00  }
0x59: {  	[sflag:s30] =	ssyncset.done $0x0  }
0x5a: {  	[sflag:s30] =	ssyncadd.s32 $0xFFFF8300  }
0x5b: {  	_ =	swait.ge [sflag:s31], $0x7D0  }
0x5c: {  	[sflag:s31] =	ssyncset.done $0x0  }
0x5d: {  	[sflag:s31] =	ssyncadd.s32 $0xFFFFF830  }
0x5e: {  	[spmem:s2] =	stream.indirect.scatter.add.f32 [tilespmem:s24], [sflag:$0x7], $0x10, s20, s21, $0xb8;
	[tilespmem:$0x19050] =	vst v63  }
0x5f: {  	_ =	swait.ge [sflag:s26], $0x7D00  }
0x60: {  	[sflag:s26] =	ssyncset.done $0x0  }
0x61: {  	s15 =	rddreg [dreg:$0xb];
	[sflag:s26] =	ssyncadd.s32 $0xFFFF8300  }
0x62: {  	[tilespmem:s3], [sflag:$0x1] =	stream.linear.gather [hbm4b:s15+s3], $0x7D0, $0x38;
	[tilespmem:$0x19050] =	vst v63  }
0x63: {  	_ = 	snop  }
0x64: {  	[tilespmem:s20], [sflag:$0x3] =	stream.linear.gather [hbm4b:s16+s3], $0x7D0, $0x38;
	[tilespmem:$0x19050] =	vst v63  }
0x65: {  	_ =	swait.ge [sflag:s23], $0x7D0  }
0x66: {  	[sflag:s23] =	ssyncset.done $0x0  }
0x67: {  	[sflag:s23] =	ssyncadd.s32 $0xFFFFF830  }
0x68: {  	[tilespmem:s24], [sflag:$0x5] =	stream.indirect.gather [hbm4b:s4+s21], $0x10, s3, s21, $0xb8;
	[tilespmem:$0x19050] =	vst v63  }
0x69: {  	_ =	swait.ge [sflag:s1], $0x7D00  }
0x6a: {  	[sflag:s1] =	ssyncset.done $0x0  }
0x6b: {  	[sflag:s1] =	ssyncadd.s32 $0xFFFF8300  }
0x6c: {  	_ =	swait.ge [sflag:s0], $0x7D0  }
0x6d: {  	[sflag:s0] =	ssyncset.done $0x0  }
0x6e: {  	[sflag:s0] =	ssyncadd.s32 $0xFFFFF830  }
0x6f: {  	[spmem:s2] =	stream.indirect.scatter.add.f32 [tilespmem:s29], [sflag:$0x7], $0x10, s22, s21, $0xb8;
	[tilespmem:$0x19050] =	vst v63  }
0x70: {  	_ =	swait.ge [sflag:s26], $0x7D00  }
0x71: {  	[sflag:s26] =	ssyncset.done $0x0  }
0x72: {  	[sflag:s26] =	ssyncadd.s32 $0xFFFF8300  }
0x73: {  	_ =	swait.ge [sflag:s30], $0x7D00  }
0x74: {  	[sflag:s30] =	ssyncset.done $0x0  }
0x75: {  	[sflag:s30] =	ssyncadd.s32 $0xFFFF8300  }
0x76: {  	_ =	swait.ge [sflag:s31], $0x7D0  }
0x77: {  	[sflag:s31] =	ssyncset.done $0x0  }
0x78: {  	[sflag:s31] =	ssyncadd.s32 $0xFFFFF830  }
0x79: {  	[spmem:s2] =	stream.indirect.scatter.add.f32 [tilespmem:s24], [sflag:$0x7], $0x10, s20, s21, $0xb8;
	[tilespmem:$0x19050] =	vst v63  }
0x7a: {  	_ =	swait.ge [sflag:s26], $0x7D00  }
0x7b: {  	[sflag:s26] =	ssyncset.done $0x0  }
0x7c: {  	s7 =	simm.s32 @!p0 $0x280;
	[sflag:s26] =	ssyncadd.s32 $0xFFFF8300  }
0x7d: {  	s7 =	simm.s32 @p0 $0x270;
	[bflag:$0x0] =	sbarrier.arrive $0xFFFF  }
0x7e: {  	[tilespmem:s25], [sflag:$0x7] =	stream.linear.gather [spmem:s9], $0x2700, $0x38;
	[tilespmem:$0x19050] =	vst v63  }
0x7f: {  	s11 =	sshll.u32 s7, $0x4;
	_ =	swait.ge [sflag:s26], $0x2700  }
0x80: {  	p2 =	sne.s32 s11, $0x10;
	[sflag:s26] =	ssyncset.done $0x0  }
.Ltmp1:
0x81: {  	s8 =	simm.s32 @!p0 $0x14040;
	[sflag:s26] =	ssyncadd.s32 $0xFFFFD900;
	(pc) =	sbr.rel @!p2 .LBB2_4-.Ltmp1, $4  }
0x82: {  	[tilespmem:s8], [sflag:$0x7] =	stream.linear.gather @!p0 [spmem:s10], $0x100, $0x38;
	[tilespmem:$0x19050] =	vst v63  }
0x83: {  	_ =	swait.ge @!p0 [sflag:s6], $0x100  }
0x84: {  	p1 =	por $0x0, $0x0;
	[sflag:s6] =	ssyncset.done @!p0 $0x0  }
0x85: {  	s7 =	simm.s32 $0x0;
	s8 =	simm.s32 $0x10;
	[sflag:s6] =	ssyncadd.s32 @!p0 $0xFFFFFF00  }
0x86: {  	s13 =	simm.s32 $0x0;
	p2 =	sne.s32 s11, $0x20  }
.Ltmp2:
0x87: {  	v1 =	vld [tilespmem:s13+$0x11940];
	(pc) =	sbr.rel @!p2 .LBB2_7-.Ltmp2, $4  }
0x88: {  	_ = 	snop  }
0x89: {  	s14 =	sand.u32 $0xFFFFFE00, s7  }
0x8a: {  	s12 =	simm.s32 $0x20;
	s15 =	sand.u32 $0x70, s7;
	s14 =	sshra.s32 s14, $0x2  }
0x8b: {  	s7 =	simm.s32 $0x40;
	p1 =	por $0x1, $0x1;
	s13 =	sor.u32 s15, s14  }
.LBB2_6:
0x8c: {  	[tilespmem:s13+$0x14140] =	vst v1;
	s13 =	smov.u32 s12;
	s12 =	sadd.s32 $0x10, s12  }
0x8d: {  	s14 =	sshra.s32 s7, $0x2;
	p2 =	sne.s32 s11, s12  }
.Ltmp3:
0x8e: {  	v1 =	vld [tilespmem:s14+$0x11940];
	(pc) =	sbr.rel @p2 .LBB2_6-.Ltmp3, $4  }
0x8f: {  	_ = 	snop  }
0x90: {  	s14 =	sand.u32 $0xFFFFFE00, s7  }
0x91: {  	s15 =	sand.u32 $0x70, s8;
	s8 =	smov.u32 s13;
	s14 =	sshra.s32 s14, $0x2  }
0x92: {  	s7 =	sadd.s32 $0x40, s7;
	s13 =	sor.u32 s15, s14  }
.LBB2_7:
0x93: {  	s11 =	sshra.s32 s7, $0x2;
	[tilespmem:s13+$0x14140] =	vst @p1 v1  }
0x94: {  	v1 =	vld [tilespmem:s11+$0x11940];
	_ =	sdelay $0x1  }
0x95: {  	s14 =	sand.u32 $0xFFFFFE00, s7  }
0x96: {  	s8 =	sand.u32 $0x70, s8;
	s7 =	sshra.s32 s14, $0x2  }
0x97: {  	s7 =	sor.u32 s8, s7  }
0x98: {  	s15 =	simm.s32 $0x14140;
	[tilespmem:s7+$0x14140] =	vst v1  }
0x99: {  	[hbm4b:s17+s3] =	stream.linear.scatter [tilespmem:s15], [sflag:$0x7], $0x2700, $0x38;
	[tilespmem:$0x19050] =	vst v63  }
0x9a: {  	s5 =	sadd.s32 $0x1, s5;
	_ =	swait.ge [sflag:s26], $0x2700  }
0x9b: {  	p1 =	sne.s32 s5, s19;
	[sflag:s26] =	ssyncset.done $0x0  }
0x9c: {  	s8 =	simm.s32 @!p0 $0x16840;
	s7 =	simm.s32 @!p0 $0x0;
	[sflag:s26] =	ssyncadd.s32 $0xFFFFD900  }
0x9d: {  	[hbm4b:s18+s7] =	stream.linear.scatter @!p0 [tilespmem:s8], [sflag:$0x7], $0x100, $0x38;
	[tilespmem:$0x19050] =	vst v63  }
.Ltmp4:
0x9e: {  	_ = 	snop;
	(pc) =	sbr.rel @p1 .LBB2_1-.Ltmp4, $4  }
.Ltmp5:
0x9f: {  	_ = 	snop;
	(pc) =	sbr.rel @!p1 .LBB2_8-.Ltmp5, $4  }
0xa0: {  	_ =	swait.ge @!p0 [sflag:s6], $0x100  }
0xa1: {  	[sflag:s6] =	ssyncset.done @!p0 $0x0  }
0xa2: {  	[sflag:s6] =	ssyncadd.s32 @!p0 $0xFFFFFF00  }
0xa3: {  	_ = 	snop  }
.LBB2_4:
.Ltmp6:
0xa4: {  	(pc) =	sbr.rel .LBB2_7-.Ltmp6, $2  }
0xa5: {  	_ =	sdelay $0x2  }
0xa6: {  	s8 =	simm.s32 $0x0  }
.LBB2_8:
0xa7: {  	_ =	sfence.sel $0x180000  }
0xa8: {  	[bflag:$0x0] =	sbarrier.arrive $0xFFFF  }
0xa9: {  	_ =	strace $0x9000004D  }
0xaa: {  	s0 =	stileid.u32;
	[bflag:$0x2] =	sbarrier.arrive $0xFFFF  }
0xab: {  	p0 =	sne.s32 s0, $0x0;
	s0 =	rddreg [dreg:$0x2]  }
0xac: {  	s0 =	sadd.s32 @!p0 $0x100000, s0  }
0xad: {  	[sflag:s0] =	ssyncadd.tile.s32 @!p0 $0x1;
	_ =	shalt  }
.Lfunc_end2:
_tile_overlayer_lowered:
.L_overlay_start_2:
0xae: {  	(tag) =	ssettag $0x2  }
0xaf: {  	s0 =	rddreg [dreg:$0x0];
	s2 =	stileid.u32  }
0xb0: {  	s1 =	rddreg [dreg:$0x1];
	p0 =	sne.s32 s2, $0x0  }
0xb1: {  	s3 =	rddreg [dreg:$0x2];
	[bflag:$0x3] =	sbarrier.arrive $0xFFFF;
	s2 =	simm.s32 @!p0 $0x1C07  }
0xb2: {  	[timem:s3], [sflag:s2] =	dma.local @!p0 [hbm:s0], s1  }
0xb3: {  	s0 =	simm.s32 @!p0 $0x7  }
0xb4: {  	_ =	swait.ge @!p0 [sflag:s0], s1  }
0xb5: {  	s1 =	ssub.s32 @!p0 $0x0, s1;
	[sflag:s0] =	ssyncset.done @!p0 $0x0  }
0xb6: {  	[sflag:s0] =	ssyncadd.s32 @!p0 s1  }
0xb7: {  	[bflag:$0x3] =	sbarrier.arrive $0xFFFF  }
0xb8: {  	_ =	shalt  }

// kernel: kernel.20.cloned.1.call-start
scs
__scs_entry_jumppad:
0x0: {  	(pc) =	sbr.rel $0x88, $3  }
0x1: {  	(tag) =	ssettag $0x0;
	lr =	simm.s32 $0x1  }
0x2: {  	[smem:$0x3F96] =	sst lr;
	_ =	strace $0xD0000000  }
0x3: {  	_ = 	snop  }
0x4: {  	_ = 	snop  }
0x5: {  	_ = 	snop  }
0x6: {  	_ = 	snop  }
0x7: {  	_ = 	snop  }
__scs_overlays_trampoline_lowered:
0x8: {  	[smem:$0x3FA5] =	sst s0  }
0x9: {  	[smem:$0x3FA6] =	sst s1  }
0xa: {  	[smem:$0x3FA7] =	sst s2  }
0xb: {  	[smem:$0x3FA8] =	sst s3  }
0xc: {  	[smem:$0x3FA9] =	sst s4  }
0xd: {  	[smem:$0x3FAA] =	sst s5  }
0xe: {  	[smem:$0x3FAB] =	sst s6  }
0xf: {  	[smem:$0x3FAC] =	sst s7  }
0x10: {  	[smem:$0x3FAD] =	sst s8  }
0x11: {  	[smem:$0x3FAE] =	sst s9;
	s0 =	simm.s32 @!p0 $0x0  }
0x12: {  	s1 =	sld [smem:$0x3F94];
	s0 =	simm.s32 @p0 $0x1  }
0x13: {  	[smem:$0x3FAF] =	sst s0;
	s0 =	simm.s32 @!p1 $0x0  }
0x14: {  	s2 =	sld [smem:$0x3F93];
	s0 =	simm.s32 @p1 $0x1  }
0x15: {  	[smem:$0x3FB0] =	sst s0;
	s0 =	simm.s32 @!p2 $0x0  }
0x16: {  	s3 =	sld [smem:$0x3FDB];
	s0 =	simm.s32 @p2 $0x1  }
0x17: {  	s4 =	simm.s32 $0x1BF5;
	[smem:$0x3FB2] =	sst s0  }
0x18: {  	s0 =	sld [smem:$0x3F95];
	_ =	swait.ge [sflag:s4], $0x0  }
0x19: {  	s7 =	sld [smem:$0x3F96]  }
0x1a: {  	s8 =	sadd.s32 $0xFFFFE003, lr  }
0x1b: {  	s9 =	sadd.s32 $0xFFFFFEF7, lr;
	s5 =	simm.s32 $0xFFFFFFFF;
	p2 =	slt.u32 s8, $0xFFFFF086  }
0x1c: {  	p1 =	slt.u32 s9, $0xF7A;
	s5 =	simm.s32 @!p2 $0x0  }
0x1d: {  	s5 =	simm.s32 @p1 $0x1;
	p0 =	seq.s32 s7, s2  }
0x1e: {  	s7 =	smul.u32 @!p0 $0xF7A, s2;
	p2 =	seq.s32 @!p0 s5, $0x0  }
0x1f: {  	s9 =	smul.u32 $0xF7A, s1;
	s8 =	simm.s32 @!p0 $0x1BF5;
	p2 =	por !p2, p0  }
0x20: {  	[sflag:s8] =	ssyncset.s32 @!p0 $0xFFFFF086;
	s6 =	sadd.s32 @!p0 s3, s7;
	s7 =	simm.s32 @!p0 $0x108  }
0x21: {  	s3 =	sadd.s32 s3, s9;
	s6 =	sadd.s32 @!p0 $0x88, s6;
	s7 =	simm.s32 @p2 $0x1082  }
0x22: {  	[simem:s7], [sflag:s8] =	dma.local @!p0 [hbm:s6], $0xF7A  }
0x23: {  	s9 =	sor.u32 $0xD0000000, s2;
	s6 =	simm.s32 $0x108;
	_ =	swait.ge @!p0 [sflag:s8], $0x0  }
0x24: {  	s3 =	sadd.s32 $0x88, s3;
	s6 =	simm.s32 @!p1 $0x1082;
	[sflag:s4] =	ssyncset.s32 $0xFFFFF086  }
0x25: {  	[simem:s6], [sflag:s4] =	dma.local [hbm:s3], $0xF7A  }
0x26: {  	[smem:$0x3F96] =	sst s1;
	(tag) =	ssettag s2;
	_ =	strace s9  }
0x27: {  	s1 =	sld [smem:$0x3FA6]  }
0x28: {  	s2 =	sld [smem:$0x3FA7]  }
0x29: {  	s4 =	sld [smem:$0x3FA9]  }
0x2a: {  	p0 =	seq.s32 s5, $0x0;
	s5 =	sld [smem:$0x3FAA]  }
0x2b: {  	s6 =	sld [smem:$0x3FAB]  }
0x2c: {  	s7 =	sld [smem:$0x3FAC]  }
0x2d: {  	s3 =	simm.s32 $0x108;
	s8 =	sld [smem:$0x3FAD]  }
0x2e: {  	s3 =	simm.s32 @!p0 $0x1082;
	s9 =	sld [smem:$0x3FAE]  }
0x2f: {  	lr =	sadd.s32 s0, s3;
	s0 =	sld [smem:$0x3FA5]  }
0x30: {  	s3 =	sld [smem:$0x3FA8]  }
0x31: {  	[smem:$0x3FB1] =	sst s10  }
0x32: {  	s10 =	sld [smem:$0x3FAF];
	_ =	sdelay $0x3  }
0x33: {  	p0 =	seq.s32 s10, $0x1;
	s10 =	sld [smem:$0x3FB1];
	_ =	sdelay $0x3  }
0x34: {  	[smem:$0x3FB1] =	sst s10  }
0x35: {  	s10 =	sld [smem:$0x3FB0];
	_ =	sdelay $0x3  }
0x36: {  	p1 =	seq.s32 s10, $0x1;
	s10 =	sld [smem:$0x3FB1];
	_ =	sdelay $0x3  }
0x37: {  	[smem:$0x3FB1] =	sst s10  }
0x38: {  	s10 =	sld [smem:$0x3FB2]  }
0x39: {  	_ = 	snop;
	(pc) =	sbr.ind lr, $3  }
0x3a: {  	_ = 	snop  }
0x3b: {  	_ = 	snop  }
0x3c: {  	p2 =	seq.s32 s10, $0x1;
	s10 =	sld [smem:$0x3FB1]  }
0x3d: {  	_ =	shalt  }
0x3e: {  	_ =	shalt  }
0x3f: {  	_ =	shalt  }
0x40: {  	_ =	shalt  }
0x41: {  	_ =	shalt  }
0x42: {  	_ =	shalt  }
0x43: {  	_ =	shalt  }
0x44: {  	_ =	shalt  }
0x45: {  	_ =	shalt  }
0x46: {  	_ =	shalt  }
0x47: {  	_ =	shalt  }
0x48: {  	_ =	shalt  }
0x49: {  	_ =	shalt  }
0x4a: {  	_ =	shalt  }
0x4b: {  	_ =	shalt  }
0x4c: {  	_ =	shalt  }
0x4d: {  	_ =	shalt  }
0x4e: {  	_ =	shalt  }
0x4f: {  	_ =	shalt  }
0x50: {  	_ =	shalt  }
0x51: {  	_ =	shalt  }
0x52: {  	_ =	shalt  }
0x53: {  	_ =	shalt  }
0x54: {  	_ =	shalt  }
0x55: {  	_ =	shalt  }
0x56: {  	_ =	shalt  }
0x57: {  	_ =	shalt  }
0x58: {  	_ =	shalt  }
0x59: {  	_ =	shalt  }
0x5a: {  	_ =	shalt  }
0x5b: {  	_ =	shalt  }
0x5c: {  	_ =	shalt  }
0x5d: {  	_ =	shalt  }
0x5e: {  	_ =	shalt  }
0x5f: {  	_ =	shalt  }
0x60: {  	_ =	shalt  }
0x61: {  	_ =	shalt  }
0x62: {  	_ =	shalt  }
0x63: {  	_ =	shalt  }
0x64: {  	_ =	shalt  }
0x65: {  	_ =	shalt  }
0x66: {  	_ =	shalt  }
0x67: {  	_ =	shalt  }
0x68: {  	_ =	shalt  }
0x69: {  	_ =	shalt  }
0x6a: {  	_ =	shalt  }
0x6b: {  	_ =	shalt  }
0x6c: {  	_ =	shalt  }
0x6d: {  	_ =	shalt  }
0x6e: {  	_ =	shalt  }
0x6f: {  	_ =	shalt  }
0x70: {  	_ =	shalt  }
0x71: {  	_ =	shalt  }
0x72: {  	_ =	shalt  }
0x73: {  	_ =	shalt  }
0x74: {  	_ =	shalt  }
0x75: {  	_ =	shalt  }
0x76: {  	_ =	shalt  }
0x77: {  	_ =	shalt  }
0x78: {  	_ =	shalt  }
0x79: {  	_ =	shalt  }
0x7a: {  	_ =	shalt  }
0x7b: {  	_ =	shalt  }
0x7c: {  	_ =	shalt  }
0x7d: {  	_ =	shalt  }
0x7e: {  	_ =	shalt  }
0x7f: {  	_ =	shalt  }
0x80: {  	_ =	shalt  }
0x81: {  	_ =	shalt  }
0x82: {  	_ =	shalt  }
0x83: {  	_ =	shalt  }
0x84: {  	_ =	shalt  }
0x85: {  	_ =	shalt  }
0x86: {  	_ =	shalt  }
0x87: {  	_ =	shalt  }
.Lfunc_end0:
.L_simem_size_0:
called_computation.3_lowered:
.L_overlay_start_0:
0x88: {  	s2 =	sld [smem:$0x3FD9]  }
0x89: {  	s3 =	sld [smem:$0x3FFE];
	_ =	sdelay $0x1  }
0x8a: {  	s1 =	srdreg.scid  }
0x8b: {  	s0 =	sand.u32 $0x1, s1  }
0x8c: {  	s16 =	sshll.u32 s0, $0xA;
	s2 =	sadd.s32 s3, s2  }
0x8d: {  	s2 =	sadd.s32 s2, s16  }
0x8e: {  	[smem:$0x3FBD] =	sst s2  }
0x8f: {  	_ = 	snop  }
0x90: {  	(tm) =	ssettm $0x1  }
0x91: {  	s17 =	sld [smem:$0x3FFB];
	_ =	sdelay $0x3  }
0x92: {  	_ =	strace s17  }
0x93: {  	s2 =	sld [smem:$0x3FFC];
	_ =	sdelay $0x3  }
0x94: {  	_ =	strace s2  }
0x95: {  	s2 =	sld [smem:$0x3FFD];
	_ =	sdelay $0x3  }
0x96: {  	_ =	strace s2  }
0x97: {  	_ =	strace $0x8FFFFFFF  }
0x98: {  	s18 =	sld [smem:$0x3FDB];
	_ =	sdelay $0x1  }
0x99: {  	s19 =	simm.s32 $_scs_section_size  }
0x9a: {  	s4 =	simm.s32 $_size__tile_overlayer_lowered;
	s5 =	simm.s32 $_tile_overlayer_lowered  }
0x9b: {  	s22 =	simm.s32 $0x1BFF;
	s21 =	sshll.u32 s5, $0x1;
	s2 =	sadd.s32 s19, s18  }
0x9c: {  	s6 =	simm.s32 $0x0;
	s20 =	sshll.u32 s4, $0x1;
	s4 =	sadd.s32 s21, s2  }
0x9d: {  	[timem:s6], [sflag:s22] =	dma.local [hbm:s4], s20  }
0x9e: {  	_ =	swait.ge [sflag:s22], s20  }
0x9f: {  	s3 =	ssub.s32 $0x0, s20;
	[sflag:s22] =	ssyncset.done $0x0  }
0xa0: {  	[sflag:s22] =	ssyncadd.s32 s3;
	_ =	sdelay $0x1  }
0xa1: {  	s23 =	simm.s32 $0x1B8B  }
0xa2: {  	_ =	swait.ge [sflag:s23], $0x1  }
0xa3: {  	[sflag:s23] =	ssyncset.done $0x0  }
0xa4: {  	s25 =	simm.s32 $0x1B8E;
	s24 =	sld [smem:$0x3FFE];
	[sflag:s23] =	ssyncadd.s32 $0xFFFFFFFF  }
0xa5: {  	s26 =	simm.s32 $execute0_lowered;
	[smem:$0x3FD2] =	sst s25  }
0xa6: {  	s4 =	sshll.u32 s26, $0x1;
	_ =	strace $0x8000004F;
	[dreg:$0x1] =	wrdreg $0xFFFFFFFF  }
0xa7: {  	s28 =	simm.s32 $_size_execute0_lowered;
	s2 =	sadd.s32 s2, s4;
	[dreg:$0x0] =	wrdreg $0x0  }
0xa8: {  	s4 =	sshll.u32 s28, $0x1;
	[dreg:$0x2] =	wrdreg s2  }
0xa9: {  	[dreg:$0x3] =	wrdreg s4  }
0xaa: {  	[dreg:$0x4] =	wrdreg $0xC0  }
0xab: {  	_ =	task [dreg:s6], $0x5FFFF  }
0xac: {  	[dreg:$0x1] =	wrdreg $0xFFFFFFFF  }
0xad: {  	[dreg:$0x0] =	wrdreg $0x60  }
0xae: {  	[dreg:$0x2] =	wrdreg s24  }
0xaf: {  	[dreg:$0x3] =	wrdreg $0x169400  }
0xb0: {  	[dreg:$0x4] =	wrdreg $0x9  }
0xb1: {  	_ =	task.clear_ibuf [dreg:s6], $0x5FFFF;
	_ =	strace $0x9000004F  }
0xb2: {  	s29 =	simm.s32 $0x9;
	_ =	strace $0x80000051  }
0xb3: {  	_ =	swait.ge [sflag:s29], $0x1  }
0xb4: {  	[sflag:s29] =	ssyncadd.s32 $0xFFFFFFFF  }
0xb5: {  	_ =	strace $0x90000051  }
0xb6: {  	_ =	sfence  }
0xb7: {  	s30 =	sld [smem:$0x0];
	_ =	sdelay $0x2  }
0xb8: {  	s31 =	sshll.u32 s1, $0xD;
	s1 =	sshrl.u32 s1, $0x2  }
0xb9: {  	s3 =	sand.u32 $0x4000, s31;
	s1 =	sadd.s32 s1, s30  }
0xba: {  	s0 =	sor.u32 s3, s0;
	s1 =	sshll.u32 s1, $0x11  }
0xbb: {  	s0 =	sor.u32 s1, s0  }
0xbc: {  	s0 =	sadd.s32 $0x8F2B, s0  }
0xbd: {  	[sflag:s0] =	ssyncadd.remote.s32 $0x1  }
0xbe: {  	_ =	sfence.sel $0xFFFF  }
0xbf: {  	[dreg:$0x0] =	wrdreg $0xFFFFFFFF;
	(pc) =	sbr.abs _section_cstart, $3  }
0xc0: {  	[dreg:$0x1] =	wrdreg $0xFFFFFFFF  }
0xc1: {  	_ =	task.clear_ibuf [dreg:s6], $0x2FFFF;
	_ =	strace $0x9FFFFFFF  }
0xc2: {  	(tm) =	ssettm $0x7FFFFFFF  }
0xc3: {  	_ =	shalt  }
tec
execute0_lowered:
.L_overlay_start_1:
0x0: {  	(tag) =	ssettag $0x1  }
0x1: {  	s0 =	srdreg.scid;
	s1 =	rddreg [dreg:$0x0]  }
0x2: {  	s11 =	stileid.u32;
	s2 =	rddreg [dreg:$0x1];
	s28 =	simm.s32 $0x2  }
0x3: {  	s0 =	sand.u32 $0x1, s0;
	s3 =	sshll.u32 s11, $0x1;
	s8 =	smul.u32 $0x9C00, s11  }
0x4: {  	s29 =	simm.s32 $0x9C40;
	s21 =	smul.u32 $0x2700, s11;
	s4 =	sor.u32 s0, s3  }
0x5: {  	s30 =	simm.s32 $0x5;
	s31 =	simm.s32 $0x3;
	s4 =	smul.u32 $0x2710, s4  }
0x6: {  	s10 =	sadd.s32 $0x27000, s2;
	p0 =	sne.s32 s11, $0xF;
	s3 =	simm.s32 $0x0  }
0x7: {  	s6 =	ssub.s32 $0x2, s0;
	s0 =	smul.u32 $0x27100, s0;
	s4 =	sshrl.u32 s4, $0x3  }
0x8: {  	[smem:$0x7FF] =	sst s3;
	s7 =	sshrl.u32 s6, $0x1;
	s5 =	sadd.s32 s4, s1  }
0x9: {  	s19 =	sshrl.u32 s8, $0x2;
	_ =	strace $0x80000050;
	s16 =	sadd.s32 $0x3800, s5  }
0xa: {  	s6 =	ssub.s32 s6, s7;
	s17 =	sadd.s32 $0xD440, s5;
	[dreg:$0x3] =	wrdreg s16  }
0xb: {  	s9 =	sadd.s32 s19, s2;
	s18 =	sadd.s32 $0x38FA, s5;
	[dreg:$0x4] =	wrdreg s17  }
0xc: {  	s7 =	sadd.s32 s21, s0;
	s20 =	sadd.s32 $0xD53A, s5;
	[dreg:$0x5] =	wrdreg s18  }
0xd: {  	s0 =	sshrl.u32 s0, $0x3;
	s22 =	sadd.s32 $0x39F4, s5;
	[dreg:$0x6] =	wrdreg s20  }
0xe: {  	s21 =	simm.s32 $0x7D0;
	s23 =	sadd.s32 $0xD634, s5;
	[dreg:$0x7] =	wrdreg s22  }
0xf: {  	s7 =	sshrl.u32 s7, $0x3;
	s24 =	sadd.s32 $0x3AEE, s5;
	[dreg:$0x8] =	wrdreg s23  }
0x10: {  	s4 =	sadd.s32 $0x17200, s1;
	s25 =	sadd.s32 $0xD72E, s5;
	[dreg:$0x9] =	wrdreg s24  }
0x11: {  	s1 =	sadd.s32 $0x1C200, s1;
	s26 =	sadd.s32 $0x3BE8, s5;
	[dreg:$0xa] =	wrdreg s25  }
0x12: {  	s19 =	smax.u32 s6, $0x1;
	s0 =	sadd.s32 s1, s0;
	[dreg:$0xb] =	wrdreg s26  }
0x13: {  	s16 =	sadd.s32 $0xD828, s5;
	s17 =	sadd.s32 s1, s7;
	s18 =	sadd.s32 $0x4E00, s0  }
0x14: {  	s20 =	simm.s32 $0xFA0;
	s22 =	simm.s32 $0x1770;
	s23 =	simm.s32 $0x1  }
0x15: {  	s24 =	simm.s32 $0x1F40;
	s25 =	simm.s32 $0x11940;
	s26 =	simm.s32 $0x7  }
0x16: {  	v0 =	vimm.f32 $0.0e+00;
	s1 =	simm.s32 $0x6;
	s0 =	simm.s32 $0x4;
	s5 =	simm.s32 $0x0  }
.LBB2_1:
0x17: {  	s6 =	rddreg [dreg:$0x3]  }
0x18: {  	[tilespmem:s3], [sflag:$0x1] =	stream.linear.gather [hbm4b:s6+s3], $0x7D0, $0x38;
	[tilespmem:$0x19050] =	vst v63  }
0x19: {  	s13 =	rddreg [dreg:$0x4]  }
0x1a: {  	[tilespmem:s20], [sflag:$0x3] =	stream.linear.gather [hbm4b:s13+s3], $0x7D0, $0x38;
	[tilespmem:$0x19050] =	vst v63  }
0x1b: {  	s14 =	rddreg [dreg:$0x5]  }
0x1c: {  	[tilespmem:s21], [sflag:$0x2] =	stream.linear.gather [hbm4b:s14+s3], $0x7D0, $0x38;
	[tilespmem:$0x19050] =	vst v63  }
0x1d: {  	s15 =	rddreg [dreg:$0x6]  }
0x1e: {  	[tilespmem:s22], [sflag:$0x4] =	stream.linear.gather [hbm4b:s15+s3], $0x7D0, $0x38;
	[tilespmem:$0x19050] =	vst v63  }
0x1f: {  	_ =	swait.ge [sflag:s23], $0x7D0  }
0x20: {  	[sflag:s23] =	ssyncset.done $0x0  }
0x21: {  	s7 =	simm.s32 $0x0;
	s6 =	simm.s32 $0x40;
	[sflag:s23] =	ssyncadd.s32 $0xFFFFF830  }
0x22: {  	[tilespmem:s24], [sflag:$0x5] =	stream.indirect.gather [hbm4b:s4+s21], $0x10, s3, s21, $0xb8;
	[tilespmem:$0x19050] =	vst v63  }
.LBB2_2:
0x23: {  	p1 =	sne.s32 s6, $0x9BC0;
	[tilespmem:s7+$0x11940] =	vst v0;
	s7 =	smov.u32 s6;
	s6 =	sadd.s32 $0x40, s6  }
.Ltmp0:
0x24: {  	(pc) =	sbr.rel @p1 .LBB2_2-.Ltmp0, $2  }
0x25: {  	_ =	sdelay $0x2  }
0x26: {  	s7 =	sshra.s32 s7, $0x2  }
0x27: {  	[tilespmem:s7+$0x11940] =	vst v0  }
0x28: {  	[spmem:s9] =	stream.linear.scatter [tilespmem:s25], [sflag:$0x7], $0x2700, $0x38;
	[tilespmem:$0x19050] =	vst v63  }
0x29: {  	_ =	swait.ge [sflag:s26], $0x2700  }
0x2a: {  	[sflag:s26] =	ssyncset.done $0x0  }
0x2b: {  	s6 =	simm.s32 @!p0 $0x11940;
	[sflag:s26] =	ssyncadd.s32 $0xFFFFD900  }
0x2c: {  	[spmem:s10] =	stream.linear.scatter @!p0 [tilespmem:s6], [sflag:$0x7], $0x100, $0x38;
	[tilespmem:$0x19050] =	vst v63  }
0x2d: {  	s6 =	simm.s32 @!p0 $0x7  }
0x2e: {  	_ =	swait.ge @!p0 [sflag:s6], $0x100  }
0x2f: {  	[sflag:s6] =	ssyncset.done @!p0 $0x0  }
0x30: {  	[sflag:s6] =	ssyncadd.s32 @!p0 $0xFFFFFF00  }
0x31: {  	[bflag:$0x0] =	sbarrier.arrive $0xFFFF  }
0x32: {  	_ =	swait.ge [sflag:s28], $0x7D0  }
0x33: {  	[sflag:s28] =	ssyncset.done $0x0  }
0x34: {  	[sflag:s28] =	ssyncadd.s32 $0xFFFFF830  }
0x35: {  	[tilespmem:s29], [sflag:$0x6] =	stream.indirect.gather [hbm4b:s4+s21], $0x10, s21, s21, $0xb8;
	[tilespmem:$0x19050] =	vst v63  }
0x36: {  	_ =	swait.ge [sflag:s30], $0x7D00  }
0x37: {  	[sflag:s30] =	ssyncset.done $0x0  }
0x38: {  	[sflag:s30] =	ssyncadd.s32 $0xFFFF8300  }
0x39: {  	_ =	swait.ge [sflag:s31], $0x7D0  }
0x3a: {  	[sflag:s31] =	ssyncset.done $0x0  }
0x3b: {  	[sflag:s31] =	ssyncadd.s32 $0xFFFFF830  }
0x3c: {  	[spmem:s2] =	stream.indirect.scatter.add.f32 [tilespmem:s24], [sflag:$0x7], $0x10, s20, s21, $0xb8;
	[tilespmem:$0x19050] =	vst v63  }
0x3d: {  	_ =	swait.ge [sflag:s26], $0x7D00  }
0x3e: {  	[sflag:s26] =	ssyncset.done $0x0  }
0x3f: {  	s11 =	rddreg [dreg:$0x7];
	[sflag:s26] =	ssyncadd.s32 $0xFFFF8300  }
0x40: {  	[tilespmem:s3], [sflag:$0x1] =	stream.linear.gather [hbm4b:s11+s3], $0x7D0, $0x38;
	[tilespmem:$0x19050] =	vst v63  }
0x41: {  	s12 =	rddreg [dreg:$0x8]  }
0x42: {  	[tilespmem:s20], [sflag:$0x3] =	stream.linear.gather [hbm4b:s12+s3], $0x7D0, $0x38;
	[tilespmem:$0x19050] =	vst v63  }
0x43: {  	_ =	swait.ge [sflag:s23], $0x7D0  }
0x44: {  	[sflag:s23] =	ssyncset.done $0x0  }
0x45: {  	[sflag:s23] =	ssyncadd.s32 $0xFFFFF830  }
0x46: {  	[tilespmem:s24], [sflag:$0x5] =	stream.indirect.gather [hbm4b:s4+s21], $0x10, s3, s21, $0xb8;
	[tilespmem:$0x19050] =	vst v63  }
0x47: {  	_ =	swait.ge [sflag:s1], $0x7D00  }
0x48: {  	[sflag:s1] =	ssyncset.done $0x0  }
0x49: {  	[sflag:s1] =	ssyncadd.s32 $0xFFFF8300  }
0x4a: {  	_ =	swait.ge [sflag:s0], $0x7D0  }
0x4b: {  	[sflag:s0] =	ssyncset.done $0x0  }
0x4c: {  	[sflag:s0] =	ssyncadd.s32 $0xFFFFF830  }
0x4d: {  	[spmem:s2] =	stream.indirect.scatter.add.f32 [tilespmem:s29], [sflag:$0x7], $0x10, s22, s21, $0xb8;
	[tilespmem:$0x19050] =	vst v63  }
0x4e: {  	_ =	swait.ge [sflag:s26], $0x7D00  }
0x4f: {  	[sflag:s26] =	ssyncset.done $0x0  }
0x50: {  	s13 =	rddreg [dreg:$0x9];
	[sflag:s26] =	ssyncadd.s32 $0xFFFF8300  }
0x51: {  	[tilespmem:s21], [sflag:$0x2] =	stream.linear.gather [hbm4b:s13+s3], $0x7D0, $0x38;
	[tilespmem:$0x19050] =	vst v63  }
0x52: {  	s14 =	rddreg [dreg:$0xa]  }
0x53: {  	[tilespmem:s22], [sflag:$0x4] =	stream.linear.gather [hbm4b:s14+s3], $0x7D0, $0x38;
	[tilespmem:$0x19050] =	vst v63  }
0x54: {  	_ =	swait.ge [sflag:s28], $0x7D0  }
0x55: {  	[sflag:s28] =	ssyncset.done $0x0  }
0x56: {  	[sflag:s28] =	ssyncadd.s32 $0xFFFFF830  }
0x57: {  	[tilespmem:s29], [sflag:$0x6] =	stream.indirect.gather [hbm4b:s4+s21], $0x10, s21, s21, $0xb8;
	[tilespmem:$0x19050] =	vst v63  }
0x58: {  	_ =	swait.ge [sflag:s30], $0x7D00  }
0x59: {  	[sflag:s30] =	ssyncset.done $0x0  }
0x5a: {  	[sflag:s30] =	ssyncadd.s32 $0xFFFF8300  }
0x5b: {  	_ =	swait.ge [sflag:s31], $0x7D0  }
0x5c: {  	[sflag:s31] =	ssyncset.done $0x0  }
0x5d: {  	[sflag:s31] =	ssyncadd.s32 $0xFFFFF830  }
0x5e: {  	[spmem:s2] =	stream.indirect.scatter.add.f32 [tilespmem:s24], [sflag:$0x7], $0x10, s20, s21, $0xb8;
	[tilespmem:$0x19050] =	vst v63  }
0x5f: {  	_ =	swait.ge [sflag:s26], $0x7D00  }
0x60: {  	[sflag:s26] =	ssyncset.done $0x0  }
0x61: {  	s15 =	rddreg [dreg:$0xb];
	[sflag:s26] =	ssyncadd.s32 $0xFFFF8300  }
0x62: {  	[tilespmem:s3], [sflag:$0x1] =	stream.linear.gather [hbm4b:s15+s3], $0x7D0, $0x38;
	[tilespmem:$0x19050] =	vst v63  }
0x63: {  	_ = 	snop  }
0x64: {  	[tilespmem:s20], [sflag:$0x3] =	stream.linear.gather [hbm4b:s16+s3], $0x7D0, $0x38;
	[tilespmem:$0x19050] =	vst v63  }
0x65: {  	_ =	swait.ge [sflag:s23], $0x7D0  }
0x66: {  	[sflag:s23] =	ssyncset.done $0x0  }
0x67: {  	[sflag:s23] =	ssyncadd.s32 $0xFFFFF830  }
0x68: {  	[tilespmem:s24], [sflag:$0x5] =	stream.indirect.gather [hbm4b:s4+s21], $0x10, s3, s21, $0xb8;
	[tilespmem:$0x19050] =	vst v63  }
0x69: {  	_ =	swait.ge [sflag:s1], $0x7D00  }
0x6a: {  	[sflag:s1] =	ssyncset.done $0x0  }
0x6b: {  	[sflag:s1] =	ssyncadd.s32 $0xFFFF8300  }
0x6c: {  	_ =	swait.ge [sflag:s0], $0x7D0  }
0x6d: {  	[sflag:s0] =	ssyncset.done $0x0  }
0x6e: {  	[sflag:s0] =	ssyncadd.s32 $0xFFFFF830  }
0x6f: {  	[spmem:s2] =	stream.indirect.scatter.add.f32 [tilespmem:s29], [sflag:$0x7], $0x10, s22, s21, $0xb8;
	[tilespmem:$0x19050] =	vst v63  }
0x70: {  	_ =	swait.ge [sflag:s26], $0x7D00  }
0x71: {  	[sflag:s26] =	ssyncset.done $0x0  }
0x72: {  	[sflag:s26] =	ssyncadd.s32 $0xFFFF8300  }
0x73: {  	_ =	swait.ge [sflag:s30], $0x7D00  }
0x74: {  	[sflag:s30] =	ssyncset.done $0x0  }
0x75: {  	[sflag:s30] =	ssyncadd.s32 $0xFFFF8300  }
0x76: {  	_ =	swait.ge [sflag:s31], $0x7D0  }
0x77: {  	[sflag:s31] =	ssyncset.done $0x0  }
0x78: {  	[sflag:s31] =	ssyncadd.s32 $0xFFFFF830  }
0x79: {  	[spmem:s2] =	stream.indirect.scatter.add.f32 [tilespmem:s24], [sflag:$0x7], $0x10, s20, s21, $0xb8;
	[tilespmem:$0x19050] =	vst v63  }
0x7a: {  	_ =	swait.ge [sflag:s26], $0x7D00  }
0x7b: {  	[sflag:s26] =	ssyncset.done $0x0  }
0x7c: {  	s7 =	simm.s32 @!p0 $0x280;
	[sflag:s26] =	ssyncadd.s32 $0xFFFF8300  }
0x7d: {  	s7 =	simm.s32 @p0 $0x270;
	[bflag:$0x0] =	sbarrier.arrive $0xFFFF  }
0x7e: {  	[tilespmem:s25], [sflag:$0x7] =	stream.linear.gather [spmem:s9], $0x2700, $0x38;
	[tilespmem:$0x19050] =	vst v63  }
0x7f: {  	s11 =	sshll.u32 s7, $0x4;
	_ =	swait.ge [sflag:s26], $0x2700  }
0x80: {  	p2 =	sne.s32 s11, $0x10;
	[sflag:s26] =	ssyncset.done $0x0  }
.Ltmp1:
0x81: {  	s8 =	simm.s32 @!p0 $0x14040;
	[sflag:s26] =	ssyncadd.s32 $0xFFFFD900;
	(pc) =	sbr.rel @!p2 .LBB2_4-.Ltmp1, $4  }
0x82: {  	[tilespmem:s8], [sflag:$0x7] =	stream.linear.gather @!p0 [spmem:s10], $0x100, $0x38;
	[tilespmem:$0x19050] =	vst v63  }
0x83: {  	_ =	swait.ge @!p0 [sflag:s6], $0x100  }
0x84: {  	p1 =	por $0x0, $0x0;
	[sflag:s6] =	ssyncset.done @!p0 $0x0  }
0x85: {  	s7 =	simm.s32 $0x0;
	s8 =	simm.s32 $0x10;
	[sflag:s6] =	ssyncadd.s32 @!p0 $0xFFFFFF00  }
0x86: {  	s13 =	simm.s32 $0x0;
	p2 =	sne.s32 s11, $0x20  }
.Ltmp2:
0x87: {  	v1 =	vld [tilespmem:s13+$0x11940];
	(pc) =	sbr.rel @!p2 .LBB2_7-.Ltmp2, $4  }
0x88: {  	_ = 	snop  }
0x89: {  	s14 =	sand.u32 $0xFFFFFE00, s7  }
0x8a: {  	s12 =	simm.s32 $0x20;
	s15 =	sand.u32 $0x70, s7;
	s14 =	sshra.s32 s14, $0x2  }
0x8b: {  	s7 =	simm.s32 $0x40;
	p1 =	por $0x1, $0x1;
	s13 =	sor.u32 s15, s14  }
.LBB2_6:
0x8c: {  	[tilespmem:s13+$0x14140] =	vst v1;
	s13 =	smov.u32 s12;
	s12 =	sadd.s32 $0x10, s12  }
0x8d: {  	s14 =	sshra.s32 s7, $0x2;
	p2 =	sne.s32 s11, s12  }
.Ltmp3:
0x8e: {  	v1 =	vld [tilespmem:s14+$0x11940];
	(pc) =	sbr.rel @p2 .LBB2_6-.Ltmp3, $4  }
0x8f: {  	_ = 	snop  }
0x90: {  	s14 =	sand.u32 $0xFFFFFE00, s7  }
0x91: {  	s15 =	sand.u32 $0x70, s8;
	s8 =	smov.u32 s13;
	s14 =	sshra.s32 s14, $0x2  }
0x92: {  	s7 =	sadd.s32 $0x40, s7;
	s13 =	sor.u32 s15, s14  }
.LBB2_7:
0x93: {  	s11 =	sshra.s32 s7, $0x2;
	[tilespmem:s13+$0x14140] =	vst @p1 v1  }
0x94: {  	v1 =	vld [tilespmem:s11+$0x11940];
	_ =	sdelay $0x1  }
0x95: {  	s14 =	sand.u32 $0xFFFFFE00, s7  }
0x96: {  	s8 =	sand.u32 $0x70, s8;
	s7 =	sshra.s32 s14, $0x2  }
0x97: {  	s7 =	sor.u32 s8, s7  }
0x98: {  	s15 =	simm.s32 $0x14140;
	[tilespmem:s7+$0x14140] =	vst v1  }
0x99: {  	[hbm4b:s17+s3] =	stream.linear.scatter [tilespmem:s15], [sflag:$0x7], $0x2700, $0x38;
	[tilespmem:$0x19050] =	vst v63  }
0x9a: {  	s5 =	sadd.s32 $0x1, s5;
	_ =	swait.ge [sflag:s26], $0x2700  }
0x9b: {  	p1 =	sne.s32 s5, s19;
	[sflag:s26] =	ssyncset.done $0x0  }
0x9c: {  	s8 =	simm.s32 @!p0 $0x16840;
	s7 =	simm.s32 @!p0 $0x0;
	[sflag:s26] =	ssyncadd.s32 $0xFFFFD900  }
0x9d: {  	[hbm4b:s18+s7] =	stream.linear.scatter @!p0 [tilespmem:s8], [sflag:$0x7], $0x100, $0x38;
	[tilespmem:$0x19050] =	vst v63  }
.Ltmp4:
0x9e: {  	_ = 	snop;
	(pc) =	sbr.rel @p1 .LBB2_1-.Ltmp4, $4  }
.Ltmp5:
0x9f: {  	_ = 	snop;
	(pc) =	sbr.rel @!p1 .LBB2_8-.Ltmp5, $4  }
0xa0: {  	_ =	swait.ge @!p0 [sflag:s6], $0x100  }
0xa1: {  	[sflag:s6] =	ssyncset.done @!p0 $0x0  }
0xa2: {  	[sflag:s6] =	ssyncadd.s32 @!p0 $0xFFFFFF00  }
0xa3: {  	_ = 	snop  }
.LBB2_4:
.Ltmp6:
0xa4: {  	(pc) =	sbr.rel .LBB2_7-.Ltmp6, $2  }
0xa5: {  	_ =	sdelay $0x2  }
0xa6: {  	s8 =	simm.s32 $0x0  }
.LBB2_8:
0xa7: {  	_ =	sfence.sel $0x180000  }
0xa8: {  	[bflag:$0x0] =	sbarrier.arrive $0xFFFF  }
0xa9: {  	_ =	strace $0x90000050  }
0xaa: {  	s0 =	stileid.u32;
	[bflag:$0x2] =	sbarrier.arrive $0xFFFF  }
0xab: {  	p0 =	sne.s32 s0, $0x0;
	s0 =	rddreg [dreg:$0x2]  }
0xac: {  	s0 =	sadd.s32 @!p0 $0x100000, s0  }
0xad: {  	[sflag:s0] =	ssyncadd.tile.s32 @!p0 $0x1;
	_ =	shalt  }
.Lfunc_end2:
_tile_overlayer_lowered:
.L_overlay_start_2:
0xae: {  	(tag) =	ssettag $0x2  }
0xaf: {  	s0 =	rddreg [dreg:$0x0];
	s2 =	stileid.u32  }
0xb0: {  	s1 =	rddreg [dreg:$0x1];
	p0 =	sne.s32 s2, $0x0  }
0xb1: {  	s3 =	rddreg [dreg:$0x2];
	[bflag:$0x3] =	sbarrier.arrive $0xFFFF;
	s2 =	simm.s32 @!p0 $0x1C07  }
0xb2: {  	[timem:s3], [sflag:s2] =	dma.local @!p0 [hbm:s0], s1  }
0xb3: {  	s0 =	simm.s32 @!p0 $0x7  }
0xb4: {  	_ =	swait.ge @!p0 [sflag:s0], s1  }
0xb5: {  	s1 =	ssub.s32 @!p0 $0x0, s1;
	[sflag:s0] =	ssyncset.done @!p0 $0x0  }
0xb6: {  	[sflag:s0] =	ssyncadd.s32 @!p0 s1  }
0xb7: {  	[bflag:$0x3] =	sbarrier.arrive $0xFFFF  }
0xb8: {  	_ =	shalt  }

</sc_bundles>
